<compile_context>
chip_gen: v7x
topology: tpu7x:2x2x1
jax: 0.10.2.dev20260603
libtpu: 0.0.44.dev20260713+nightly
codegen_flags: <defaults>
</compile_context>

<pallas_src>
import jax
import jax.numpy as jnp
from jax import lax
from jax.experimental import pallas as pl
from jax.experimental.pallas import tpu as pltpu
from jax.experimental.pallas import tpu_sc as plsc

N_NODES = 10000
N_EDGES = 320000
D = 128
BATCH = 4096

NC = 2
NS = 16
NW = NC * NS
CHUNK = 128
G = 8
TOT_CHUNKS = 2560
TOT_GROUPS = TOT_CHUNKS // G
SD_PAD = TOT_GROUPS + 2
E_PAD = TOT_CHUNKS * CHUNK
NG0 = 18
NG1 = 2
GRP0 = NS * NG0
assert GRP0 + NS * NG1 == TOT_GROUPS
assert NG0 % 2 == 0 and NG1 % 2 == 0
NP = 10240
ROWS_PER_TILE = NP // NS
TRASH = N_NODES


def _make_agg(with_deg: bool):
    mesh = plsc.VectorSubcoreMesh(core_axis_name="c", subcore_axis_name="s")
    out_type = [jax.ShapeDtypeStruct((NC, NP, D), jnp.float32)]
    scratch = [
        pltpu.VMEM((2, G, CHUNK), jnp.int32),
        pltpu.VMEM((2, G, CHUNK), jnp.int32),
        pltpu.VMEM((CHUNK, D), jnp.float32),
        pltpu.VMEM((CHUNK, D), jnp.float32),
        pltpu.VMEM_SHARED((NP, D), jnp.float32),
        pltpu.SemaphoreType.DMA,
        pltpu.SemaphoreType.DMA,
        pltpu.SemaphoreType.DMA,
        pltpu.SemaphoreType.DMA,
    ]
    if with_deg:
        out_type.append(jax.ShapeDtypeStruct((NC, NP), jnp.float32))
        scratch += [
            pltpu.VMEM((CHUNK,), jnp.float32),
            pltpu.VMEM_SHARED((NP,), jnp.float32),
        ]

    def body(x_hbm, sd_hbm, zeros_hbm, dzeros_hbm, ones_hbm, out_p, *rest):
        if with_deg:
            (out_deg, sd_a, sd_b, g_a, g_b, agg_sh, isem_a, isem_b,
             gsem_a, gsem_b, ones_v, deg_sh) = rest
        else:
            (sd_a, sd_b, g_a, g_b, agg_sh, isem_a, isem_b,
             gsem_a, gsem_b) = rest
        gbufs = (g_a, g_b)
        gsems = (gsem_a, gsem_b)
        c = lax.axis_index("c")
        s = lax.axis_index("s")
        sl = pl.ds(s * ROWS_PER_TILE, ROWS_PER_TILE)
        pltpu.sync_copy(zeros_hbm, agg_sh.at[sl])
        if with_deg:
            pltpu.sync_copy(dzeros_hbm, deg_sh.at[sl])
            pltpu.sync_copy(ones_hbm, ones_v)
        plsc.subcore_barrier()

        ng_my = jnp.where(c == 0, NG0, NG1)
        base_g = jnp.where(c == 0, s * NG0, GRP0 + s * NG1)

        def do_group(g_rel, sd_cur, sd_nxt, isem_cur, isem_nxt):
            for cc in range(G):
                buf = gbufs[cc % 2]
                sem = gsems[cc % 2]
                pltpu.make_async_copy(x_hbm.at[sd_cur.at[0, cc]], buf, sem).wait()
                if cc + 1 < G:
                    pltpu.async_copy(x_hbm.at[sd_cur.at[0, cc + 1]],
                                     gbufs[(cc + 1) % 2], gsems[(cc + 1) % 2])
                else:
                    pltpu.make_async_copy(sd_hbm.at[base_g + g_rel + 1],
                                          sd_nxt, isem_nxt).wait()
                    pltpu.async_copy(x_hbm.at[sd_nxt.at[0, 0]],
                                     gbufs[0], gsems[0])
                pltpu.sync_copy(buf, agg_sh.at[sd_cur.at[1, cc]], add=True)
                if with_deg:
                    pltpu.sync_copy(ones_v, deg_sh.at[sd_cur.at[1, cc]], add=True)
            pltpu.async_copy(sd_hbm.at[base_g + g_rel + 2], sd_cur, isem_cur)

        pltpu.async_copy(sd_hbm.at[base_g], sd_a, isem_a)
        pltpu.async_copy(sd_hbm.at[base_g + 1], sd_b, isem_b)
        pltpu.make_async_copy(sd_hbm.at[base_g], sd_a, isem_a).wait()
        pltpu.async_copy(x_hbm.at[sd_a.at[0, 0]], gbufs[0], gsems[0])

        def pair_body(i, carry):
            do_group(2 * i, sd_a, sd_b, isem_a, isem_b)
            do_group(2 * i + 1, sd_b, sd_a, isem_b, isem_a)
            return carry

        lax.fori_loop(0, ng_my // 2, pair_body, 0)
        pltpu.make_async_copy(x_hbm.at[sd_a.at[0, 0]], gbufs[0], gsems[0]).wait()
        pltpu.make_async_copy(sd_hbm.at[base_g], sd_b, isem_b).wait()
        plsc.subcore_barrier()
        pltpu.sync_copy(agg_sh.at[sl], out_p.at[c, sl])
        if with_deg:
            pltpu.sync_copy(deg_sh.at[sl], out_deg.at[c, sl])

    return pl.kernel(body, out_type=tuple(out_type) if with_deg else out_type[0],
                     mesh=mesh, scratch_types=tuple(scratch))


_agg_deg = _make_agg(True)
_agg = _make_agg(False)


def _tc_layer1_body(p_ref, degp_ref, x_ref, w_ref, b_ref, h_ref, degc_ref):
    agg = p_ref[0] + p_ref[1]
    degc = jnp.maximum(degp_ref[0] + degp_ref[1], 1.0)
    h = agg / degc[:, None]
    y = jnp.dot(h, w_ref[...], preferred_element_type=jnp.float32) + b_ref[...]
    h_ref[...] = jnp.maximum(y, 0.0) + x_ref[...]
    degc_ref[...] = degc


def _tc_layer2_body(p_ref, degc_ref, x_ref, w_ref, b_ref, h_ref):
    h = (p_ref[0] + p_ref[1]) / degc_ref[...][:, None]
    y = jnp.dot(h, w_ref[...], preferred_element_type=jnp.float32) + b_ref[...]
    h_ref[...] = jnp.maximum(y, 0.0) + x_ref[...]


_R = 2048


def _tc_layer1(p, degp, x, w, b):
    return pl.pallas_call(
        _tc_layer1_body,
        grid=(NP // _R,),
        in_specs=[
            pl.BlockSpec((NC, _R, D), lambda i: (0, i, 0)),
            pl.BlockSpec((NC, _R), lambda i: (0, i)),
            pl.BlockSpec((_R, D), lambda i: (i, 0)),
            pl.BlockSpec((D, D), lambda i: (0, 0)),
            pl.BlockSpec((D,), lambda i: (0,)),
        ],
        out_specs=[
            pl.BlockSpec((_R, D), lambda i: (i, 0)),
            pl.BlockSpec((_R,), lambda i: (i,)),
        ],
        out_shape=[
            jax.ShapeDtypeStruct((NP, D), jnp.float32),
            jax.ShapeDtypeStruct((NP,), jnp.float32),
        ],
    )(p, degp, x, w, b)


def _tc_layer2(p, degc, x, w, b):
    return pl.pallas_call(
        _tc_layer2_body,
        grid=(NP // _R,),
        in_specs=[
            pl.BlockSpec((NC, _R, D), lambda i: (0, i, 0)),
            pl.BlockSpec((_R,), lambda i: (i,)),
            pl.BlockSpec((_R, D), lambda i: (i, 0)),
            pl.BlockSpec((D, D), lambda i: (0, 0)),
            pl.BlockSpec((D,), lambda i: (0,)),
        ],
        out_specs=pl.BlockSpec((_R, D), lambda i: (i, 0)),
        out_shape=jax.ShapeDtypeStruct((NP, D), jnp.float32),
    )(p, degc, x, w, b)


PAIRS_PER_TILE = BATCH // NW


def _head_body(h_hbm, i1_hbm, i2_hbm, out_hbm, i1_v, i2_v, b1_v, b2_v,
               ob2_v, sem):
    c = lax.axis_index("c")
    s = lax.axis_index("s")
    wid = c * NS + s
    pltpu.sync_copy(i1_hbm.at[wid], i1_v)
    pltpu.sync_copy(i2_hbm.at[wid], i2_v)
    pltpu.async_copy(h_hbm.at[i1_v], b1_v, sem).wait()
    pltpu.async_copy(h_hbm.at[i2_v], b2_v, sem).wait()

    def pbody(p, carry):
        for k in range(D // 16):
            v1 = b1_v[p, pl.ds(k * 16, 16)]
            v2 = b2_v[p, pl.ds(k * 16, 16)]
            ob2_v[p, pl.ds(k * 16, 16)] = v1 * v2
        return carry

    lax.fori_loop(0, PAIRS_PER_TILE, pbody, 0)
    pltpu.sync_copy(ob2_v, out_hbm.at[pl.ds(wid * PAIRS_PER_TILE, PAIRS_PER_TILE)])


_head = pl.kernel(
    _head_body,
    out_type=jax.ShapeDtypeStruct((BATCH, D), jnp.float32),
    mesh=plsc.VectorSubcoreMesh(core_axis_name="c", subcore_axis_name="s"),
    scratch_types=(
        pltpu.VMEM((PAIRS_PER_TILE,), jnp.int32),
        pltpu.VMEM((PAIRS_PER_TILE,), jnp.int32),
        pltpu.VMEM((PAIRS_PER_TILE, D), jnp.float32),
        pltpu.VMEM((PAIRS_PER_TILE, D), jnp.float32),
        pltpu.VMEM((PAIRS_PER_TILE, D), jnp.float32),
        pltpu.SemaphoreType.DMA,
    ),
)


def _tc_reduce_body(ps_ref, out_ref):
    out_ref[...] = jnp.sum(ps_ref[...], axis=-1)


def _tc_reduce(ps):
    return pl.pallas_call(
        _tc_reduce_body,
        out_shape=jax.ShapeDtypeStruct((BATCH,), jnp.float32),
    )(ps)


def kernel(inputs, node_feature, edge_index, W1, b1, W2, b2):
    ei = edge_index.astype(jnp.int32)
    pad = E_PAD - N_EDGES
    src3 = jnp.concatenate([ei[0], jnp.zeros((pad,), jnp.int32)]).reshape(TOT_GROUPS, G, CHUNK)
    dst3 = jnp.concatenate([ei[1], jnp.full((pad,), TRASH, jnp.int32)]).reshape(TOT_GROUPS, G, CHUNK)
    sd = jnp.stack([src3, dst3], axis=1)
    sd = jnp.pad(sd, ((0, SD_PAD - TOT_GROUPS), (0, 0), (0, 0), (0, 0)))
    x0 = jnp.pad(node_feature, ((0, NP - N_NODES), (0, 0)))
    zeros_h = jnp.zeros((ROWS_PER_TILE, D), jnp.float32)
    dzeros_h = jnp.zeros((ROWS_PER_TILE,), jnp.float32)
    ones_h = jnp.ones((CHUNK,), jnp.float32)

    p1, degp = _agg_deg(x0, sd, zeros_h, dzeros_h, ones_h)
    h1, degc = _tc_layer1(p1, degp, x0, W1, b1)
    p2 = _agg(h1, sd, zeros_h, dzeros_h, ones_h)
    h2 = _tc_layer2(p2, degc, h1, W2, b2)

    i1 = inputs[:, 0].astype(jnp.int32).reshape(NW, PAIRS_PER_TILE)
    i2 = inputs[:, 1].astype(jnp.int32).reshape(NW, PAIRS_PER_TILE)
    ps = _head(h2, i1, i2)
    return _tc_reduce(ps)

# --- scband reference (transcript-rebuilt; emitter-appended) ---
"""Pipeline reference for scband-gnn-19387482374487 (READ-ONLY COPY).

The authoritative reference and input builder live on the scoring server;
editing this copy changes nothing except your own understanding.
"""

import jax, jax.numpy as jnp
import numpy as np

N_NODES = 10000
N_EDGES = 320000
D_FEAT = 128
HIDDEN = 128
BATCH = 4096


def setup_inputs(seed: int = 0) -> dict:
    key = jax.random.key(seed)
    ks = jax.random.split(key, 8)
    node_feature = jax.random.normal(ks[0], (N_NODES, D_FEAT), dtype=jnp.float32)
    edge_index = jax.random.randint(ks[1], (2, N_EDGES), 0, N_NODES, dtype=jnp.int64)
    inputs = jax.random.randint(ks[2], (BATCH, 3), 0, N_NODES, dtype=jnp.int64)
    W1 = jax.random.normal(ks[3], (D_FEAT, HIDDEN), dtype=jnp.float32) * 0.05
    b1 = jnp.zeros((HIDDEN,), dtype=jnp.float32)
    W2 = jax.random.normal(ks[4], (HIDDEN, HIDDEN), dtype=jnp.float32) * 0.05
    b2 = jnp.zeros((HIDDEN,), dtype=jnp.float32)
    return {"inputs": inputs, "node_feature": node_feature, "edge_index": edge_index,
            "W1": W1, "b1": b1, "W2": W2, "b2": b2}


def _graph_conv(x, src, dst, n_nodes, W, b):
    # GraphConv: mean-aggregate neighbor messages over incoming edges, then linear + ReLU
    msg = x[src]                                             # gather  [E, d]
    agg = jax.ops.segment_sum(msg, dst, num_segments=n_nodes)  # scatter-add [N, d]
    deg = jax.ops.segment_sum(jnp.ones((src.shape[0],), dtype=x.dtype), dst, num_segments=n_nodes)
    h = agg / jnp.clip(deg, 1.0)[:, None]
    return jax.nn.relu(h @ W + b)


def reference(inputs, node_feature, edge_index, W1, b1, W2, b2):
    n_nodes = node_feature.shape[0]
    src = edge_index[0]
    dst = edge_index[1]
    # encode: two gc layers with short_cut residual (shapes match since d_feat == hidden)
    h1 = _graph_conv(node_feature, src, dst, n_nodes, W1, b1)
    h1 = h1 + node_feature
    h2 = _graph_conv(h1, src, dst, n_nodes, W2, b2)
    h2 = h2 + h1
    drug_embeddings = h2  # concat_hidden=False -> last hidden
    drug_1_ids = inputs[:, 0]
    drug_2_ids = inputs[:, 1]
    d1 = drug_embeddings[drug_1_ids]
    d2 = drug_embeddings[drug_2_ids]
    # DotProduct prediction head (context_ids unused by dotproduct)
    out = jnp.sum(d1 * d2, axis=-1)
    return out

if __name__ == "__main__":
    import jax
    _d = setup_inputs()
    print(jax.jit(kernel)(*tuple(_d.values())))

</pallas_src>

<mosaic_0001>
#map = affine_map<(d0, d1) -> (0, 0)>
module attributes {stable_mosaic.version = 14 : i64} {
  func.func @_head_body(%arg0: i32, %arg1: i32, %arg2: memref<10240x128xf32, #tpu.memory_space<hbm>>, %arg3: memref<32x128xi32, #tpu.memory_space<hbm>>, %arg4: memref<32x128xi32, #tpu.memory_space<hbm>>, %arg5: memref<4096x128xf32, #tpu.memory_space<hbm>>, %arg6: memref<128xi32, #tpu.memory_space<vmem>>, %arg7: memref<128xi32, #tpu.memory_space<vmem>>, %arg8: memref<128x128xf32, #tpu.memory_space<vmem>>, %arg9: memref<128x128xf32, #tpu.memory_space<vmem>>, %arg10: memref<128x128xf32, #tpu.memory_space<vmem>>, %arg11: memref<!tpu.dma_semaphore, #tpu.memory_space<semaphore_mem>>) attributes {dimension_semantics = [#tpu.dimension_semantics<core_parallel>, #tpu.dimension_semantics<subcore_parallel>], iteration_bounds = array<i64: 2, 16>, scalar_prefetch = 0 : i64, scratch_operands = 6 : i64, tpu.core_type = #tpu.core_type<sc_vector_subcore>, window_params = [{transform_indices = #map}, {transform_indices = #map}, {transform_indices = #map}, {transform_indices = #map}]} {
    %mul3A = arith.constant 16 : i32
    %mul3A_0 = arith.muli %arg0, %mul3A : i32
    %add3A = arith.addi %mul3A_0, %arg1 : i32
    "tpu.region"() ({
      %run_scoped3A = tpu.sem_alloc : memref<!tpu.dma_semaphore, #tpu.memory_space<semaphore_mem>>
      %dma_start3A_18 = arith.constant 0 : i32
      %dma_start3A_19 = tpu.memref_slice %arg3[%add3A, %dma_start3A_18] : memref<32x128xi32, #tpu.memory_space<hbm>> -> memref<1x128xi32, #tpu.memory_space<hbm>>
      %dma_start3A_20 = tpu.memref_squeeze %dma_start3A_19 : memref<1x128xi32, #tpu.memory_space<hbm>> -> memref<128xi32, #tpu.memory_space<hbm>>
      %dma_start3A_21 = arith.constant 0 : i32
      %dma_start3A_22 = tpu.memref_slice %arg3[%add3A, %dma_start3A_21] : memref<32x128xi32, #tpu.memory_space<hbm>> -> memref<1x128xi32, #tpu.memory_space<hbm>>
      %dma_start3A_23 = tpu.memref_squeeze %dma_start3A_22 : memref<1x128xi32, #tpu.memory_space<hbm>> -> memref<128xi32, #tpu.memory_space<hbm>>
      tpu.enqueue_dma source(%dma_start3A_23 : memref<128xi32, #tpu.memory_space<hbm>>) target(%arg6 : memref<128xi32, #tpu.memory_space<vmem>>) target_semaphore(%run_scoped3A : memref<!tpu.dma_semaphore, #tpu.memory_space<semaphore_mem>>)
      %dma_wait3A_24 = arith.constant 0 : i32
      %dma_wait3A_25 = tpu.memref_slice %arg3[%add3A, %dma_wait3A_24] : memref<32x128xi32, #tpu.memory_space<hbm>> -> memref<1x128xi32, #tpu.memory_space<hbm>>
      %dma_wait3A_26 = tpu.memref_squeeze %dma_wait3A_25 : memref<1x128xi32, #tpu.memory_space<hbm>> -> memref<128xi32, #tpu.memory_space<hbm>>
      %dma_wait3A_27 = arith.constant 0 : i32
      %dma_wait3A_28 = tpu.memref_slice %arg3[%add3A, %dma_wait3A_27] : memref<32x128xi32, #tpu.memory_space<hbm>> -> memref<1x128xi32, #tpu.memory_space<hbm>>
      %dma_wait3A_29 = tpu.memref_squeeze %dma_wait3A_28 : memref<1x128xi32, #tpu.memory_space<hbm>> -> memref<128xi32, #tpu.memory_space<hbm>>
      tpu.wait_dma2 semaphore(%run_scoped3A : memref<!tpu.dma_semaphore, #tpu.memory_space<semaphore_mem>>) src(%dma_wait3A_29 : memref<128xi32, #tpu.memory_space<hbm>>) dst(%arg6 : memref<128xi32, #tpu.memory_space<vmem>>)
      tpu.yield
    }) : () -> ()
    "tpu.region"() ({
      %run_scoped3A = tpu.sem_alloc : memref<!tpu.dma_semaphore, #tpu.memory_space<semaphore_mem>>
      %dma_start3A_18 = arith.constant 0 : i32
      %dma_start3A_19 = tpu.memref_slice %arg4[%add3A, %dma_start3A_18] : memref<32x128xi32, #tpu.memory_space<hbm>> -> memref<1x128xi32, #tpu.memory_space<hbm>>
      %dma_start3A_20 = tpu.memref_squeeze %dma_start3A_19 : memref<1x128xi32, #tpu.memory_space<hbm>> -> memref<128xi32, #tpu.memory_space<hbm>>
      %dma_start3A_21 = arith.constant 0 : i32
      %dma_start3A_22 = tpu.memref_slice %arg4[%add3A, %dma_start3A_21] : memref<32x128xi32, #tpu.memory_space<hbm>> -> memref<1x128xi32, #tpu.memory_space<hbm>>
      %dma_start3A_23 = tpu.memref_squeeze %dma_start3A_22 : memref<1x128xi32, #tpu.memory_space<hbm>> -> memref<128xi32, #tpu.memory_space<hbm>>
      tpu.enqueue_dma source(%dma_start3A_23 : memref<128xi32, #tpu.memory_space<hbm>>) target(%arg7 : memref<128xi32, #tpu.memory_space<vmem>>) target_semaphore(%run_scoped3A : memref<!tpu.dma_semaphore, #tpu.memory_space<semaphore_mem>>)
      %dma_wait3A_24 = arith.constant 0 : i32
      %dma_wait3A_25 = tpu.memref_slice %arg4[%add3A, %dma_wait3A_24] : memref<32x128xi32, #tpu.memory_space<hbm>> -> memref<1x128xi32, #tpu.memory_space<hbm>>
      %dma_wait3A_26 = tpu.memref_squeeze %dma_wait3A_25 : memref<1x128xi32, #tpu.memory_space<hbm>> -> memref<128xi32, #tpu.memory_space<hbm>>
      %dma_wait3A_27 = arith.constant 0 : i32
      %dma_wait3A_28 = tpu.memref_slice %arg4[%add3A, %dma_wait3A_27] : memref<32x128xi32, #tpu.memory_space<hbm>> -> memref<1x128xi32, #tpu.memory_space<hbm>>
      %dma_wait3A_29 = tpu.memref_squeeze %dma_wait3A_28 : memref<1x128xi32, #tpu.memory_space<hbm>> -> memref<128xi32, #tpu.memory_space<hbm>>
      tpu.wait_dma2 semaphore(%run_scoped3A : memref<!tpu.dma_semaphore, #tpu.memory_space<semaphore_mem>>) src(%dma_wait3A_29 : memref<128xi32, #tpu.memory_space<hbm>>) dst(%arg7 : memref<128xi32, #tpu.memory_space<vmem>>)
      tpu.yield
    }) : () -> ()
    %dma_start3A = arith.constant 0 : i32
    %dma_start3A_1 = arith.constant 0 : i32
    %dma_start3A_2 = tpu.memref_slice %arg2[%dma_start3A, %dma_start3A_1] : memref<10240x128xf32, #tpu.memory_space<hbm>> -> memref<10240x128xf32, #tpu.memory_space<hbm>>
    tpu.enqueue_indirect_dma source(%dma_start3A_2 : memref<10240x128xf32, #tpu.memory_space<hbm>>) target(%arg8 : memref<128x128xf32, #tpu.memory_space<vmem>>) offsets(%arg6 : memref<128xi32, #tpu.memory_space<vmem>>) semaphore(%arg11 : memref<!tpu.dma_semaphore, #tpu.memory_space<semaphore_mem>>)
    %dma_wait3A = arith.constant 0 : i32
    %dma_wait3A_3 = arith.constant 0 : i32
    %dma_wait3A_4 = tpu.memref_slice %arg2[%dma_wait3A, %dma_wait3A_3] : memref<10240x128xf32, #tpu.memory_space<hbm>> -> memref<10240x128xf32, #tpu.memory_space<hbm>>
    tpu.wait_indirect_dma semaphore(%arg11 : memref<!tpu.dma_semaphore, #tpu.memory_space<semaphore_mem>>) src(%dma_wait3A_4 : memref<10240x128xf32, #tpu.memory_space<hbm>>) dst(%arg8 : memref<128x128xf32, #tpu.memory_space<vmem>>)
    %dma_start3A_5 = arith.constant 0 : i32
    %dma_start3A_6 = arith.constant 0 : i32
    %dma_start3A_7 = tpu.memref_slice %arg2[%dma_start3A_5, %dma_start3A_6] : memref<10240x128xf32, #tpu.memory_space<hbm>> -> memref<10240x128xf32, #tpu.memory_space<hbm>>
    tpu.enqueue_indirect_dma source(%dma_start3A_7 : memref<10240x128xf32, #tpu.memory_space<hbm>>) target(%arg9 : memref<128x128xf32, #tpu.memory_space<vmem>>) offsets(%arg7 : memref<128xi32, #tpu.memory_space<vmem>>) semaphore(%arg11 : memref<!tpu.dma_semaphore, #tpu.memory_space<semaphore_mem>>)
    %dma_wait3A_8 = arith.constant 0 : i32
    %dma_wait3A_9 = arith.constant 0 : i32
    %dma_wait3A_10 = tpu.memref_slice %arg2[%dma_wait3A_8, %dma_wait3A_9] : memref<10240x128xf32, #tpu.memory_space<hbm>> -> memref<10240x128xf32, #tpu.memory_space<hbm>>
    tpu.wait_indirect_dma semaphore(%arg11 : memref<!tpu.dma_semaphore, #tpu.memory_space<semaphore_mem>>) src(%dma_wait3A_10 : memref<10240x128xf32, #tpu.memory_space<hbm>>) dst(%arg9 : memref<128x128xf32, #tpu.memory_space<vmem>>)
    %scan3A = arith.constant 0 : i32
    %scan3A_11 = arith.constant 0 : i32
    %scan3A_12 = arith.constant 128 : i32
    %scan3A_13 = arith.addi %scan3A_11, %scan3A_12 : i32
    %scan3A_14 = arith.constant 1 : i32
    scf.for %scan3A_18 = %scan3A_11 to %scan3A_13 step %scan3A_14  : i32 {
      %get3A = arith.index_cast %scan3A_18 : i32 to index
      %get3A_19 = arith.constant 0 : index
      %get3A_20 = tpu.vector_load %arg8[%get3A, %get3A_19] {strides = array<i32>} : memref<128x128xf32, #tpu.memory_space<vmem>>, vector<1x16xf32>,
      %get3A_21 = vector.shape_cast %get3A_20 : vector<1x16xf32> to vector<16xf32>
      %get3A_22 = arith.index_cast %scan3A_18 : i32 to index
      %get3A_23 = arith.constant 0 : index
      %get3A_24 = tpu.vector_load %arg9[%get3A_22, %get3A_23] {strides = array<i32>} : memref<128x128xf32, #tpu.memory_space<vmem>>, vector<1x16xf32>,
      %get3A_25 = vector.shape_cast %get3A_24 : vector<1x16xf32> to vector<16xf32>
      %mul3A_26 = arith.mulf %get3A_21, %get3A_25 : vector<16xf32>
      %swap3A = arith.index_cast %scan3A_18 : i32 to index
      %swap3A_27 = arith.constant 0 : index
      %swap3A_28 = tpu.vector_load %arg10[%swap3A, %swap3A_27] {strides = array<i32>} : memref<128x128xf32, #tpu.memory_space<vmem>>, vector<1x16xf32>,
      %swap3A_29 = vector.shape_cast %swap3A_28 : vector<1x16xf32> to vector<16xf32>
      %swap3A_30 = vector.shape_cast %mul3A_26 : vector<16xf32> to vector<1x16xf32>
      tpu.vector_store %arg10[%swap3A, %swap3A_27], %swap3A_30 {strides = array<i32>} : memref<128x128xf32, #tpu.memory_space<vmem>>, vector<1x16xf32>,
      %get3A_31 = arith.index_cast %scan3A_18 : i32 to index
      %get3A_32 = arith.constant 16 : index
      %get3A_33 = tpu.vector_load %arg8[%get3A_31, %get3A_32] {strides = array<i32>} : memref<128x128xf32, #tpu.memory_space<vmem>>, vector<1x16xf32>,
      %get3A_34 = vector.shape_cast %get3A_33 : vector<1x16xf32> to vector<16xf32>
      %get3A_35 = arith.index_cast %scan3A_18 : i32 to index
      %get3A_36 = arith.constant 16 : index
      %get3A_37 = tpu.vector_load %arg9[%get3A_35, %get3A_36] {strides = array<i32>} : memref<128x128xf32, #tpu.memory_space<vmem>>, vector<1x16xf32>,
      %get3A_38 = vector.shape_cast %get3A_37 : vector<1x16xf32> to vector<16xf32>
      %mul3A_39 = arith.mulf %get3A_34, %get3A_38 : vector<16xf32>
      %swap3A_40 = arith.index_cast %scan3A_18 : i32 to index
      %swap3A_41 = arith.constant 16 : index
      %swap3A_42 = tpu.vector_load %arg10[%swap3A_40, %swap3A_41] {strides = array<i32>} : memref<128x128xf32, #tpu.memory_space<vmem>>, vector<1x16xf32>,
      %swap3A_43 = vector.shape_cast %swap3A_42 : vector<1x16xf32> to vector<16xf32>
      %swap3A_44 = vector.shape_cast %mul3A_39 : vector<16xf32> to vector<1x16xf32>
      tpu.vector_store %arg10[%swap3A_40, %swap3A_41], %swap3A_44 {strides = array<i32>} : memref<128x128xf32, #tpu.memory_space<vmem>>, vector<1x16xf32>,
      %get3A_45 = arith.index_cast %scan3A_18 : i32 to index
      %get3A_46 = arith.constant 32 : index
      %get3A_47 = tpu.vector_load %arg8[%get3A_45, %get3A_46] {strides = array<i32>} : memref<128x128xf32, #tpu.memory_space<vmem>>, vector<1x16xf32>,
      %get3A_48 = vector.shape_cast %get3A_47 : vector<1x16xf32> to vector<16xf32>
      %get3A_49 = arith.index_cast %scan3A_18 : i32 to index
      %get3A_50 = arith.constant 32 : index
      %get3A_51 = tpu.vector_load %arg9[%get3A_49, %get3A_50] {strides = array<i32>} : memref<128x128xf32, #tpu.memory_space<vmem>>, vector<1x16xf32>,
      %get3A_52 = vector.shape_cast %get3A_51 : vector<1x16xf32> to vector<16xf32>
      %mul3A_53 = arith.mulf %get3A_48, %get3A_52 : vector<16xf32>
      %swap3A_54 = arith.index_cast %scan3A_18 : i32 to index
      %swap3A_55 = arith.constant 32 : index
      %swap3A_56 = tpu.vector_load %arg10[%swap3A_54, %swap3A_55] {strides = array<i32>} : memref<128x128xf32, #tpu.memory_space<vmem>>, vector<1x16xf32>,
      %swap3A_57 = vector.shape_cast %swap3A_56 : vector<1x16xf32> to vector<16xf32>
      %swap3A_58 = vector.shape_cast %mul3A_53 : vector<16xf32> to vector<1x16xf32>
      tpu.vector_store %arg10[%swap3A_54, %swap3A_55], %swap3A_58 {strides = array<i32>} : memref<128x128xf32, #tpu.memory_space<vmem>>, vector<1x16xf32>,
      %get3A_59 = arith.index_cast %scan3A_18 : i32 to index
      %get3A_60 = arith.constant 48 : index
      %get3A_61 = tpu.vector_load %arg8[%get3A_59, %get3A_60] {strides = array<i32>} : memref<128x128xf32, #tpu.memory_space<vmem>>, vector<1x16xf32>,
      %get3A_62 = vector.shape_cast %get3A_61 : vector<1x16xf32> to vector<16xf32>
      %get3A_63 = arith.index_cast %scan3A_18 : i32 to index
      %get3A_64 = arith.constant 48 : index
      %get3A_65 = tpu.vector_load %arg9[%get3A_63, %get3A_64] {strides = array<i32>} : memref<128x128xf32, #tpu.memory_space<vmem>>, vector<1x16xf32>,
      %get3A_66 = vector.shape_cast %get3A_65 : vector<1x16xf32> to vector<16xf32>
      %mul3A_67 = arith.mulf %get3A_62, %get3A_66 : vector<16xf32>
      %swap3A_68 = arith.index_cast %scan3A_18 : i32 to index
      %swap3A_69 = arith.constant 48 : index
      %swap3A_70 = tpu.vector_load %arg10[%swap3A_68, %swap3A_69] {strides = array<i32>} : memref<128x128xf32, #tpu.memory_space<vmem>>, vector<1x16xf32>,
      %swap3A_71 = vector.shape_cast %swap3A_70 : vector<1x16xf32> to vector<16xf32>
      %swap3A_72 = vector.shape_cast %mul3A_67 : vector<16xf32> to vector<1x16xf32>
      tpu.vector_store %arg10[%swap3A_68, %swap3A_69], %swap3A_72 {strides = array<i32>} : memref<128x128xf32, #tpu.memory_space<vmem>>, vector<1x16xf32>,
      %get3A_73 = arith.index_cast %scan3A_18 : i32 to index
      %get3A_74 = arith.constant 64 : index
      %get3A_75 = tpu.vector_load %arg8[%get3A_73, %get3A_74] {strides = array<i32>} : memref<128x128xf32, #tpu.memory_space<vmem>>, vector<1x16xf32>,
      %get3A_76 = vector.shape_cast %get3A_75 : vector<1x16xf32> to vector<16xf32>
      %get3A_77 = arith.index_cast %scan3A_18 : i32 to index
      %get3A_78 = arith.constant 64 : index
      %get3A_79 = tpu.vector_load %arg9[%get3A_77, %get3A_78] {strides = array<i32>} : memref<128x128xf32, #tpu.memory_space<vmem>>, vector<1x16xf32>,
      %get3A_80 = vector.shape_cast %get3A_79 : vector<1x16xf32> to vector<16xf32>
      %mul3A_81 = arith.mulf %get3A_76, %get3A_80 : vector<16xf32>
      %swap3A_82 = arith.index_cast %scan3A_18 : i32 to index
      %swap3A_83 = arith.constant 64 : index
      %swap3A_84 = tpu.vector_load %arg10[%swap3A_82, %swap3A_83] {strides = array<i32>} : memref<128x128xf32, #tpu.memory_space<vmem>>, vector<1x16xf32>,
      %swap3A_85 = vector.shape_cast %swap3A_84 : vector<1x16xf32> to vector<16xf32>
      %swap3A_86 = vector.shape_cast %mul3A_81 : vector<16xf32> to vector<1x16xf32>
      tpu.vector_store %arg10[%swap3A_82, %swap3A_83], %swap3A_86 {strides = array<i32>} : memref<128x128xf32, #tpu.memory_space<vmem>>, vector<1x16xf32>,
      %get3A_87 = arith.index_cast %scan3A_18 : i32 to index
      %get3A_88 = arith.constant 80 : index
      %get3A_89 = tpu.vector_load %arg8[%get3A_87, %get3A_88] {strides = array<i32>} : memref<128x128xf32, #tpu.memory_space<vmem>>, vector<1x16xf32>,
      %get3A_90 = vector.shape_cast %get3A_89 : vector<1x16xf32> to vector<16xf32>
      %get3A_91 = arith.index_cast %scan3A_18 : i32 to index
      %get3A_92 = arith.constant 80 : index
      %get3A_93 = tpu.vector_load %arg9[%get3A_91, %get3A_92] {strides = array<i32>} : memref<128x128xf32, #tpu.memory_space<vmem>>, vector<1x16xf32>,
      %get3A_94 = vector.shape_cast %get3A_93 : vector<1x16xf32> to vector<16xf32>
      %mul3A_95 = arith.mulf %get3A_90, %get3A_94 : vector<16xf32>
      %swap3A_96 = arith.index_cast %scan3A_18 : i32 to index
      %swap3A_97 = arith.constant 80 : index
      %swap3A_98 = tpu.vector_load %arg10[%swap3A_96, %swap3A_97] {strides = array<i32>} : memref<128x128xf32, #tpu.memory_space<vmem>>, vector<1x16xf32>,
      %swap3A_99 = vector.shape_cast %swap3A_98 : vector<1x16xf32> to vector<16xf32>
      %swap3A_100 = vector.shape_cast %mul3A_95 : vector<16xf32> to vector<1x16xf32>
      tpu.vector_store %arg10[%swap3A_96, %swap3A_97], %swap3A_100 {strides = array<i32>} : memref<128x128xf32, #tpu.memory_space<vmem>>, vector<1x16xf32>,
      %get3A_101 = arith.index_cast %scan3A_18 : i32 to index
      %get3A_102 = arith.constant 96 : index
      %get3A_103 = tpu.vector_load %arg8[%get3A_101, %get3A_102] {strides = array<i32>} : memref<128x128xf32, #tpu.memory_space<vmem>>, vector<1x16xf32>,
      %get3A_104 = vector.shape_cast %get3A_103 : vector<1x16xf32> to vector<16xf32>
      %get3A_105 = arith.index_cast %scan3A_18 : i32 to index
      %get3A_106 = arith.constant 96 : index
      %get3A_107 = tpu.vector_load %arg9[%get3A_105, %get3A_106] {strides = array<i32>} : memref<128x128xf32, #tpu.memory_space<vmem>>, vector<1x16xf32>,
      %get3A_108 = vector.shape_cast %get3A_107 : vector<1x16xf32> to vector<16xf32>
      %mul3A_109 = arith.mulf %get3A_104, %get3A_108 : vector<16xf32>
      %swap3A_110 = arith.index_cast %scan3A_18 : i32 to index
      %swap3A_111 = arith.constant 96 : index
      %swap3A_112 = tpu.vector_load %arg10[%swap3A_110, %swap3A_111] {strides = array<i32>} : memref<128x128xf32, #tpu.memory_space<vmem>>, vector<1x16xf32>,
      %swap3A_113 = vector.shape_cast %swap3A_112 : vector<1x16xf32> to vector<16xf32>
      %swap3A_114 = vector.shape_cast %mul3A_109 : vector<16xf32> to vector<1x16xf32>
      tpu.vector_store %arg10[%swap3A_110, %swap3A_111], %swap3A_114 {strides = array<i32>} : memref<128x128xf32, #tpu.memory_space<vmem>>, vector<1x16xf32>,
      %get3A_115 = arith.index_cast %scan3A_18 : i32 to index
      %get3A_116 = arith.constant 112 : index
      %get3A_117 = tpu.vector_load %arg8[%get3A_115, %get3A_116] {strides = array<i32>} : memref<128x128xf32, #tpu.memory_space<vmem>>, vector<1x16xf32>,
      %get3A_118 = vector.shape_cast %get3A_117 : vector<1x16xf32> to vector<16xf32>
      %get3A_119 = arith.index_cast %scan3A_18 : i32 to index
      %get3A_120 = arith.constant 112 : index
      %get3A_121 = tpu.vector_load %arg9[%get3A_119, %get3A_120] {strides = array<i32>} : memref<128x128xf32, #tpu.memory_space<vmem>>, vector<1x16xf32>,
      %get3A_122 = vector.shape_cast %get3A_121 : vector<1x16xf32> to vector<16xf32>
      %mul3A_123 = arith.mulf %get3A_118, %get3A_122 : vector<16xf32>
      %swap3A_124 = arith.index_cast %scan3A_18 : i32 to index
      %swap3A_125 = arith.constant 112 : index
      %swap3A_126 = tpu.vector_load %arg10[%swap3A_124, %swap3A_125] {strides = array<i32>} : memref<128x128xf32, #tpu.memory_space<vmem>>, vector<1x16xf32>,
      %swap3A_127 = vector.shape_cast %swap3A_126 : vector<1x16xf32> to vector<16xf32>
      %swap3A_128 = vector.shape_cast %mul3A_123 : vector<16xf32> to vector<1x16xf32>
      tpu.vector_store %arg10[%swap3A_124, %swap3A_125], %swap3A_128 {strides = array<i32>} : memref<128x128xf32, #tpu.memory_space<vmem>>, vector<1x16xf32>,
    }
    %scan3A_15 = arith.constant 128 : i32
    %mul3A_16 = arith.constant 128 : i32
    %mul3A_17 = arith.muli %add3A, %mul3A_16 : i32
    "tpu.region"() ({
      %run_scoped3A = tpu.sem_alloc : memref<!tpu.dma_semaphore, #tpu.memory_space<semaphore_mem>>
      %dma_start3A_18 = arith.constant 0 : i32
      %dma_start3A_19 = tpu.memref_slice %arg5[%mul3A_17, %dma_start3A_18] : memref<4096x128xf32, #tpu.memory_space<hbm>> -> memref<128x128xf32, #tpu.memory_space<hbm>>
      %dma_start3A_20 = arith.constant 0 : i32
      %dma_start3A_21 = tpu.memref_slice %arg5[%mul3A_17, %dma_start3A_20] : memref<4096x128xf32, #tpu.memory_space<hbm>> -> memref<128x128xf32, #tpu.memory_space<hbm>>
      tpu.enqueue_dma source(%arg10 : memref<128x128xf32, #tpu.memory_space<vmem>>) target(%dma_start3A_21 : memref<128x128xf32, #tpu.memory_space<hbm>>) target_semaphore(%run_scoped3A : memref<!tpu.dma_semaphore, #tpu.memory_space<semaphore_mem>>)
      %dma_wait3A_22 = arith.constant 0 : i32
      %dma_wait3A_23 = tpu.memref_slice %arg5[%mul3A_17, %dma_wait3A_22] : memref<4096x128xf32, #tpu.memory_space<hbm>> -> memref<128x128xf32, #tpu.memory_space<hbm>>
      %dma_wait3A_24 = arith.constant 0 : i32
      %dma_wait3A_25 = tpu.memref_slice %arg5[%mul3A_17, %dma_wait3A_24] : memref<4096x128xf32, #tpu.memory_space<hbm>> -> memref<128x128xf32, #tpu.memory_space<hbm>>
      tpu.wait_dma2 semaphore(%run_scoped3A : memref<!tpu.dma_semaphore, #tpu.memory_space<semaphore_mem>>) src(%arg10 : memref<128x128xf32, #tpu.memory_space<vmem>>) dst(%dma_wait3A_25 : memref<128x128xf32, #tpu.memory_space<hbm>>)
      tpu.yield
    }) : () -> ()
    return
  }
}

#map = affine_map<(d0, d1) -> (0, 0)>
#map1 = affine_map<(d0, d1) -> (0, 0, 0, 0)>
#map2 = affine_map<(d0, d1) -> (0)>
#map3 = affine_map<(d0, d1) -> (0, 0, 0)>
module attributes {stable_mosaic.version = 14 : i64} {
  func.func @body(%arg0: i32, %arg1: i32, %arg2: memref<10240x128xf32, #tpu.memory_space<hbm>>, %arg3: memref<322x2x8x128xi32, #tpu.memory_space<hbm>>, %arg4: memref<640x128xf32, #tpu.memory_space<hbm>>, %arg5: memref<640xf32, #tpu.memory_space<hbm>>, %arg6: memref<128xf32, #tpu.memory_space<hbm>>, %arg7: memref<2x10240x128xf32, #tpu.memory_space<hbm>>, %arg8: memref<2x10240xf32, #tpu.memory_space<hbm>>, %arg9: memref<2x8x128xi32, #tpu.memory_space<vmem>>, %arg10: memref<2x8x128xi32, #tpu.memory_space<vmem>>, %arg11: memref<128x128xf32, #tpu.memory_space<vmem>>, %arg12: memref<128x128xf32, #tpu.memory_space<vmem>>, %arg13: memref<10240x128xf32, #tpu.memory_space<vmem_shared>>, %arg14: memref<!tpu.dma_semaphore, #tpu.memory_space<semaphore_mem>>, %arg15: memref<!tpu.dma_semaphore, #tpu.memory_space<semaphore_mem>>, %arg16: memref<!tpu.dma_semaphore, #tpu.memory_space<semaphore_mem>>, %arg17: memref<!tpu.dma_semaphore, #tpu.memory_space<semaphore_mem>>, %arg18: memref<128xf32, #tpu.memory_space<vmem>>, %arg19: memref<10240xf32, #tpu.memory_space<vmem_shared>>) attributes {dimension_semantics = [#tpu.dimension_semantics<core_parallel>, #tpu.dimension_semantics<subcore_parallel>], iteration_bounds = array<i64: 2, 16>, scalar_prefetch = 0 : i64, scratch_operands = 11 : i64, tpu.core_type = #tpu.core_type<sc_vector_subcore>, window_params = [{transform_indices = #map}, {transform_indices = #map1}, {transform_indices = #map}, {transform_indices = #map2}, {transform_indices = #map2}, {transform_indices = #map3}, {transform_indices = #map}]} {
    %mul3A = arith.constant 640 : i32
    %mul3A_0 = arith.muli %arg1, %mul3A : i32
    "tpu.region"() ({
      %run_scoped3A = tpu.sem_alloc : memref<!tpu.dma_semaphore, #tpu.memory_space<semaphore_mem>>
      %dma_start3A_95 = arith.constant 0 : i32
      %dma_start3A_96 = tpu.memref_slice %arg13[%mul3A_0, %dma_start3A_95] : memref<10240x128xf32, #tpu.memory_space<vmem_shared>> -> memref<640x128xf32, #tpu.memory_space<vmem_shared>>
      tpu.enqueue_dma source(%arg4 : memref<640x128xf32, #tpu.memory_space<hbm>>) target(%dma_start3A_96 : memref<640x128xf32, #tpu.memory_space<vmem_shared>>) target_semaphore(%run_scoped3A : memref<!tpu.dma_semaphore, #tpu.memory_space<semaphore_mem>>)
      %dma_wait3A_97 = arith.constant 0 : i32
      %dma_wait3A_98 = tpu.memref_slice %arg13[%mul3A_0, %dma_wait3A_97] : memref<10240x128xf32, #tpu.memory_space<vmem_shared>> -> memref<640x128xf32, #tpu.memory_space<vmem_shared>>
      tpu.wait_dma2 semaphore(%run_scoped3A : memref<!tpu.dma_semaphore, #tpu.memory_space<semaphore_mem>>) src(%arg4 : memref<640x128xf32, #tpu.memory_space<hbm>>) dst(%dma_wait3A_98 : memref<640x128xf32, #tpu.memory_space<vmem_shared>>)
      tpu.yield
    }) : () -> ()
    "tpu.region"() ({
      %run_scoped3A = tpu.sem_alloc : memref<!tpu.dma_semaphore, #tpu.memory_space<semaphore_mem>>
      %dma_start3A_95 = tpu.memref_slice %arg19[%mul3A_0] : memref<10240xf32, #tpu.memory_space<vmem_shared>> -> memref<640xf32, #tpu.memory_space<vmem_shared>>
      tpu.enqueue_dma source(%arg5 : memref<640xf32, #tpu.memory_space<hbm>>) target(%dma_start3A_95 : memref<640xf32, #tpu.memory_space<vmem_shared>>) target_semaphore(%run_scoped3A : memref<!tpu.dma_semaphore, #tpu.memory_space<semaphore_mem>>)
      %dma_wait3A_96 = tpu.memref_slice %arg19[%mul3A_0] : memref<10240xf32, #tpu.memory_space<vmem_shared>> -> memref<640xf32, #tpu.memory_space<vmem_shared>>
      tpu.wait_dma2 semaphore(%run_scoped3A : memref<!tpu.dma_semaphore, #tpu.memory_space<semaphore_mem>>) src(%arg5 : memref<640xf32, #tpu.memory_space<hbm>>) dst(%dma_wait3A_96 : memref<640xf32, #tpu.memory_space<vmem_shared>>)
      tpu.yield
    }) : () -> ()
    "tpu.region"() ({
      %run_scoped3A = tpu.sem_alloc : memref<!tpu.dma_semaphore, #tpu.memory_space<semaphore_mem>>
      tpu.enqueue_dma source(%arg6 : memref<128xf32, #tpu.memory_space<hbm>>) target(%arg18 : memref<128xf32, #tpu.memory_space<vmem>>) target_semaphore(%run_scoped3A : memref<!tpu.dma_semaphore, #tpu.memory_space<semaphore_mem>>)
      tpu.wait_dma2 semaphore(%run_scoped3A : memref<!tpu.dma_semaphore, #tpu.memory_space<semaphore_mem>>) src(%arg6 : memref<128xf32, #tpu.memory_space<hbm>>) dst(%arg18 : memref<128xf32, #tpu.memory_space<vmem>>)
      tpu.yield
    }) : () -> ()
    %barrier3A = arith.constant 0 : index
    tpu.barrier barrier_id(%barrier3A)
    %eq3A = arith.constant 0 : i32
    %eq3A_1 = arith.cmpi eq, %arg0, %eq3A : i32
    %jit3A = arith.constant 18 : i32
    %jit3A_2 = arith.constant 2 : i32
    %select_n3A = arith.select %eq3A_1, %jit3A, %jit3A_2 : i32
    %eq3A_3 = arith.constant 0 : i32
    %eq3A_4 = arith.cmpi eq, %arg0, %eq3A_3 : i32
    %mul3A_5 = arith.constant 18 : i32
    %mul3A_6 = arith.muli %arg1, %mul3A_5 : i32
    %mul3A_7 = arith.constant 2 : i32
    %mul3A_8 = arith.muli %arg1, %mul3A_7 : i32
    %add3A = arith.constant 288 : i32
    %add3A_9 = arith.addi %add3A, %mul3A_8 : i32
    %select_n3A_10 = arith.select %eq3A_4, %mul3A_6, %add3A_9 : i32
    %dma_start3A = arith.constant 0 : i32
    %dma_start3A_11 = arith.constant 0 : i32
    %dma_start3A_12 = arith.constant 0 : i32
    %dma_start3A_13 = tpu.memref_slice %arg3[%select_n3A_10, %dma_start3A, %dma_start3A_11, %dma_start3A_12] : memref<322x2x8x128xi32, #tpu.memory_space<hbm>> -> memref<1x2x8x128xi32, #tpu.memory_space<hbm>>
    %dma_start3A_14 = tpu.memref_squeeze %dma_start3A_13 : memref<1x2x8x128xi32, #tpu.memory_space<hbm>> -> memref<2x8x128xi32, #tpu.memory_space<hbm>>
    %dma_start3A_15 = arith.constant 0 : i32
    %dma_start3A_16 = arith.constant 0 : i32
    %dma_start3A_17 = arith.constant 0 : i32
    %dma_start3A_18 = tpu.memref_slice %arg3[%select_n3A_10, %dma_start3A_15, %dma_start3A_16, %dma_start3A_17] : memref<322x2x8x128xi32, #tpu.memory_space<hbm>> -> memref<1x2x8x128xi32, #tpu.memory_space<hbm>>
    %dma_start3A_19 = tpu.memref_squeeze %dma_start3A_18 : memref<1x2x8x128xi32, #tpu.memory_space<hbm>> -> memref<2x8x128xi32, #tpu.memory_space<hbm>>
    tpu.enqueue_dma source(%dma_start3A_19 : memref<2x8x128xi32, #tpu.memory_space<hbm>>) target(%arg9 : memref<2x8x128xi32, #tpu.memory_space<vmem>>) target_semaphore(%arg14 : memref<!tpu.dma_semaphore, #tpu.memory_space<semaphore_mem>>)
    %add3A_20 = arith.constant 1 : i32
    %add3A_21 = arith.addi %select_n3A_10, %add3A_20 : i32
    %dma_start3A_22 = arith.constant 0 : i32
    %dma_start3A_23 = arith.constant 0 : i32
    %dma_start3A_24 = arith.constant 0 : i32
    %dma_start3A_25 = tpu.memref_slice %arg3[%add3A_21, %dma_start3A_22, %dma_start3A_23, %dma_start3A_24] : memref<322x2x8x128xi32, #tpu.memory_space<hbm>> -> memref<1x2x8x128xi32, #tpu.memory_space<hbm>>
    %dma_start3A_26 = tpu.memref_squeeze %dma_start3A_25 : memref<1x2x8x128xi32, #tpu.memory_space<hbm>> -> memref<2x8x128xi32, #tpu.memory_space<hbm>>
    %dma_start3A_27 = arith.constant 0 : i32
    %dma_start3A_28 = arith.constant 0 : i32
    %dma_start3A_29 = arith.constant 0 : i32
    %dma_start3A_30 = tpu.memref_slice %arg3[%add3A_21, %dma_start3A_27, %dma_start3A_28, %dma_start3A_29] : memref<322x2x8x128xi32, #tpu.memory_space<hbm>> -> memref<1x2x8x128xi32, #tpu.memory_space<hbm>>
    %dma_start3A_31 = tpu.memref_squeeze %dma_start3A_30 : memref<1x2x8x128xi32, #tpu.memory_space<hbm>> -> memref<2x8x128xi32, #tpu.memory_space<hbm>>
    tpu.enqueue_dma source(%dma_start3A_31 : memref<2x8x128xi32, #tpu.memory_space<hbm>>) target(%arg10 : memref<2x8x128xi32, #tpu.memory_space<vmem>>) target_semaphore(%arg15 : memref<!tpu.dma_semaphore, #tpu.memory_space<semaphore_mem>>)
    %dma_wait3A = arith.constant 0 : i32
    %dma_wait3A_32 = arith.constant 0 : i32
    %dma_wait3A_33 = arith.constant 0 : i32
    %dma_wait3A_34 = tpu.memref_slice %arg3[%select_n3A_10, %dma_wait3A, %dma_wait3A_32, %dma_wait3A_33] : memref<322x2x8x128xi32, #tpu.memory_space<hbm>> -> memref<1x2x8x128xi32, #tpu.memory_space<hbm>>
    %dma_wait3A_35 = tpu.memref_squeeze %dma_wait3A_34 : memref<1x2x8x128xi32, #tpu.memory_space<hbm>> -> memref<2x8x128xi32, #tpu.memory_space<hbm>>
    %dma_wait3A_36 = arith.constant 0 : i32
    %dma_wait3A_37 = arith.constant 0 : i32
    %dma_wait3A_38 = arith.constant 0 : i32
    %dma_wait3A_39 = tpu.memref_slice %arg3[%select_n3A_10, %dma_wait3A_36, %dma_wait3A_37, %dma_wait3A_38] : memref<322x2x8x128xi32, #tpu.memory_space<hbm>> -> memref<1x2x8x128xi32, #tpu.memory_space<hbm>>
    %dma_wait3A_40 = tpu.memref_squeeze %dma_wait3A_39 : memref<1x2x8x128xi32, #tpu.memory_space<hbm>> -> memref<2x8x128xi32, #tpu.memory_space<hbm>>
    tpu.wait_dma2 semaphore(%arg14 : memref<!tpu.dma_semaphore, #tpu.memory_space<semaphore_mem>>) src(%dma_wait3A_40 : memref<2x8x128xi32, #tpu.memory_space<hbm>>) dst(%arg9 : memref<2x8x128xi32, #tpu.memory_space<vmem>>)
    %dma_start3A_41 = arith.constant 0 : i32
    %dma_start3A_42 = arith.constant 0 : i32
    %dma_start3A_43 = arith.constant 0 : i32
    %dma_start3A_44 = tpu.memref_slice %arg9[%dma_start3A_41, %dma_start3A_42, %dma_start3A_43] : memref<2x8x128xi32, #tpu.memory_space<vmem>> -> memref<1x1x128xi32, #tpu.memory_space<vmem>>
    %dma_start3A_45 = tpu.memref_squeeze %dma_start3A_44 : memref<1x1x128xi32, #tpu.memory_space<vmem>> -> memref<128xi32, #tpu.memory_space<vmem>>
    %dma_start3A_46 = arith.constant 0 : i32
    %dma_start3A_47 = arith.constant 0 : i32
    %dma_start3A_48 = tpu.memref_slice %arg2[%dma_start3A_46, %dma_start3A_47] : memref<10240x128xf32, #tpu.memory_space<hbm>> -> memref<10240x128xf32, #tpu.memory_space<hbm>>
    tpu.enqueue_indirect_dma source(%dma_start3A_48 : memref<10240x128xf32, #tpu.memory_space<hbm>>) target(%arg11 : memref<128x128xf32, #tpu.memory_space<vmem>>) offsets(%dma_start3A_45 : memref<128xi32, #tpu.memory_space<vmem>>) semaphore(%arg16 : memref<!tpu.dma_semaphore, #tpu.memory_space<semaphore_mem>>)
    %jit3A_49 = arith.constant 2 : i32
    %div3A = arith.divsi %select_n3A, %jit3A_49 : i32
    %sign3A = arith.constant 0 : i32
    %sign3A_50 = arith.cmpi sgt, %select_n3A, %sign3A : i32
    %sign3A_51 = arith.extui %sign3A_50 : i1 to i32
    %sign3A_52 = arith.constant 0 : i32
    %sign3A_53 = arith.cmpi slt, %select_n3A, %sign3A_52 : i32
    %sign3A_54 = arith.extui %sign3A_53 : i1 to i32
    %sign3A_55 = arith.subi %sign3A_51, %sign3A_54 : i32
    %sign3A_56 = arith.constant 0 : i32
    %sign3A_57 = arith.cmpi sgt, %jit3A_49, %sign3A_56 : i32
    %sign3A_58 = arith.extui %sign3A_57 : i1 to i32
    %sign3A_59 = arith.constant 0 : i32
    %sign3A_60 = arith.cmpi slt, %jit3A_49, %sign3A_59 : i32
    %sign3A_61 = arith.extui %sign3A_60 : i1 to i32
    %sign3A_62 = arith.subi %sign3A_58, %sign3A_61 : i32
    %ne3A = arith.cmpi ne, %sign3A_55, %sign3A_62 : i32
    %rem3A = arith.remsi %select_n3A, %jit3A_49 : i32
    %ne3A_63 = arith.constant 0 : i32
    %ne3A_64 = arith.cmpi ne, %rem3A, %ne3A_63 : i32
    %and3A = arith.andi %ne3A, %ne3A_64 : i1
    %sub3A = arith.constant 1 : i32
    %sub3A_65 = arith.subi %div3A, %sub3A : i32
    %select_n3A_66 = arith.select %and3A, %sub3A_65, %div3A : i32
    %while3A = arith.constant 0 : i32
    %while3A_67 = arith.constant 0 : i32
    %while3A_68 = arith.subi %select_n3A_66, %while3A_67 : i32
    %while3A_69 = arith.addi %while3A_67, %while3A_68 : i32
    %while3A_70 = arith.constant 1 : i32
    %while3A_71 = arith.divsi %while3A_68, %while3A_70 : i32
    %while3A_72 = arith.muli %while3A_71, %while3A_70 : i32
    %while3A_73 = arith.addi %while3A_67, %while3A_72 : i32
    %while3A_74 = arith.constant 1 : i32
    scf.for %while3A_95 = %while3A_67 to %while3A_73 step %while3A_74  : i32 {
      %mul3A_96 = arith.constant 2 : i32
      %mul3A_97 = arith.muli %mul3A_96, %while3A_95 : i32
      %dma_wait3A_98 = arith.constant 0 : i32
      %dma_wait3A_99 = arith.constant 0 : i32
      %dma_wait3A_100 = arith.constant 0 : i32
      %dma_wait3A_101 = tpu.memref_slice %arg9[%dma_wait3A_98, %dma_wait3A_99, %dma_wait3A_100] : memref<2x8x128xi32, #tpu.memory_space<vmem>> -> memref<1x1x128xi32, #tpu.memory_space<vmem>>
      %dma_wait3A_102 = tpu.memref_squeeze %dma_wait3A_101 : memref<1x1x128xi32, #tpu.memory_space<vmem>> -> memref<128xi32, #tpu.memory_space<vmem>>
      %dma_wait3A_103 = arith.constant 0 : i32
      %dma_wait3A_104 = arith.constant 0 : i32
      %dma_wait3A_105 = tpu.memref_slice %arg2[%dma_wait3A_103, %dma_wait3A_104] : memref<10240x128xf32, #tpu.memory_space<hbm>> -> memref<10240x128xf32, #tpu.memory_space<hbm>>
      tpu.wait_indirect_dma semaphore(%arg16 : memref<!tpu.dma_semaphore, #tpu.memory_space<semaphore_mem>>) src(%dma_wait3A_105 : memref<10240x128xf32, #tpu.memory_space<hbm>>) dst(%arg11 : memref<128x128xf32, #tpu.memory_space<vmem>>)
      %dma_start3A_106 = arith.constant 0 : i32
      %dma_start3A_107 = arith.constant 1 : i32
      %dma_start3A_108 = arith.constant 0 : i32
      %dma_start3A_109 = tpu.memref_slice %arg9[%dma_start3A_106, %dma_start3A_107, %dma_start3A_108] : memref<2x8x128xi32, #tpu.memory_space<vmem>> -> memref<1x1x128xi32, #tpu.memory_space<vmem>>
      %dma_start3A_110 = tpu.memref_squeeze %dma_start3A_109 : memref<1x1x128xi32, #tpu.memory_space<vmem>> -> memref<128xi32, #tpu.memory_space<vmem>>
      %dma_start3A_111 = arith.constant 0 : i32
      %dma_start3A_112 = arith.constant 0 : i32
      %dma_start3A_113 = tpu.memref_slice %arg2[%dma_start3A_111, %dma_start3A_112] : memref<10240x128xf32, #tpu.memory_space<hbm>> -> memref<10240x128xf32, #tpu.memory_space<hbm>>
      tpu.enqueue_indirect_dma source(%dma_start3A_113 : memref<10240x128xf32, #tpu.memory_space<hbm>>) target(%arg12 : memref<128x128xf32, #tpu.memory_space<vmem>>) offsets(%dma_start3A_110 : memref<128xi32, #tpu.memory_space<vmem>>) semaphore(%arg17 : memref<!tpu.dma_semaphore, #tpu.memory_space<semaphore_mem>>)
      %run_scoped3A = arith.constant 1 : i32
      %run_scoped3A_114 = arith.constant 0 : i32
      "tpu.region"() ({
        %run_scoped3A_473 = tpu.sem_alloc : memref<!tpu.dma_semaphore, #tpu.memory_space<semaphore_mem>>
        %dma_start3A_474 = arith.constant 0 : i32
        %dma_start3A_475 = tpu.memref_slice %arg9[%run_scoped3A, %run_scoped3A_114, %dma_start3A_474] : memref<2x8x128xi32, #tpu.memory_space<vmem>> -> memref<1x1x128xi32, #tpu.memory_space<vmem>>
        %dma_start3A_476 = tpu.memref_squeeze %dma_start3A_475 : memref<1x1x128xi32, #tpu.memory_space<vmem>> -> memref<128xi32, #tpu.memory_space<vmem>>
        %dma_start3A_477 = arith.constant 0 : i32
        %dma_start3A_478 = arith.constant 0 : i32
        %dma_start3A_479 = tpu.memref_slice %arg13[%dma_start3A_477, %dma_start3A_478] : memref<10240x128xf32, #tpu.memory_space<vmem_shared>> -> memref<10240x128xf32, #tpu.memory_space<vmem_shared>>
        tpu.enqueue_indirect_dma source(%arg11 : memref<128x128xf32, #tpu.memory_space<vmem>>) target(%dma_start3A_479 : memref<10240x128xf32, #tpu.memory_space<vmem_shared>>) offsets(%dma_start3A_476 : memref<128xi32, #tpu.memory_space<vmem>>) semaphore(%run_scoped3A_473 : memref<!tpu.dma_semaphore, #tpu.memory_space<semaphore_mem>>) {add = true}
        %dma_wait3A_480 = arith.constant 0 : i32
        %dma_wait3A_481 = tpu.memref_slice %arg9[%run_scoped3A, %run_scoped3A_114, %dma_wait3A_480] : memref<2x8x128xi32, #tpu.memory_space<vmem>> -> memref<1x1x128xi32, #tpu.memory_space<vmem>>
        %dma_wait3A_482 = tpu.memref_squeeze %dma_wait3A_481 : memref<1x1x128xi32, #tpu.memory_space<vmem>> -> memref<128xi32, #tpu.memory_space<vmem>>
        %dma_wait3A_483 = arith.constant 0 : i32
        %dma_wait3A_484 = arith.constant 0 : i32
        %dma_wait3A_485 = tpu.memref_slice %arg13[%dma_wait3A_483, %dma_wait3A_484] : memref<10240x128xf32, #tpu.memory_space<vmem_shared>> -> memref<10240x128xf32, #tpu.memory_space<vmem_shared>>
        tpu.wait_indirect_dma semaphore(%run_scoped3A_473 : memref<!tpu.dma_semaphore, #tpu.memory_space<semaphore_mem>>) src(%arg11 : memref<128x128xf32, #tpu.memory_space<vmem>>) dst(%dma_wait3A_485 : memref<10240x128xf32, #tpu.memory_space<vmem_shared>>)
        tpu.yield
      }) : () -> ()
      %run_scoped3A_115 = arith.constant 1 : i32
      %run_scoped3A_116 = arith.constant 0 : i32
      "tpu.region"() ({
        %run_scoped3A_473 = tpu.sem_alloc : memref<!tpu.dma_semaphore, #tpu.memory_space<semaphore_mem>>
        %dma_start3A_474 = arith.constant 0 : i32
        %dma_start3A_475 = tpu.memref_slice %arg9[%run_scoped3A_115, %run_scoped3A_116, %dma_start3A_474] : memref<2x8x128xi32, #tpu.memory_space<vmem>> -> memref<1x1x128xi32, #tpu.memory_space<vmem>>
        %dma_start3A_476 = tpu.memref_squeeze %dma_start3A_475 : memref<1x1x128xi32, #tpu.memory_space<vmem>> -> memref<128xi32, #tpu.memory_space<vmem>>
        %dma_start3A_477 = arith.constant 0 : i32
        %dma_start3A_478 = tpu.memref_slice %arg19[%dma_start3A_477] : memref<10240xf32, #tpu.memory_space<vmem_shared>> -> memref<10240xf32, #tpu.memory_space<vmem_shared>>
        tpu.enqueue_indirect_dma source(%arg18 : memref<128xf32, #tpu.memory_space<vmem>>) target(%dma_start3A_478 : memref<10240xf32, #tpu.memory_space<vmem_shared>>) offsets(%dma_start3A_476 : memref<128xi32, #tpu.memory_space<vmem>>) semaphore(%run_scoped3A_473 : memref<!tpu.dma_semaphore, #tpu.memory_space<semaphore_mem>>) {add = true}
        %dma_wait3A_479 = arith.constant 0 : i32
        %dma_wait3A_480 = tpu.memref_slice %arg9[%run_scoped3A_115, %run_scoped3A_116, %dma_wait3A_479] : memref<2x8x128xi32, #tpu.memory_space<vmem>> -> memref<1x1x128xi32, #tpu.memory_space<vmem>>
        %dma_wait3A_481 = tpu.memref_squeeze %dma_wait3A_480 : memref<1x1x128xi32, #tpu.memory_space<vmem>> -> memref<128xi32, #tpu.memory_space<vmem>>
        %dma_wait3A_482 = arith.constant 0 : i32
        %dma_wait3A_483 = tpu.memref_slice %arg19[%dma_wait3A_482] : memref<10240xf32, #tpu.memory_space<vmem_shared>> -> memref<10240xf32, #tpu.memory_space<vmem_shared>>
        tpu.wait_indirect_dma semaphore(%run_scoped3A_473 : memref<!tpu.dma_semaphore, #tpu.memory_space<semaphore_mem>>) src(%arg18 : memref<128xf32, #tpu.memory_space<vmem>>) dst(%dma_wait3A_483 : memref<10240xf32, #tpu.memory_space<vmem_shared>>)
        tpu.yield
      }) : () -> ()
      %dma_wait3A_117 = arith.constant 0 : i32
      %dma_wait3A_118 = arith.constant 1 : i32
      %dma_wait3A_119 = arith.constant 0 : i32
      %dma_wait3A_120 = tpu.memref_slice %arg9[%dma_wait3A_117, %dma_wait3A_118, %dma_wait3A_119] : memref<2x8x128xi32, #tpu.memory_space<vmem>> -> memref<1x1x128xi32, #tpu.memory_space<vmem>>
      %dma_wait3A_121 = tpu.memref_squeeze %dma_wait3A_120 : memref<1x1x128xi32, #tpu.memory_space<vmem>> -> memref<128xi32, #tpu.memory_space<vmem>>
      %dma_wait3A_122 = arith.constant 0 : i32
      %dma_wait3A_123 = arith.constant 0 : i32
      %dma_wait3A_124 = tpu.memref_slice %arg2[%dma_wait3A_122, %dma_wait3A_123] : memref<10240x128xf32, #tpu.memory_space<hbm>> -> memref<10240x128xf32, #tpu.memory_space<hbm>>
      tpu.wait_indirect_dma semaphore(%arg17 : memref<!tpu.dma_semaphore, #tpu.memory_space<semaphore_mem>>) src(%dma_wait3A_124 : memref<10240x128xf32, #tpu.memory_space<hbm>>) dst(%arg12 : memref<128x128xf32, #tpu.memory_space<vmem>>)
      %dma_start3A_125 = arith.constant 0 : i32
      %dma_start3A_126 = arith.constant 2 : i32
      %dma_start3A_127 = arith.constant 0 : i32
      %dma_start3A_128 = tpu.memref_slice %arg9[%dma_start3A_125, %dma_start3A_126, %dma_start3A_127] : memref<2x8x128xi32, #tpu.memory_space<vmem>> -> memref<1x1x128xi32, #tpu.memory_space<vmem>>
      %dma_start3A_129 = tpu.memref_squeeze %dma_start3A_128 : memref<1x1x128xi32, #tpu.memory_space<vmem>> -> memref<128xi32, #tpu.memory_space<vmem>>
      %dma_start3A_130 = arith.constant 0 : i32
      %dma_start3A_131 = arith.constant 0 : i32
      %dma_start3A_132 = tpu.memref_slice %arg2[%dma_start3A_130, %dma_start3A_131] : memref<10240x128xf32, #tpu.memory_space<hbm>> -> memref<10240x128xf32, #tpu.memory_space<hbm>>
      tpu.enqueue_indirect_dma source(%dma_start3A_132 : memref<10240x128xf32, #tpu.memory_space<hbm>>) target(%arg11 : memref<128x128xf32, #tpu.memory_space<vmem>>) offsets(%dma_start3A_129 : memref<128xi32, #tpu.memory_space<vmem>>) semaphore(%arg16 : memref<!tpu.dma_semaphore, #tpu.memory_space<semaphore_mem>>)
      %run_scoped3A_133 = arith.constant 1 : i32
      %run_scoped3A_134 = arith.constant 1 : i32
      "tpu.region"() ({
        %run_scoped3A_473 = tpu.sem_alloc : memref<!tpu.dma_semaphore, #tpu.memory_space<semaphore_mem>>
        %dma_start3A_474 = arith.constant 0 : i32
        %dma_start3A_475 = tpu.memref_slice %arg9[%run_scoped3A_133, %run_scoped3A_134, %dma_start3A_474] : memref<2x8x128xi32, #tpu.memory_space<vmem>> -> memref<1x1x128xi32, #tpu.memory_space<vmem>>
        %dma_start3A_476 = tpu.memref_squeeze %dma_start3A_475 : memref<1x1x128xi32, #tpu.memory_space<vmem>> -> memref<128xi32, #tpu.memory_space<vmem>>
        %dma_start3A_477 = arith.constant 0 : i32
        %dma_start3A_478 = arith.constant 0 : i32
        %dma_start3A_479 = tpu.memref_slice %arg13[%dma_start3A_477, %dma_start3A_478] : memref<10240x128xf32, #tpu.memory_space<vmem_shared>> -> memref<10240x128xf32, #tpu.memory_space<vmem_shared>>
        tpu.enqueue_indirect_dma source(%arg12 : memref<128x128xf32, #tpu.memory_space<vmem>>) target(%dma_start3A_479 : memref<10240x128xf32, #tpu.memory_space<vmem_shared>>) offsets(%dma_start3A_476 : memref<128xi32, #tpu.memory_space<vmem>>) semaphore(%run_scoped3A_473 : memref<!tpu.dma_semaphore, #tpu.memory_space<semaphore_mem>>) {add = true}
        %dma_wait3A_480 = arith.constant 0 : i32
        %dma_wait3A_481 = tpu.memref_slice %arg9[%run_scoped3A_133, %run_scoped3A_134, %dma_wait3A_480] : memref<2x8x128xi32, #tpu.memory_space<vmem>> -> memref<1x1x128xi32, #tpu.memory_space<vmem>>
        %dma_wait3A_482 = tpu.memref_squeeze %dma_wait3A_481 : memref<1x1x128xi32, #tpu.memory_space<vmem>> -> memref<128xi32, #tpu.memory_space<vmem>>
        %dma_wait3A_483 = arith.constant 0 : i32
        %dma_wait3A_484 = arith.constant 0 : i32
        %dma_wait3A_485 = tpu.memref_slice %arg13[%dma_wait3A_483, %dma_wait3A_484] : memref<10240x128xf32, #tpu.memory_space<vmem_shared>> -> memref<10240x128xf32, #tpu.memory_space<vmem_shared>>
        tpu.wait_indirect_dma semaphore(%run_scoped3A_473 : memref<!tpu.dma_semaphore, #tpu.memory_space<semaphore_mem>>) src(%arg12 : memref<128x128xf32, #tpu.memory_space<vmem>>) dst(%dma_wait3A_485 : memref<10240x128xf32, #tpu.memory_space<vmem_shared>>)
        tpu.yield
      }) : () -> ()
      %run_scoped3A_135 = arith.constant 1 : i32
      %run_scoped3A_136 = arith.constant 1 : i32
      "tpu.region"() ({
        %run_scoped3A_473 = tpu.sem_alloc : memref<!tpu.dma_semaphore, #tpu.memory_space<semaphore_mem>>
        %dma_start3A_474 = arith.constant 0 : i32
        %dma_start3A_475 = tpu.memref_slice %arg9[%run_scoped3A_135, %run_scoped3A_136, %dma_start3A_474] : memref<2x8x128xi32, #tpu.memory_space<vmem>> -> memref<1x1x128xi32, #tpu.memory_space<vmem>>
        %dma_start3A_476 = tpu.memref_squeeze %dma_start3A_475 : memref<1x1x128xi32, #tpu.memory_space<vmem>> -> memref<128xi32, #tpu.memory_space<vmem>>
        %dma_start3A_477 = arith.constant 0 : i32
        %dma_start3A_478 = tpu.memref_slice %arg19[%dma_start3A_477] : memref<10240xf32, #tpu.memory_space<vmem_shared>> -> memref<10240xf32, #tpu.memory_space<vmem_shared>>
        tpu.enqueue_indirect_dma source(%arg18 : memref<128xf32, #tpu.memory_space<vmem>>) target(%dma_start3A_478 : memref<10240xf32, #tpu.memory_space<vmem_shared>>) offsets(%dma_start3A_476 : memref<128xi32, #tpu.memory_space<vmem>>) semaphore(%run_scoped3A_473 : memref<!tpu.dma_semaphore, #tpu.memory_space<semaphore_mem>>) {add = true}
        %dma_wait3A_479 = arith.constant 0 : i32
        %dma_wait3A_480 = tpu.memref_slice %arg9[%run_scoped3A_135, %run_scoped3A_136, %dma_wait3A_479] : memref<2x8x128xi32, #tpu.memory_space<vmem>> -> memref<1x1x128xi32, #tpu.memory_space<vmem>>
        %dma_wait3A_481 = tpu.memref_squeeze %dma_wait3A_480 : memref<1x1x128xi32, #tpu.memory_space<vmem>> -> memref<128xi32, #tpu.memory_space<vmem>>
        %dma_wait3A_482 = arith.constant 0 : i32
        %dma_wait3A_483 = tpu.memref_slice %arg19[%dma_wait3A_482] : memref<10240xf32, #tpu.memory_space<vmem_shared>> -> memref<10240xf32, #tpu.memory_space<vmem_shared>>
        tpu.wait_indirect_dma semaphore(%run_scoped3A_473 : memref<!tpu.dma_semaphore, #tpu.memory_space<semaphore_mem>>) src(%arg18 : memref<128xf32, #tpu.memory_space<vmem>>) dst(%dma_wait3A_483 : memref<10240xf32, #tpu.memory_space<vmem_shared>>)
        tpu.yield
      }) : () -> ()
      %dma_wait3A_137 = arith.constant 0 : i32
      %dma_wait3A_138 = arith.constant 2 : i32
      %dma_wait3A_139 = arith.constant 0 : i32
      %dma_wait3A_140 = tpu.memref_slice %arg9[%dma_wait3A_137, %dma_wait3A_138, %dma_wait3A_139] : memref<2x8x128xi32, #tpu.memory_space<vmem>> -> memref<1x1x128xi32, #tpu.memory_space<vmem>>
      %dma_wait3A_141 = tpu.memref_squeeze %dma_wait3A_140 : memref<1x1x128xi32, #tpu.memory_space<vmem>> -> memref<128xi32, #tpu.memory_space<vmem>>
      %dma_wait3A_142 = arith.constant 0 : i32
      %dma_wait3A_143 = arith.constant 0 : i32
      %dma_wait3A_144 = tpu.memref_slice %arg2[%dma_wait3A_142, %dma_wait3A_143] : memref<10240x128xf32, #tpu.memory_space<hbm>> -> memref<10240x128xf32, #tpu.memory_space<hbm>>
      tpu.wait_indirect_dma semaphore(%arg16 : memref<!tpu.dma_semaphore, #tpu.memory_space<semaphore_mem>>) src(%dma_wait3A_144 : memref<10240x128xf32, #tpu.memory_space<hbm>>) dst(%arg11 : memref<128x128xf32, #tpu.memory_space<vmem>>)
      %dma_start3A_145 = arith.constant 0 : i32
      %dma_start3A_146 = arith.constant 3 : i32
      %dma_start3A_147 = arith.constant 0 : i32
      %dma_start3A_148 = tpu.memref_slice %arg9[%dma_start3A_145, %dma_start3A_146, %dma_start3A_147] : memref<2x8x128xi32, #tpu.memory_space<vmem>> -> memref<1x1x128xi32, #tpu.memory_space<vmem>>
      %dma_start3A_149 = tpu.memref_squeeze %dma_start3A_148 : memref<1x1x128xi32, #tpu.memory_space<vmem>> -> memref<128xi32, #tpu.memory_space<vmem>>
      %dma_start3A_150 = arith.constant 0 : i32
      %dma_start3A_151 = arith.constant 0 : i32
      %dma_start3A_152 = tpu.memref_slice %arg2[%dma_start3A_150, %dma_start3A_151] : memref<10240x128xf32, #tpu.memory_space<hbm>> -> memref<10240x128xf32, #tpu.memory_space<hbm>>
      tpu.enqueue_indirect_dma source(%dma_start3A_152 : memref<10240x128xf32, #tpu.memory_space<hbm>>) target(%arg12 : memref<128x128xf32, #tpu.memory_space<vmem>>) offsets(%dma_start3A_149 : memref<128xi32, #tpu.memory_space<vmem>>) semaphore(%arg17 : memref<!tpu.dma_semaphore, #tpu.memory_space<semaphore_mem>>)
      %run_scoped3A_153 = arith.constant 1 : i32
      %run_scoped3A_154 = arith.constant 2 : i32
      "tpu.region"() ({
        %run_scoped3A_473 = tpu.sem_alloc : memref<!tpu.dma_semaphore, #tpu.memory_space<semaphore_mem>>
        %dma_start3A_474 = arith.constant 0 : i32
        %dma_start3A_475 = tpu.memref_slice %arg9[%run_scoped3A_153, %run_scoped3A_154, %dma_start3A_474] : memref<2x8x128xi32, #tpu.memory_space<vmem>> -> memref<1x1x128xi32, #tpu.memory_space<vmem>>
        %dma_start3A_476 = tpu.memref_squeeze %dma_start3A_475 : memref<1x1x128xi32, #tpu.memory_space<vmem>> -> memref<128xi32, #tpu.memory_space<vmem>>
        %dma_start3A_477 = arith.constant 0 : i32
        %dma_start3A_478 = arith.constant 0 : i32
        %dma_start3A_479 = tpu.memref_slice %arg13[%dma_start3A_477, %dma_start3A_478] : memref<10240x128xf32, #tpu.memory_space<vmem_shared>> -> memref<10240x128xf32, #tpu.memory_space<vmem_shared>>
        tpu.enqueue_indirect_dma source(%arg11 : memref<128x128xf32, #tpu.memory_space<vmem>>) target(%dma_start3A_479 : memref<10240x128xf32, #tpu.memory_space<vmem_shared>>) offsets(%dma_start3A_476 : memref<128xi32, #tpu.memory_space<vmem>>) semaphore(%run_scoped3A_473 : memref<!tpu.dma_semaphore, #tpu.memory_space<semaphore_mem>>) {add = true}
        %dma_wait3A_480 = arith.constant 0 : i32
        %dma_wait3A_481 = tpu.memref_slice %arg9[%run_scoped3A_153, %run_scoped3A_154, %dma_wait3A_480] : memref<2x8x128xi32, #tpu.memory_space<vmem>> -> memref<1x1x128xi32, #tpu.memory_space<vmem>>
        %dma_wait3A_482 = tpu.memref_squeeze %dma_wait3A_481 : memref<1x1x128xi32, #tpu.memory_space<vmem>> -> memref<128xi32, #tpu.memory_space<vmem>>
        %dma_wait3A_483 = arith.constant 0 : i32
        %dma_wait3A_484 = arith.constant 0 : i32
        %dma_wait3A_485 = tpu.memref_slice %arg13[%dma_wait3A_483, %dma_wait3A_484] : memref<10240x128xf32, #tpu.memory_space<vmem_shared>> -> memref<10240x128xf32, #tpu.memory_space<vmem_shared>>
        tpu.wait_indirect_dma semaphore(%run_scoped3A_473 : memref<!tpu.dma_semaphore, #tpu.memory_space<semaphore_mem>>) src(%arg11 : memref<128x128xf32, #tpu.memory_space<vmem>>) dst(%dma_wait3A_485 : memref<10240x128xf32, #tpu.memory_space<vmem_shared>>)
        tpu.yield
      }) : () -> ()
      %run_scoped3A_155 = arith.constant 1 : i32
      %run_scoped3A_156 = arith.constant 2 : i32
      "tpu.region"() ({
        %run_scoped3A_473 = tpu.sem_alloc : memref<!tpu.dma_semaphore, #tpu.memory_space<semaphore_mem>>
        %dma_start3A_474 = arith.constant 0 : i32
        %dma_start3A_475 = tpu.memref_slice %arg9[%run_scoped3A_155, %run_scoped3A_156, %dma_start3A_474] : memref<2x8x128xi32, #tpu.memory_space<vmem>> -> memref<1x1x128xi32, #tpu.memory_space<vmem>>
        %dma_start3A_476 = tpu.memref_squeeze %dma_start3A_475 : memref<1x1x128xi32, #tpu.memory_space<vmem>> -> memref<128xi32, #tpu.memory_space<vmem>>
        %dma_start3A_477 = arith.constant 0 : i32
        %dma_start3A_478 = tpu.memref_slice %arg19[%dma_start3A_477] : memref<10240xf32, #tpu.memory_space<vmem_shared>> -> memref<10240xf32, #tpu.memory_space<vmem_shared>>
        tpu.enqueue_indirect_dma source(%arg18 : memref<128xf32, #tpu.memory_space<vmem>>) target(%dma_start3A_478 : memref<10240xf32, #tpu.memory_space<vmem_shared>>) offsets(%dma_start3A_476 : memref<128xi32, #tpu.memory_space<vmem>>) semaphore(%run_scoped3A_473 : memref<!tpu.dma_semaphore, #tpu.memory_space<semaphore_mem>>) {add = true}
        %dma_wait3A_479 = arith.constant 0 : i32
        %dma_wait3A_480 = tpu.memref_slice %arg9[%run_scoped3A_155, %run_scoped3A_156, %dma_wait3A_479] : memref<2x8x128xi32, #tpu.memory_space<vmem>> -> memref<1x1x128xi32, #tpu.memory_space<vmem>>
        %dma_wait3A_481 = tpu.memref_squeeze %dma_wait3A_480 : memref<1x1x128xi32, #tpu.memory_space<vmem>> -> memref<128xi32, #tpu.memory_space<vmem>>
        %dma_wait3A_482 = arith.constant 0 : i32
        %dma_wait3A_483 = tpu.memref_slice %arg19[%dma_wait3A_482] : memref<10240xf32, #tpu.memory_space<vmem_shared>> -> memref<10240xf32, #tpu.memory_space<vmem_shared>>
        tpu.wait_indirect_dma semaphore(%run_scoped3A_473 : memref<!tpu.dma_semaphore, #tpu.memory_space<semaphore_mem>>) src(%arg18 : memref<128xf32, #tpu.memory_space<vmem>>) dst(%dma_wait3A_483 : memref<10240xf32, #tpu.memory_space<vmem_shared>>)
        tpu.yield
      }) : () -> ()
      %dma_wait3A_157 = arith.constant 0 : i32
      %dma_wait3A_158 = arith.constant 3 : i32
      %dma_wait3A_159 = arith.constant 0 : i32
      %dma_wait3A_160 = tpu.memref_slice %arg9[%dma_wait3A_157, %dma_wait3A_158, %dma_wait3A_159] : memref<2x8x128xi32, #tpu.memory_space<vmem>> -> memref<1x1x128xi32, #tpu.memory_space<vmem>>
      %dma_wait3A_161 = tpu.memref_squeeze %dma_wait3A_160 : memref<1x1x128xi32, #tpu.memory_space<vmem>> -> memref<128xi32, #tpu.memory_space<vmem>>
      %dma_wait3A_162 = arith.constant 0 : i32
      %dma_wait3A_163 = arith.constant 0 : i32
      %dma_wait3A_164 = tpu.memref_slice %arg2[%dma_wait3A_162, %dma_wait3A_163] : memref<10240x128xf32, #tpu.memory_space<hbm>> -> memref<10240x128xf32, #tpu.memory_space<hbm>>
      tpu.wait_indirect_dma semaphore(%arg17 : memref<!tpu.dma_semaphore, #tpu.memory_space<semaphore_mem>>) src(%dma_wait3A_164 : memref<10240x128xf32, #tpu.memory_space<hbm>>) dst(%arg12 : memref<128x128xf32, #tpu.memory_space<vmem>>)
      %dma_start3A_165 = arith.constant 0 : i32
      %dma_start3A_166 = arith.constant 4 : i32
      %dma_start3A_167 = arith.constant 0 : i32
      %dma_start3A_168 = tpu.memref_slice %arg9[%dma_start3A_165, %dma_start3A_166, %dma_start3A_167] : memref<2x8x128xi32, #tpu.memory_space<vmem>> -> memref<1x1x128xi32, #tpu.memory_space<vmem>>
      %dma_start3A_169 = tpu.memref_squeeze %dma_start3A_168 : memref<1x1x128xi32, #tpu.memory_space<vmem>> -> memref<128xi32, #tpu.memory_space<vmem>>
      %dma_start3A_170 = arith.constant 0 : i32
      %dma_start3A_171 = arith.constant 0 : i32
      %dma_start3A_172 = tpu.memref_slice %arg2[%dma_start3A_170, %dma_start3A_171] : memref<10240x128xf32, #tpu.memory_space<hbm>> -> memref<10240x128xf32, #tpu.memory_space<hbm>>
      tpu.enqueue_indirect_dma source(%dma_start3A_172 : memref<10240x128xf32, #tpu.memory_space<hbm>>) target(%arg11 : memref<128x128xf32, #tpu.memory_space<vmem>>) offsets(%dma_start3A_169 : memref<128xi32, #tpu.memory_space<vmem>>) semaphore(%arg16 : memref<!tpu.dma_semaphore, #tpu.memory_space<semaphore_mem>>)
      %run_scoped3A_173 = arith.constant 1 : i32
      %run_scoped3A_174 = arith.constant 3 : i32
      "tpu.region"() ({
        %run_scoped3A_473 = tpu.sem_alloc : memref<!tpu.dma_semaphore, #tpu.memory_space<semaphore_mem>>
        %dma_start3A_474 = arith.constant 0 : i32
        %dma_start3A_475 = tpu.memref_slice %arg9[%run_scoped3A_173, %run_scoped3A_174, %dma_start3A_474] : memref<2x8x128xi32, #tpu.memory_space<vmem>> -> memref<1x1x128xi32, #tpu.memory_space<vmem>>
        %dma_start3A_476 = tpu.memref_squeeze %dma_start3A_475 : memref<1x1x128xi32, #tpu.memory_space<vmem>> -> memref<128xi32, #tpu.memory_space<vmem>>
        %dma_start3A_477 = arith.constant 0 : i32
        %dma_start3A_478 = arith.constant 0 : i32
        %dma_start3A_479 = tpu.memref_slice %arg13[%dma_start3A_477, %dma_start3A_478] : memref<10240x128xf32, #tpu.memory_space<vmem_shared>> -> memref<10240x128xf32, #tpu.memory_space<vmem_shared>>
        tpu.enqueue_indirect_dma source(%arg12 : memref<128x128xf32, #tpu.memory_space<vmem>>) target(%dma_start3A_479 : memref<10240x128xf32, #tpu.memory_space<vmem_shared>>) offsets(%dma_start3A_476 : memref<128xi32, #tpu.memory_space<vmem>>) semaphore(%run_scoped3A_473 : memref<!tpu.dma_semaphore, #tpu.memory_space<semaphore_mem>>) {add = true}
        %dma_wait3A_480 = arith.constant 0 : i32
        %dma_wait3A_481 = tpu.memref_slice %arg9[%run_scoped3A_173, %run_scoped3A_174, %dma_wait3A_480] : memref<2x8x128xi32, #tpu.memory_space<vmem>> -> memref<1x1x128xi32, #tpu.memory_space<vmem>>
        %dma_wait3A_482 = tpu.memref_squeeze %dma_wait3A_481 : memref<1x1x128xi32, #tpu.memory_space<vmem>> -> memref<128xi32, #tpu.memory_space<vmem>>
        %dma_wait3A_483 = arith.constant 0 : i32
        %dma_wait3A_484 = arith.constant 0 : i32
        %dma_wait3A_485 = tpu.memref_slice %arg13[%dma_wait3A_483, %dma_wait3A_484] : memref<10240x128xf32, #tpu.memory_space<vmem_shared>> -> memref<10240x128xf32, #tpu.memory_space<vmem_shared>>
        tpu.wait_indirect_dma semaphore(%run_scoped3A_473 : memref<!tpu.dma_semaphore, #tpu.memory_space<semaphore_mem>>) src(%arg12 : memref<128x128xf32, #tpu.memory_space<vmem>>) dst(%dma_wait3A_485 : memref<10240x128xf32, #tpu.memory_space<vmem_shared>>)
        tpu.yield
      }) : () -> ()
      %run_scoped3A_175 = arith.constant 1 : i32
      %run_scoped3A_176 = arith.constant 3 : i32
      "tpu.region"() ({
        %run_scoped3A_473 = tpu.sem_alloc : memref<!tpu.dma_semaphore, #tpu.memory_space<semaphore_mem>>
        %dma_start3A_474 = arith.constant 0 : i32
        %dma_start3A_475 = tpu.memref_slice %arg9[%run_scoped3A_175, %run_scoped3A_176, %dma_start3A_474] : memref<2x8x128xi32, #tpu.memory_space<vmem>> -> memref<1x1x128xi32, #tpu.memory_space<vmem>>
        %dma_start3A_476 = tpu.memref_squeeze %dma_start3A_475 : memref<1x1x128xi32, #tpu.memory_space<vmem>> -> memref<128xi32, #tpu.memory_space<vmem>>
        %dma_start3A_477 = arith.constant 0 : i32
        %dma_start3A_478 = tpu.memref_slice %arg19[%dma_start3A_477] : memref<10240xf32, #tpu.memory_space<vmem_shared>> -> memref<10240xf32, #tpu.memory_space<vmem_shared>>
        tpu.enqueue_indirect_dma source(%arg18 : memref<128xf32, #tpu.memory_space<vmem>>) target(%dma_start3A_478 : memref<10240xf32, #tpu.memory_space<vmem_shared>>) offsets(%dma_start3A_476 : memref<128xi32, #tpu.memory_space<vmem>>) semaphore(%run_scoped3A_473 : memref<!tpu.dma_semaphore, #tpu.memory_space<semaphore_mem>>) {add = true}
        %dma_wait3A_479 = arith.constant 0 : i32
        %dma_wait3A_480 = tpu.memref_slice %arg9[%run_scoped3A_175, %run_scoped3A_176, %dma_wait3A_479] : memref<2x8x128xi32, #tpu.memory_space<vmem>> -> memref<1x1x128xi32, #tpu.memory_space<vmem>>
        %dma_wait3A_481 = tpu.memref_squeeze %dma_wait3A_480 : memref<1x1x128xi32, #tpu.memory_space<vmem>> -> memref<128xi32, #tpu.memory_space<vmem>>
        %dma_wait3A_482 = arith.constant 0 : i32
        %dma_wait3A_483 = tpu.memref_slice %arg19[%dma_wait3A_482] : memref<10240xf32, #tpu.memory_space<vmem_shared>> -> memref<10240xf32, #tpu.memory_space<vmem_shared>>
        tpu.wait_indirect_dma semaphore(%run_scoped3A_473 : memref<!tpu.dma_semaphore, #tpu.memory_space<semaphore_mem>>) src(%arg18 : memref<128xf32, #tpu.memory_space<vmem>>) dst(%dma_wait3A_483 : memref<10240xf32, #tpu.memory_space<vmem_shared>>)
        tpu.yield
      }) : () -> ()
      %dma_wait3A_177 = arith.constant 0 : i32
      %dma_wait3A_178 = arith.constant 4 : i32
      %dma_wait3A_179 = arith.constant 0 : i32
      %dma_wait3A_180 = tpu.memref_slice %arg9[%dma_wait3A_177, %dma_wait3A_178, %dma_wait3A_179] : memref<2x8x128xi32, #tpu.memory_space<vmem>> -> memref<1x1x128xi32, #tpu.memory_space<vmem>>
      %dma_wait3A_181 = tpu.memref_squeeze %dma_wait3A_180 : memref<1x1x128xi32, #tpu.memory_space<vmem>> -> memref<128xi32, #tpu.memory_space<vmem>>
      %dma_wait3A_182 = arith.constant 0 : i32
      %dma_wait3A_183 = arith.constant 0 : i32
      %dma_wait3A_184 = tpu.memref_slice %arg2[%dma_wait3A_182, %dma_wait3A_183] : memref<10240x128xf32, #tpu.memory_space<hbm>> -> memref<10240x128xf32, #tpu.memory_space<hbm>>
      tpu.wait_indirect_dma semaphore(%arg16 : memref<!tpu.dma_semaphore, #tpu.memory_space<semaphore_mem>>) src(%dma_wait3A_184 : memref<10240x128xf32, #tpu.memory_space<hbm>>) dst(%arg11 : memref<128x128xf32, #tpu.memory_space<vmem>>)
      %dma_start3A_185 = arith.constant 0 : i32
      %dma_start3A_186 = arith.constant 5 : i32
      %dma_start3A_187 = arith.constant 0 : i32
      %dma_start3A_188 = tpu.memref_slice %arg9[%dma_start3A_185, %dma_start3A_186, %dma_start3A_187] : memref<2x8x128xi32, #tpu.memory_space<vmem>> -> memref<1x1x128xi32, #tpu.memory_space<vmem>>
      %dma_start3A_189 = tpu.memref_squeeze %dma_start3A_188 : memref<1x1x128xi32, #tpu.memory_space<vmem>> -> memref<128xi32, #tpu.memory_space<vmem>>
      %dma_start3A_190 = arith.constant 0 : i32
      %dma_start3A_191 = arith.constant 0 : i32
      %dma_start3A_192 = tpu.memref_slice %arg2[%dma_start3A_190, %dma_start3A_191] : memref<10240x128xf32, #tpu.memory_space<hbm>> -> memref<10240x128xf32, #tpu.memory_space<hbm>>
      tpu.enqueue_indirect_dma source(%dma_start3A_192 : memref<10240x128xf32, #tpu.memory_space<hbm>>) target(%arg12 : memref<128x128xf32, #tpu.memory_space<vmem>>) offsets(%dma_start3A_189 : memref<128xi32, #tpu.memory_space<vmem>>) semaphore(%arg17 : memref<!tpu.dma_semaphore, #tpu.memory_space<semaphore_mem>>)
      %run_scoped3A_193 = arith.constant 1 : i32
      %run_scoped3A_194 = arith.constant 4 : i32
      "tpu.region"() ({
        %run_scoped3A_473 = tpu.sem_alloc : memref<!tpu.dma_semaphore, #tpu.memory_space<semaphore_mem>>
        %dma_start3A_474 = arith.constant 0 : i32
        %dma_start3A_475 = tpu.memref_slice %arg9[%run_scoped3A_193, %run_scoped3A_194, %dma_start3A_474] : memref<2x8x128xi32, #tpu.memory_space<vmem>> -> memref<1x1x128xi32, #tpu.memory_space<vmem>>
        %dma_start3A_476 = tpu.memref_squeeze %dma_start3A_475 : memref<1x1x128xi32, #tpu.memory_space<vmem>> -> memref<128xi32, #tpu.memory_space<vmem>>
        %dma_start3A_477 = arith.constant 0 : i32
        %dma_start3A_478 = arith.constant 0 : i32
        %dma_start3A_479 = tpu.memref_slice %arg13[%dma_start3A_477, %dma_start3A_478] : memref<10240x128xf32, #tpu.memory_space<vmem_shared>> -> memref<10240x128xf32, #tpu.memory_space<vmem_shared>>
        tpu.enqueue_indirect_dma source(%arg11 : memref<128x128xf32, #tpu.memory_space<vmem>>) target(%dma_start3A_479 : memref<10240x128xf32, #tpu.memory_space<vmem_shared>>) offsets(%dma_start3A_476 : memref<128xi32, #tpu.memory_space<vmem>>) semaphore(%run_scoped3A_473 : memref<!tpu.dma_semaphore, #tpu.memory_space<semaphore_mem>>) {add = true}
        %dma_wait3A_480 = arith.constant 0 : i32
        %dma_wait3A_481 = tpu.memref_slice %arg9[%run_scoped3A_193, %run_scoped3A_194, %dma_wait3A_480] : memref<2x8x128xi32, #tpu.memory_space<vmem>> -> memref<1x1x128xi32, #tpu.memory_space<vmem>>
        %dma_wait3A_482 = tpu.memref_squeeze %dma_wait3A_481 : memref<1x1x128xi32, #tpu.memory_space<vmem>> -> memref<128xi32, #tpu.memory_space<vmem>>
        %dma_wait3A_483 = arith.constant 0 : i32
        %dma_wait3A_484 = arith.constant 0 : i32
        %dma_wait3A_485 = tpu.memref_slice %arg13[%dma_wait3A_483, %dma_wait3A_484] : memref<10240x128xf32, #tpu.memory_space<vmem_shared>> -> memref<10240x128xf32, #tpu.memory_space<vmem_shared>>
        tpu.wait_indirect_dma semaphore(%run_scoped3A_473 : memref<!tpu.dma_semaphore, #tpu.memory_space<semaphore_mem>>) src(%arg11 : memref<128x128xf32, #tpu.memory_space<vmem>>) dst(%dma_wait3A_485 : memref<10240x128xf32, #tpu.memory_space<vmem_shared>>)
        tpu.yield
      }) : () -> ()
      %run_scoped3A_195 = arith.constant 1 : i32
      %run_scoped3A_196 = arith.constant 4 : i32
      "tpu.region"() ({
        %run_scoped3A_473 = tpu.sem_alloc : memref<!tpu.dma_semaphore, #tpu.memory_space<semaphore_mem>>
        %dma_start3A_474 = arith.constant 0 : i32
        %dma_start3A_475 = tpu.memref_slice %arg9[%run_scoped3A_195, %run_scoped3A_196, %dma_start3A_474] : memref<2x8x128xi32, #tpu.memory_space<vmem>> -> memref<1x1x128xi32, #tpu.memory_space<vmem>>
        %dma_start3A_476 = tpu.memref_squeeze %dma_start3A_475 : memref<1x1x128xi32, #tpu.memory_space<vmem>> -> memref<128xi32, #tpu.memory_space<vmem>>
        %dma_start3A_477 = arith.constant 0 : i32
        %dma_start3A_478 = tpu.memref_slice %arg19[%dma_start3A_477] : memref<10240xf32, #tpu.memory_space<vmem_shared>> -> memref<10240xf32, #tpu.memory_space<vmem_shared>>
        tpu.enqueue_indirect_dma source(%arg18 : memref<128xf32, #tpu.memory_space<vmem>>) target(%dma_start3A_478 : memref<10240xf32, #tpu.memory_space<vmem_shared>>) offsets(%dma_start3A_476 : memref<128xi32, #tpu.memory_space<vmem>>) semaphore(%run_scoped3A_473 : memref<!tpu.dma_semaphore, #tpu.memory_space<semaphore_mem>>) {add = true}
        %dma_wait3A_479 = arith.constant 0 : i32
        %dma_wait3A_480 = tpu.memref_slice %arg9[%run_scoped3A_195, %run_scoped3A_196, %dma_wait3A_479] : memref<2x8x128xi32, #tpu.memory_space<vmem>> -> memref<1x1x128xi32, #tpu.memory_space<vmem>>
        %dma_wait3A_481 = tpu.memref_squeeze %dma_wait3A_480 : memref<1x1x128xi32, #tpu.memory_space<vmem>> -> memref<128xi32, #tpu.memory_space<vmem>>
        %dma_wait3A_482 = arith.constant 0 : i32
        %dma_wait3A_483 = tpu.memref_slice %arg19[%dma_wait3A_482] : memref<10240xf32, #tpu.memory_space<vmem_shared>> -> memref<10240xf32, #tpu.memory_space<vmem_shared>>
        tpu.wait_indirect_dma semaphore(%run_scoped3A_473 : memref<!tpu.dma_semaphore, #tpu.memory_space<semaphore_mem>>) src(%arg18 : memref<128xf32, #tpu.memory_space<vmem>>) dst(%dma_wait3A_483 : memref<10240xf32, #tpu.memory_space<vmem_shared>>)
        tpu.yield
      }) : () -> ()
      %dma_wait3A_197 = arith.constant 0 : i32
      %dma_wait3A_198 = arith.constant 5 : i32
      %dma_wait3A_199 = arith.constant 0 : i32
      %dma_wait3A_200 = tpu.memref_slice %arg9[%dma_wait3A_197, %dma_wait3A_198, %dma_wait3A_199] : memref<2x8x128xi32, #tpu.memory_space<vmem>> -> memref<1x1x128xi32, #tpu.memory_space<vmem>>
      %dma_wait3A_201 = tpu.memref_squeeze %dma_wait3A_200 : memref<1x1x128xi32, #tpu.memory_space<vmem>> -> memref<128xi32, #tpu.memory_space<vmem>>
      %dma_wait3A_202 = arith.constant 0 : i32
      %dma_wait3A_203 = arith.constant 0 : i32
      %dma_wait3A_204 = tpu.memref_slice %arg2[%dma_wait3A_202, %dma_wait3A_203] : memref<10240x128xf32, #tpu.memory_space<hbm>> -> memref<10240x128xf32, #tpu.memory_space<hbm>>
      tpu.wait_indirect_dma semaphore(%arg17 : memref<!tpu.dma_semaphore, #tpu.memory_space<semaphore_mem>>) src(%dma_wait3A_204 : memref<10240x128xf32, #tpu.memory_space<hbm>>) dst(%arg12 : memref<128x128xf32, #tpu.memory_space<vmem>>)
      %dma_start3A_205 = arith.constant 0 : i32
      %dma_start3A_206 = arith.constant 6 : i32
      %dma_start3A_207 = arith.constant 0 : i32
      %dma_start3A_208 = tpu.memref_slice %arg9[%dma_start3A_205, %dma_start3A_206, %dma_start3A_207] : memref<2x8x128xi32, #tpu.memory_space<vmem>> -> memref<1x1x128xi32, #tpu.memory_space<vmem>>
      %dma_start3A_209 = tpu.memref_squeeze %dma_start3A_208 : memref<1x1x128xi32, #tpu.memory_space<vmem>> -> memref<128xi32, #tpu.memory_space<vmem>>
      %dma_start3A_210 = arith.constant 0 : i32
      %dma_start3A_211 = arith.constant 0 : i32
      %dma_start3A_212 = tpu.memref_slice %arg2[%dma_start3A_210, %dma_start3A_211] : memref<10240x128xf32, #tpu.memory_space<hbm>> -> memref<10240x128xf32, #tpu.memory_space<hbm>>
      tpu.enqueue_indirect_dma source(%dma_start3A_212 : memref<10240x128xf32, #tpu.memory_space<hbm>>) target(%arg11 : memref<128x128xf32, #tpu.memory_space<vmem>>) offsets(%dma_start3A_209 : memref<128xi32, #tpu.memory_space<vmem>>) semaphore(%arg16 : memref<!tpu.dma_semaphore, #tpu.memory_space<semaphore_mem>>)
      %run_scoped3A_213 = arith.constant 1 : i32
      %run_scoped3A_214 = arith.constant 5 : i32
      "tpu.region"() ({
        %run_scoped3A_473 = tpu.sem_alloc : memref<!tpu.dma_semaphore, #tpu.memory_space<semaphore_mem>>
        %dma_start3A_474 = arith.constant 0 : i32
        %dma_start3A_475 = tpu.memref_slice %arg9[%run_scoped3A_213, %run_scoped3A_214, %dma_start3A_474] : memref<2x8x128xi32, #tpu.memory_space<vmem>> -> memref<1x1x128xi32, #tpu.memory_space<vmem>>
        %dma_start3A_476 = tpu.memref_squeeze %dma_start3A_475 : memref<1x1x128xi32, #tpu.memory_space<vmem>> -> memref<128xi32, #tpu.memory_space<vmem>>
        %dma_start3A_477 = arith.constant 0 : i32
        %dma_start3A_478 = arith.constant 0 : i32
        %dma_start3A_479 = tpu.memref_slice %arg13[%dma_start3A_477, %dma_start3A_478] : memref<10240x128xf32, #tpu.memory_space<vmem_shared>> -> memref<10240x128xf32, #tpu.memory_space<vmem_shared>>
        tpu.enqueue_indirect_dma source(%arg12 : memref<128x128xf32, #tpu.memory_space<vmem>>) target(%dma_start3A_479 : memref<10240x128xf32, #tpu.memory_space<vmem_shared>>) offsets(%dma_start3A_476 : memref<128xi32, #tpu.memory_space<vmem>>) semaphore(%run_scoped3A_473 : memref<!tpu.dma_semaphore, #tpu.memory_space<semaphore_mem>>) {add = true}
        %dma_wait3A_480 = arith.constant 0 : i32
        %dma_wait3A_481 = tpu.memref_slice %arg9[%run_scoped3A_213, %run_scoped3A_214, %dma_wait3A_480] : memref<2x8x128xi32, #tpu.memory_space<vmem>> -> memref<1x1x128xi32, #tpu.memory_space<vmem>>
        %dma_wait3A_482 = tpu.memref_squeeze %dma_wait3A_481 : memref<1x1x128xi32, #tpu.memory_space<vmem>> -> memref<128xi32, #tpu.memory_space<vmem>>
        %dma_wait3A_483 = arith.constant 0 : i32
        %dma_wait3A_484 = arith.constant 0 : i32
        %dma_wait3A_485 = tpu.memref_slice %arg13[%dma_wait3A_483, %dma_wait3A_484] : memref<10240x128xf32, #tpu.memory_space<vmem_shared>> -> memref<10240x128xf32, #tpu.memory_space<vmem_shared>>
        tpu.wait_indirect_dma semaphore(%run_scoped3A_473 : memref<!tpu.dma_semaphore, #tpu.memory_space<semaphore_mem>>) src(%arg12 : memref<128x128xf32, #tpu.memory_space<vmem>>) dst(%dma_wait3A_485 : memref<10240x128xf32, #tpu.memory_space<vmem_shared>>)
        tpu.yield
      }) : () -> ()
      %run_scoped3A_215 = arith.constant 1 : i32
      %run_scoped3A_216 = arith.constant 5 : i32
      "tpu.region"() ({
        %run_scoped3A_473 = tpu.sem_alloc : memref<!tpu.dma_semaphore, #tpu.memory_space<semaphore_mem>>
        %dma_start3A_474 = arith.constant 0 : i32
        %dma_start3A_475 = tpu.memref_slice %arg9[%run_scoped3A_215, %run_scoped3A_216, %dma_start3A_474] : memref<2x8x128xi32, #tpu.memory_space<vmem>> -> memref<1x1x128xi32, #tpu.memory_space<vmem>>
        %dma_start3A_476 = tpu.memref_squeeze %dma_start3A_475 : memref<1x1x128xi32, #tpu.memory_space<vmem>> -> memref<128xi32, #tpu.memory_space<vmem>>
        %dma_start3A_477 = arith.constant 0 : i32
        %dma_start3A_478 = tpu.memref_slice %arg19[%dma_start3A_477] : memref<10240xf32, #tpu.memory_space<vmem_shared>> -> memref<10240xf32, #tpu.memory_space<vmem_shared>>
        tpu.enqueue_indirect_dma source(%arg18 : memref<128xf32, #tpu.memory_space<vmem>>) target(%dma_start3A_478 : memref<10240xf32, #tpu.memory_space<vmem_shared>>) offsets(%dma_start3A_476 : memref<128xi32, #tpu.memory_space<vmem>>) semaphore(%run_scoped3A_473 : memref<!tpu.dma_semaphore, #tpu.memory_space<semaphore_mem>>) {add = true}
        %dma_wait3A_479 = arith.constant 0 : i32
        %dma_wait3A_480 = tpu.memref_slice %arg9[%run_scoped3A_215, %run_scoped3A_216, %dma_wait3A_479] : memref<2x8x128xi32, #tpu.memory_space<vmem>> -> memref<1x1x128xi32, #tpu.memory_space<vmem>>
        %dma_wait3A_481 = tpu.memref_squeeze %dma_wait3A_480 : memref<1x1x128xi32, #tpu.memory_space<vmem>> -> memref<128xi32, #tpu.memory_space<vmem>>
        %dma_wait3A_482 = arith.constant 0 : i32
        %dma_wait3A_483 = tpu.memref_slice %arg19[%dma_wait3A_482] : memref<10240xf32, #tpu.memory_space<vmem_shared>> -> memref<10240xf32, #tpu.memory_space<vmem_shared>>
        tpu.wait_indirect_dma semaphore(%run_scoped3A_473 : memref<!tpu.dma_semaphore, #tpu.memory_space<semaphore_mem>>) src(%arg18 : memref<128xf32, #tpu.memory_space<vmem>>) dst(%dma_wait3A_483 : memref<10240xf32, #tpu.memory_space<vmem_shared>>)
        tpu.yield
      }) : () -> ()
      %dma_wait3A_217 = arith.constant 0 : i32
      %dma_wait3A_218 = arith.constant 6 : i32
      %dma_wait3A_219 = arith.constant 0 : i32
      %dma_wait3A_220 = tpu.memref_slice %arg9[%dma_wait3A_217, %dma_wait3A_218, %dma_wait3A_219] : memref<2x8x128xi32, #tpu.memory_space<vmem>> -> memref<1x1x128xi32, #tpu.memory_space<vmem>>
      %dma_wait3A_221 = tpu.memref_squeeze %dma_wait3A_220 : memref<1x1x128xi32, #tpu.memory_space<vmem>> -> memref<128xi32, #tpu.memory_space<vmem>>
      %dma_wait3A_222 = arith.constant 0 : i32
      %dma_wait3A_223 = arith.constant 0 : i32
      %dma_wait3A_224 = tpu.memref_slice %arg2[%dma_wait3A_222, %dma_wait3A_223] : memref<10240x128xf32, #tpu.memory_space<hbm>> -> memref<10240x128xf32, #tpu.memory_space<hbm>>
      tpu.wait_indirect_dma semaphore(%arg16 : memref<!tpu.dma_semaphore, #tpu.memory_space<semaphore_mem>>) src(%dma_wait3A_224 : memref<10240x128xf32, #tpu.memory_space<hbm>>) dst(%arg11 : memref<128x128xf32, #tpu.memory_space<vmem>>)
      %dma_start3A_225 = arith.constant 0 : i32
      %dma_start3A_226 = arith.constant 7 : i32
      %dma_start3A_227 = arith.constant 0 : i32
      %dma_start3A_228 = tpu.memref_slice %arg9[%dma_start3A_225, %dma_start3A_226, %dma_start3A_227] : memref<2x8x128xi32, #tpu.memory_space<vmem>> -> memref<1x1x128xi32, #tpu.memory_space<vmem>>
      %dma_start3A_229 = tpu.memref_squeeze %dma_start3A_228 : memref<1x1x128xi32, #tpu.memory_space<vmem>> -> memref<128xi32, #tpu.memory_space<vmem>>
      %dma_start3A_230 = arith.constant 0 : i32
      %dma_start3A_231 = arith.constant 0 : i32
      %dma_start3A_232 = tpu.memref_slice %arg2[%dma_start3A_230, %dma_start3A_231] : memref<10240x128xf32, #tpu.memory_space<hbm>> -> memref<10240x128xf32, #tpu.memory_space<hbm>>
      tpu.enqueue_indirect_dma source(%dma_start3A_232 : memref<10240x128xf32, #tpu.memory_space<hbm>>) target(%arg12 : memref<128x128xf32, #tpu.memory_space<vmem>>) offsets(%dma_start3A_229 : memref<128xi32, #tpu.memory_space<vmem>>) semaphore(%arg17 : memref<!tpu.dma_semaphore, #tpu.memory_space<semaphore_mem>>)
      %run_scoped3A_233 = arith.constant 1 : i32
      %run_scoped3A_234 = arith.constant 6 : i32
      "tpu.region"() ({
        %run_scoped3A_473 = tpu.sem_alloc : memref<!tpu.dma_semaphore, #tpu.memory_space<semaphore_mem>>
        %dma_start3A_474 = arith.constant 0 : i32
        %dma_start3A_475 = tpu.memref_slice %arg9[%run_scoped3A_233, %run_scoped3A_234, %dma_start3A_474] : memref<2x8x128xi32, #tpu.memory_space<vmem>> -> memref<1x1x128xi32, #tpu.memory_space<vmem>>
        %dma_start3A_476 = tpu.memref_squeeze %dma_start3A_475 : memref<1x1x128xi32, #tpu.memory_space<vmem>> -> memref<128xi32, #tpu.memory_space<vmem>>
        %dma_start3A_477 = arith.constant 0 : i32
        %dma_start3A_478 = arith.constant 0 : i32
        %dma_start3A_479 = tpu.memref_slice %arg13[%dma_start3A_477, %dma_start3A_478] : memref<10240x128xf32, #tpu.memory_space<vmem_shared>> -> memref<10240x128xf32, #tpu.memory_space<vmem_shared>>
        tpu.enqueue_indirect_dma source(%arg11 : memref<128x128xf32, #tpu.memory_space<vmem>>) target(%dma_start3A_479 : memref<10240x128xf32, #tpu.memory_space<vmem_shared>>) offsets(%dma_start3A_476 : memref<128xi32, #tpu.memory_space<vmem>>) semaphore(%run_scoped3A_473 : memref<!tpu.dma_semaphore, #tpu.memory_space<semaphore_mem>>) {add = true}
        %dma_wait3A_480 = arith.constant 0 : i32
        %dma_wait3A_481 = tpu.memref_slice %arg9[%run_scoped3A_233, %run_scoped3A_234, %dma_wait3A_480] : memref<2x8x128xi32, #tpu.memory_space<vmem>> -> memref<1x1x128xi32, #tpu.memory_space<vmem>>
        %dma_wait3A_482 = tpu.memref_squeeze %dma_wait3A_481 : memref<1x1x128xi32, #tpu.memory_space<vmem>> -> memref<128xi32, #tpu.memory_space<vmem>>
        %dma_wait3A_483 = arith.constant 0 : i32
        %dma_wait3A_484 = arith.constant 0 : i32
        %dma_wait3A_485 = tpu.memref_slice %arg13[%dma_wait3A_483, %dma_wait3A_484] : memref<10240x128xf32, #tpu.memory_space<vmem_shared>> -> memref<10240x128xf32, #tpu.memory_space<vmem_shared>>
        tpu.wait_indirect_dma semaphore(%run_scoped3A_473 : memref<!tpu.dma_semaphore, #tpu.memory_space<semaphore_mem>>) src(%arg11 : memref<128x128xf32, #tpu.memory_space<vmem>>) dst(%dma_wait3A_485 : memref<10240x128xf32, #tpu.memory_space<vmem_shared>>)
        tpu.yield
      }) : () -> ()
      %run_scoped3A_235 = arith.constant 1 : i32
      %run_scoped3A_236 = arith.constant 6 : i32
      "tpu.region"() ({
        %run_scoped3A_473 = tpu.sem_alloc : memref<!tpu.dma_semaphore, #tpu.memory_space<semaphore_mem>>
        %dma_start3A_474 = arith.constant 0 : i32
        %dma_start3A_475 = tpu.memref_slice %arg9[%run_scoped3A_235, %run_scoped3A_236, %dma_start3A_474] : memref<2x8x128xi32, #tpu.memory_space<vmem>> -> memref<1x1x128xi32, #tpu.memory_space<vmem>>
        %dma_start3A_476 = tpu.memref_squeeze %dma_start3A_475 : memref<1x1x128xi32, #tpu.memory_space<vmem>> -> memref<128xi32, #tpu.memory_space<vmem>>
        %dma_start3A_477 = arith.constant 0 : i32
        %dma_start3A_478 = tpu.memref_slice %arg19[%dma_start3A_477] : memref<10240xf32, #tpu.memory_space<vmem_shared>> -> memref<10240xf32, #tpu.memory_space<vmem_shared>>
        tpu.enqueue_indirect_dma source(%arg18 : memref<128xf32, #tpu.memory_space<vmem>>) target(%dma_start3A_478 : memref<10240xf32, #tpu.memory_space<vmem_shared>>) offsets(%dma_start3A_476 : memref<128xi32, #tpu.memory_space<vmem>>) semaphore(%run_scoped3A_473 : memref<!tpu.dma_semaphore, #tpu.memory_space<semaphore_mem>>) {add = true}
        %dma_wait3A_479 = arith.constant 0 : i32
        %dma_wait3A_480 = tpu.memref_slice %arg9[%run_scoped3A_235, %run_scoped3A_236, %dma_wait3A_479] : memref<2x8x128xi32, #tpu.memory_space<vmem>> -> memref<1x1x128xi32, #tpu.memory_space<vmem>>
        %dma_wait3A_481 = tpu.memref_squeeze %dma_wait3A_480 : memref<1x1x128xi32, #tpu.memory_space<vmem>> -> memref<128xi32, #tpu.memory_space<vmem>>
        %dma_wait3A_482 = arith.constant 0 : i32
        %dma_wait3A_483 = tpu.memref_slice %arg19[%dma_wait3A_482] : memref<10240xf32, #tpu.memory_space<vmem_shared>> -> memref<10240xf32, #tpu.memory_space<vmem_shared>>
        tpu.wait_indirect_dma semaphore(%run_scoped3A_473 : memref<!tpu.dma_semaphore, #tpu.memory_space<semaphore_mem>>) src(%arg18 : memref<128xf32, #tpu.memory_space<vmem>>) dst(%dma_wait3A_483 : memref<10240xf32, #tpu.memory_space<vmem_shared>>)
        tpu.yield
      }) : () -> ()
      %dma_wait3A_237 = arith.constant 0 : i32
      %dma_wait3A_238 = arith.constant 7 : i32
      %dma_wait3A_239 = arith.constant 0 : i32
      %dma_wait3A_240 = tpu.memref_slice %arg9[%dma_wait3A_237, %dma_wait3A_238, %dma_wait3A_239] : memref<2x8x128xi32, #tpu.memory_space<vmem>> -> memref<1x1x128xi32, #tpu.memory_space<vmem>>
      %dma_wait3A_241 = tpu.memref_squeeze %dma_wait3A_240 : memref<1x1x128xi32, #tpu.memory_space<vmem>> -> memref<128xi32, #tpu.memory_space<vmem>>
      %dma_wait3A_242 = arith.constant 0 : i32
      %dma_wait3A_243 = arith.constant 0 : i32
      %dma_wait3A_244 = tpu.memref_slice %arg2[%dma_wait3A_242, %dma_wait3A_243] : memref<10240x128xf32, #tpu.memory_space<hbm>> -> memref<10240x128xf32, #tpu.memory_space<hbm>>
      tpu.wait_indirect_dma semaphore(%arg17 : memref<!tpu.dma_semaphore, #tpu.memory_space<semaphore_mem>>) src(%dma_wait3A_244 : memref<10240x128xf32, #tpu.memory_space<hbm>>) dst(%arg12 : memref<128x128xf32, #tpu.memory_space<vmem>>)
      %add3A_245 = arith.addi %select_n3A_10, %mul3A_97 : i32
      %add3A_246 = arith.constant 1 : i32
      %add3A_247 = arith.addi %add3A_245, %add3A_246 : i32
      %dma_wait3A_248 = arith.constant 0 : i32
      %dma_wait3A_249 = arith.constant 0 : i32
      %dma_wait3A_250 = arith.constant 0 : i32
      %dma_wait3A_251 = tpu.memref_slice %arg3[%add3A_247, %dma_wait3A_248, %dma_wait3A_249, %dma_wait3A_250] : memref<322x2x8x128xi32, #tpu.memory_space<hbm>> -> memref<1x2x8x128xi32, #tpu.memory_space<hbm>>
      %dma_wait3A_252 = tpu.memref_squeeze %dma_wait3A_251 : memref<1x2x8x128xi32, #tpu.memory_space<hbm>> -> memref<2x8x128xi32, #tpu.memory_space<hbm>>
      %dma_wait3A_253 = arith.constant 0 : i32
      %dma_wait3A_254 = arith.constant 0 : i32
      %dma_wait3A_255 = arith.constant 0 : i32
      %dma_wait3A_256 = tpu.memref_slice %arg3[%add3A_247, %dma_wait3A_253, %dma_wait3A_254, %dma_wait3A_255] : memref<322x2x8x128xi32, #tpu.memory_space<hbm>> -> memref<1x2x8x128xi32, #tpu.memory_space<hbm>>
      %dma_wait3A_257 = tpu.memref_squeeze %dma_wait3A_256 : memref<1x2x8x128xi32, #tpu.memory_space<hbm>> -> memref<2x8x128xi32, #tpu.memory_space<hbm>>
      tpu.wait_dma2 semaphore(%arg15 : memref<!tpu.dma_semaphore, #tpu.memory_space<semaphore_mem>>) src(%dma_wait3A_257 : memref<2x8x128xi32, #tpu.memory_space<hbm>>) dst(%arg10 : memref<2x8x128xi32, #tpu.memory_space<vmem>>)
      %dma_start3A_258 = arith.constant 0 : i32
      %dma_start3A_259 = arith.constant 0 : i32
      %dma_start3A_260 = arith.constant 0 : i32
      %dma_start3A_261 = tpu.memref_slice %arg10[%dma_start3A_258, %dma_start3A_259, %dma_start3A_260] : memref<2x8x128xi32, #tpu.memory_space<vmem>> -> memref<1x1x128xi32, #tpu.memory_space<vmem>>
      %dma_start3A_262 = tpu.memref_squeeze %dma_start3A_261 : memref<1x1x128xi32, #tpu.memory_space<vmem>> -> memref<128xi32, #tpu.memory_space<vmem>>
      %dma_start3A_263 = arith.constant 0 : i32
      %dma_start3A_264 = arith.constant 0 : i32
      %dma_start3A_265 = tpu.memref_slice %arg2[%dma_start3A_263, %dma_start3A_264] : memref<10240x128xf32, #tpu.memory_space<hbm>> -> memref<10240x128xf32, #tpu.memory_space<hbm>>
      tpu.enqueue_indirect_dma source(%dma_start3A_265 : memref<10240x128xf32, #tpu.memory_space<hbm>>) target(%arg11 : memref<128x128xf32, #tpu.memory_space<vmem>>) offsets(%dma_start3A_262 : memref<128xi32, #tpu.memory_space<vmem>>) semaphore(%arg16 : memref<!tpu.dma_semaphore, #tpu.memory_space<semaphore_mem>>)
      %run_scoped3A_266 = arith.constant 1 : i32
      %run_scoped3A_267 = arith.constant 7 : i32
      "tpu.region"() ({
        %run_scoped3A_473 = tpu.sem_alloc : memref<!tpu.dma_semaphore, #tpu.memory_space<semaphore_mem>>
        %dma_start3A_474 = arith.constant 0 : i32
        %dma_start3A_475 = tpu.memref_slice %arg9[%run_scoped3A_266, %run_scoped3A_267, %dma_start3A_474] : memref<2x8x128xi32, #tpu.memory_space<vmem>> -> memref<1x1x128xi32, #tpu.memory_space<vmem>>
        %dma_start3A_476 = tpu.memref_squeeze %dma_start3A_475 : memref<1x1x128xi32, #tpu.memory_space<vmem>> -> memref<128xi32, #tpu.memory_space<vmem>>
        %dma_start3A_477 = arith.constant 0 : i32
        %dma_start3A_478 = arith.constant 0 : i32
        %dma_start3A_479 = tpu.memref_slice %arg13[%dma_start3A_477, %dma_start3A_478] : memref<10240x128xf32, #tpu.memory_space<vmem_shared>> -> memref<10240x128xf32, #tpu.memory_space<vmem_shared>>
        tpu.enqueue_indirect_dma source(%arg12 : memref<128x128xf32, #tpu.memory_space<vmem>>) target(%dma_start3A_479 : memref<10240x128xf32, #tpu.memory_space<vmem_shared>>) offsets(%dma_start3A_476 : memref<128xi32, #tpu.memory_space<vmem>>) semaphore(%run_scoped3A_473 : memref<!tpu.dma_semaphore, #tpu.memory_space<semaphore_mem>>) {add = true}
        %dma_wait3A_480 = arith.constant 0 : i32
        %dma_wait3A_481 = tpu.memref_slice %arg9[%run_scoped3A_266, %run_scoped3A_267, %dma_wait3A_480] : memref<2x8x128xi32, #tpu.memory_space<vmem>> -> memref<1x1x128xi32, #tpu.memory_space<vmem>>
        %dma_wait3A_482 = tpu.memref_squeeze %dma_wait3A_481 : memref<1x1x128xi32, #tpu.memory_space<vmem>> -> memref<128xi32, #tpu.memory_space<vmem>>
        %dma_wait3A_483 = arith.constant 0 : i32
        %dma_wait3A_484 = arith.constant 0 : i32
        %dma_wait3A_485 = tpu.memref_slice %arg13[%dma_wait3A_483, %dma_wait3A_484] : memref<10240x128xf32, #tpu.memory_space<vmem_shared>> -> memref<10240x128xf32, #tpu.memory_space<vmem_shared>>
        tpu.wait_indirect_dma semaphore(%run_scoped3A_473 : memref<!tpu.dma_semaphore, #tpu.memory_space<semaphore_mem>>) src(%arg12 : memref<128x128xf32, #tpu.memory_space<vmem>>) dst(%dma_wait3A_485 : memref<10240x128xf32, #tpu.memory_space<vmem_shared>>)
        tpu.yield
      }) : () -> ()
      %run_scoped3A_268 = arith.constant 1 : i32
      %run_scoped3A_269 = arith.constant 7 : i32
      "tpu.region"() ({
        %run_scoped3A_473 = tpu.sem_alloc : memref<!tpu.dma_semaphore, #tpu.memory_space<semaphore_mem>>
        %dma_start3A_474 = arith.constant 0 : i32
        %dma_start3A_475 = tpu.memref_slice %arg9[%run_scoped3A_268, %run_scoped3A_269, %dma_start3A_474] : memref<2x8x128xi32, #tpu.memory_space<vmem>> -> memref<1x1x128xi32, #tpu.memory_space<vmem>>
        %dma_start3A_476 = tpu.memref_squeeze %dma_start3A_475 : memref<1x1x128xi32, #tpu.memory_space<vmem>> -> memref<128xi32, #tpu.memory_space<vmem>>
        %dma_start3A_477 = arith.constant 0 : i32
        %dma_start3A_478 = tpu.memref_slice %arg19[%dma_start3A_477] : memref<10240xf32, #tpu.memory_space<vmem_shared>> -> memref<10240xf32, #tpu.memory_space<vmem_shared>>
        tpu.enqueue_indirect_dma source(%arg18 : memref<128xf32, #tpu.memory_space<vmem>>) target(%dma_start3A_478 : memref<10240xf32, #tpu.memory_space<vmem_shared>>) offsets(%dma_start3A_476 : memref<128xi32, #tpu.memory_space<vmem>>) semaphore(%run_scoped3A_473 : memref<!tpu.dma_semaphore, #tpu.memory_space<semaphore_mem>>) {add = true}
        %dma_wait3A_479 = arith.constant 0 : i32
        %dma_wait3A_480 = tpu.memref_slice %arg9[%run_scoped3A_268, %run_scoped3A_269, %dma_wait3A_479] : memref<2x8x128xi32, #tpu.memory_space<vmem>> -> memref<1x1x128xi32, #tpu.memory_space<vmem>>
        %dma_wait3A_481 = tpu.memref_squeeze %dma_wait3A_480 : memref<1x1x128xi32, #tpu.memory_space<vmem>> -> memref<128xi32, #tpu.memory_space<vmem>>
        %dma_wait3A_482 = arith.constant 0 : i32
        %dma_wait3A_483 = tpu.memref_slice %arg19[%dma_wait3A_482] : memref<10240xf32, #tpu.memory_space<vmem_shared>> -> memref<10240xf32, #tpu.memory_space<vmem_shared>>
        tpu.wait_indirect_dma semaphore(%run_scoped3A_473 : memref<!tpu.dma_semaphore, #tpu.memory_space<semaphore_mem>>) src(%arg18 : memref<128xf32, #tpu.memory_space<vmem>>) dst(%dma_wait3A_483 : memref<10240xf32, #tpu.memory_space<vmem_shared>>)
        tpu.yield
      }) : () -> ()
      %add3A_270 = arith.addi %select_n3A_10, %mul3A_97 : i32
      %add3A_271 = arith.constant 2 : i32
      %add3A_272 = arith.addi %add3A_270, %add3A_271 : i32
      %dma_start3A_273 = arith.constant 0 : i32
      %dma_start3A_274 = arith.constant 0 : i32
      %dma_start3A_275 = arith.constant 0 : i32
      %dma_start3A_276 = tpu.memref_slice %arg3[%add3A_272, %dma_start3A_273, %dma_start3A_274, %dma_start3A_275] : memref<322x2x8x128xi32, #tpu.memory_space<hbm>> -> memref<1x2x8x128xi32, #tpu.memory_space<hbm>>
      %dma_start3A_277 = tpu.memref_squeeze %dma_start3A_276 : memref<1x2x8x128xi32, #tpu.memory_space<hbm>> -> memref<2x8x128xi32, #tpu.memory_space<hbm>>
      %dma_start3A_278 = arith.constant 0 : i32
      %dma_start3A_279 = arith.constant 0 : i32
      %dma_start3A_280 = arith.constant 0 : i32
      %dma_start3A_281 = tpu.memref_slice %arg3[%add3A_272, %dma_start3A_278, %dma_start3A_279, %dma_start3A_280] : memref<322x2x8x128xi32, #tpu.memory_space<hbm>> -> memref<1x2x8x128xi32, #tpu.memory_space<hbm>>
      %dma_start3A_282 = tpu.memref_squeeze %dma_start3A_281 : memref<1x2x8x128xi32, #tpu.memory_space<hbm>> -> memref<2x8x128xi32, #tpu.memory_space<hbm>>
      tpu.enqueue_dma source(%dma_start3A_282 : memref<2x8x128xi32, #tpu.memory_space<hbm>>) target(%arg9 : memref<2x8x128xi32, #tpu.memory_space<vmem>>) target_semaphore(%arg14 : memref<!tpu.dma_semaphore, #tpu.memory_space<semaphore_mem>>)
      %mul3A_283 = arith.constant 2 : i32
      %mul3A_284 = arith.muli %mul3A_283, %while3A_95 : i32
      %add3A_285 = arith.constant 1 : i32
      %add3A_286 = arith.addi %mul3A_284, %add3A_285 : i32
      %dma_wait3A_287 = arith.constant 0 : i32
      %dma_wait3A_288 = arith.constant 0 : i32
      %dma_wait3A_289 = arith.constant 0 : i32
      %dma_wait3A_290 = tpu.memref_slice %arg10[%dma_wait3A_287, %dma_wait3A_288, %dma_wait3A_289] : memref<2x8x128xi32, #tpu.memory_space<vmem>> -> memref<1x1x128xi32, #tpu.memory_space<vmem>>
      %dma_wait3A_291 = tpu.memref_squeeze %dma_wait3A_290 : memref<1x1x128xi32, #tpu.memory_space<vmem>> -> memref<128xi32, #tpu.memory_space<vmem>>
      %dma_wait3A_292 = arith.constant 0 : i32
      %dma_wait3A_293 = arith.constant 0 : i32
      %dma_wait3A_294 = tpu.memref_slice %arg2[%dma_wait3A_292, %dma_wait3A_293] : memref<10240x128xf32, #tpu.memory_space<hbm>> -> memref<10240x128xf32, #tpu.memory_space<hbm>>
      tpu.wait_indirect_dma semaphore(%arg16 : memref<!tpu.dma_semaphore, #tpu.memory_space<semaphore_mem>>) src(%dma_wait3A_294 : memref<10240x128xf32, #tpu.memory_space<hbm>>) dst(%arg11 : memref<128x128xf32, #tpu.memory_space<vmem>>)
      %dma_start3A_295 = arith.constant 0 : i32
      %dma_start3A_296 = arith.constant 1 : i32
      %dma_start3A_297 = arith.constant 0 : i32
      %dma_start3A_298 = tpu.memref_slice %arg10[%dma_start3A_295, %dma_start3A_296, %dma_start3A_297] : memref<2x8x128xi32, #tpu.memory_space<vmem>> -> memref<1x1x128xi32, #tpu.memory_space<vmem>>
      %dma_start3A_299 = tpu.memref_squeeze %dma_start3A_298 : memref<1x1x128xi32, #tpu.memory_space<vmem>> -> memref<128xi32, #tpu.memory_space<vmem>>
      %dma_start3A_300 = arith.constant 0 : i32
      %dma_start3A_301 = arith.constant 0 : i32
      %dma_start3A_302 = tpu.memref_slice %arg2[%dma_start3A_300, %dma_start3A_301] : memref<10240x128xf32, #tpu.memory_space<hbm>> -> memref<10240x128xf32, #tpu.memory_space<hbm>>
      tpu.enqueue_indirect_dma source(%dma_start3A_302 : memref<10240x128xf32, #tpu.memory_space<hbm>>) target(%arg12 : memref<128x128xf32, #tpu.memory_space<vmem>>) offsets(%dma_start3A_299 : memref<128xi32, #tpu.memory_space<vmem>>) semaphore(%arg17 : memref<!tpu.dma_semaphore, #tpu.memory_space<semaphore_mem>>)
      %run_scoped3A_303 = arith.constant 1 : i32
      %run_scoped3A_304 = arith.constant 0 : i32
      "tpu.region"() ({
        %run_scoped3A_473 = tpu.sem_alloc : memref<!tpu.dma_semaphore, #tpu.memory_space<semaphore_mem>>
        %dma_start3A_474 = arith.constant 0 : i32
        %dma_start3A_475 = tpu.memref_slice %arg10[%run_scoped3A_303, %run_scoped3A_304, %dma_start3A_474] : memref<2x8x128xi32, #tpu.memory_space<vmem>> -> memref<1x1x128xi32, #tpu.memory_space<vmem>>
        %dma_start3A_476 = tpu.memref_squeeze %dma_start3A_475 : memref<1x1x128xi32, #tpu.memory_space<vmem>> -> memref<128xi32, #tpu.memory_space<vmem>>
        %dma_start3A_477 = arith.constant 0 : i32
        %dma_start3A_478 = arith.constant 0 : i32
        %dma_start3A_479 = tpu.memref_slice %arg13[%dma_start3A_477, %dma_start3A_478] : memref<10240x128xf32, #tpu.memory_space<vmem_shared>> -> memref<10240x128xf32, #tpu.memory_space<vmem_shared>>
        tpu.enqueue_indirect_dma source(%arg11 : memref<128x128xf32, #tpu.memory_space<vmem>>) target(%dma_start3A_479 : memref<10240x128xf32, #tpu.memory_space<vmem_shared>>) offsets(%dma_start3A_476 : memref<128xi32, #tpu.memory_space<vmem>>) semaphore(%run_scoped3A_473 : memref<!tpu.dma_semaphore, #tpu.memory_space<semaphore_mem>>) {add = true}
        %dma_wait3A_480 = arith.constant 0 : i32
        %dma_wait3A_481 = tpu.memref_slice %arg10[%run_scoped3A_303, %run_scoped3A_304, %dma_wait3A_480] : memref<2x8x128xi32, #tpu.memory_space<vmem>> -> memref<1x1x128xi32, #tpu.memory_space<vmem>>
        %dma_wait3A_482 = tpu.memref_squeeze %dma_wait3A_481 : memref<1x1x128xi32, #tpu.memory_space<vmem>> -> memref<128xi32, #tpu.memory_space<vmem>>
        %dma_wait3A_483 = arith.constant 0 : i32
        %dma_wait3A_484 = arith.constant 0 : i32
        %dma_wait3A_485 = tpu.memref_slice %arg13[%dma_wait3A_483, %dma_wait3A_484] : memref<10240x128xf32, #tpu.memory_space<vmem_shared>> -> memref<10240x128xf32, #tpu.memory_space<vmem_shared>>
        tpu.wait_indirect_dma semaphore(%run_scoped3A_473 : memref<!tpu.dma_semaphore, #tpu.memory_space<semaphore_mem>>) src(%arg11 : memref<128x128xf32, #tpu.memory_space<vmem>>) dst(%dma_wait3A_485 : memref<10240x128xf32, #tpu.memory_space<vmem_shared>>)
        tpu.yield
      }) : () -> ()
      %run_scoped3A_305 = arith.constant 1 : i32
      %run_scoped3A_306 = arith.constant 0 : i32
      "tpu.region"() ({
        %run_scoped3A_473 = tpu.sem_alloc : memref<!tpu.dma_semaphore, #tpu.memory_space<semaphore_mem>>
        %dma_start3A_474 = arith.constant 0 : i32
        %dma_start3A_475 = tpu.memref_slice %arg10[%run_scoped3A_305, %run_scoped3A_306, %dma_start3A_474] : memref<2x8x128xi32, #tpu.memory_space<vmem>> -> memref<1x1x128xi32, #tpu.memory_space<vmem>>
        %dma_start3A_476 = tpu.memref_squeeze %dma_start3A_475 : memref<1x1x128xi32, #tpu.memory_space<vmem>> -> memref<128xi32, #tpu.memory_space<vmem>>
        %dma_start3A_477 = arith.constant 0 : i32
        %dma_start3A_478 = tpu.memref_slice %arg19[%dma_start3A_477] : memref<10240xf32, #tpu.memory_space<vmem_shared>> -> memref<10240xf32, #tpu.memory_space<vmem_shared>>
        tpu.enqueue_indirect_dma source(%arg18 : memref<128xf32, #tpu.memory_space<vmem>>) target(%dma_start3A_478 : memref<10240xf32, #tpu.memory_space<vmem_shared>>) offsets(%dma_start3A_476 : memref<128xi32, #tpu.memory_space<vmem>>) semaphore(%run_scoped3A_473 : memref<!tpu.dma_semaphore, #tpu.memory_space<semaphore_mem>>) {add = true}
        %dma_wait3A_479 = arith.constant 0 : i32
        %dma_wait3A_480 = tpu.memref_slice %arg10[%run_scoped3A_305, %run_scoped3A_306, %dma_wait3A_479] : memref<2x8x128xi32, #tpu.memory_space<vmem>> -> memref<1x1x128xi32, #tpu.memory_space<vmem>>
        %dma_wait3A_481 = tpu.memref_squeeze %dma_wait3A_480 : memref<1x1x128xi32, #tpu.memory_space<vmem>> -> memref<128xi32, #tpu.memory_space<vmem>>
        %dma_wait3A_482 = arith.constant 0 : i32
        %dma_wait3A_483 = tpu.memref_slice %arg19[%dma_wait3A_482] : memref<10240xf32, #tpu.memory_space<vmem_shared>> -> memref<10240xf32, #tpu.memory_space<vmem_shared>>
        tpu.wait_indirect_dma semaphore(%run_scoped3A_473 : memref<!tpu.dma_semaphore, #tpu.memory_space<semaphore_mem>>) src(%arg18 : memref<128xf32, #tpu.memory_space<vmem>>) dst(%dma_wait3A_483 : memref<10240xf32, #tpu.memory_space<vmem_shared>>)
        tpu.yield
      }) : () -> ()
      %dma_wait3A_307 = arith.constant 0 : i32
      %dma_wait3A_308 = arith.constant 1 : i32
      %dma_wait3A_309 = arith.constant 0 : i32
      %dma_wait3A_310 = tpu.memref_slice %arg10[%dma_wait3A_307, %dma_wait3A_308, %dma_wait3A_309] : memref<2x8x128xi32, #tpu.memory_space<vmem>> -> memref<1x1x128xi32, #tpu.memory_space<vmem>>
      %dma_wait3A_311 = tpu.memref_squeeze %dma_wait3A_310 : memref<1x1x128xi32, #tpu.memory_space<vmem>> -> memref<128xi32, #tpu.memory_space<vmem>>
      %dma_wait3A_312 = arith.constant 0 : i32
      %dma_wait3A_313 = arith.constant 0 : i32
      %dma_wait3A_314 = tpu.memref_slice %arg2[%dma_wait3A_312, %dma_wait3A_313] : memref<10240x128xf32, #tpu.memory_space<hbm>> -> memref<10240x128xf32, #tpu.memory_space<hbm>>
      tpu.wait_indirect_dma semaphore(%arg17 : memref<!tpu.dma_semaphore, #tpu.memory_space<semaphore_mem>>) src(%dma_wait3A_314 : memref<10240x128xf32, #tpu.memory_space<hbm>>) dst(%arg12 : memref<128x128xf32, #tpu.memory_space<vmem>>)
      %dma_start3A_315 = arith.constant 0 : i32
      %dma_start3A_316 = arith.constant 2 : i32
      %dma_start3A_317 = arith.constant 0 : i32
      %dma_start3A_318 = tpu.memref_slice %arg10[%dma_start3A_315, %dma_start3A_316, %dma_start3A_317] : memref<2x8x128xi32, #tpu.memory_space<vmem>> -> memref<1x1x128xi32, #tpu.memory_space<vmem>>
      %dma_start3A_319 = tpu.memref_squeeze %dma_start3A_318 : memref<1x1x128xi32, #tpu.memory_space<vmem>> -> memref<128xi32, #tpu.memory_space<vmem>>
      %dma_start3A_320 = arith.constant 0 : i32
      %dma_start3A_321 = arith.constant 0 : i32
      %dma_start3A_322 = tpu.memref_slice %arg2[%dma_start3A_320, %dma_start3A_321] : memref<10240x128xf32, #tpu.memory_space<hbm>> -> memref<10240x128xf32, #tpu.memory_space<hbm>>
      tpu.enqueue_indirect_dma source(%dma_start3A_322 : memref<10240x128xf32, #tpu.memory_space<hbm>>) target(%arg11 : memref<128x128xf32, #tpu.memory_space<vmem>>) offsets(%dma_start3A_319 : memref<128xi32, #tpu.memory_space<vmem>>) semaphore(%arg16 : memref<!tpu.dma_semaphore, #tpu.memory_space<semaphore_mem>>)
      %run_scoped3A_323 = arith.constant 1 : i32
      %run_scoped3A_324 = arith.constant 1 : i32
      "tpu.region"() ({
        %run_scoped3A_473 = tpu.sem_alloc : memref<!tpu.dma_semaphore, #tpu.memory_space<semaphore_mem>>
        %dma_start3A_474 = arith.constant 0 : i32
        %dma_start3A_475 = tpu.memref_slice %arg10[%run_scoped3A_323, %run_scoped3A_324, %dma_start3A_474] : memref<2x8x128xi32, #tpu.memory_space<vmem>> -> memref<1x1x128xi32, #tpu.memory_space<vmem>>
        %dma_start3A_476 = tpu.memref_squeeze %dma_start3A_475 : memref<1x1x128xi32, #tpu.memory_space<vmem>> -> memref<128xi32, #tpu.memory_space<vmem>>
        %dma_start3A_477 = arith.constant 0 : i32
        %dma_start3A_478 = arith.constant 0 : i32
        %dma_start3A_479 = tpu.memref_slice %arg13[%dma_start3A_477, %dma_start3A_478] : memref<10240x128xf32, #tpu.memory_space<vmem_shared>> -> memref<10240x128xf32, #tpu.memory_space<vmem_shared>>
        tpu.enqueue_indirect_dma source(%arg12 : memref<128x128xf32, #tpu.memory_space<vmem>>) target(%dma_start3A_479 : memref<10240x128xf32, #tpu.memory_space<vmem_shared>>) offsets(%dma_start3A_476 : memref<128xi32, #tpu.memory_space<vmem>>) semaphore(%run_scoped3A_473 : memref<!tpu.dma_semaphore, #tpu.memory_space<semaphore_mem>>) {add = true}
        %dma_wait3A_480 = arith.constant 0 : i32
        %dma_wait3A_481 = tpu.memref_slice %arg10[%run_scoped3A_323, %run_scoped3A_324, %dma_wait3A_480] : memref<2x8x128xi32, #tpu.memory_space<vmem>> -> memref<1x1x128xi32, #tpu.memory_space<vmem>>
        %dma_wait3A_482 = tpu.memref_squeeze %dma_wait3A_481 : memref<1x1x128xi32, #tpu.memory_space<vmem>> -> memref<128xi32, #tpu.memory_space<vmem>>
        %dma_wait3A_483 = arith.constant 0 : i32
        %dma_wait3A_484 = arith.constant 0 : i32
        %dma_wait3A_485 = tpu.memref_slice %arg13[%dma_wait3A_483, %dma_wait3A_484] : memref<10240x128xf32, #tpu.memory_space<vmem_shared>> -> memref<10240x128xf32, #tpu.memory_space<vmem_shared>>
        tpu.wait_indirect_dma semaphore(%run_scoped3A_473 : memref<!tpu.dma_semaphore, #tpu.memory_space<semaphore_mem>>) src(%arg12 : memref<128x128xf32, #tpu.memory_space<vmem>>) dst(%dma_wait3A_485 : memref<10240x128xf32, #tpu.memory_space<vmem_shared>>)
        tpu.yield
      }) : () -> ()
      %run_scoped3A_325 = arith.constant 1 : i32
      %run_scoped3A_326 = arith.constant 1 : i32
      "tpu.region"() ({
        %run_scoped3A_473 = tpu.sem_alloc : memref<!tpu.dma_semaphore, #tpu.memory_space<semaphore_mem>>
        %dma_start3A_474 = arith.constant 0 : i32
        %dma_start3A_475 = tpu.memref_slice %arg10[%run_scoped3A_325, %run_scoped3A_326, %dma_start3A_474] : memref<2x8x128xi32, #tpu.memory_space<vmem>> -> memref<1x1x128xi32, #tpu.memory_space<vmem>>
        %dma_start3A_476 = tpu.memref_squeeze %dma_start3A_475 : memref<1x1x128xi32, #tpu.memory_space<vmem>> -> memref<128xi32, #tpu.memory_space<vmem>>
        %dma_start3A_477 = arith.constant 0 : i32
        %dma_start3A_478 = tpu.memref_slice %arg19[%dma_start3A_477] : memref<10240xf32, #tpu.memory_space<vmem_shared>> -> memref<10240xf32, #tpu.memory_space<vmem_shared>>
        tpu.enqueue_indirect_dma source(%arg18 : memref<128xf32, #tpu.memory_space<vmem>>) target(%dma_start3A_478 : memref<10240xf32, #tpu.memory_space<vmem_shared>>) offsets(%dma_start3A_476 : memref<128xi32, #tpu.memory_space<vmem>>) semaphore(%run_scoped3A_473 : memref<!tpu.dma_semaphore, #tpu.memory_space<semaphore_mem>>) {add = true}
        %dma_wait3A_479 = arith.constant 0 : i32
        %dma_wait3A_480 = tpu.memref_slice %arg10[%run_scoped3A_325, %run_scoped3A_326, %dma_wait3A_479] : memref<2x8x128xi32, #tpu.memory_space<vmem>> -> memref<1x1x128xi32, #tpu.memory_space<vmem>>
        %dma_wait3A_481 = tpu.memref_squeeze %dma_wait3A_480 : memref<1x1x128xi32, #tpu.memory_space<vmem>> -> memref<128xi32, #tpu.memory_space<vmem>>
        %dma_wait3A_482 = arith.constant 0 : i32
        %dma_wait3A_483 = tpu.memref_slice %arg19[%dma_wait3A_482] : memref<10240xf32, #tpu.memory_space<vmem_shared>> -> memref<10240xf32, #tpu.memory_space<vmem_shared>>
        tpu.wait_indirect_dma semaphore(%run_scoped3A_473 : memref<!tpu.dma_semaphore, #tpu.memory_space<semaphore_mem>>) src(%arg18 : memref<128xf32, #tpu.memory_space<vmem>>) dst(%dma_wait3A_483 : memref<10240xf32, #tpu.memory_space<vmem_shared>>)
        tpu.yield
      }) : () -> ()
      %dma_wait3A_327 = arith.constant 0 : i32
      %dma_wait3A_328 = arith.constant 2 : i32
      %dma_wait3A_329 = arith.constant 0 : i32
      %dma_wait3A_330 = tpu.memref_slice %arg10[%dma_wait3A_327, %dma_wait3A_328, %dma_wait3A_329] : memref<2x8x128xi32, #tpu.memory_space<vmem>> -> memref<1x1x128xi32, #tpu.memory_space<vmem>>
      %dma_wait3A_331 = tpu.memref_squeeze %dma_wait3A_330 : memref<1x1x128xi32, #tpu.memory_space<vmem>> -> memref<128xi32, #tpu.memory_space<vmem>>
      %dma_wait3A_332 = arith.constant 0 : i32
      %dma_wait3A_333 = arith.constant 0 : i32
      %dma_wait3A_334 = tpu.memref_slice %arg2[%dma_wait3A_332, %dma_wait3A_333] : memref<10240x128xf32, #tpu.memory_space<hbm>> -> memref<10240x128xf32, #tpu.memory_space<hbm>>
      tpu.wait_indirect_dma semaphore(%arg16 : memref<!tpu.dma_semaphore, #tpu.memory_space<semaphore_mem>>) src(%dma_wait3A_334 : memref<10240x128xf32, #tpu.memory_space<hbm>>) dst(%arg11 : memref<128x128xf32, #tpu.memory_space<vmem>>)
      %dma_start3A_335 = arith.constant 0 : i32
      %dma_start3A_336 = arith.constant 3 : i32
      %dma_start3A_337 = arith.constant 0 : i32
      %dma_start3A_338 = tpu.memref_slice %arg10[%dma_start3A_335, %dma_start3A_336, %dma_start3A_337] : memref<2x8x128xi32, #tpu.memory_space<vmem>> -> memref<1x1x128xi32, #tpu.memory_space<vmem>>
      %dma_start3A_339 = tpu.memref_squeeze %dma_start3A_338 : memref<1x1x128xi32, #tpu.memory_space<vmem>> -> memref<128xi32, #tpu.memory_space<vmem>>
      %dma_start3A_340 = arith.constant 0 : i32
      %dma_start3A_341 = arith.constant 0 : i32
      %dma_start3A_342 = tpu.memref_slice %arg2[%dma_start3A_340, %dma_start3A_341] : memref<10240x128xf32, #tpu.memory_space<hbm>> -> memref<10240x128xf32, #tpu.memory_space<hbm>>
      tpu.enqueue_indirect_dma source(%dma_start3A_342 : memref<10240x128xf32, #tpu.memory_space<hbm>>) target(%arg12 : memref<128x128xf32, #tpu.memory_space<vmem>>) offsets(%dma_start3A_339 : memref<128xi32, #tpu.memory_space<vmem>>) semaphore(%arg17 : memref<!tpu.dma_semaphore, #tpu.memory_space<semaphore_mem>>)
      %run_scoped3A_343 = arith.constant 1 : i32
      %run_scoped3A_344 = arith.constant 2 : i32
      "tpu.region"() ({
        %run_scoped3A_473 = tpu.sem_alloc : memref<!tpu.dma_semaphore, #tpu.memory_space<semaphore_mem>>
        %dma_start3A_474 = arith.constant 0 : i32
        %dma_start3A_475 = tpu.memref_slice %arg10[%run_scoped3A_343, %run_scoped3A_344, %dma_start3A_474] : memref<2x8x128xi32, #tpu.memory_space<vmem>> -> memref<1x1x128xi32, #tpu.memory_space<vmem>>
        %dma_start3A_476 = tpu.memref_squeeze %dma_start3A_475 : memref<1x1x128xi32, #tpu.memory_space<vmem>> -> memref<128xi32, #tpu.memory_space<vmem>>
        %dma_start3A_477 = arith.constant 0 : i32
        %dma_start3A_478 = arith.constant 0 : i32
        %dma_start3A_479 = tpu.memref_slice %arg13[%dma_start3A_477, %dma_start3A_478] : memref<10240x128xf32, #tpu.memory_space<vmem_shared>> -> memref<10240x128xf32, #tpu.memory_space<vmem_shared>>
        tpu.enqueue_indirect_dma source(%arg11 : memref<128x128xf32, #tpu.memory_space<vmem>>) target(%dma_start3A_479 : memref<10240x128xf32, #tpu.memory_space<vmem_shared>>) offsets(%dma_start3A_476 : memref<128xi32, #tpu.memory_space<vmem>>) semaphore(%run_scoped3A_473 : memref<!tpu.dma_semaphore, #tpu.memory_space<semaphore_mem>>) {add = true}
        %dma_wait3A_480 = arith.constant 0 : i32
        %dma_wait3A_481 = tpu.memref_slice %arg10[%run_scoped3A_343, %run_scoped3A_344, %dma_wait3A_480] : memref<2x8x128xi32, #tpu.memory_space<vmem>> -> memref<1x1x128xi32, #tpu.memory_space<vmem>>
        %dma_wait3A_482 = tpu.memref_squeeze %dma_wait3A_481 : memref<1x1x128xi32, #tpu.memory_space<vmem>> -> memref<128xi32, #tpu.memory_space<vmem>>
        %dma_wait3A_483 = arith.constant 0 : i32
        %dma_wait3A_484 = arith.constant 0 : i32
        %dma_wait3A_485 = tpu.memref_slice %arg13[%dma_wait3A_483, %dma_wait3A_484] : memref<10240x128xf32, #tpu.memory_space<vmem_shared>> -> memref<10240x128xf32, #tpu.memory_space<vmem_shared>>
        tpu.wait_indirect_dma semaphore(%run_scoped3A_473 : memref<!tpu.dma_semaphore, #tpu.memory_space<semaphore_mem>>) src(%arg11 : memref<128x128xf32, #tpu.memory_space<vmem>>) dst(%dma_wait3A_485 : memref<10240x128xf32, #tpu.memory_space<vmem_shared>>)
        tpu.yield
      }) : () -> ()
      %run_scoped3A_345 = arith.constant 1 : i32
      %run_scoped3A_346 = arith.constant 2 : i32
      "tpu.region"() ({
        %run_scoped3A_473 = tpu.sem_alloc : memref<!tpu.dma_semaphore, #tpu.memory_space<semaphore_mem>>
        %dma_start3A_474 = arith.constant 0 : i32
        %dma_start3A_475 = tpu.memref_slice %arg10[%run_scoped3A_345, %run_scoped3A_346, %dma_start3A_474] : memref<2x8x128xi32, #tpu.memory_space<vmem>> -> memref<1x1x128xi32, #tpu.memory_space<vmem>>
        %dma_start3A_476 = tpu.memref_squeeze %dma_start3A_475 : memref<1x1x128xi32, #tpu.memory_space<vmem>> -> memref<128xi32, #tpu.memory_space<vmem>>
        %dma_start3A_477 = arith.constant 0 : i32
        %dma_start3A_478 = tpu.memref_slice %arg19[%dma_start3A_477] : memref<10240xf32, #tpu.memory_space<vmem_shared>> -> memref<10240xf32, #tpu.memory_space<vmem_shared>>
        tpu.enqueue_indirect_dma source(%arg18 : memref<128xf32, #tpu.memory_space<vmem>>) target(%dma_start3A_478 : memref<10240xf32, #tpu.memory_space<vmem_shared>>) offsets(%dma_start3A_476 : memref<128xi32, #tpu.memory_space<vmem>>) semaphore(%run_scoped3A_473 : memref<!tpu.dma_semaphore, #tpu.memory_space<semaphore_mem>>) {add = true}
        %dma_wait3A_479 = arith.constant 0 : i32
        %dma_wait3A_480 = tpu.memref_slice %arg10[%run_scoped3A_345, %run_scoped3A_346, %dma_wait3A_479] : memref<2x8x128xi32, #tpu.memory_space<vmem>> -> memref<1x1x128xi32, #tpu.memory_space<vmem>>
        %dma_wait3A_481 = tpu.memref_squeeze %dma_wait3A_480 : memref<1x1x128xi32, #tpu.memory_space<vmem>> -> memref<128xi32, #tpu.memory_space<vmem>>
        %dma_wait3A_482 = arith.constant 0 : i32
        %dma_wait3A_483 = tpu.memref_slice %arg19[%dma_wait3A_482] : memref<10240xf32, #tpu.memory_space<vmem_shared>> -> memref<10240xf32, #tpu.memory_space<vmem_shared>>
        tpu.wait_indirect_dma semaphore(%run_scoped3A_473 : memref<!tpu.dma_semaphore, #tpu.memory_space<semaphore_mem>>) src(%arg18 : memref<128xf32, #tpu.memory_space<vmem>>) dst(%dma_wait3A_483 : memref<10240xf32, #tpu.memory_space<vmem_shared>>)
        tpu.yield
      }) : () -> ()
      %dma_wait3A_347 = arith.constant 0 : i32
      %dma_wait3A_348 = arith.constant 3 : i32
      %dma_wait3A_349 = arith.constant 0 : i32
      %dma_wait3A_350 = tpu.memref_slice %arg10[%dma_wait3A_347, %dma_wait3A_348, %dma_wait3A_349] : memref<2x8x128xi32, #tpu.memory_space<vmem>> -> memref<1x1x128xi32, #tpu.memory_space<vmem>>
      %dma_wait3A_351 = tpu.memref_squeeze %dma_wait3A_350 : memref<1x1x128xi32, #tpu.memory_space<vmem>> -> memref<128xi32, #tpu.memory_space<vmem>>
      %dma_wait3A_352 = arith.constant 0 : i32
      %dma_wait3A_353 = arith.constant 0 : i32
      %dma_wait3A_354 = tpu.memref_slice %arg2[%dma_wait3A_352, %dma_wait3A_353] : memref<10240x128xf32, #tpu.memory_space<hbm>> -> memref<10240x128xf32, #tpu.memory_space<hbm>>
      tpu.wait_indirect_dma semaphore(%arg17 : memref<!tpu.dma_semaphore, #tpu.memory_space<semaphore_mem>>) src(%dma_wait3A_354 : memref<10240x128xf32, #tpu.memory_space<hbm>>) dst(%arg12 : memref<128x128xf32, #tpu.memory_space<vmem>>)
      %dma_start3A_355 = arith.constant 0 : i32
      %dma_start3A_356 = arith.constant 4 : i32
      %dma_start3A_357 = arith.constant 0 : i32
      %dma_start3A_358 = tpu.memref_slice %arg10[%dma_start3A_355, %dma_start3A_356, %dma_start3A_357] : memref<2x8x128xi32, #tpu.memory_space<vmem>> -> memref<1x1x128xi32, #tpu.memory_space<vmem>>
      %dma_start3A_359 = tpu.memref_squeeze %dma_start3A_358 : memref<1x1x128xi32, #tpu.memory_space<vmem>> -> memref<128xi32, #tpu.memory_space<vmem>>
      %dma_start3A_360 = arith.constant 0 : i32
      %dma_start3A_361 = arith.constant 0 : i32
      %dma_start3A_362 = tpu.memref_slice %arg2[%dma_start3A_360, %dma_start3A_361] : memref<10240x128xf32, #tpu.memory_space<hbm>> -> memref<10240x128xf32, #tpu.memory_space<hbm>>
      tpu.enqueue_indirect_dma source(%dma_start3A_362 : memref<10240x128xf32, #tpu.memory_space<hbm>>) target(%arg11 : memref<128x128xf32, #tpu.memory_space<vmem>>) offsets(%dma_start3A_359 : memref<128xi32, #tpu.memory_space<vmem>>) semaphore(%arg16 : memref<!tpu.dma_semaphore, #tpu.memory_space<semaphore_mem>>)
      %run_scoped3A_363 = arith.constant 1 : i32
      %run_scoped3A_364 = arith.constant 3 : i32
      "tpu.region"() ({
        %run_scoped3A_473 = tpu.sem_alloc : memref<!tpu.dma_semaphore, #tpu.memory_space<semaphore_mem>>
        %dma_start3A_474 = arith.constant 0 : i32
        %dma_start3A_475 = tpu.memref_slice %arg10[%run_scoped3A_363, %run_scoped3A_364, %dma_start3A_474] : memref<2x8x128xi32, #tpu.memory_space<vmem>> -> memref<1x1x128xi32, #tpu.memory_space<vmem>>
        %dma_start3A_476 = tpu.memref_squeeze %dma_start3A_475 : memref<1x1x128xi32, #tpu.memory_space<vmem>> -> memref<128xi32, #tpu.memory_space<vmem>>
        %dma_start3A_477 = arith.constant 0 : i32
        %dma_start3A_478 = arith.constant 0 : i32
        %dma_start3A_479 = tpu.memref_slice %arg13[%dma_start3A_477, %dma_start3A_478] : memref<10240x128xf32, #tpu.memory_space<vmem_shared>> -> memref<10240x128xf32, #tpu.memory_space<vmem_shared>>
        tpu.enqueue_indirect_dma source(%arg12 : memref<128x128xf32, #tpu.memory_space<vmem>>) target(%dma_start3A_479 : memref<10240x128xf32, #tpu.memory_space<vmem_shared>>) offsets(%dma_start3A_476 : memref<128xi32, #tpu.memory_space<vmem>>) semaphore(%run_scoped3A_473 : memref<!tpu.dma_semaphore, #tpu.memory_space<semaphore_mem>>) {add = true}
        %dma_wait3A_480 = arith.constant 0 : i32
        %dma_wait3A_481 = tpu.memref_slice %arg10[%run_scoped3A_363, %run_scoped3A_364, %dma_wait3A_480] : memref<2x8x128xi32, #tpu.memory_space<vmem>> -> memref<1x1x128xi32, #tpu.memory_space<vmem>>
        %dma_wait3A_482 = tpu.memref_squeeze %dma_wait3A_481 : memref<1x1x128xi32, #tpu.memory_space<vmem>> -> memref<128xi32, #tpu.memory_space<vmem>>
        %dma_wait3A_483 = arith.constant 0 : i32
        %dma_wait3A_484 = arith.constant 0 : i32
        %dma_wait3A_485 = tpu.memref_slice %arg13[%dma_wait3A_483, %dma_wait3A_484] : memref<10240x128xf32, #tpu.memory_space<vmem_shared>> -> memref<10240x128xf32, #tpu.memory_space<vmem_shared>>
        tpu.wait_indirect_dma semaphore(%run_scoped3A_473 : memref<!tpu.dma_semaphore, #tpu.memory_space<semaphore_mem>>) src(%arg12 : memref<128x128xf32, #tpu.memory_space<vmem>>) dst(%dma_wait3A_485 : memref<10240x128xf32, #tpu.memory_space<vmem_shared>>)
        tpu.yield
      }) : () -> ()
      %run_scoped3A_365 = arith.constant 1 : i32
      %run_scoped3A_366 = arith.constant 3 : i32
      "tpu.region"() ({
        %run_scoped3A_473 = tpu.sem_alloc : memref<!tpu.dma_semaphore, #tpu.memory_space<semaphore_mem>>
        %dma_start3A_474 = arith.constant 0 : i32
        %dma_start3A_475 = tpu.memref_slice %arg10[%run_scoped3A_365, %run_scoped3A_366, %dma_start3A_474] : memref<2x8x128xi32, #tpu.memory_space<vmem>> -> memref<1x1x128xi32, #tpu.memory_space<vmem>>
        %dma_start3A_476 = tpu.memref_squeeze %dma_start3A_475 : memref<1x1x128xi32, #tpu.memory_space<vmem>> -> memref<128xi32, #tpu.memory_space<vmem>>
        %dma_start3A_477 = arith.constant 0 : i32
        %dma_start3A_478 = tpu.memref_slice %arg19[%dma_start3A_477] : memref<10240xf32, #tpu.memory_space<vmem_shared>> -> memref<10240xf32, #tpu.memory_space<vmem_shared>>
        tpu.enqueue_indirect_dma source(%arg18 : memref<128xf32, #tpu.memory_space<vmem>>) target(%dma_start3A_478 : memref<10240xf32, #tpu.memory_space<vmem_shared>>) offsets(%dma_start3A_476 : memref<128xi32, #tpu.memory_space<vmem>>) semaphore(%run_scoped3A_473 : memref<!tpu.dma_semaphore, #tpu.memory_space<semaphore_mem>>) {add = true}
        %dma_wait3A_479 = arith.constant 0 : i32
        %dma_wait3A_480 = tpu.memref_slice %arg10[%run_scoped3A_365, %run_scoped3A_366, %dma_wait3A_479] : memref<2x8x128xi32, #tpu.memory_space<vmem>> -> memref<1x1x128xi32, #tpu.memory_space<vmem>>
        %dma_wait3A_481 = tpu.memref_squeeze %dma_wait3A_480 : memref<1x1x128xi32, #tpu.memory_space<vmem>> -> memref<128xi32, #tpu.memory_space<vmem>>
        %dma_wait3A_482 = arith.constant 0 : i32
        %dma_wait3A_483 = tpu.memref_slice %arg19[%dma_wait3A_482] : memref<10240xf32, #tpu.memory_space<vmem_shared>> -> memref<10240xf32, #tpu.memory_space<vmem_shared>>
        tpu.wait_indirect_dma semaphore(%run_scoped3A_473 : memref<!tpu.dma_semaphore, #tpu.memory_space<semaphore_mem>>) src(%arg18 : memref<128xf32, #tpu.memory_space<vmem>>) dst(%dma_wait3A_483 : memref<10240xf32, #tpu.memory_space<vmem_shared>>)
        tpu.yield
      }) : () -> ()
      %dma_wait3A_367 = arith.constant 0 : i32
      %dma_wait3A_368 = arith.constant 4 : i32
      %dma_wait3A_369 = arith.constant 0 : i32
      %dma_wait3A_370 = tpu.memref_slice %arg10[%dma_wait3A_367, %dma_wait3A_368, %dma_wait3A_369] : memref<2x8x128xi32, #tpu.memory_space<vmem>> -> memref<1x1x128xi32, #tpu.memory_space<vmem>>
      %dma_wait3A_371 = tpu.memref_squeeze %dma_wait3A_370 : memref<1x1x128xi32, #tpu.memory_space<vmem>> -> memref<128xi32, #tpu.memory_space<vmem>>
      %dma_wait3A_372 = arith.constant 0 : i32
      %dma_wait3A_373 = arith.constant 0 : i32
      %dma_wait3A_374 = tpu.memref_slice %arg2[%dma_wait3A_372, %dma_wait3A_373] : memref<10240x128xf32, #tpu.memory_space<hbm>> -> memref<10240x128xf32, #tpu.memory_space<hbm>>
      tpu.wait_indirect_dma semaphore(%arg16 : memref<!tpu.dma_semaphore, #tpu.memory_space<semaphore_mem>>) src(%dma_wait3A_374 : memref<10240x128xf32, #tpu.memory_space<hbm>>) dst(%arg11 : memref<128x128xf32, #tpu.memory_space<vmem>>)
      %dma_start3A_375 = arith.constant 0 : i32
      %dma_start3A_376 = arith.constant 5 : i32
      %dma_start3A_377 = arith.constant 0 : i32
      %dma_start3A_378 = tpu.memref_slice %arg10[%dma_start3A_375, %dma_start3A_376, %dma_start3A_377] : memref<2x8x128xi32, #tpu.memory_space<vmem>> -> memref<1x1x128xi32, #tpu.memory_space<vmem>>
      %dma_start3A_379 = tpu.memref_squeeze %dma_start3A_378 : memref<1x1x128xi32, #tpu.memory_space<vmem>> -> memref<128xi32, #tpu.memory_space<vmem>>
      %dma_start3A_380 = arith.constant 0 : i32
      %dma_start3A_381 = arith.constant 0 : i32
      %dma_start3A_382 = tpu.memref_slice %arg2[%dma_start3A_380, %dma_start3A_381] : memref<10240x128xf32, #tpu.memory_space<hbm>> -> memref<10240x128xf32, #tpu.memory_space<hbm>>
      tpu.enqueue_indirect_dma source(%dma_start3A_382 : memref<10240x128xf32, #tpu.memory_space<hbm>>) target(%arg12 : memref<128x128xf32, #tpu.memory_space<vmem>>) offsets(%dma_start3A_379 : memref<128xi32, #tpu.memory_space<vmem>>) semaphore(%arg17 : memref<!tpu.dma_semaphore, #tpu.memory_space<semaphore_mem>>)
      %run_scoped3A_383 = arith.constant 1 : i32
      %run_scoped3A_384 = arith.constant 4 : i32
      "tpu.region"() ({
        %run_scoped3A_473 = tpu.sem_alloc : memref<!tpu.dma_semaphore, #tpu.memory_space<semaphore_mem>>
        %dma_start3A_474 = arith.constant 0 : i32
        %dma_start3A_475 = tpu.memref_slice %arg10[%run_scoped3A_383, %run_scoped3A_384, %dma_start3A_474] : memref<2x8x128xi32, #tpu.memory_space<vmem>> -> memref<1x1x128xi32, #tpu.memory_space<vmem>>
        %dma_start3A_476 = tpu.memref_squeeze %dma_start3A_475 : memref<1x1x128xi32, #tpu.memory_space<vmem>> -> memref<128xi32, #tpu.memory_space<vmem>>
        %dma_start3A_477 = arith.constant 0 : i32
        %dma_start3A_478 = arith.constant 0 : i32
        %dma_start3A_479 = tpu.memref_slice %arg13[%dma_start3A_477, %dma_start3A_478] : memref<10240x128xf32, #tpu.memory_space<vmem_shared>> -> memref<10240x128xf32, #tpu.memory_space<vmem_shared>>
        tpu.enqueue_indirect_dma source(%arg11 : memref<128x128xf32, #tpu.memory_space<vmem>>) target(%dma_start3A_479 : memref<10240x128xf32, #tpu.memory_space<vmem_shared>>) offsets(%dma_start3A_476 : memref<128xi32, #tpu.memory_space<vmem>>) semaphore(%run_scoped3A_473 : memref<!tpu.dma_semaphore, #tpu.memory_space<semaphore_mem>>) {add = true}
        %dma_wait3A_480 = arith.constant 0 : i32
        %dma_wait3A_481 = tpu.memref_slice %arg10[%run_scoped3A_383, %run_scoped3A_384, %dma_wait3A_480] : memref<2x8x128xi32, #tpu.memory_space<vmem>> -> memref<1x1x128xi32, #tpu.memory_space<vmem>>
        %dma_wait3A_482 = tpu.memref_squeeze %dma_wait3A_481 : memref<1x1x128xi32, #tpu.memory_space<vmem>> -> memref<128xi32, #tpu.memory_space<vmem>>
        %dma_wait3A_483 = arith.constant 0 : i32
        %dma_wait3A_484 = arith.constant 0 : i32
        %dma_wait3A_485 = tpu.memref_slice %arg13[%dma_wait3A_483, %dma_wait3A_484] : memref<10240x128xf32, #tpu.memory_space<vmem_shared>> -> memref<10240x128xf32, #tpu.memory_space<vmem_shared>>
        tpu.wait_indirect_dma semaphore(%run_scoped3A_473 : memref<!tpu.dma_semaphore, #tpu.memory_space<semaphore_mem>>) src(%arg11 : memref<128x128xf32, #tpu.memory_space<vmem>>) dst(%dma_wait3A_485 : memref<10240x128xf32, #tpu.memory_space<vmem_shared>>)
        tpu.yield
      }) : () -> ()
      %run_scoped3A_385 = arith.constant 1 : i32
      %run_scoped3A_386 = arith.constant 4 : i32
      "tpu.region"() ({
        %run_scoped3A_473 = tpu.sem_alloc : memref<!tpu.dma_semaphore, #tpu.memory_space<semaphore_mem>>
        %dma_start3A_474 = arith.constant 0 : i32
        %dma_start3A_475 = tpu.memref_slice %arg10[%run_scoped3A_385, %run_scoped3A_386, %dma_start3A_474] : memref<2x8x128xi32, #tpu.memory_space<vmem>> -> memref<1x1x128xi32, #tpu.memory_space<vmem>>
        %dma_start3A_476 = tpu.memref_squeeze %dma_start3A_475 : memref<1x1x128xi32, #tpu.memory_space<vmem>> -> memref<128xi32, #tpu.memory_space<vmem>>
        %dma_start3A_477 = arith.constant 0 : i32
        %dma_start3A_478 = tpu.memref_slice %arg19[%dma_start3A_477] : memref<10240xf32, #tpu.memory_space<vmem_shared>> -> memref<10240xf32, #tpu.memory_space<vmem_shared>>
        tpu.enqueue_indirect_dma source(%arg18 : memref<128xf32, #tpu.memory_space<vmem>>) target(%dma_start3A_478 : memref<10240xf32, #tpu.memory_space<vmem_shared>>) offsets(%dma_start3A_476 : memref<128xi32, #tpu.memory_space<vmem>>) semaphore(%run_scoped3A_473 : memref<!tpu.dma_semaphore, #tpu.memory_space<semaphore_mem>>) {add = true}
        %dma_wait3A_479 = arith.constant 0 : i32
        %dma_wait3A_480 = tpu.memref_slice %arg10[%run_scoped3A_385, %run_scoped3A_386, %dma_wait3A_479] : memref<2x8x128xi32, #tpu.memory_space<vmem>> -> memref<1x1x128xi32, #tpu.memory_space<vmem>>
        %dma_wait3A_481 = tpu.memref_squeeze %dma_wait3A_480 : memref<1x1x128xi32, #tpu.memory_space<vmem>> -> memref<128xi32, #tpu.memory_space<vmem>>
        %dma_wait3A_482 = arith.constant 0 : i32
        %dma_wait3A_483 = tpu.memref_slice %arg19[%dma_wait3A_482] : memref<10240xf32, #tpu.memory_space<vmem_shared>> -> memref<10240xf32, #tpu.memory_space<vmem_shared>>
        tpu.wait_indirect_dma semaphore(%run_scoped3A_473 : memref<!tpu.dma_semaphore, #tpu.memory_space<semaphore_mem>>) src(%arg18 : memref<128xf32, #tpu.memory_space<vmem>>) dst(%dma_wait3A_483 : memref<10240xf32, #tpu.memory_space<vmem_shared>>)
        tpu.yield
      }) : () -> ()
      %dma_wait3A_387 = arith.constant 0 : i32
      %dma_wait3A_388 = arith.constant 5 : i32
      %dma_wait3A_389 = arith.constant 0 : i32
      %dma_wait3A_390 = tpu.memref_slice %arg10[%dma_wait3A_387, %dma_wait3A_388, %dma_wait3A_389] : memref<2x8x128xi32, #tpu.memory_space<vmem>> -> memref<1x1x128xi32, #tpu.memory_space<vmem>>
      %dma_wait3A_391 = tpu.memref_squeeze %dma_wait3A_390 : memref<1x1x128xi32, #tpu.memory_space<vmem>> -> memref<128xi32, #tpu.memory_space<vmem>>
      %dma_wait3A_392 = arith.constant 0 : i32
      %dma_wait3A_393 = arith.constant 0 : i32
      %dma_wait3A_394 = tpu.memref_slice %arg2[%dma_wait3A_392, %dma_wait3A_393] : memref<10240x128xf32, #tpu.memory_space<hbm>> -> memref<10240x128xf32, #tpu.memory_space<hbm>>
      tpu.wait_indirect_dma semaphore(%arg17 : memref<!tpu.dma_semaphore, #tpu.memory_space<semaphore_mem>>) src(%dma_wait3A_394 : memref<10240x128xf32, #tpu.memory_space<hbm>>) dst(%arg12 : memref<128x128xf32, #tpu.memory_space<vmem>>)
      %dma_start3A_395 = arith.constant 0 : i32
      %dma_start3A_396 = arith.constant 6 : i32
      %dma_start3A_397 = arith.constant 0 : i32
      %dma_start3A_398 = tpu.memref_slice %arg10[%dma_start3A_395, %dma_start3A_396, %dma_start3A_397] : memref<2x8x128xi32, #tpu.memory_space<vmem>> -> memref<1x1x128xi32, #tpu.memory_space<vmem>>
      %dma_start3A_399 = tpu.memref_squeeze %dma_start3A_398 : memref<1x1x128xi32, #tpu.memory_space<vmem>> -> memref<128xi32, #tpu.memory_space<vmem>>
      %dma_start3A_400 = arith.constant 0 : i32
      %dma_start3A_401 = arith.constant 0 : i32
      %dma_start3A_402 = tpu.memref_slice %arg2[%dma_start3A_400, %dma_start3A_401] : memref<10240x128xf32, #tpu.memory_space<hbm>> -> memref<10240x128xf32, #tpu.memory_space<hbm>>
      tpu.enqueue_indirect_dma source(%dma_start3A_402 : memref<10240x128xf32, #tpu.memory_space<hbm>>) target(%arg11 : memref<128x128xf32, #tpu.memory_space<vmem>>) offsets(%dma_start3A_399 : memref<128xi32, #tpu.memory_space<vmem>>) semaphore(%arg16 : memref<!tpu.dma_semaphore, #tpu.memory_space<semaphore_mem>>)
      %run_scoped3A_403 = arith.constant 1 : i32
      %run_scoped3A_404 = arith.constant 5 : i32
      "tpu.region"() ({
        %run_scoped3A_473 = tpu.sem_alloc : memref<!tpu.dma_semaphore, #tpu.memory_space<semaphore_mem>>
        %dma_start3A_474 = arith.constant 0 : i32
        %dma_start3A_475 = tpu.memref_slice %arg10[%run_scoped3A_403, %run_scoped3A_404, %dma_start3A_474] : memref<2x8x128xi32, #tpu.memory_space<vmem>> -> memref<1x1x128xi32, #tpu.memory_space<vmem>>
        %dma_start3A_476 = tpu.memref_squeeze %dma_start3A_475 : memref<1x1x128xi32, #tpu.memory_space<vmem>> -> memref<128xi32, #tpu.memory_space<vmem>>
        %dma_start3A_477 = arith.constant 0 : i32
        %dma_start3A_478 = arith.constant 0 : i32
        %dma_start3A_479 = tpu.memref_slice %arg13[%dma_start3A_477, %dma_start3A_478] : memref<10240x128xf32, #tpu.memory_space<vmem_shared>> -> memref<10240x128xf32, #tpu.memory_space<vmem_shared>>
        tpu.enqueue_indirect_dma source(%arg12 : memref<128x128xf32, #tpu.memory_space<vmem>>) target(%dma_start3A_479 : memref<10240x128xf32, #tpu.memory_space<vmem_shared>>) offsets(%dma_start3A_476 : memref<128xi32, #tpu.memory_space<vmem>>) semaphore(%run_scoped3A_473 : memref<!tpu.dma_semaphore, #tpu.memory_space<semaphore_mem>>) {add = true}
        %dma_wait3A_480 = arith.constant 0 : i32
        %dma_wait3A_481 = tpu.memref_slice %arg10[%run_scoped3A_403, %run_scoped3A_404, %dma_wait3A_480] : memref<2x8x128xi32, #tpu.memory_space<vmem>> -> memref<1x1x128xi32, #tpu.memory_space<vmem>>
        %dma_wait3A_482 = tpu.memref_squeeze %dma_wait3A_481 : memref<1x1x128xi32, #tpu.memory_space<vmem>> -> memref<128xi32, #tpu.memory_space<vmem>>
        %dma_wait3A_483 = arith.constant 0 : i32
        %dma_wait3A_484 = arith.constant 0 : i32
        %dma_wait3A_485 = tpu.memref_slice %arg13[%dma_wait3A_483, %dma_wait3A_484] : memref<10240x128xf32, #tpu.memory_space<vmem_shared>> -> memref<10240x128xf32, #tpu.memory_space<vmem_shared>>
        tpu.wait_indirect_dma semaphore(%run_scoped3A_473 : memref<!tpu.dma_semaphore, #tpu.memory_space<semaphore_mem>>) src(%arg12 : memref<128x128xf32, #tpu.memory_space<vmem>>) dst(%dma_wait3A_485 : memref<10240x128xf32, #tpu.memory_space<vmem_shared>>)
        tpu.yield
      }) : () -> ()
      %run_scoped3A_405 = arith.constant 1 : i32
      %run_scoped3A_406 = arith.constant 5 : i32
      "tpu.region"() ({
        %run_scoped3A_473 = tpu.sem_alloc : memref<!tpu.dma_semaphore, #tpu.memory_space<semaphore_mem>>
        %dma_start3A_474 = arith.constant 0 : i32
        %dma_start3A_475 = tpu.memref_slice %arg10[%run_scoped3A_405, %run_scoped3A_406, %dma_start3A_474] : memref<2x8x128xi32, #tpu.memory_space<vmem>> -> memref<1x1x128xi32, #tpu.memory_space<vmem>>
        %dma_start3A_476 = tpu.memref_squeeze %dma_start3A_475 : memref<1x1x128xi32, #tpu.memory_space<vmem>> -> memref<128xi32, #tpu.memory_space<vmem>>
        %dma_start3A_477 = arith.constant 0 : i32
        %dma_start3A_478 = tpu.memref_slice %arg19[%dma_start3A_477] : memref<10240xf32, #tpu.memory_space<vmem_shared>> -> memref<10240xf32, #tpu.memory_space<vmem_shared>>
        tpu.enqueue_indirect_dma source(%arg18 : memref<128xf32, #tpu.memory_space<vmem>>) target(%dma_start3A_478 : memref<10240xf32, #tpu.memory_space<vmem_shared>>) offsets(%dma_start3A_476 : memref<128xi32, #tpu.memory_space<vmem>>) semaphore(%run_scoped3A_473 : memref<!tpu.dma_semaphore, #tpu.memory_space<semaphore_mem>>) {add = true}
        %dma_wait3A_479 = arith.constant 0 : i32
        %dma_wait3A_480 = tpu.memref_slice %arg10[%run_scoped3A_405, %run_scoped3A_406, %dma_wait3A_479] : memref<2x8x128xi32, #tpu.memory_space<vmem>> -> memref<1x1x128xi32, #tpu.memory_space<vmem>>
        %dma_wait3A_481 = tpu.memref_squeeze %dma_wait3A_480 : memref<1x1x128xi32, #tpu.memory_space<vmem>> -> memref<128xi32, #tpu.memory_space<vmem>>
        %dma_wait3A_482 = arith.constant 0 : i32
        %dma_wait3A_483 = tpu.memref_slice %arg19[%dma_wait3A_482] : memref<10240xf32, #tpu.memory_space<vmem_shared>> -> memref<10240xf32, #tpu.memory_space<vmem_shared>>
        tpu.wait_indirect_dma semaphore(%run_scoped3A_473 : memref<!tpu.dma_semaphore, #tpu.memory_space<semaphore_mem>>) src(%arg18 : memref<128xf32, #tpu.memory_space<vmem>>) dst(%dma_wait3A_483 : memref<10240xf32, #tpu.memory_space<vmem_shared>>)
        tpu.yield
      }) : () -> ()
      %dma_wait3A_407 = arith.constant 0 : i32
      %dma_wait3A_408 = arith.constant 6 : i32
      %dma_wait3A_409 = arith.constant 0 : i32
      %dma_wait3A_410 = tpu.memref_slice %arg10[%dma_wait3A_407, %dma_wait3A_408, %dma_wait3A_409] : memref<2x8x128xi32, #tpu.memory_space<vmem>> -> memref<1x1x128xi32, #tpu.memory_space<vmem>>
      %dma_wait3A_411 = tpu.memref_squeeze %dma_wait3A_410 : memref<1x1x128xi32, #tpu.memory_space<vmem>> -> memref<128xi32, #tpu.memory_space<vmem>>
      %dma_wait3A_412 = arith.constant 0 : i32
      %dma_wait3A_413 = arith.constant 0 : i32
      %dma_wait3A_414 = tpu.memref_slice %arg2[%dma_wait3A_412, %dma_wait3A_413] : memref<10240x128xf32, #tpu.memory_space<hbm>> -> memref<10240x128xf32, #tpu.memory_space<hbm>>
      tpu.wait_indirect_dma semaphore(%arg16 : memref<!tpu.dma_semaphore, #tpu.memory_space<semaphore_mem>>) src(%dma_wait3A_414 : memref<10240x128xf32, #tpu.memory_space<hbm>>) dst(%arg11 : memref<128x128xf32, #tpu.memory_space<vmem>>)
      %dma_start3A_415 = arith.constant 0 : i32
      %dma_start3A_416 = arith.constant 7 : i32
      %dma_start3A_417 = arith.constant 0 : i32
      %dma_start3A_418 = tpu.memref_slice %arg10[%dma_start3A_415, %dma_start3A_416, %dma_start3A_417] : memref<2x8x128xi32, #tpu.memory_space<vmem>> -> memref<1x1x128xi32, #tpu.memory_space<vmem>>
      %dma_start3A_419 = tpu.memref_squeeze %dma_start3A_418 : memref<1x1x128xi32, #tpu.memory_space<vmem>> -> memref<128xi32, #tpu.memory_space<vmem>>
      %dma_start3A_420 = arith.constant 0 : i32
      %dma_start3A_421 = arith.constant 0 : i32
      %dma_start3A_422 = tpu.memref_slice %arg2[%dma_start3A_420, %dma_start3A_421] : memref<10240x128xf32, #tpu.memory_space<hbm>> -> memref<10240x128xf32, #tpu.memory_space<hbm>>
      tpu.enqueue_indirect_dma source(%dma_start3A_422 : memref<10240x128xf32, #tpu.memory_space<hbm>>) target(%arg12 : memref<128x128xf32, #tpu.memory_space<vmem>>) offsets(%dma_start3A_419 : memref<128xi32, #tpu.memory_space<vmem>>) semaphore(%arg17 : memref<!tpu.dma_semaphore, #tpu.memory_space<semaphore_mem>>)
      %run_scoped3A_423 = arith.constant 1 : i32
      %run_scoped3A_424 = arith.constant 6 : i32
      "tpu.region"() ({
        %run_scoped3A_473 = tpu.sem_alloc : memref<!tpu.dma_semaphore, #tpu.memory_space<semaphore_mem>>
        %dma_start3A_474 = arith.constant 0 : i32
        %dma_start3A_475 = tpu.memref_slice %arg10[%run_scoped3A_423, %run_scoped3A_424, %dma_start3A_474] : memref<2x8x128xi32, #tpu.memory_space<vmem>> -> memref<1x1x128xi32, #tpu.memory_space<vmem>>
        %dma_start3A_476 = tpu.memref_squeeze %dma_start3A_475 : memref<1x1x128xi32, #tpu.memory_space<vmem>> -> memref<128xi32, #tpu.memory_space<vmem>>
        %dma_start3A_477 = arith.constant 0 : i32
        %dma_start3A_478 = arith.constant 0 : i32
        %dma_start3A_479 = tpu.memref_slice %arg13[%dma_start3A_477, %dma_start3A_478] : memref<10240x128xf32, #tpu.memory_space<vmem_shared>> -> memref<10240x128xf32, #tpu.memory_space<vmem_shared>>
        tpu.enqueue_indirect_dma source(%arg11 : memref<128x128xf32, #tpu.memory_space<vmem>>) target(%dma_start3A_479 : memref<10240x128xf32, #tpu.memory_space<vmem_shared>>) offsets(%dma_start3A_476 : memref<128xi32, #tpu.memory_space<vmem>>) semaphore(%run_scoped3A_473 : memref<!tpu.dma_semaphore, #tpu.memory_space<semaphore_mem>>) {add = true}
        %dma_wait3A_480 = arith.constant 0 : i32
        %dma_wait3A_481 = tpu.memref_slice %arg10[%run_scoped3A_423, %run_scoped3A_424, %dma_wait3A_480] : memref<2x8x128xi32, #tpu.memory_space<vmem>> -> memref<1x1x128xi32, #tpu.memory_space<vmem>>
        %dma_wait3A_482 = tpu.memref_squeeze %dma_wait3A_481 : memref<1x1x128xi32, #tpu.memory_space<vmem>> -> memref<128xi32, #tpu.memory_space<vmem>>
        %dma_wait3A_483 = arith.constant 0 : i32
        %dma_wait3A_484 = arith.constant 0 : i32
        %dma_wait3A_485 = tpu.memref_slice %arg13[%dma_wait3A_483, %dma_wait3A_484] : memref<10240x128xf32, #tpu.memory_space<vmem_shared>> -> memref<10240x128xf32, #tpu.memory_space<vmem_shared>>
        tpu.wait_indirect_dma semaphore(%run_scoped3A_473 : memref<!tpu.dma_semaphore, #tpu.memory_space<semaphore_mem>>) src(%arg11 : memref<128x128xf32, #tpu.memory_space<vmem>>) dst(%dma_wait3A_485 : memref<10240x128xf32, #tpu.memory_space<vmem_shared>>)
        tpu.yield
      }) : () -> ()
      %run_scoped3A_425 = arith.constant 1 : i32
      %run_scoped3A_426 = arith.constant 6 : i32
      "tpu.region"() ({
        %run_scoped3A_473 = tpu.sem_alloc : memref<!tpu.dma_semaphore, #tpu.memory_space<semaphore_mem>>
        %dma_start3A_474 = arith.constant 0 : i32
        %dma_start3A_475 = tpu.memref_slice %arg10[%run_scoped3A_425, %run_scoped3A_426, %dma_start3A_474] : memref<2x8x128xi32, #tpu.memory_space<vmem>> -> memref<1x1x128xi32, #tpu.memory_space<vmem>>
        %dma_start3A_476 = tpu.memref_squeeze %dma_start3A_475 : memref<1x1x128xi32, #tpu.memory_space<vmem>> -> memref<128xi32, #tpu.memory_space<vmem>>
        %dma_start3A_477 = arith.constant 0 : i32
        %dma_start3A_478 = tpu.memref_slice %arg19[%dma_start3A_477] : memref<10240xf32, #tpu.memory_space<vmem_shared>> -> memref<10240xf32, #tpu.memory_space<vmem_shared>>
        tpu.enqueue_indirect_dma source(%arg18 : memref<128xf32, #tpu.memory_space<vmem>>) target(%dma_start3A_478 : memref<10240xf32, #tpu.memory_space<vmem_shared>>) offsets(%dma_start3A_476 : memref<128xi32, #tpu.memory_space<vmem>>) semaphore(%run_scoped3A_473 : memref<!tpu.dma_semaphore, #tpu.memory_space<semaphore_mem>>) {add = true}
        %dma_wait3A_479 = arith.constant 0 : i32
        %dma_wait3A_480 = tpu.memref_slice %arg10[%run_scoped3A_425, %run_scoped3A_426, %dma_wait3A_479] : memref<2x8x128xi32, #tpu.memory_space<vmem>> -> memref<1x1x128xi32, #tpu.memory_space<vmem>>
        %dma_wait3A_481 = tpu.memref_squeeze %dma_wait3A_480 : memref<1x1x128xi32, #tpu.memory_space<vmem>> -> memref<128xi32, #tpu.memory_space<vmem>>
        %dma_wait3A_482 = arith.constant 0 : i32
        %dma_wait3A_483 = tpu.memref_slice %arg19[%dma_wait3A_482] : memref<10240xf32, #tpu.memory_space<vmem_shared>> -> memref<10240xf32, #tpu.memory_space<vmem_shared>>
        tpu.wait_indirect_dma semaphore(%run_scoped3A_473 : memref<!tpu.dma_semaphore, #tpu.memory_space<semaphore_mem>>) src(%arg18 : memref<128xf32, #tpu.memory_space<vmem>>) dst(%dma_wait3A_483 : memref<10240xf32, #tpu.memory_space<vmem_shared>>)
        tpu.yield
      }) : () -> ()
      %dma_wait3A_427 = arith.constant 0 : i32
      %dma_wait3A_428 = arith.constant 7 : i32
      %dma_wait3A_429 = arith.constant 0 : i32
      %dma_wait3A_430 = tpu.memref_slice %arg10[%dma_wait3A_427, %dma_wait3A_428, %dma_wait3A_429] : memref<2x8x128xi32, #tpu.memory_space<vmem>> -> memref<1x1x128xi32, #tpu.memory_space<vmem>>
      %dma_wait3A_431 = tpu.memref_squeeze %dma_wait3A_430 : memref<1x1x128xi32, #tpu.memory_space<vmem>> -> memref<128xi32, #tpu.memory_space<vmem>>
      %dma_wait3A_432 = arith.constant 0 : i32
      %dma_wait3A_433 = arith.constant 0 : i32
      %dma_wait3A_434 = tpu.memref_slice %arg2[%dma_wait3A_432, %dma_wait3A_433] : memref<10240x128xf32, #tpu.memory_space<hbm>> -> memref<10240x128xf32, #tpu.memory_space<hbm>>
      tpu.wait_indirect_dma semaphore(%arg17 : memref<!tpu.dma_semaphore, #tpu.memory_space<semaphore_mem>>) src(%dma_wait3A_434 : memref<10240x128xf32, #tpu.memory_space<hbm>>) dst(%arg12 : memref<128x128xf32, #tpu.memory_space<vmem>>)
      %add3A_435 = arith.addi %select_n3A_10, %add3A_286 : i32
      %add3A_436 = arith.constant 1 : i32
      %add3A_437 = arith.addi %add3A_435, %add3A_436 : i32
      %dma_wait3A_438 = arith.constant 0 : i32
      %dma_wait3A_439 = arith.constant 0 : i32
      %dma_wait3A_440 = arith.constant 0 : i32
      %dma_wait3A_441 = tpu.memref_slice %arg3[%add3A_437, %dma_wait3A_438, %dma_wait3A_439, %dma_wait3A_440] : memref<322x2x8x128xi32, #tpu.memory_space<hbm>> -> memref<1x2x8x128xi32, #tpu.memory_space<hbm>>
      %dma_wait3A_442 = tpu.memref_squeeze %dma_wait3A_441 : memref<1x2x8x128xi32, #tpu.memory_space<hbm>> -> memref<2x8x128xi32, #tpu.memory_space<hbm>>
      %dma_wait3A_443 = arith.constant 0 : i32
      %dma_wait3A_444 = arith.constant 0 : i32
      %dma_wait3A_445 = arith.constant 0 : i32
      %dma_wait3A_446 = tpu.memref_slice %arg3[%add3A_437, %dma_wait3A_443, %dma_wait3A_444, %dma_wait3A_445] : memref<322x2x8x128xi32, #tpu.memory_space<hbm>> -> memref<1x2x8x128xi32, #tpu.memory_space<hbm>>
      %dma_wait3A_447 = tpu.memref_squeeze %dma_wait3A_446 : memref<1x2x8x128xi32, #tpu.memory_space<hbm>> -> memref<2x8x128xi32, #tpu.memory_space<hbm>>
      tpu.wait_dma2 semaphore(%arg14 : memref<!tpu.dma_semaphore, #tpu.memory_space<semaphore_mem>>) src(%dma_wait3A_447 : memref<2x8x128xi32, #tpu.memory_space<hbm>>) dst(%arg9 : memref<2x8x128xi32, #tpu.memory_space<vmem>>)
      %dma_start3A_448 = arith.constant 0 : i32
      %dma_start3A_449 = arith.constant 0 : i32
      %dma_start3A_450 = arith.constant 0 : i32
      %dma_start3A_451 = tpu.memref_slice %arg9[%dma_start3A_448, %dma_start3A_449, %dma_start3A_450] : memref<2x8x128xi32, #tpu.memory_space<vmem>> -> memref<1x1x128xi32, #tpu.memory_space<vmem>>
      %dma_start3A_452 = tpu.memref_squeeze %dma_start3A_451 : memref<1x1x128xi32, #tpu.memory_space<vmem>> -> memref<128xi32, #tpu.memory_space<vmem>>
      %dma_start3A_453 = arith.constant 0 : i32
      %dma_start3A_454 = arith.constant 0 : i32
      %dma_start3A_455 = tpu.memref_slice %arg2[%dma_start3A_453, %dma_start3A_454] : memref<10240x128xf32, #tpu.memory_space<hbm>> -> memref<10240x128xf32, #tpu.memory_space<hbm>>
      tpu.enqueue_indirect_dma source(%dma_start3A_455 : memref<10240x128xf32, #tpu.memory_space<hbm>>) target(%arg11 : memref<128x128xf32, #tpu.memory_space<vmem>>) offsets(%dma_start3A_452 : memref<128xi32, #tpu.memory_space<vmem>>) semaphore(%arg16 : memref<!tpu.dma_semaphore, #tpu.memory_space<semaphore_mem>>)
      %run_scoped3A_456 = arith.constant 1 : i32
      %run_scoped3A_457 = arith.constant 7 : i32
      "tpu.region"() ({
        %run_scoped3A_473 = tpu.sem_alloc : memref<!tpu.dma_semaphore, #tpu.memory_space<semaphore_mem>>
        %dma_start3A_474 = arith.constant 0 : i32
        %dma_start3A_475 = tpu.memref_slice %arg10[%run_scoped3A_456, %run_scoped3A_457, %dma_start3A_474] : memref<2x8x128xi32, #tpu.memory_space<vmem>> -> memref<1x1x128xi32, #tpu.memory_space<vmem>>
        %dma_start3A_476 = tpu.memref_squeeze %dma_start3A_475 : memref<1x1x128xi32, #tpu.memory_space<vmem>> -> memref<128xi32, #tpu.memory_space<vmem>>
        %dma_start3A_477 = arith.constant 0 : i32
        %dma_start3A_478 = arith.constant 0 : i32
        %dma_start3A_479 = tpu.memref_slice %arg13[%dma_start3A_477, %dma_start3A_478] : memref<10240x128xf32, #tpu.memory_space<vmem_shared>> -> memref<10240x128xf32, #tpu.memory_space<vmem_shared>>
        tpu.enqueue_indirect_dma source(%arg12 : memref<128x128xf32, #tpu.memory_space<vmem>>) target(%dma_start3A_479 : memref<10240x128xf32, #tpu.memory_space<vmem_shared>>) offsets(%dma_start3A_476 : memref<128xi32, #tpu.memory_space<vmem>>) semaphore(%run_scoped3A_473 : memref<!tpu.dma_semaphore, #tpu.memory_space<semaphore_mem>>) {add = true}
        %dma_wait3A_480 = arith.constant 0 : i32
        %dma_wait3A_481 = tpu.memref_slice %arg10[%run_scoped3A_456, %run_scoped3A_457, %dma_wait3A_480] : memref<2x8x128xi32, #tpu.memory_space<vmem>> -> memref<1x1x128xi32, #tpu.memory_space<vmem>>
        %dma_wait3A_482 = tpu.memref_squeeze %dma_wait3A_481 : memref<1x1x128xi32, #tpu.memory_space<vmem>> -> memref<128xi32, #tpu.memory_space<vmem>>
        %dma_wait3A_483 = arith.constant 0 : i32
        %dma_wait3A_484 = arith.constant 0 : i32
        %dma_wait3A_485 = tpu.memref_slice %arg13[%dma_wait3A_483, %dma_wait3A_484] : memref<10240x128xf32, #tpu.memory_space<vmem_shared>> -> memref<10240x128xf32, #tpu.memory_space<vmem_shared>>
        tpu.wait_indirect_dma semaphore(%run_scoped3A_473 : memref<!tpu.dma_semaphore, #tpu.memory_space<semaphore_mem>>) src(%arg12 : memref<128x128xf32, #tpu.memory_space<vmem>>) dst(%dma_wait3A_485 : memref<10240x128xf32, #tpu.memory_space<vmem_shared>>)
        tpu.yield
      }) : () -> ()
      %run_scoped3A_458 = arith.constant 1 : i32
      %run_scoped3A_459 = arith.constant 7 : i32
      "tpu.region"() ({
        %run_scoped3A_473 = tpu.sem_alloc : memref<!tpu.dma_semaphore, #tpu.memory_space<semaphore_mem>>
        %dma_start3A_474 = arith.constant 0 : i32
        %dma_start3A_475 = tpu.memref_slice %arg10[%run_scoped3A_458, %run_scoped3A_459, %dma_start3A_474] : memref<2x8x128xi32, #tpu.memory_space<vmem>> -> memref<1x1x128xi32, #tpu.memory_space<vmem>>
        %dma_start3A_476 = tpu.memref_squeeze %dma_start3A_475 : memref<1x1x128xi32, #tpu.memory_space<vmem>> -> memref<128xi32, #tpu.memory_space<vmem>>
        %dma_start3A_477 = arith.constant 0 : i32
        %dma_start3A_478 = tpu.memref_slice %arg19[%dma_start3A_477] : memref<10240xf32, #tpu.memory_space<vmem_shared>> -> memref<10240xf32, #tpu.memory_space<vmem_shared>>
        tpu.enqueue_indirect_dma source(%arg18 : memref<128xf32, #tpu.memory_space<vmem>>) target(%dma_start3A_478 : memref<10240xf32, #tpu.memory_space<vmem_shared>>) offsets(%dma_start3A_476 : memref<128xi32, #tpu.memory_space<vmem>>) semaphore(%run_scoped3A_473 : memref<!tpu.dma_semaphore, #tpu.memory_space<semaphore_mem>>) {add = true}
        %dma_wait3A_479 = arith.constant 0 : i32
        %dma_wait3A_480 = tpu.memref_slice %arg10[%run_scoped3A_458, %run_scoped3A_459, %dma_wait3A_479] : memref<2x8x128xi32, #tpu.memory_space<vmem>> -> memref<1x1x128xi32, #tpu.memory_space<vmem>>
        %dma_wait3A_481 = tpu.memref_squeeze %dma_wait3A_480 : memref<1x1x128xi32, #tpu.memory_space<vmem>> -> memref<128xi32, #tpu.memory_space<vmem>>
        %dma_wait3A_482 = arith.constant 0 : i32
        %dma_wait3A_483 = tpu.memref_slice %arg19[%dma_wait3A_482] : memref<10240xf32, #tpu.memory_space<vmem_shared>> -> memref<10240xf32, #tpu.memory_space<vmem_shared>>
        tpu.wait_indirect_dma semaphore(%run_scoped3A_473 : memref<!tpu.dma_semaphore, #tpu.memory_space<semaphore_mem>>) src(%arg18 : memref<128xf32, #tpu.memory_space<vmem>>) dst(%dma_wait3A_483 : memref<10240xf32, #tpu.memory_space<vmem_shared>>)
        tpu.yield
      }) : () -> ()
      %add3A_460 = arith.addi %select_n3A_10, %add3A_286 : i32
      %add3A_461 = arith.constant 2 : i32
      %add3A_462 = arith.addi %add3A_460, %add3A_461 : i32
      %dma_start3A_463 = arith.constant 0 : i32
      %dma_start3A_464 = arith.constant 0 : i32
      %dma_start3A_465 = arith.constant 0 : i32
      %dma_start3A_466 = tpu.memref_slice %arg3[%add3A_462, %dma_start3A_463, %dma_start3A_464, %dma_start3A_465] : memref<322x2x8x128xi32, #tpu.memory_space<hbm>> -> memref<1x2x8x128xi32, #tpu.memory_space<hbm>>
      %dma_start3A_467 = tpu.memref_squeeze %dma_start3A_466 : memref<1x2x8x128xi32, #tpu.memory_space<hbm>> -> memref<2x8x128xi32, #tpu.memory_space<hbm>>
      %dma_start3A_468 = arith.constant 0 : i32
      %dma_start3A_469 = arith.constant 0 : i32
      %dma_start3A_470 = arith.constant 0 : i32
      %dma_start3A_471 = tpu.memref_slice %arg3[%add3A_462, %dma_start3A_468, %dma_start3A_469, %dma_start3A_470] : memref<322x2x8x128xi32, #tpu.memory_space<hbm>> -> memref<1x2x8x128xi32, #tpu.memory_space<hbm>>
      %dma_start3A_472 = tpu.memref_squeeze %dma_start3A_471 : memref<1x2x8x128xi32, #tpu.memory_space<hbm>> -> memref<2x8x128xi32, #tpu.memory_space<hbm>>
      tpu.enqueue_dma source(%dma_start3A_472 : memref<2x8x128xi32, #tpu.memory_space<hbm>>) target(%arg10 : memref<2x8x128xi32, #tpu.memory_space<vmem>>) target_semaphore(%arg15 : memref<!tpu.dma_semaphore, #tpu.memory_space<semaphore_mem>>)
    }
    %while3A_75 = arith.constant 1 : i32
    scf.for %while3A_95 = %while3A_73 to %while3A_69 step %while3A_75  : i32 {
      %mul3A_96 = arith.constant 2 : i32
      %mul3A_97 = arith.muli %mul3A_96, %while3A_95 : i32
      %dma_wait3A_98 = arith.constant 0 : i32
      %dma_wait3A_99 = arith.constant 0 : i32
      %dma_wait3A_100 = arith.constant 0 : i32
      %dma_wait3A_101 = tpu.memref_slice %arg9[%dma_wait3A_98, %dma_wait3A_99, %dma_wait3A_100] : memref<2x8x128xi32, #tpu.memory_space<vmem>> -> memref<1x1x128xi32, #tpu.memory_space<vmem>>
      %dma_wait3A_102 = tpu.memref_squeeze %dma_wait3A_101 : memref<1x1x128xi32, #tpu.memory_space<vmem>> -> memref<128xi32, #tpu.memory_space<vmem>>
      %dma_wait3A_103 = arith.constant 0 : i32
      %dma_wait3A_104 = arith.constant 0 : i32
      %dma_wait3A_105 = tpu.memref_slice %arg2[%dma_wait3A_103, %dma_wait3A_104] : memref<10240x128xf32, #tpu.memory_space<hbm>> -> memref<10240x128xf32, #tpu.memory_space<hbm>>
      tpu.wait_indirect_dma semaphore(%arg16 : memref<!tpu.dma_semaphore, #tpu.memory_space<semaphore_mem>>) src(%dma_wait3A_105 : memref<10240x128xf32, #tpu.memory_space<hbm>>) dst(%arg11 : memref<128x128xf32, #tpu.memory_space<vmem>>)
      %dma_start3A_106 = arith.constant 0 : i32
      %dma_start3A_107 = arith.constant 1 : i32
      %dma_start3A_108 = arith.constant 0 : i32
      %dma_start3A_109 = tpu.memref_slice %arg9[%dma_start3A_106, %dma_start3A_107, %dma_start3A_108] : memref<2x8x128xi32, #tpu.memory_space<vmem>> -> memref<1x1x128xi32, #tpu.memory_space<vmem>>
      %dma_start3A_110 = tpu.memref_squeeze %dma_start3A_109 : memref<1x1x128xi32, #tpu.memory_space<vmem>> -> memref<128xi32, #tpu.memory_space<vmem>>
      %dma_start3A_111 = arith.constant 0 : i32
      %dma_start3A_112 = arith.constant 0 : i32
      %dma_start3A_113 = tpu.memref_slice %arg2[%dma_start3A_111, %dma_start3A_112] : memref<10240x128xf32, #tpu.memory_space<hbm>> -> memref<10240x128xf32, #tpu.memory_space<hbm>>
      tpu.enqueue_indirect_dma source(%dma_start3A_113 : memref<10240x128xf32, #tpu.memory_space<hbm>>) target(%arg12 : memref<128x128xf32, #tpu.memory_space<vmem>>) offsets(%dma_start3A_110 : memref<128xi32, #tpu.memory_space<vmem>>) semaphore(%arg17 : memref<!tpu.dma_semaphore, #tpu.memory_space<semaphore_mem>>)
      %run_scoped3A = arith.constant 1 : i32
      %run_scoped3A_114 = arith.constant 0 : i32
      "tpu.region"() ({
        %run_scoped3A_473 = tpu.sem_alloc : memref<!tpu.dma_semaphore, #tpu.memory_space<semaphore_mem>>
        %dma_start3A_474 = arith.constant 0 : i32
        %dma_start3A_475 = tpu.memref_slice %arg9[%run_scoped3A, %run_scoped3A_114, %dma_start3A_474] : memref<2x8x128xi32, #tpu.memory_space<vmem>> -> memref<1x1x128xi32, #tpu.memory_space<vmem>>
        %dma_start3A_476 = tpu.memref_squeeze %dma_start3A_475 : memref<1x1x128xi32, #tpu.memory_space<vmem>> -> memref<128xi32, #tpu.memory_space<vmem>>
        %dma_start3A_477 = arith.constant 0 : i32
        %dma_start3A_478 = arith.constant 0 : i32
        %dma_start3A_479 = tpu.memref_slice %arg13[%dma_start3A_477, %dma_start3A_478] : memref<10240x128xf32, #tpu.memory_space<vmem_shared>> -> memref<10240x128xf32, #tpu.memory_space<vmem_shared>>
        tpu.enqueue_indirect_dma source(%arg11 : memref<128x128xf32, #tpu.memory_space<vmem>>) target(%dma_start3A_479 : memref<10240x128xf32, #tpu.memory_space<vmem_shared>>) offsets(%dma_start3A_476 : memref<128xi32, #tpu.memory_space<vmem>>) semaphore(%run_scoped3A_473 : memref<!tpu.dma_semaphore, #tpu.memory_space<semaphore_mem>>) {add = true}
        %dma_wait3A_480 = arith.constant 0 : i32
        %dma_wait3A_481 = tpu.memref_slice %arg9[%run_scoped3A, %run_scoped3A_114, %dma_wait3A_480] : memref<2x8x128xi32, #tpu.memory_space<vmem>> -> memref<1x1x128xi32, #tpu.memory_space<vmem>>
        %dma_wait3A_482 = tpu.memref_squeeze %dma_wait3A_481 : memref<1x1x128xi32, #tpu.memory_space<vmem>> -> memref<128xi32, #tpu.memory_space<vmem>>
        %dma_wait3A_483 = arith.constant 0 : i32
        %dma_wait3A_484 = arith.constant 0 : i32
        %dma_wait3A_485 = tpu.memref_slice %arg13[%dma_wait3A_483, %dma_wait3A_484] : memref<10240x128xf32, #tpu.memory_space<vmem_shared>> -> memref<10240x128xf32, #tpu.memory_space<vmem_shared>>
        tpu.wait_indirect_dma semaphore(%run_scoped3A_473 : memref<!tpu.dma_semaphore, #tpu.memory_space<semaphore_mem>>) src(%arg11 : memref<128x128xf32, #tpu.memory_space<vmem>>) dst(%dma_wait3A_485 : memref<10240x128xf32, #tpu.memory_space<vmem_shared>>)
        tpu.yield
      }) : () -> ()
      %run_scoped3A_115 = arith.constant 1 : i32
      %run_scoped3A_116 = arith.constant 0 : i32
      "tpu.region"() ({
        %run_scoped3A_473 = tpu.sem_alloc : memref<!tpu.dma_semaphore, #tpu.memory_space<semaphore_mem>>
        %dma_start3A_474 = arith.constant 0 : i32
        %dma_start3A_475 = tpu.memref_slice %arg9[%run_scoped3A_115, %run_scoped3A_116, %dma_start3A_474] : memref<2x8x128xi32, #tpu.memory_space<vmem>> -> memref<1x1x128xi32, #tpu.memory_space<vmem>>
        %dma_start3A_476 = tpu.memref_squeeze %dma_start3A_475 : memref<1x1x128xi32, #tpu.memory_space<vmem>> -> memref<128xi32, #tpu.memory_space<vmem>>
        %dma_start3A_477 = arith.constant 0 : i32
        %dma_start3A_478 = tpu.memref_slice %arg19[%dma_start3A_477] : memref<10240xf32, #tpu.memory_space<vmem_shared>> -> memref<10240xf32, #tpu.memory_space<vmem_shared>>
        tpu.enqueue_indirect_dma source(%arg18 : memref<128xf32, #tpu.memory_space<vmem>>) target(%dma_start3A_478 : memref<10240xf32, #tpu.memory_space<vmem_shared>>) offsets(%dma_start3A_476 : memref<128xi32, #tpu.memory_space<vmem>>) semaphore(%run_scoped3A_473 : memref<!tpu.dma_semaphore, #tpu.memory_space<semaphore_mem>>) {add = true}
        %dma_wait3A_479 = arith.constant 0 : i32
        %dma_wait3A_480 = tpu.memref_slice %arg9[%run_scoped3A_115, %run_scoped3A_116, %dma_wait3A_479] : memref<2x8x128xi32, #tpu.memory_space<vmem>> -> memref<1x1x128xi32, #tpu.memory_space<vmem>>
        %dma_wait3A_481 = tpu.memref_squeeze %dma_wait3A_480 : memref<1x1x128xi32, #tpu.memory_space<vmem>> -> memref<128xi32, #tpu.memory_space<vmem>>
        %dma_wait3A_482 = arith.constant 0 : i32
        %dma_wait3A_483 = tpu.memref_slice %arg19[%dma_wait3A_482] : memref<10240xf32, #tpu.memory_space<vmem_shared>> -> memref<10240xf32, #tpu.memory_space<vmem_shared>>
        tpu.wait_indirect_dma semaphore(%run_scoped3A_473 : memref<!tpu.dma_semaphore, #tpu.memory_space<semaphore_mem>>) src(%arg18 : memref<128xf32, #tpu.memory_space<vmem>>) dst(%dma_wait3A_483 : memref<10240xf32, #tpu.memory_space<vmem_shared>>)
        tpu.yield
      }) : () -> ()
      %dma_wait3A_117 = arith.constant 0 : i32
      %dma_wait3A_118 = arith.constant 1 : i32
      %dma_wait3A_119 = arith.constant 0 : i32
      %dma_wait3A_120 = tpu.memref_slice %arg9[%dma_wait3A_117, %dma_wait3A_118, %dma_wait3A_119] : memref<2x8x128xi32, #tpu.memory_space<vmem>> -> memref<1x1x128xi32, #tpu.memory_space<vmem>>
      %dma_wait3A_121 = tpu.memref_squeeze %dma_wait3A_120 : memref<1x1x128xi32, #tpu.memory_space<vmem>> -> memref<128xi32, #tpu.memory_space<vmem>>
      %dma_wait3A_122 = arith.constant 0 : i32
      %dma_wait3A_123 = arith.constant 0 : i32
      %dma_wait3A_124 = tpu.memref_slice %arg2[%dma_wait3A_122, %dma_wait3A_123] : memref<10240x128xf32, #tpu.memory_space<hbm>> -> memref<10240x128xf32, #tpu.memory_space<hbm>>
      tpu.wait_indirect_dma semaphore(%arg17 : memref<!tpu.dma_semaphore, #tpu.memory_space<semaphore_mem>>) src(%dma_wait3A_124 : memref<10240x128xf32, #tpu.memory_space<hbm>>) dst(%arg12 : memref<128x128xf32, #tpu.memory_space<vmem>>)
      %dma_start3A_125 = arith.constant 0 : i32
      %dma_start3A_126 = arith.constant 2 : i32
      %dma_start3A_127 = arith.constant 0 : i32
      %dma_start3A_128 = tpu.memref_slice %arg9[%dma_start3A_125, %dma_start3A_126, %dma_start3A_127] : memref<2x8x128xi32, #tpu.memory_space<vmem>> -> memref<1x1x128xi32, #tpu.memory_space<vmem>>
      %dma_start3A_129 = tpu.memref_squeeze %dma_start3A_128 : memref<1x1x128xi32, #tpu.memory_space<vmem>> -> memref<128xi32, #tpu.memory_space<vmem>>
      %dma_start3A_130 = arith.constant 0 : i32
      %dma_start3A_131 = arith.constant 0 : i32
      %dma_start3A_132 = tpu.memref_slice %arg2[%dma_start3A_130, %dma_start3A_131] : memref<10240x128xf32, #tpu.memory_space<hbm>> -> memref<10240x128xf32, #tpu.memory_space<hbm>>
      tpu.enqueue_indirect_dma source(%dma_start3A_132 : memref<10240x128xf32, #tpu.memory_space<hbm>>) target(%arg11 : memref<128x128xf32, #tpu.memory_space<vmem>>) offsets(%dma_start3A_129 : memref<128xi32, #tpu.memory_space<vmem>>) semaphore(%arg16 : memref<!tpu.dma_semaphore, #tpu.memory_space<semaphore_mem>>)
      %run_scoped3A_133 = arith.constant 1 : i32
      %run_scoped3A_134 = arith.constant 1 : i32
      "tpu.region"() ({
        %run_scoped3A_473 = tpu.sem_alloc : memref<!tpu.dma_semaphore, #tpu.memory_space<semaphore_mem>>
        %dma_start3A_474 = arith.constant 0 : i32
        %dma_start3A_475 = tpu.memref_slice %arg9[%run_scoped3A_133, %run_scoped3A_134, %dma_start3A_474] : memref<2x8x128xi32, #tpu.memory_space<vmem>> -> memref<1x1x128xi32, #tpu.memory_space<vmem>>
        %dma_start3A_476 = tpu.memref_squeeze %dma_start3A_475 : memref<1x1x128xi32, #tpu.memory_space<vmem>> -> memref<128xi32, #tpu.memory_space<vmem>>
        %dma_start3A_477 = arith.constant 0 : i32
        %dma_start3A_478 = arith.constant 0 : i32
        %dma_start3A_479 = tpu.memref_slice %arg13[%dma_start3A_477, %dma_start3A_478] : memref<10240x128xf32, #tpu.memory_space<vmem_shared>> -> memref<10240x128xf32, #tpu.memory_space<vmem_shared>>
        tpu.enqueue_indirect_dma source(%arg12 : memref<128x128xf32, #tpu.memory_space<vmem>>) target(%dma_start3A_479 : memref<10240x128xf32, #tpu.memory_space<vmem_shared>>) offsets(%dma_start3A_476 : memref<128xi32, #tpu.memory_space<vmem>>) semaphore(%run_scoped3A_473 : memref<!tpu.dma_semaphore, #tpu.memory_space<semaphore_mem>>) {add = true}
        %dma_wait3A_480 = arith.constant 0 : i32
        %dma_wait3A_481 = tpu.memref_slice %arg9[%run_scoped3A_133, %run_scoped3A_134, %dma_wait3A_480] : memref<2x8x128xi32, #tpu.memory_space<vmem>> -> memref<1x1x128xi32, #tpu.memory_space<vmem>>
        %dma_wait3A_482 = tpu.memref_squeeze %dma_wait3A_481 : memref<1x1x128xi32, #tpu.memory_space<vmem>> -> memref<128xi32, #tpu.memory_space<vmem>>
        %dma_wait3A_483 = arith.constant 0 : i32
        %dma_wait3A_484 = arith.constant 0 : i32
        %dma_wait3A_485 = tpu.memref_slice %arg13[%dma_wait3A_483, %dma_wait3A_484] : memref<10240x128xf32, #tpu.memory_space<vmem_shared>> -> memref<10240x128xf32, #tpu.memory_space<vmem_shared>>
        tpu.wait_indirect_dma semaphore(%run_scoped3A_473 : memref<!tpu.dma_semaphore, #tpu.memory_space<semaphore_mem>>) src(%arg12 : memref<128x128xf32, #tpu.memory_space<vmem>>) dst(%dma_wait3A_485 : memref<10240x128xf32, #tpu.memory_space<vmem_shared>>)
        tpu.yield
      }) : () -> ()
      %run_scoped3A_135 = arith.constant 1 : i32
      %run_scoped3A_136 = arith.constant 1 : i32
      "tpu.region"() ({
        %run_scoped3A_473 = tpu.sem_alloc : memref<!tpu.dma_semaphore, #tpu.memory_space<semaphore_mem>>
        %dma_start3A_474 = arith.constant 0 : i32
        %dma_start3A_475 = tpu.memref_slice %arg9[%run_scoped3A_135, %run_scoped3A_136, %dma_start3A_474] : memref<2x8x128xi32, #tpu.memory_space<vmem>> -> memref<1x1x128xi32, #tpu.memory_space<vmem>>
        %dma_start3A_476 = tpu.memref_squeeze %dma_start3A_475 : memref<1x1x128xi32, #tpu.memory_space<vmem>> -> memref<128xi32, #tpu.memory_space<vmem>>
        %dma_start3A_477 = arith.constant 0 : i32
        %dma_start3A_478 = tpu.memref_slice %arg19[%dma_start3A_477] : memref<10240xf32, #tpu.memory_space<vmem_shared>> -> memref<10240xf32, #tpu.memory_space<vmem_shared>>
        tpu.enqueue_indirect_dma source(%arg18 : memref<128xf32, #tpu.memory_space<vmem>>) target(%dma_start3A_478 : memref<10240xf32, #tpu.memory_space<vmem_shared>>) offsets(%dma_start3A_476 : memref<128xi32, #tpu.memory_space<vmem>>) semaphore(%run_scoped3A_473 : memref<!tpu.dma_semaphore, #tpu.memory_space<semaphore_mem>>) {add = true}
        %dma_wait3A_479 = arith.constant 0 : i32
        %dma_wait3A_480 = tpu.memref_slice %arg9[%run_scoped3A_135, %run_scoped3A_136, %dma_wait3A_479] : memref<2x8x128xi32, #tpu.memory_space<vmem>> -> memref<1x1x128xi32, #tpu.memory_space<vmem>>
        %dma_wait3A_481 = tpu.memref_squeeze %dma_wait3A_480 : memref<1x1x128xi32, #tpu.memory_space<vmem>> -> memref<128xi32, #tpu.memory_space<vmem>>
        %dma_wait3A_482 = arith.constant 0 : i32
        %dma_wait3A_483 = tpu.memref_slice %arg19[%dma_wait3A_482] : memref<10240xf32, #tpu.memory_space<vmem_shared>> -> memref<10240xf32, #tpu.memory_space<vmem_shared>>
        tpu.wait_indirect_dma semaphore(%run_scoped3A_473 : memref<!tpu.dma_semaphore, #tpu.memory_space<semaphore_mem>>) src(%arg18 : memref<128xf32, #tpu.memory_space<vmem>>) dst(%dma_wait3A_483 : memref<10240xf32, #tpu.memory_space<vmem_shared>>)
        tpu.yield
      }) : () -> ()
      %dma_wait3A_137 = arith.constant 0 : i32
      %dma_wait3A_138 = arith.constant 2 : i32
      %dma_wait3A_139 = arith.constant 0 : i32
      %dma_wait3A_140 = tpu.memref_slice %arg9[%dma_wait3A_137, %dma_wait3A_138, %dma_wait3A_139] : memref<2x8x128xi32, #tpu.memory_space<vmem>> -> memref<1x1x128xi32, #tpu.memory_space<vmem>>
      %dma_wait3A_141 = tpu.memref_squeeze %dma_wait3A_140 : memref<1x1x128xi32, #tpu.memory_space<vmem>> -> memref<128xi32, #tpu.memory_space<vmem>>
      %dma_wait3A_142 = arith.constant 0 : i32
      %dma_wait3A_143 = arith.constant 0 : i32
      %dma_wait3A_144 = tpu.memref_slice %arg2[%dma_wait3A_142, %dma_wait3A_143] : memref<10240x128xf32, #tpu.memory_space<hbm>> -> memref<10240x128xf32, #tpu.memory_space<hbm>>
      tpu.wait_indirect_dma semaphore(%arg16 : memref<!tpu.dma_semaphore, #tpu.memory_space<semaphore_mem>>) src(%dma_wait3A_144 : memref<10240x128xf32, #tpu.memory_space<hbm>>) dst(%arg11 : memref<128x128xf32, #tpu.memory_space<vmem>>)
      %dma_start3A_145 = arith.constant 0 : i32
      %dma_start3A_146 = arith.constant 3 : i32
      %dma_start3A_147 = arith.constant 0 : i32
      %dma_start3A_148 = tpu.memref_slice %arg9[%dma_start3A_145, %dma_start3A_146, %dma_start3A_147] : memref<2x8x128xi32, #tpu.memory_space<vmem>> -> memref<1x1x128xi32, #tpu.memory_space<vmem>>
      %dma_start3A_149 = tpu.memref_squeeze %dma_start3A_148 : memref<1x1x128xi32, #tpu.memory_space<vmem>> -> memref<128xi32, #tpu.memory_space<vmem>>
      %dma_start3A_150 = arith.constant 0 : i32
      %dma_start3A_151 = arith.constant 0 : i32
      %dma_start3A_152 = tpu.memref_slice %arg2[%dma_start3A_150, %dma_start3A_151] : memref<10240x128xf32, #tpu.memory_space<hbm>> -> memref<10240x128xf32, #tpu.memory_space<hbm>>
      tpu.enqueue_indirect_dma source(%dma_start3A_152 : memref<10240x128xf32, #tpu.memory_space<hbm>>) target(%arg12 : memref<128x128xf32, #tpu.memory_space<vmem>>) offsets(%dma_start3A_149 : memref<128xi32, #tpu.memory_space<vmem>>) semaphore(%arg17 : memref<!tpu.dma_semaphore, #tpu.memory_space<semaphore_mem>>)
      %run_scoped3A_153 = arith.constant 1 : i32
      %run_scoped3A_154 = arith.constant 2 : i32
      "tpu.region"() ({
        %run_scoped3A_473 = tpu.sem_alloc : memref<!tpu.dma_semaphore, #tpu.memory_space<semaphore_mem>>
        %dma_start3A_474 = arith.constant 0 : i32
        %dma_start3A_475 = tpu.memref_slice %arg9[%run_scoped3A_153, %run_scoped3A_154, %dma_start3A_474] : memref<2x8x128xi32, #tpu.memory_space<vmem>> -> memref<1x1x128xi32, #tpu.memory_space<vmem>>
        %dma_start3A_476 = tpu.memref_squeeze %dma_start3A_475 : memref<1x1x128xi32, #tpu.memory_space<vmem>> -> memref<128xi32, #tpu.memory_space<vmem>>
        %dma_start3A_477 = arith.constant 0 : i32
        %dma_start3A_478 = arith.constant 0 : i32
        %dma_start3A_479 = tpu.memref_slice %arg13[%dma_start3A_477, %dma_start3A_478] : memref<10240x128xf32, #tpu.memory_space<vmem_shared>> -> memref<10240x128xf32, #tpu.memory_space<vmem_shared>>
        tpu.enqueue_indirect_dma source(%arg11 : memref<128x128xf32, #tpu.memory_space<vmem>>) target(%dma_start3A_479 : memref<10240x128xf32, #tpu.memory_space<vmem_shared>>) offsets(%dma_start3A_476 : memref<128xi32, #tpu.memory_space<vmem>>) semaphore(%run_scoped3A_473 : memref<!tpu.dma_semaphore, #tpu.memory_space<semaphore_mem>>) {add = true}
        %dma_wait3A_480 = arith.constant 0 : i32
        %dma_wait3A_481 = tpu.memref_slice %arg9[%run_scoped3A_153, %run_scoped3A_154, %dma_wait3A_480] : memref<2x8x128xi32, #tpu.memory_space<vmem>> -> memref<1x1x128xi32, #tpu.memory_space<vmem>>
        %dma_wait3A_482 = tpu.memref_squeeze %dma_wait3A_481 : memref<1x1x128xi32, #tpu.memory_space<vmem>> -> memref<128xi32, #tpu.memory_space<vmem>>
        %dma_wait3A_483 = arith.constant 0 : i32
        %dma_wait3A_484 = arith.constant 0 : i32
        %dma_wait3A_485 = tpu.memref_slice %arg13[%dma_wait3A_483, %dma_wait3A_484] : memref<10240x128xf32, #tpu.memory_space<vmem_shared>> -> memref<10240x128xf32, #tpu.memory_space<vmem_shared>>
        tpu.wait_indirect_dma semaphore(%run_scoped3A_473 : memref<!tpu.dma_semaphore, #tpu.memory_space<semaphore_mem>>) src(%arg11 : memref<128x128xf32, #tpu.memory_space<vmem>>) dst(%dma_wait3A_485 : memref<10240x128xf32, #tpu.memory_space<vmem_shared>>)
        tpu.yield
      }) : () -> ()
      %run_scoped3A_155 = arith.constant 1 : i32
      %run_scoped3A_156 = arith.constant 2 : i32
      "tpu.region"() ({
        %run_scoped3A_473 = tpu.sem_alloc : memref<!tpu.dma_semaphore, #tpu.memory_space<semaphore_mem>>
        %dma_start3A_474 = arith.constant 0 : i32
        %dma_start3A_475 = tpu.memref_slice %arg9[%run_scoped3A_155, %run_scoped3A_156, %dma_start3A_474] : memref<2x8x128xi32, #tpu.memory_space<vmem>> -> memref<1x1x128xi32, #tpu.memory_space<vmem>>
        %dma_start3A_476 = tpu.memref_squeeze %dma_start3A_475 : memref<1x1x128xi32, #tpu.memory_space<vmem>> -> memref<128xi32, #tpu.memory_space<vmem>>
        %dma_start3A_477 = arith.constant 0 : i32
        %dma_start3A_478 = tpu.memref_slice %arg19[%dma_start3A_477] : memref<10240xf32, #tpu.memory_space<vmem_shared>> -> memref<10240xf32, #tpu.memory_space<vmem_shared>>
        tpu.enqueue_indirect_dma source(%arg18 : memref<128xf32, #tpu.memory_space<vmem>>) target(%dma_start3A_478 : memref<10240xf32, #tpu.memory_space<vmem_shared>>) offsets(%dma_start3A_476 : memref<128xi32, #tpu.memory_space<vmem>>) semaphore(%run_scoped3A_473 : memref<!tpu.dma_semaphore, #tpu.memory_space<semaphore_mem>>) {add = true}
        %dma_wait3A_479 = arith.constant 0 : i32
        %dma_wait3A_480 = tpu.memref_slice %arg9[%run_scoped3A_155, %run_scoped3A_156, %dma_wait3A_479] : memref<2x8x128xi32, #tpu.memory_space<vmem>> -> memref<1x1x128xi32, #tpu.memory_space<vmem>>
        %dma_wait3A_481 = tpu.memref_squeeze %dma_wait3A_480 : memref<1x1x128xi32, #tpu.memory_space<vmem>> -> memref<128xi32, #tpu.memory_space<vmem>>
        %dma_wait3A_482 = arith.constant 0 : i32
        %dma_wait3A_483 = tpu.memref_slice %arg19[%dma_wait3A_482] : memref<10240xf32, #tpu.memory_space<vmem_shared>> -> memref<10240xf32, #tpu.memory_space<vmem_shared>>
        tpu.wait_indirect_dma semaphore(%run_scoped3A_473 : memref<!tpu.dma_semaphore, #tpu.memory_space<semaphore_mem>>) src(%arg18 : memref<128xf32, #tpu.memory_space<vmem>>) dst(%dma_wait3A_483 : memref<10240xf32, #tpu.memory_space<vmem_shared>>)
        tpu.yield
      }) : () -> ()
      %dma_wait3A_157 = arith.constant 0 : i32
      %dma_wait3A_158 = arith.constant 3 : i32
      %dma_wait3A_159 = arith.constant 0 : i32
      %dma_wait3A_160 = tpu.memref_slice %arg9[%dma_wait3A_157, %dma_wait3A_158, %dma_wait3A_159] : memref<2x8x128xi32, #tpu.memory_space<vmem>> -> memref<1x1x128xi32, #tpu.memory_space<vmem>>
      %dma_wait3A_161 = tpu.memref_squeeze %dma_wait3A_160 : memref<1x1x128xi32, #tpu.memory_space<vmem>> -> memref<128xi32, #tpu.memory_space<vmem>>
      %dma_wait3A_162 = arith.constant 0 : i32
      %dma_wait3A_163 = arith.constant 0 : i32
      %dma_wait3A_164 = tpu.memref_slice %arg2[%dma_wait3A_162, %dma_wait3A_163] : memref<10240x128xf32, #tpu.memory_space<hbm>> -> memref<10240x128xf32, #tpu.memory_space<hbm>>
      tpu.wait_indirect_dma semaphore(%arg17 : memref<!tpu.dma_semaphore, #tpu.memory_space<semaphore_mem>>) src(%dma_wait3A_164 : memref<10240x128xf32, #tpu.memory_space<hbm>>) dst(%arg12 : memref<128x128xf32, #tpu.memory_space<vmem>>)
      %dma_start3A_165 = arith.constant 0 : i32
      %dma_start3A_166 = arith.constant 4 : i32
      %dma_start3A_167 = arith.constant 0 : i32
      %dma_start3A_168 = tpu.memref_slice %arg9[%dma_start3A_165, %dma_start3A_166, %dma_start3A_167] : memref<2x8x128xi32, #tpu.memory_space<vmem>> -> memref<1x1x128xi32, #tpu.memory_space<vmem>>
      %dma_start3A_169 = tpu.memref_squeeze %dma_start3A_168 : memref<1x1x128xi32, #tpu.memory_space<vmem>> -> memref<128xi32, #tpu.memory_space<vmem>>
      %dma_start3A_170 = arith.constant 0 : i32
      %dma_start3A_171 = arith.constant 0 : i32
      %dma_start3A_172 = tpu.memref_slice %arg2[%dma_start3A_170, %dma_start3A_171] : memref<10240x128xf32, #tpu.memory_space<hbm>> -> memref<10240x128xf32, #tpu.memory_space<hbm>>
      tpu.enqueue_indirect_dma source(%dma_start3A_172 : memref<10240x128xf32, #tpu.memory_space<hbm>>) target(%arg11 : memref<128x128xf32, #tpu.memory_space<vmem>>) offsets(%dma_start3A_169 : memref<128xi32, #tpu.memory_space<vmem>>) semaphore(%arg16 : memref<!tpu.dma_semaphore, #tpu.memory_space<semaphore_mem>>)
      %run_scoped3A_173 = arith.constant 1 : i32
      %run_scoped3A_174 = arith.constant 3 : i32
      "tpu.region"() ({
        %run_scoped3A_473 = tpu.sem_alloc : memref<!tpu.dma_semaphore, #tpu.memory_space<semaphore_mem>>
        %dma_start3A_474 = arith.constant 0 : i32
        %dma_start3A_475 = tpu.memref_slice %arg9[%run_scoped3A_173, %run_scoped3A_174, %dma_start3A_474] : memref<2x8x128xi32, #tpu.memory_space<vmem>> -> memref<1x1x128xi32, #tpu.memory_space<vmem>>
        %dma_start3A_476 = tpu.memref_squeeze %dma_start3A_475 : memref<1x1x128xi32, #tpu.memory_space<vmem>> -> memref<128xi32, #tpu.memory_space<vmem>>
        %dma_start3A_477 = arith.constant 0 : i32
        %dma_start3A_478 = arith.constant 0 : i32
        %dma_start3A_479 = tpu.memref_slice %arg13[%dma_start3A_477, %dma_start3A_478] : memref<10240x128xf32, #tpu.memory_space<vmem_shared>> -> memref<10240x128xf32, #tpu.memory_space<vmem_shared>>
        tpu.enqueue_indirect_dma source(%arg12 : memref<128x128xf32, #tpu.memory_space<vmem>>) target(%dma_start3A_479 : memref<10240x128xf32, #tpu.memory_space<vmem_shared>>) offsets(%dma_start3A_476 : memref<128xi32, #tpu.memory_space<vmem>>) semaphore(%run_scoped3A_473 : memref<!tpu.dma_semaphore, #tpu.memory_space<semaphore_mem>>) {add = true}
        %dma_wait3A_480 = arith.constant 0 : i32
        %dma_wait3A_481 = tpu.memref_slice %arg9[%run_scoped3A_173, %run_scoped3A_174, %dma_wait3A_480] : memref<2x8x128xi32, #tpu.memory_space<vmem>> -> memref<1x1x128xi32, #tpu.memory_space<vmem>>
        %dma_wait3A_482 = tpu.memref_squeeze %dma_wait3A_481 : memref<1x1x128xi32, #tpu.memory_space<vmem>> -> memref<128xi32, #tpu.memory_space<vmem>>
        %dma_wait3A_483 = arith.constant 0 : i32
        %dma_wait3A_484 = arith.constant 0 : i32
        %dma_wait3A_485 = tpu.memref_slice %arg13[%dma_wait3A_483, %dma_wait3A_484] : memref<10240x128xf32, #tpu.memory_space<vmem_shared>> -> memref<10240x128xf32, #tpu.memory_space<vmem_shared>>
        tpu.wait_indirect_dma semaphore(%run_scoped3A_473 : memref<!tpu.dma_semaphore, #tpu.memory_space<semaphore_mem>>) src(%arg12 : memref<128x128xf32, #tpu.memory_space<vmem>>) dst(%dma_wait3A_485 : memref<10240x128xf32, #tpu.memory_space<vmem_shared>>)
        tpu.yield
      }) : () -> ()
      %run_scoped3A_175 = arith.constant 1 : i32
      %run_scoped3A_176 = arith.constant 3 : i32
      "tpu.region"() ({
        %run_scoped3A_473 = tpu.sem_alloc : memref<!tpu.dma_semaphore, #tpu.memory_space<semaphore_mem>>
        %dma_start3A_474 = arith.constant 0 : i32
        %dma_start3A_475 = tpu.memref_slice %arg9[%run_scoped3A_175, %run_scoped3A_176, %dma_start3A_474] : memref<2x8x128xi32, #tpu.memory_space<vmem>> -> memref<1x1x128xi32, #tpu.memory_space<vmem>>
        %dma_start3A_476 = tpu.memref_squeeze %dma_start3A_475 : memref<1x1x128xi32, #tpu.memory_space<vmem>> -> memref<128xi32, #tpu.memory_space<vmem>>
        %dma_start3A_477 = arith.constant 0 : i32
        %dma_start3A_478 = tpu.memref_slice %arg19[%dma_start3A_477] : memref<10240xf32, #tpu.memory_space<vmem_shared>> -> memref<10240xf32, #tpu.memory_space<vmem_shared>>
        tpu.enqueue_indirect_dma source(%arg18 : memref<128xf32, #tpu.memory_space<vmem>>) target(%dma_start3A_478 : memref<10240xf32, #tpu.memory_space<vmem_shared>>) offsets(%dma_start3A_476 : memref<128xi32, #tpu.memory_space<vmem>>) semaphore(%run_scoped3A_473 : memref<!tpu.dma_semaphore, #tpu.memory_space<semaphore_mem>>) {add = true}
        %dma_wait3A_479 = arith.constant 0 : i32
        %dma_wait3A_480 = tpu.memref_slice %arg9[%run_scoped3A_175, %run_scoped3A_176, %dma_wait3A_479] : memref<2x8x128xi32, #tpu.memory_space<vmem>> -> memref<1x1x128xi32, #tpu.memory_space<vmem>>
        %dma_wait3A_481 = tpu.memref_squeeze %dma_wait3A_480 : memref<1x1x128xi32, #tpu.memory_space<vmem>> -> memref<128xi32, #tpu.memory_space<vmem>>
        %dma_wait3A_482 = arith.constant 0 : i32
        %dma_wait3A_483 = tpu.memref_slice %arg19[%dma_wait3A_482] : memref<10240xf32, #tpu.memory_space<vmem_shared>> -> memref<10240xf32, #tpu.memory_space<vmem_shared>>
        tpu.wait_indirect_dma semaphore(%run_scoped3A_473 : memref<!tpu.dma_semaphore, #tpu.memory_space<semaphore_mem>>) src(%arg18 : memref<128xf32, #tpu.memory_space<vmem>>) dst(%dma_wait3A_483 : memref<10240xf32, #tpu.memory_space<vmem_shared>>)
        tpu.yield
      }) : () -> ()
      %dma_wait3A_177 = arith.constant 0 : i32
      %dma_wait3A_178 = arith.constant 4 : i32
      %dma_wait3A_179 = arith.constant 0 : i32
      %dma_wait3A_180 = tpu.memref_slice %arg9[%dma_wait3A_177, %dma_wait3A_178, %dma_wait3A_179] : memref<2x8x128xi32, #tpu.memory_space<vmem>> -> memref<1x1x128xi32, #tpu.memory_space<vmem>>
      %dma_wait3A_181 = tpu.memref_squeeze %dma_wait3A_180 : memref<1x1x128xi32, #tpu.memory_space<vmem>> -> memref<128xi32, #tpu.memory_space<vmem>>
      %dma_wait3A_182 = arith.constant 0 : i32
      %dma_wait3A_183 = arith.constant 0 : i32
      %dma_wait3A_184 = tpu.memref_slice %arg2[%dma_wait3A_182, %dma_wait3A_183] : memref<10240x128xf32, #tpu.memory_space<hbm>> -> memref<10240x128xf32, #tpu.memory_space<hbm>>
      tpu.wait_indirect_dma semaphore(%arg16 : memref<!tpu.dma_semaphore, #tpu.memory_space<semaphore_mem>>) src(%dma_wait3A_184 : memref<10240x128xf32, #tpu.memory_space<hbm>>) dst(%arg11 : memref<128x128xf32, #tpu.memory_space<vmem>>)
      %dma_start3A_185 = arith.constant 0 : i32
      %dma_start3A_186 = arith.constant 5 : i32
      %dma_start3A_187 = arith.constant 0 : i32
      %dma_start3A_188 = tpu.memref_slice %arg9[%dma_start3A_185, %dma_start3A_186, %dma_start3A_187] : memref<2x8x128xi32, #tpu.memory_space<vmem>> -> memref<1x1x128xi32, #tpu.memory_space<vmem>>
      %dma_start3A_189 = tpu.memref_squeeze %dma_start3A_188 : memref<1x1x128xi32, #tpu.memory_space<vmem>> -> memref<128xi32, #tpu.memory_space<vmem>>
      %dma_start3A_190 = arith.constant 0 : i32
      %dma_start3A_191 = arith.constant 0 : i32
      %dma_start3A_192 = tpu.memref_slice %arg2[%dma_start3A_190, %dma_start3A_191] : memref<10240x128xf32, #tpu.memory_space<hbm>> -> memref<10240x128xf32, #tpu.memory_space<hbm>>
      tpu.enqueue_indirect_dma source(%dma_start3A_192 : memref<10240x128xf32, #tpu.memory_space<hbm>>) target(%arg12 : memref<128x128xf32, #tpu.memory_space<vmem>>) offsets(%dma_start3A_189 : memref<128xi32, #tpu.memory_space<vmem>>) semaphore(%arg17 : memref<!tpu.dma_semaphore, #tpu.memory_space<semaphore_mem>>)
      %run_scoped3A_193 = arith.constant 1 : i32
      %run_scoped3A_194 = arith.constant 4 : i32
      "tpu.region"() ({
        %run_scoped3A_473 = tpu.sem_alloc : memref<!tpu.dma_semaphore, #tpu.memory_space<semaphore_mem>>
        %dma_start3A_474 = arith.constant 0 : i32
        %dma_start3A_475 = tpu.memref_slice %arg9[%run_scoped3A_193, %run_scoped3A_194, %dma_start3A_474] : memref<2x8x128xi32, #tpu.memory_space<vmem>> -> memref<1x1x128xi32, #tpu.memory_space<vmem>>
        %dma_start3A_476 = tpu.memref_squeeze %dma_start3A_475 : memref<1x1x128xi32, #tpu.memory_space<vmem>> -> memref<128xi32, #tpu.memory_space<vmem>>
        %dma_start3A_477 = arith.constant 0 : i32
        %dma_start3A_478 = arith.constant 0 : i32
        %dma_start3A_479 = tpu.memref_slice %arg13[%dma_start3A_477, %dma_start3A_478] : memref<10240x128xf32, #tpu.memory_space<vmem_shared>> -> memref<10240x128xf32, #tpu.memory_space<vmem_shared>>
        tpu.enqueue_indirect_dma source(%arg11 : memref<128x128xf32, #tpu.memory_space<vmem>>) target(%dma_start3A_479 : memref<10240x128xf32, #tpu.memory_space<vmem_shared>>) offsets(%dma_start3A_476 : memref<128xi32, #tpu.memory_space<vmem>>) semaphore(%run_scoped3A_473 : memref<!tpu.dma_semaphore, #tpu.memory_space<semaphore_mem>>) {add = true}
        %dma_wait3A_480 = arith.constant 0 : i32
        %dma_wait3A_481 = tpu.memref_slice %arg9[%run_scoped3A_193, %run_scoped3A_194, %dma_wait3A_480] : memref<2x8x128xi32, #tpu.memory_space<vmem>> -> memref<1x1x128xi32, #tpu.memory_space<vmem>>
        %dma_wait3A_482 = tpu.memref_squeeze %dma_wait3A_481 : memref<1x1x128xi32, #tpu.memory_space<vmem>> -> memref<128xi32, #tpu.memory_space<vmem>>
        %dma_wait3A_483 = arith.constant 0 : i32
        %dma_wait3A_484 = arith.constant 0 : i32
        %dma_wait3A_485 = tpu.memref_slice %arg13[%dma_wait3A_483, %dma_wait3A_484] : memref<10240x128xf32, #tpu.memory_space<vmem_shared>> -> memref<10240x128xf32, #tpu.memory_space<vmem_shared>>
        tpu.wait_indirect_dma semaphore(%run_scoped3A_473 : memref<!tpu.dma_semaphore, #tpu.memory_space<semaphore_mem>>) src(%arg11 : memref<128x128xf32, #tpu.memory_space<vmem>>) dst(%dma_wait3A_485 : memref<10240x128xf32, #tpu.memory_space<vmem_shared>>)
        tpu.yield
      }) : () -> ()
      %run_scoped3A_195 = arith.constant 1 : i32
      %run_scoped3A_196 = arith.constant 4 : i32
      "tpu.region"() ({
        %run_scoped3A_473 = tpu.sem_alloc : memref<!tpu.dma_semaphore, #tpu.memory_space<semaphore_mem>>
        %dma_start3A_474 = arith.constant 0 : i32
        %dma_start3A_475 = tpu.memref_slice %arg9[%run_scoped3A_195, %run_scoped3A_196, %dma_start3A_474] : memref<2x8x128xi32, #tpu.memory_space<vmem>> -> memref<1x1x128xi32, #tpu.memory_space<vmem>>
        %dma_start3A_476 = tpu.memref_squeeze %dma_start3A_475 : memref<1x1x128xi32, #tpu.memory_space<vmem>> -> memref<128xi32, #tpu.memory_space<vmem>>
        %dma_start3A_477 = arith.constant 0 : i32
        %dma_start3A_478 = tpu.memref_slice %arg19[%dma_start3A_477] : memref<10240xf32, #tpu.memory_space<vmem_shared>> -> memref<10240xf32, #tpu.memory_space<vmem_shared>>
        tpu.enqueue_indirect_dma source(%arg18 : memref<128xf32, #tpu.memory_space<vmem>>) target(%dma_start3A_478 : memref<10240xf32, #tpu.memory_space<vmem_shared>>) offsets(%dma_start3A_476 : memref<128xi32, #tpu.memory_space<vmem>>) semaphore(%run_scoped3A_473 : memref<!tpu.dma_semaphore, #tpu.memory_space<semaphore_mem>>) {add = true}
        %dma_wait3A_479 = arith.constant 0 : i32
        %dma_wait3A_480 = tpu.memref_slice %arg9[%run_scoped3A_195, %run_scoped3A_196, %dma_wait3A_479] : memref<2x8x128xi32, #tpu.memory_space<vmem>> -> memref<1x1x128xi32, #tpu.memory_space<vmem>>
        %dma_wait3A_481 = tpu.memref_squeeze %dma_wait3A_480 : memref<1x1x128xi32, #tpu.memory_space<vmem>> -> memref<128xi32, #tpu.memory_space<vmem>>
        %dma_wait3A_482 = arith.constant 0 : i32
        %dma_wait3A_483 = tpu.memref_slice %arg19[%dma_wait3A_482] : memref<10240xf32, #tpu.memory_space<vmem_shared>> -> memref<10240xf32, #tpu.memory_space<vmem_shared>>
        tpu.wait_indirect_dma semaphore(%run_scoped3A_473 : memref<!tpu.dma_semaphore, #tpu.memory_space<semaphore_mem>>) src(%arg18 : memref<128xf32, #tpu.memory_space<vmem>>) dst(%dma_wait3A_483 : memref<10240xf32, #tpu.memory_space<vmem_shared>>)
        tpu.yield
      }) : () -> ()
      %dma_wait3A_197 = arith.constant 0 : i32
      %dma_wait3A_198 = arith.constant 5 : i32
      %dma_wait3A_199 = arith.constant 0 : i32
      %dma_wait3A_200 = tpu.memref_slice %arg9[%dma_wait3A_197, %dma_wait3A_198, %dma_wait3A_199] : memref<2x8x128xi32, #tpu.memory_space<vmem>> -> memref<1x1x128xi32, #tpu.memory_space<vmem>>
      %dma_wait3A_201 = tpu.memref_squeeze %dma_wait3A_200 : memref<1x1x128xi32, #tpu.memory_space<vmem>> -> memref<128xi32, #tpu.memory_space<vmem>>
      %dma_wait3A_202 = arith.constant 0 : i32
      %dma_wait3A_203 = arith.constant 0 : i32
      %dma_wait3A_204 = tpu.memref_slice %arg2[%dma_wait3A_202, %dma_wait3A_203] : memref<10240x128xf32, #tpu.memory_space<hbm>> -> memref<10240x128xf32, #tpu.memory_space<hbm>>
      tpu.wait_indirect_dma semaphore(%arg17 : memref<!tpu.dma_semaphore, #tpu.memory_space<semaphore_mem>>) src(%dma_wait3A_204 : memref<10240x128xf32, #tpu.memory_space<hbm>>) dst(%arg12 : memref<128x128xf32, #tpu.memory_space<vmem>>)
      %dma_start3A_205 = arith.constant 0 : i32
      %dma_start3A_206 = arith.constant 6 : i32
      %dma_start3A_207 = arith.constant 0 : i32
      %dma_start3A_208 = tpu.memref_slice %arg9[%dma_start3A_205, %dma_start3A_206, %dma_start3A_207] : memref<2x8x128xi32, #tpu.memory_space<vmem>> -> memref<1x1x128xi32, #tpu.memory_space<vmem>>
      %dma_start3A_209 = tpu.memref_squeeze %dma_start3A_208 : memref<1x1x128xi32, #tpu.memory_space<vmem>> -> memref<128xi32, #tpu.memory_space<vmem>>
      %dma_start3A_210 = arith.constant 0 : i32
      %dma_start3A_211 = arith.constant 0 : i32
      %dma_start3A_212 = tpu.memref_slice %arg2[%dma_start3A_210, %dma_start3A_211] : memref<10240x128xf32, #tpu.memory_space<hbm>> -> memref<10240x128xf32, #tpu.memory_space<hbm>>
      tpu.enqueue_indirect_dma source(%dma_start3A_212 : memref<10240x128xf32, #tpu.memory_space<hbm>>) target(%arg11 : memref<128x128xf32, #tpu.memory_space<vmem>>) offsets(%dma_start3A_209 : memref<128xi32, #tpu.memory_space<vmem>>) semaphore(%arg16 : memref<!tpu.dma_semaphore, #tpu.memory_space<semaphore_mem>>)
      %run_scoped3A_213 = arith.constant 1 : i32
      %run_scoped3A_214 = arith.constant 5 : i32
      "tpu.region"() ({
        %run_scoped3A_473 = tpu.sem_alloc : memref<!tpu.dma_semaphore, #tpu.memory_space<semaphore_mem>>
        %dma_start3A_474 = arith.constant 0 : i32
        %dma_start3A_475 = tpu.memref_slice %arg9[%run_scoped3A_213, %run_scoped3A_214, %dma_start3A_474] : memref<2x8x128xi32, #tpu.memory_space<vmem>> -> memref<1x1x128xi32, #tpu.memory_space<vmem>>
        %dma_start3A_476 = tpu.memref_squeeze %dma_start3A_475 : memref<1x1x128xi32, #tpu.memory_space<vmem>> -> memref<128xi32, #tpu.memory_space<vmem>>
        %dma_start3A_477 = arith.constant 0 : i32
        %dma_start3A_478 = arith.constant 0 : i32
        %dma_start3A_479 = tpu.memref_slice %arg13[%dma_start3A_477, %dma_start3A_478] : memref<10240x128xf32, #tpu.memory_space<vmem_shared>> -> memref<10240x128xf32, #tpu.memory_space<vmem_shared>>
        tpu.enqueue_indirect_dma source(%arg12 : memref<128x128xf32, #tpu.memory_space<vmem>>) target(%dma_start3A_479 : memref<10240x128xf32, #tpu.memory_space<vmem_shared>>) offsets(%dma_start3A_476 : memref<128xi32, #tpu.memory_space<vmem>>) semaphore(%run_scoped3A_473 : memref<!tpu.dma_semaphore, #tpu.memory_space<semaphore_mem>>) {add = true}
        %dma_wait3A_480 = arith.constant 0 : i32
        %dma_wait3A_481 = tpu.memref_slice %arg9[%run_scoped3A_213, %run_scoped3A_214, %dma_wait3A_480] : memref<2x8x128xi32, #tpu.memory_space<vmem>> -> memref<1x1x128xi32, #tpu.memory_space<vmem>>
        %dma_wait3A_482 = tpu.memref_squeeze %dma_wait3A_481 : memref<1x1x128xi32, #tpu.memory_space<vmem>> -> memref<128xi32, #tpu.memory_space<vmem>>
        %dma_wait3A_483 = arith.constant 0 : i32
        %dma_wait3A_484 = arith.constant 0 : i32
        %dma_wait3A_485 = tpu.memref_slice %arg13[%dma_wait3A_483, %dma_wait3A_484] : memref<10240x128xf32, #tpu.memory_space<vmem_shared>> -> memref<10240x128xf32, #tpu.memory_space<vmem_shared>>
        tpu.wait_indirect_dma semaphore(%run_scoped3A_473 : memref<!tpu.dma_semaphore, #tpu.memory_space<semaphore_mem>>) src(%arg12 : memref<128x128xf32, #tpu.memory_space<vmem>>) dst(%dma_wait3A_485 : memref<10240x128xf32, #tpu.memory_space<vmem_shared>>)
        tpu.yield
      }) : () -> ()
      %run_scoped3A_215 = arith.constant 1 : i32
      %run_scoped3A_216 = arith.constant 5 : i32
      "tpu.region"() ({
        %run_scoped3A_473 = tpu.sem_alloc : memref<!tpu.dma_semaphore, #tpu.memory_space<semaphore_mem>>
        %dma_start3A_474 = arith.constant 0 : i32
        %dma_start3A_475 = tpu.memref_slice %arg9[%run_scoped3A_215, %run_scoped3A_216, %dma_start3A_474] : memref<2x8x128xi32, #tpu.memory_space<vmem>> -> memref<1x1x128xi32, #tpu.memory_space<vmem>>
        %dma_start3A_476 = tpu.memref_squeeze %dma_start3A_475 : memref<1x1x128xi32, #tpu.memory_space<vmem>> -> memref<128xi32, #tpu.memory_space<vmem>>
        %dma_start3A_477 = arith.constant 0 : i32
        %dma_start3A_478 = tpu.memref_slice %arg19[%dma_start3A_477] : memref<10240xf32, #tpu.memory_space<vmem_shared>> -> memref<10240xf32, #tpu.memory_space<vmem_shared>>
        tpu.enqueue_indirect_dma source(%arg18 : memref<128xf32, #tpu.memory_space<vmem>>) target(%dma_start3A_478 : memref<10240xf32, #tpu.memory_space<vmem_shared>>) offsets(%dma_start3A_476 : memref<128xi32, #tpu.memory_space<vmem>>) semaphore(%run_scoped3A_473 : memref<!tpu.dma_semaphore, #tpu.memory_space<semaphore_mem>>) {add = true}
        %dma_wait3A_479 = arith.constant 0 : i32
        %dma_wait3A_480 = tpu.memref_slice %arg9[%run_scoped3A_215, %run_scoped3A_216, %dma_wait3A_479] : memref<2x8x128xi32, #tpu.memory_space<vmem>> -> memref<1x1x128xi32, #tpu.memory_space<vmem>>
        %dma_wait3A_481 = tpu.memref_squeeze %dma_wait3A_480 : memref<1x1x128xi32, #tpu.memory_space<vmem>> -> memref<128xi32, #tpu.memory_space<vmem>>
        %dma_wait3A_482 = arith.constant 0 : i32
        %dma_wait3A_483 = tpu.memref_slice %arg19[%dma_wait3A_482] : memref<10240xf32, #tpu.memory_space<vmem_shared>> -> memref<10240xf32, #tpu.memory_space<vmem_shared>>
        tpu.wait_indirect_dma semaphore(%run_scoped3A_473 : memref<!tpu.dma_semaphore, #tpu.memory_space<semaphore_mem>>) src(%arg18 : memref<128xf32, #tpu.memory_space<vmem>>) dst(%dma_wait3A_483 : memref<10240xf32, #tpu.memory_space<vmem_shared>>)
        tpu.yield
      }) : () -> ()
      %dma_wait3A_217 = arith.constant 0 : i32
      %dma_wait3A_218 = arith.constant 6 : i32
      %dma_wait3A_219 = arith.constant 0 : i32
      %dma_wait3A_220 = tpu.memref_slice %arg9[%dma_wait3A_217, %dma_wait3A_218, %dma_wait3A_219] : memref<2x8x128xi32, #tpu.memory_space<vmem>> -> memref<1x1x128xi32, #tpu.memory_space<vmem>>
      %dma_wait3A_221 = tpu.memref_squeeze %dma_wait3A_220 : memref<1x1x128xi32, #tpu.memory_space<vmem>> -> memref<128xi32, #tpu.memory_space<vmem>>
      %dma_wait3A_222 = arith.constant 0 : i32
      %dma_wait3A_223 = arith.constant 0 : i32
      %dma_wait3A_224 = tpu.memref_slice %arg2[%dma_wait3A_222, %dma_wait3A_223] : memref<10240x128xf32, #tpu.memory_space<hbm>> -> memref<10240x128xf32, #tpu.memory_space<hbm>>
      tpu.wait_indirect_dma semaphore(%arg16 : memref<!tpu.dma_semaphore, #tpu.memory_space<semaphore_mem>>) src(%dma_wait3A_224 : memref<10240x128xf32, #tpu.memory_space<hbm>>) dst(%arg11 : memref<128x128xf32, #tpu.memory_space<vmem>>)
      %dma_start3A_225 = arith.constant 0 : i32
      %dma_start3A_226 = arith.constant 7 : i32
      %dma_start3A_227 = arith.constant 0 : i32
      %dma_start3A_228 = tpu.memref_slice %arg9[%dma_start3A_225, %dma_start3A_226, %dma_start3A_227] : memref<2x8x128xi32, #tpu.memory_space<vmem>> -> memref<1x1x128xi32, #tpu.memory_space<vmem>>
      %dma_start3A_229 = tpu.memref_squeeze %dma_start3A_228 : memref<1x1x128xi32, #tpu.memory_space<vmem>> -> memref<128xi32, #tpu.memory_space<vmem>>
      %dma_start3A_230 = arith.constant 0 : i32
      %dma_start3A_231 = arith.constant 0 : i32
      %dma_start3A_232 = tpu.memref_slice %arg2[%dma_start3A_230, %dma_start3A_231] : memref<10240x128xf32, #tpu.memory_space<hbm>> -> memref<10240x128xf32, #tpu.memory_space<hbm>>
      tpu.enqueue_indirect_dma source(%dma_start3A_232 : memref<10240x128xf32, #tpu.memory_space<hbm>>) target(%arg12 : memref<128x128xf32, #tpu.memory_space<vmem>>) offsets(%dma_start3A_229 : memref<128xi32, #tpu.memory_space<vmem>>) semaphore(%arg17 : memref<!tpu.dma_semaphore, #tpu.memory_space<semaphore_mem>>)
      %run_scoped3A_233 = arith.constant 1 : i32
      %run_scoped3A_234 = arith.constant 6 : i32
      "tpu.region"() ({
        %run_scoped3A_473 = tpu.sem_alloc : memref<!tpu.dma_semaphore, #tpu.memory_space<semaphore_mem>>
        %dma_start3A_474 = arith.constant 0 : i32
        %dma_start3A_475 = tpu.memref_slice %arg9[%run_scoped3A_233, %run_scoped3A_234, %dma_start3A_474] : memref<2x8x128xi32, #tpu.memory_space<vmem>> -> memref<1x1x128xi32, #tpu.memory_space<vmem>>
        %dma_start3A_476 = tpu.memref_squeeze %dma_start3A_475 : memref<1x1x128xi32, #tpu.memory_space<vmem>> -> memref<128xi32, #tpu.memory_space<vmem>>
        %dma_start3A_477 = arith.constant 0 : i32
        %dma_start3A_478 = arith.constant 0 : i32
        %dma_start3A_479 = tpu.memref_slice %arg13[%dma_start3A_477, %dma_start3A_478] : memref<10240x128xf32, #tpu.memory_space<vmem_shared>> -> memref<10240x128xf32, #tpu.memory_space<vmem_shared>>
        tpu.enqueue_indirect_dma source(%arg11 : memref<128x128xf32, #tpu.memory_space<vmem>>) target(%dma_start3A_479 : memref<10240x128xf32, #tpu.memory_space<vmem_shared>>) offsets(%dma_start3A_476 : memref<128xi32, #tpu.memory_space<vmem>>) semaphore(%run_scoped3A_473 : memref<!tpu.dma_semaphore, #tpu.memory_space<semaphore_mem>>) {add = true}
        %dma_wait3A_480 = arith.constant 0 : i32
        %dma_wait3A_481 = tpu.memref_slice %arg9[%run_scoped3A_233, %run_scoped3A_234, %dma_wait3A_480] : memref<2x8x128xi32, #tpu.memory_space<vmem>> -> memref<1x1x128xi32, #tpu.memory_space<vmem>>
        %dma_wait3A_482 = tpu.memref_squeeze %dma_wait3A_481 : memref<1x1x128xi32, #tpu.memory_space<vmem>> -> memref<128xi32, #tpu.memory_space<vmem>>
        %dma_wait3A_483 = arith.constant 0 : i32
        %dma_wait3A_484 = arith.constant 0 : i32
        %dma_wait3A_485 = tpu.memref_slice %arg13[%dma_wait3A_483, %dma_wait3A_484] : memref<10240x128xf32, #tpu.memory_space<vmem_shared>> -> memref<10240x128xf32, #tpu.memory_space<vmem_shared>>
        tpu.wait_indirect_dma semaphore(%run_scoped3A_473 : memref<!tpu.dma_semaphore, #tpu.memory_space<semaphore_mem>>) src(%arg11 : memref<128x128xf32, #tpu.memory_space<vmem>>) dst(%dma_wait3A_485 : memref<10240x128xf32, #tpu.memory_space<vmem_shared>>)
        tpu.yield
      }) : () -> ()
      %run_scoped3A_235 = arith.constant 1 : i32
      %run_scoped3A_236 = arith.constant 6 : i32
      "tpu.region"() ({
        %run_scoped3A_473 = tpu.sem_alloc : memref<!tpu.dma_semaphore, #tpu.memory_space<semaphore_mem>>
        %dma_start3A_474 = arith.constant 0 : i32
        %dma_start3A_475 = tpu.memref_slice %arg9[%run_scoped3A_235, %run_scoped3A_236, %dma_start3A_474] : memref<2x8x128xi32, #tpu.memory_space<vmem>> -> memref<1x1x128xi32, #tpu.memory_space<vmem>>
        %dma_start3A_476 = tpu.memref_squeeze %dma_start3A_475 : memref<1x1x128xi32, #tpu.memory_space<vmem>> -> memref<128xi32, #tpu.memory_space<vmem>>
        %dma_start3A_477 = arith.constant 0 : i32
        %dma_start3A_478 = tpu.memref_slice %arg19[%dma_start3A_477] : memref<10240xf32, #tpu.memory_space<vmem_shared>> -> memref<10240xf32, #tpu.memory_space<vmem_shared>>
        tpu.enqueue_indirect_dma source(%arg18 : memref<128xf32, #tpu.memory_space<vmem>>) target(%dma_start3A_478 : memref<10240xf32, #tpu.memory_space<vmem_shared>>) offsets(%dma_start3A_476 : memref<128xi32, #tpu.memory_space<vmem>>) semaphore(%run_scoped3A_473 : memref<!tpu.dma_semaphore, #tpu.memory_space<semaphore_mem>>) {add = true}
        %dma_wait3A_479 = arith.constant 0 : i32
        %dma_wait3A_480 = tpu.memref_slice %arg9[%run_scoped3A_235, %run_scoped3A_236, %dma_wait3A_479] : memref<2x8x128xi32, #tpu.memory_space<vmem>> -> memref<1x1x128xi32, #tpu.memory_space<vmem>>
        %dma_wait3A_481 = tpu.memref_squeeze %dma_wait3A_480 : memref<1x1x128xi32, #tpu.memory_space<vmem>> -> memref<128xi32, #tpu.memory_space<vmem>>
        %dma_wait3A_482 = arith.constant 0 : i32
        %dma_wait3A_483 = tpu.memref_slice %arg19[%dma_wait3A_482] : memref<10240xf32, #tpu.memory_space<vmem_shared>> -> memref<10240xf32, #tpu.memory_space<vmem_shared>>
        tpu.wait_indirect_dma semaphore(%run_scoped3A_473 : memref<!tpu.dma_semaphore, #tpu.memory_space<semaphore_mem>>) src(%arg18 : memref<128xf32, #tpu.memory_space<vmem>>) dst(%dma_wait3A_483 : memref<10240xf32, #tpu.memory_space<vmem_shared>>)
        tpu.yield
      }) : () -> ()
      %dma_wait3A_237 = arith.constant 0 : i32
      %dma_wait3A_238 = arith.constant 7 : i32
      %dma_wait3A_239 = arith.constant 0 : i32
      %dma_wait3A_240 = tpu.memref_slice %arg9[%dma_wait3A_237, %dma_wait3A_238, %dma_wait3A_239] : memref<2x8x128xi32, #tpu.memory_space<vmem>> -> memref<1x1x128xi32, #tpu.memory_space<vmem>>
      %dma_wait3A_241 = tpu.memref_squeeze %dma_wait3A_240 : memref<1x1x128xi32, #tpu.memory_space<vmem>> -> memref<128xi32, #tpu.memory_space<vmem>>
      %dma_wait3A_242 = arith.constant 0 : i32
      %dma_wait3A_243 = arith.constant 0 : i32
      %dma_wait3A_244 = tpu.memref_slice %arg2[%dma_wait3A_242, %dma_wait3A_243] : memref<10240x128xf32, #tpu.memory_space<hbm>> -> memref<10240x128xf32, #tpu.memory_space<hbm>>
      tpu.wait_indirect_dma semaphore(%arg17 : memref<!tpu.dma_semaphore, #tpu.memory_space<semaphore_mem>>) src(%dma_wait3A_244 : memref<10240x128xf32, #tpu.memory_space<hbm>>) dst(%arg12 : memref<128x128xf32, #tpu.memory_space<vmem>>)
      %add3A_245 = arith.addi %select_n3A_10, %mul3A_97 : i32
      %add3A_246 = arith.constant 1 : i32
      %add3A_247 = arith.addi %add3A_245, %add3A_246 : i32
      %dma_wait3A_248 = arith.constant 0 : i32
      %dma_wait3A_249 = arith.constant 0 : i32
      %dma_wait3A_250 = arith.constant 0 : i32
      %dma_wait3A_251 = tpu.memref_slice %arg3[%add3A_247, %dma_wait3A_248, %dma_wait3A_249, %dma_wait3A_250] : memref<322x2x8x128xi32, #tpu.memory_space<hbm>> -> memref<1x2x8x128xi32, #tpu.memory_space<hbm>>
      %dma_wait3A_252 = tpu.memref_squeeze %dma_wait3A_251 : memref<1x2x8x128xi32, #tpu.memory_space<hbm>> -> memref<2x8x128xi32, #tpu.memory_space<hbm>>
      %dma_wait3A_253 = arith.constant 0 : i32
      %dma_wait3A_254 = arith.constant 0 : i32
      %dma_wait3A_255 = arith.constant 0 : i32
      %dma_wait3A_256 = tpu.memref_slice %arg3[%add3A_247, %dma_wait3A_253, %dma_wait3A_254, %dma_wait3A_255] : memref<322x2x8x128xi32, #tpu.memory_space<hbm>> -> memref<1x2x8x128xi32, #tpu.memory_space<hbm>>
      %dma_wait3A_257 = tpu.memref_squeeze %dma_wait3A_256 : memref<1x2x8x128xi32, #tpu.memory_space<hbm>> -> memref<2x8x128xi32, #tpu.memory_space<hbm>>
      tpu.wait_dma2 semaphore(%arg15 : memref<!tpu.dma_semaphore, #tpu.memory_space<semaphore_mem>>) src(%dma_wait3A_257 : memref<2x8x128xi32, #tpu.memory_space<hbm>>) dst(%arg10 : memref<2x8x128xi32, #tpu.memory_space<vmem>>)
      %dma_start3A_258 = arith.constant 0 : i32
      %dma_start3A_259 = arith.constant 0 : i32
      %dma_start3A_260 = arith.constant 0 : i32
      %dma_start3A_261 = tpu.memref_slice %arg10[%dma_start3A_258, %dma_start3A_259, %dma_start3A_260] : memref<2x8x128xi32, #tpu.memory_space<vmem>> -> memref<1x1x128xi32, #tpu.memory_space<vmem>>
      %dma_start3A_262 = tpu.memref_squeeze %dma_start3A_261 : memref<1x1x128xi32, #tpu.memory_space<vmem>> -> memref<128xi32, #tpu.memory_space<vmem>>
      %dma_start3A_263 = arith.constant 0 : i32
      %dma_start3A_264 = arith.constant 0 : i32
      %dma_start3A_265 = tpu.memref_slice %arg2[%dma_start3A_263, %dma_start3A_264] : memref<10240x128xf32, #tpu.memory_space<hbm>> -> memref<10240x128xf32, #tpu.memory_space<hbm>>
      tpu.enqueue_indirect_dma source(%dma_start3A_265 : memref<10240x128xf32, #tpu.memory_space<hbm>>) target(%arg11 : memref<128x128xf32, #tpu.memory_space<vmem>>) offsets(%dma_start3A_262 : memref<128xi32, #tpu.memory_space<vmem>>) semaphore(%arg16 : memref<!tpu.dma_semaphore, #tpu.memory_space<semaphore_mem>>)
      %run_scoped3A_266 = arith.constant 1 : i32
      %run_scoped3A_267 = arith.constant 7 : i32
      "tpu.region"() ({
        %run_scoped3A_473 = tpu.sem_alloc : memref<!tpu.dma_semaphore, #tpu.memory_space<semaphore_mem>>
        %dma_start3A_474 = arith.constant 0 : i32
        %dma_start3A_475 = tpu.memref_slice %arg9[%run_scoped3A_266, %run_scoped3A_267, %dma_start3A_474] : memref<2x8x128xi32, #tpu.memory_space<vmem>> -> memref<1x1x128xi32, #tpu.memory_space<vmem>>
        %dma_start3A_476 = tpu.memref_squeeze %dma_start3A_475 : memref<1x1x128xi32, #tpu.memory_space<vmem>> -> memref<128xi32, #tpu.memory_space<vmem>>
        %dma_start3A_477 = arith.constant 0 : i32
        %dma_start3A_478 = arith.constant 0 : i32
        %dma_start3A_479 = tpu.memref_slice %arg13[%dma_start3A_477, %dma_start3A_478] : memref<10240x128xf32, #tpu.memory_space<vmem_shared>> -> memref<10240x128xf32, #tpu.memory_space<vmem_shared>>
        tpu.enqueue_indirect_dma source(%arg12 : memref<128x128xf32, #tpu.memory_space<vmem>>) target(%dma_start3A_479 : memref<10240x128xf32, #tpu.memory_space<vmem_shared>>) offsets(%dma_start3A_476 : memref<128xi32, #tpu.memory_space<vmem>>) semaphore(%run_scoped3A_473 : memref<!tpu.dma_semaphore, #tpu.memory_space<semaphore_mem>>) {add = true}
        %dma_wait3A_480 = arith.constant 0 : i32
        %dma_wait3A_481 = tpu.memref_slice %arg9[%run_scoped3A_266, %run_scoped3A_267, %dma_wait3A_480] : memref<2x8x128xi32, #tpu.memory_space<vmem>> -> memref<1x1x128xi32, #tpu.memory_space<vmem>>
        %dma_wait3A_482 = tpu.memref_squeeze %dma_wait3A_481 : memref<1x1x128xi32, #tpu.memory_space<vmem>> -> memref<128xi32, #tpu.memory_space<vmem>>
        %dma_wait3A_483 = arith.constant 0 : i32
        %dma_wait3A_484 = arith.constant 0 : i32
        %dma_wait3A_485 = tpu.memref_slice %arg13[%dma_wait3A_483, %dma_wait3A_484] : memref<10240x128xf32, #tpu.memory_space<vmem_shared>> -> memref<10240x128xf32, #tpu.memory_space<vmem_shared>>
        tpu.wait_indirect_dma semaphore(%run_scoped3A_473 : memref<!tpu.dma_semaphore, #tpu.memory_space<semaphore_mem>>) src(%arg12 : memref<128x128xf32, #tpu.memory_space<vmem>>) dst(%dma_wait3A_485 : memref<10240x128xf32, #tpu.memory_space<vmem_shared>>)
        tpu.yield
      }) : () -> ()
      %run_scoped3A_268 = arith.constant 1 : i32
      %run_scoped3A_269 = arith.constant 7 : i32
      "tpu.region"() ({
        %run_scoped3A_473 = tpu.sem_alloc : memref<!tpu.dma_semaphore, #tpu.memory_space<semaphore_mem>>
        %dma_start3A_474 = arith.constant 0 : i32
        %dma_start3A_475 = tpu.memref_slice %arg9[%run_scoped3A_268, %run_scoped3A_269, %dma_start3A_474] : memref<2x8x128xi32, #tpu.memory_space<vmem>> -> memref<1x1x128xi32, #tpu.memory_space<vmem>>
        %dma_start3A_476 = tpu.memref_squeeze %dma_start3A_475 : memref<1x1x128xi32, #tpu.memory_space<vmem>> -> memref<128xi32, #tpu.memory_space<vmem>>
        %dma_start3A_477 = arith.constant 0 : i32
        %dma_start3A_478 = tpu.memref_slice %arg19[%dma_start3A_477] : memref<10240xf32, #tpu.memory_space<vmem_shared>> -> memref<10240xf32, #tpu.memory_space<vmem_shared>>
        tpu.enqueue_indirect_dma source(%arg18 : memref<128xf32, #tpu.memory_space<vmem>>) target(%dma_start3A_478 : memref<10240xf32, #tpu.memory_space<vmem_shared>>) offsets(%dma_start3A_476 : memref<128xi32, #tpu.memory_space<vmem>>) semaphore(%run_scoped3A_473 : memref<!tpu.dma_semaphore, #tpu.memory_space<semaphore_mem>>) {add = true}
        %dma_wait3A_479 = arith.constant 0 : i32
        %dma_wait3A_480 = tpu.memref_slice %arg9[%run_scoped3A_268, %run_scoped3A_269, %dma_wait3A_479] : memref<2x8x128xi32, #tpu.memory_space<vmem>> -> memref<1x1x128xi32, #tpu.memory_space<vmem>>
        %dma_wait3A_481 = tpu.memref_squeeze %dma_wait3A_480 : memref<1x1x128xi32, #tpu.memory_space<vmem>> -> memref<128xi32, #tpu.memory_space<vmem>>
        %dma_wait3A_482 = arith.constant 0 : i32
        %dma_wait3A_483 = tpu.memref_slice %arg19[%dma_wait3A_482] : memref<10240xf32, #tpu.memory_space<vmem_shared>> -> memref<10240xf32, #tpu.memory_space<vmem_shared>>
        tpu.wait_indirect_dma semaphore(%run_scoped3A_473 : memref<!tpu.dma_semaphore, #tpu.memory_space<semaphore_mem>>) src(%arg18 : memref<128xf32, #tpu.memory_space<vmem>>) dst(%dma_wait3A_483 : memref<10240xf32, #tpu.memory_space<vmem_shared>>)
        tpu.yield
      }) : () -> ()
      %add3A_270 = arith.addi %select_n3A_10, %mul3A_97 : i32
      %add3A_271 = arith.constant 2 : i32
      %add3A_272 = arith.addi %add3A_270, %add3A_271 : i32
      %dma_start3A_273 = arith.constant 0 : i32
      %dma_start3A_274 = arith.constant 0 : i32
      %dma_start3A_275 = arith.constant 0 : i32
      %dma_start3A_276 = tpu.memref_slice %arg3[%add3A_272, %dma_start3A_273, %dma_start3A_274, %dma_start3A_275] : memref<322x2x8x128xi32, #tpu.memory_space<hbm>> -> memref<1x2x8x128xi32, #tpu.memory_space<hbm>>
      %dma_start3A_277 = tpu.memref_squeeze %dma_start3A_276 : memref<1x2x8x128xi32, #tpu.memory_space<hbm>> -> memref<2x8x128xi32, #tpu.memory_space<hbm>>
      %dma_start3A_278 = arith.constant 0 : i32
      %dma_start3A_279 = arith.constant 0 : i32
      %dma_start3A_280 = arith.constant 0 : i32
      %dma_start3A_281 = tpu.memref_slice %arg3[%add3A_272, %dma_start3A_278, %dma_start3A_279, %dma_start3A_280] : memref<322x2x8x128xi32, #tpu.memory_space<hbm>> -> memref<1x2x8x128xi32, #tpu.memory_space<hbm>>
      %dma_start3A_282 = tpu.memref_squeeze %dma_start3A_281 : memref<1x2x8x128xi32, #tpu.memory_space<hbm>> -> memref<2x8x128xi32, #tpu.memory_space<hbm>>
      tpu.enqueue_dma source(%dma_start3A_282 : memref<2x8x128xi32, #tpu.memory_space<hbm>>) target(%arg9 : memref<2x8x128xi32, #tpu.memory_space<vmem>>) target_semaphore(%arg14 : memref<!tpu.dma_semaphore, #tpu.memory_space<semaphore_mem>>)
      %mul3A_283 = arith.constant 2 : i32
      %mul3A_284 = arith.muli %mul3A_283, %while3A_95 : i32
      %add3A_285 = arith.constant 1 : i32
      %add3A_286 = arith.addi %mul3A_284, %add3A_285 : i32
      %dma_wait3A_287 = arith.constant 0 : i32
      %dma_wait3A_288 = arith.constant 0 : i32
      %dma_wait3A_289 = arith.constant 0 : i32
      %dma_wait3A_290 = tpu.memref_slice %arg10[%dma_wait3A_287, %dma_wait3A_288, %dma_wait3A_289] : memref<2x8x128xi32, #tpu.memory_space<vmem>> -> memref<1x1x128xi32, #tpu.memory_space<vmem>>
      %dma_wait3A_291 = tpu.memref_squeeze %dma_wait3A_290 : memref<1x1x128xi32, #tpu.memory_space<vmem>> -> memref<128xi32, #tpu.memory_space<vmem>>
      %dma_wait3A_292 = arith.constant 0 : i32
      %dma_wait3A_293 = arith.constant 0 : i32
      %dma_wait3A_294 = tpu.memref_slice %arg2[%dma_wait3A_292, %dma_wait3A_293] : memref<10240x128xf32, #tpu.memory_space<hbm>> -> memref<10240x128xf32, #tpu.memory_space<hbm>>
      tpu.wait_indirect_dma semaphore(%arg16 : memref<!tpu.dma_semaphore, #tpu.memory_space<semaphore_mem>>) src(%dma_wait3A_294 : memref<10240x128xf32, #tpu.memory_space<hbm>>) dst(%arg11 : memref<128x128xf32, #tpu.memory_space<vmem>>)
      %dma_start3A_295 = arith.constant 0 : i32
      %dma_start3A_296 = arith.constant 1 : i32
      %dma_start3A_297 = arith.constant 0 : i32
      %dma_start3A_298 = tpu.memref_slice %arg10[%dma_start3A_295, %dma_start3A_296, %dma_start3A_297] : memref<2x8x128xi32, #tpu.memory_space<vmem>> -> memref<1x1x128xi32, #tpu.memory_space<vmem>>
      %dma_start3A_299 = tpu.memref_squeeze %dma_start3A_298 : memref<1x1x128xi32, #tpu.memory_space<vmem>> -> memref<128xi32, #tpu.memory_space<vmem>>
      %dma_start3A_300 = arith.constant 0 : i32
      %dma_start3A_301 = arith.constant 0 : i32
      %dma_start3A_302 = tpu.memref_slice %arg2[%dma_start3A_300, %dma_start3A_301] : memref<10240x128xf32, #tpu.memory_space<hbm>> -> memref<10240x128xf32, #tpu.memory_space<hbm>>
      tpu.enqueue_indirect_dma source(%dma_start3A_302 : memref<10240x128xf32, #tpu.memory_space<hbm>>) target(%arg12 : memref<128x128xf32, #tpu.memory_space<vmem>>) offsets(%dma_start3A_299 : memref<128xi32, #tpu.memory_space<vmem>>) semaphore(%arg17 : memref<!tpu.dma_semaphore, #tpu.memory_space<semaphore_mem>>)
      %run_scoped3A_303 = arith.constant 1 : i32
      %run_scoped3A_304 = arith.constant 0 : i32
      "tpu.region"() ({
        %run_scoped3A_473 = tpu.sem_alloc : memref<!tpu.dma_semaphore, #tpu.memory_space<semaphore_mem>>
        %dma_start3A_474 = arith.constant 0 : i32
        %dma_start3A_475 = tpu.memref_slice %arg10[%run_scoped3A_303, %run_scoped3A_304, %dma_start3A_474] : memref<2x8x128xi32, #tpu.memory_space<vmem>> -> memref<1x1x128xi32, #tpu.memory_space<vmem>>
        %dma_start3A_476 = tpu.memref_squeeze %dma_start3A_475 : memref<1x1x128xi32, #tpu.memory_space<vmem>> -> memref<128xi32, #tpu.memory_space<vmem>>
        %dma_start3A_477 = arith.constant 0 : i32
        %dma_start3A_478 = arith.constant 0 : i32
        %dma_start3A_479 = tpu.memref_slice %arg13[%dma_start3A_477, %dma_start3A_478] : memref<10240x128xf32, #tpu.memory_space<vmem_shared>> -> memref<10240x128xf32, #tpu.memory_space<vmem_shared>>
        tpu.enqueue_indirect_dma source(%arg11 : memref<128x128xf32, #tpu.memory_space<vmem>>) target(%dma_start3A_479 : memref<10240x128xf32, #tpu.memory_space<vmem_shared>>) offsets(%dma_start3A_476 : memref<128xi32, #tpu.memory_space<vmem>>) semaphore(%run_scoped3A_473 : memref<!tpu.dma_semaphore, #tpu.memory_space<semaphore_mem>>) {add = true}
        %dma_wait3A_480 = arith.constant 0 : i32
        %dma_wait3A_481 = tpu.memref_slice %arg10[%run_scoped3A_303, %run_scoped3A_304, %dma_wait3A_480] : memref<2x8x128xi32, #tpu.memory_space<vmem>> -> memref<1x1x128xi32, #tpu.memory_space<vmem>>
        %dma_wait3A_482 = tpu.memref_squeeze %dma_wait3A_481 : memref<1x1x128xi32, #tpu.memory_space<vmem>> -> memref<128xi32, #tpu.memory_space<vmem>>
        %dma_wait3A_483 = arith.constant 0 : i32
        %dma_wait3A_484 = arith.constant 0 : i32
        %dma_wait3A_485 = tpu.memref_slice %arg13[%dma_wait3A_483, %dma_wait3A_484] : memref<10240x128xf32, #tpu.memory_space<vmem_shared>> -> memref<10240x128xf32, #tpu.memory_space<vmem_shared>>
        tpu.wait_indirect_dma semaphore(%run_scoped3A_473 : memref<!tpu.dma_semaphore, #tpu.memory_space<semaphore_mem>>) src(%arg11 : memref<128x128xf32, #tpu.memory_space<vmem>>) dst(%dma_wait3A_485 : memref<10240x128xf32, #tpu.memory_space<vmem_shared>>)
        tpu.yield
      }) : () -> ()
      %run_scoped3A_305 = arith.constant 1 : i32
      %run_scoped3A_306 = arith.constant 0 : i32
      "tpu.region"() ({
        %run_scoped3A_473 = tpu.sem_alloc : memref<!tpu.dma_semaphore, #tpu.memory_space<semaphore_mem>>
        %dma_start3A_474 = arith.constant 0 : i32
        %dma_start3A_475 = tpu.memref_slice %arg10[%run_scoped3A_305, %run_scoped3A_306, %dma_start3A_474] : memref<2x8x128xi32, #tpu.memory_space<vmem>> -> memref<1x1x128xi32, #tpu.memory_space<vmem>>
        %dma_start3A_476 = tpu.memref_squeeze %dma_start3A_475 : memref<1x1x128xi32, #tpu.memory_space<vmem>> -> memref<128xi32, #tpu.memory_space<vmem>>
        %dma_start3A_477 = arith.constant 0 : i32
        %dma_start3A_478 = tpu.memref_slice %arg19[%dma_start3A_477] : memref<10240xf32, #tpu.memory_space<vmem_shared>> -> memref<10240xf32, #tpu.memory_space<vmem_shared>>
        tpu.enqueue_indirect_dma source(%arg18 : memref<128xf32, #tpu.memory_space<vmem>>) target(%dma_start3A_478 : memref<10240xf32, #tpu.memory_space<vmem_shared>>) offsets(%dma_start3A_476 : memref<128xi32, #tpu.memory_space<vmem>>) semaphore(%run_scoped3A_473 : memref<!tpu.dma_semaphore, #tpu.memory_space<semaphore_mem>>) {add = true}
        %dma_wait3A_479 = arith.constant 0 : i32
        %dma_wait3A_480 = tpu.memref_slice %arg10[%run_scoped3A_305, %run_scoped3A_306, %dma_wait3A_479] : memref<2x8x128xi32, #tpu.memory_space<vmem>> -> memref<1x1x128xi32, #tpu.memory_space<vmem>>
        %dma_wait3A_481 = tpu.memref_squeeze %dma_wait3A_480 : memref<1x1x128xi32, #tpu.memory_space<vmem>> -> memref<128xi32, #tpu.memory_space<vmem>>
        %dma_wait3A_482 = arith.constant 0 : i32
        %dma_wait3A_483 = tpu.memref_slice %arg19[%dma_wait3A_482] : memref<10240xf32, #tpu.memory_space<vmem_shared>> -> memref<10240xf32, #tpu.memory_space<vmem_shared>>
        tpu.wait_indirect_dma semaphore(%run_scoped3A_473 : memref<!tpu.dma_semaphore, #tpu.memory_space<semaphore_mem>>) src(%arg18 : memref<128xf32, #tpu.memory_space<vmem>>) dst(%dma_wait3A_483 : memref<10240xf32, #tpu.memory_space<vmem_shared>>)
        tpu.yield
      }) : () -> ()
      %dma_wait3A_307 = arith.constant 0 : i32
      %dma_wait3A_308 = arith.constant 1 : i32
      %dma_wait3A_309 = arith.constant 0 : i32
      %dma_wait3A_310 = tpu.memref_slice %arg10[%dma_wait3A_307, %dma_wait3A_308, %dma_wait3A_309] : memref<2x8x128xi32, #tpu.memory_space<vmem>> -> memref<1x1x128xi32, #tpu.memory_space<vmem>>
      %dma_wait3A_311 = tpu.memref_squeeze %dma_wait3A_310 : memref<1x1x128xi32, #tpu.memory_space<vmem>> -> memref<128xi32, #tpu.memory_space<vmem>>
      %dma_wait3A_312 = arith.constant 0 : i32
      %dma_wait3A_313 = arith.constant 0 : i32
      %dma_wait3A_314 = tpu.memref_slice %arg2[%dma_wait3A_312, %dma_wait3A_313] : memref<10240x128xf32, #tpu.memory_space<hbm>> -> memref<10240x128xf32, #tpu.memory_space<hbm>>
      tpu.wait_indirect_dma semaphore(%arg17 : memref<!tpu.dma_semaphore, #tpu.memory_space<semaphore_mem>>) src(%dma_wait3A_314 : memref<10240x128xf32, #tpu.memory_space<hbm>>) dst(%arg12 : memref<128x128xf32, #tpu.memory_space<vmem>>)
      %dma_start3A_315 = arith.constant 0 : i32
      %dma_start3A_316 = arith.constant 2 : i32
      %dma_start3A_317 = arith.constant 0 : i32
      %dma_start3A_318 = tpu.memref_slice %arg10[%dma_start3A_315, %dma_start3A_316, %dma_start3A_317] : memref<2x8x128xi32, #tpu.memory_space<vmem>> -> memref<1x1x128xi32, #tpu.memory_space<vmem>>
      %dma_start3A_319 = tpu.memref_squeeze %dma_start3A_318 : memref<1x1x128xi32, #tpu.memory_space<vmem>> -> memref<128xi32, #tpu.memory_space<vmem>>
      %dma_start3A_320 = arith.constant 0 : i32
      %dma_start3A_321 = arith.constant 0 : i32
      %dma_start3A_322 = tpu.memref_slice %arg2[%dma_start3A_320, %dma_start3A_321] : memref<10240x128xf32, #tpu.memory_space<hbm>> -> memref<10240x128xf32, #tpu.memory_space<hbm>>
      tpu.enqueue_indirect_dma source(%dma_start3A_322 : memref<10240x128xf32, #tpu.memory_space<hbm>>) target(%arg11 : memref<128x128xf32, #tpu.memory_space<vmem>>) offsets(%dma_start3A_319 : memref<128xi32, #tpu.memory_space<vmem>>) semaphore(%arg16 : memref<!tpu.dma_semaphore, #tpu.memory_space<semaphore_mem>>)
      %run_scoped3A_323 = arith.constant 1 : i32
      %run_scoped3A_324 = arith.constant 1 : i32
      "tpu.region"() ({
        %run_scoped3A_473 = tpu.sem_alloc : memref<!tpu.dma_semaphore, #tpu.memory_space<semaphore_mem>>
        %dma_start3A_474 = arith.constant 0 : i32
        %dma_start3A_475 = tpu.memref_slice %arg10[%run_scoped3A_323, %run_scoped3A_324, %dma_start3A_474] : memref<2x8x128xi32, #tpu.memory_space<vmem>> -> memref<1x1x128xi32, #tpu.memory_space<vmem>>
        %dma_start3A_476 = tpu.memref_squeeze %dma_start3A_475 : memref<1x1x128xi32, #tpu.memory_space<vmem>> -> memref<128xi32, #tpu.memory_space<vmem>>
        %dma_start3A_477 = arith.constant 0 : i32
        %dma_start3A_478 = arith.constant 0 : i32
        %dma_start3A_479 = tpu.memref_slice %arg13[%dma_start3A_477, %dma_start3A_478] : memref<10240x128xf32, #tpu.memory_space<vmem_shared>> -> memref<10240x128xf32, #tpu.memory_space<vmem_shared>>
        tpu.enqueue_indirect_dma source(%arg12 : memref<128x128xf32, #tpu.memory_space<vmem>>) target(%dma_start3A_479 : memref<10240x128xf32, #tpu.memory_space<vmem_shared>>) offsets(%dma_start3A_476 : memref<128xi32, #tpu.memory_space<vmem>>) semaphore(%run_scoped3A_473 : memref<!tpu.dma_semaphore, #tpu.memory_space<semaphore_mem>>) {add = true}
        %dma_wait3A_480 = arith.constant 0 : i32
        %dma_wait3A_481 = tpu.memref_slice %arg10[%run_scoped3A_323, %run_scoped3A_324, %dma_wait3A_480] : memref<2x8x128xi32, #tpu.memory_space<vmem>> -> memref<1x1x128xi32, #tpu.memory_space<vmem>>
        %dma_wait3A_482 = tpu.memref_squeeze %dma_wait3A_481 : memref<1x1x128xi32, #tpu.memory_space<vmem>> -> memref<128xi32, #tpu.memory_space<vmem>>
        %dma_wait3A_483 = arith.constant 0 : i32
        %dma_wait3A_484 = arith.constant 0 : i32
        %dma_wait3A_485 = tpu.memref_slice %arg13[%dma_wait3A_483, %dma_wait3A_484] : memref<10240x128xf32, #tpu.memory_space<vmem_shared>> -> memref<10240x128xf32, #tpu.memory_space<vmem_shared>>
        tpu.wait_indirect_dma semaphore(%run_scoped3A_473 : memref<!tpu.dma_semaphore, #tpu.memory_space<semaphore_mem>>) src(%arg12 : memref<128x128xf32, #tpu.memory_space<vmem>>) dst(%dma_wait3A_485 : memref<10240x128xf32, #tpu.memory_space<vmem_shared>>)
        tpu.yield
      }) : () -> ()
      %run_scoped3A_325 = arith.constant 1 : i32
      %run_scoped3A_326 = arith.constant 1 : i32
      "tpu.region"() ({
        %run_scoped3A_473 = tpu.sem_alloc : memref<!tpu.dma_semaphore, #tpu.memory_space<semaphore_mem>>
        %dma_start3A_474 = arith.constant 0 : i32
        %dma_start3A_475 = tpu.memref_slice %arg10[%run_scoped3A_325, %run_scoped3A_326, %dma_start3A_474] : memref<2x8x128xi32, #tpu.memory_space<vmem>> -> memref<1x1x128xi32, #tpu.memory_space<vmem>>
        %dma_start3A_476 = tpu.memref_squeeze %dma_start3A_475 : memref<1x1x128xi32, #tpu.memory_space<vmem>> -> memref<128xi32, #tpu.memory_space<vmem>>
        %dma_start3A_477 = arith.constant 0 : i32
        %dma_start3A_478 = tpu.memref_slice %arg19[%dma_start3A_477] : memref<10240xf32, #tpu.memory_space<vmem_shared>> -> memref<10240xf32, #tpu.memory_space<vmem_shared>>
        tpu.enqueue_indirect_dma source(%arg18 : memref<128xf32, #tpu.memory_space<vmem>>) target(%dma_start3A_478 : memref<10240xf32, #tpu.memory_space<vmem_shared>>) offsets(%dma_start3A_476 : memref<128xi32, #tpu.memory_space<vmem>>) semaphore(%run_scoped3A_473 : memref<!tpu.dma_semaphore, #tpu.memory_space<semaphore_mem>>) {add = true}
        %dma_wait3A_479 = arith.constant 0 : i32
        %dma_wait3A_480 = tpu.memref_slice %arg10[%run_scoped3A_325, %run_scoped3A_326, %dma_wait3A_479] : memref<2x8x128xi32, #tpu.memory_space<vmem>> -> memref<1x1x128xi32, #tpu.memory_space<vmem>>
        %dma_wait3A_481 = tpu.memref_squeeze %dma_wait3A_480 : memref<1x1x128xi32, #tpu.memory_space<vmem>> -> memref<128xi32, #tpu.memory_space<vmem>>
        %dma_wait3A_482 = arith.constant 0 : i32
        %dma_wait3A_483 = tpu.memref_slice %arg19[%dma_wait3A_482] : memref<10240xf32, #tpu.memory_space<vmem_shared>> -> memref<10240xf32, #tpu.memory_space<vmem_shared>>
        tpu.wait_indirect_dma semaphore(%run_scoped3A_473 : memref<!tpu.dma_semaphore, #tpu.memory_space<semaphore_mem>>) src(%arg18 : memref<128xf32, #tpu.memory_space<vmem>>) dst(%dma_wait3A_483 : memref<10240xf32, #tpu.memory_space<vmem_shared>>)
        tpu.yield
      }) : () -> ()
      %dma_wait3A_327 = arith.constant 0 : i32
      %dma_wait3A_328 = arith.constant 2 : i32
      %dma_wait3A_329 = arith.constant 0 : i32
      %dma_wait3A_330 = tpu.memref_slice %arg10[%dma_wait3A_327, %dma_wait3A_328, %dma_wait3A_329] : memref<2x8x128xi32, #tpu.memory_space<vmem>> -> memref<1x1x128xi32, #tpu.memory_space<vmem>>
      %dma_wait3A_331 = tpu.memref_squeeze %dma_wait3A_330 : memref<1x1x128xi32, #tpu.memory_space<vmem>> -> memref<128xi32, #tpu.memory_space<vmem>>
      %dma_wait3A_332 = arith.constant 0 : i32
      %dma_wait3A_333 = arith.constant 0 : i32
      %dma_wait3A_334 = tpu.memref_slice %arg2[%dma_wait3A_332, %dma_wait3A_333] : memref<10240x128xf32, #tpu.memory_space<hbm>> -> memref<10240x128xf32, #tpu.memory_space<hbm>>
      tpu.wait_indirect_dma semaphore(%arg16 : memref<!tpu.dma_semaphore, #tpu.memory_space<semaphore_mem>>) src(%dma_wait3A_334 : memref<10240x128xf32, #tpu.memory_space<hbm>>) dst(%arg11 : memref<128x128xf32, #tpu.memory_space<vmem>>)
      %dma_start3A_335 = arith.constant 0 : i32
      %dma_start3A_336 = arith.constant 3 : i32
      %dma_start3A_337 = arith.constant 0 : i32
      %dma_start3A_338 = tpu.memref_slice %arg10[%dma_start3A_335, %dma_start3A_336, %dma_start3A_337] : memref<2x8x128xi32, #tpu.memory_space<vmem>> -> memref<1x1x128xi32, #tpu.memory_space<vmem>>
      %dma_start3A_339 = tpu.memref_squeeze %dma_start3A_338 : memref<1x1x128xi32, #tpu.memory_space<vmem>> -> memref<128xi32, #tpu.memory_space<vmem>>
      %dma_start3A_340 = arith.constant 0 : i32
      %dma_start3A_341 = arith.constant 0 : i32
      %dma_start3A_342 = tpu.memref_slice %arg2[%dma_start3A_340, %dma_start3A_341] : memref<10240x128xf32, #tpu.memory_space<hbm>> -> memref<10240x128xf32, #tpu.memory_space<hbm>>
      tpu.enqueue_indirect_dma source(%dma_start3A_342 : memref<10240x128xf32, #tpu.memory_space<hbm>>) target(%arg12 : memref<128x128xf32, #tpu.memory_space<vmem>>) offsets(%dma_start3A_339 : memref<128xi32, #tpu.memory_space<vmem>>) semaphore(%arg17 : memref<!tpu.dma_semaphore, #tpu.memory_space<semaphore_mem>>)
      %run_scoped3A_343 = arith.constant 1 : i32
      %run_scoped3A_344 = arith.constant 2 : i32
      "tpu.region"() ({
        %run_scoped3A_473 = tpu.sem_alloc : memref<!tpu.dma_semaphore, #tpu.memory_space<semaphore_mem>>
        %dma_start3A_474 = arith.constant 0 : i32
        %dma_start3A_475 = tpu.memref_slice %arg10[%run_scoped3A_343, %run_scoped3A_344, %dma_start3A_474] : memref<2x8x128xi32, #tpu.memory_space<vmem>> -> memref<1x1x128xi32, #tpu.memory_space<vmem>>
        %dma_start3A_476 = tpu.memref_squeeze %dma_start3A_475 : memref<1x1x128xi32, #tpu.memory_space<vmem>> -> memref<128xi32, #tpu.memory_space<vmem>>
        %dma_start3A_477 = arith.constant 0 : i32
        %dma_start3A_478 = arith.constant 0 : i32
        %dma_start3A_479 = tpu.memref_slice %arg13[%dma_start3A_477, %dma_start3A_478] : memref<10240x128xf32, #tpu.memory_space<vmem_shared>> -> memref<10240x128xf32, #tpu.memory_space<vmem_shared>>
        tpu.enqueue_indirect_dma source(%arg11 : memref<128x128xf32, #tpu.memory_space<vmem>>) target(%dma_start3A_479 : memref<10240x128xf32, #tpu.memory_space<vmem_shared>>) offsets(%dma_start3A_476 : memref<128xi32, #tpu.memory_space<vmem>>) semaphore(%run_scoped3A_473 : memref<!tpu.dma_semaphore, #tpu.memory_space<semaphore_mem>>) {add = true}
        %dma_wait3A_480 = arith.constant 0 : i32
        %dma_wait3A_481 = tpu.memref_slice %arg10[%run_scoped3A_343, %run_scoped3A_344, %dma_wait3A_480] : memref<2x8x128xi32, #tpu.memory_space<vmem>> -> memref<1x1x128xi32, #tpu.memory_space<vmem>>
        %dma_wait3A_482 = tpu.memref_squeeze %dma_wait3A_481 : memref<1x1x128xi32, #tpu.memory_space<vmem>> -> memref<128xi32, #tpu.memory_space<vmem>>
        %dma_wait3A_483 = arith.constant 0 : i32
        %dma_wait3A_484 = arith.constant 0 : i32
        %dma_wait3A_485 = tpu.memref_slice %arg13[%dma_wait3A_483, %dma_wait3A_484] : memref<10240x128xf32, #tpu.memory_space<vmem_shared>> -> memref<10240x128xf32, #tpu.memory_space<vmem_shared>>
        tpu.wait_indirect_dma semaphore(%run_scoped3A_473 : memref<!tpu.dma_semaphore, #tpu.memory_space<semaphore_mem>>) src(%arg11 : memref<128x128xf32, #tpu.memory_space<vmem>>) dst(%dma_wait3A_485 : memref<10240x128xf32, #tpu.memory_space<vmem_shared>>)
        tpu.yield
      }) : () -> ()
      %run_scoped3A_345 = arith.constant 1 : i32
      %run_scoped3A_346 = arith.constant 2 : i32
      "tpu.region"() ({
        %run_scoped3A_473 = tpu.sem_alloc : memref<!tpu.dma_semaphore, #tpu.memory_space<semaphore_mem>>
        %dma_start3A_474 = arith.constant 0 : i32
        %dma_start3A_475 = tpu.memref_slice %arg10[%run_scoped3A_345, %run_scoped3A_346, %dma_start3A_474] : memref<2x8x128xi32, #tpu.memory_space<vmem>> -> memref<1x1x128xi32, #tpu.memory_space<vmem>>
        %dma_start3A_476 = tpu.memref_squeeze %dma_start3A_475 : memref<1x1x128xi32, #tpu.memory_space<vmem>> -> memref<128xi32, #tpu.memory_space<vmem>>
        %dma_start3A_477 = arith.constant 0 : i32
        %dma_start3A_478 = tpu.memref_slice %arg19[%dma_start3A_477] : memref<10240xf32, #tpu.memory_space<vmem_shared>> -> memref<10240xf32, #tpu.memory_space<vmem_shared>>
        tpu.enqueue_indirect_dma source(%arg18 : memref<128xf32, #tpu.memory_space<vmem>>) target(%dma_start3A_478 : memref<10240xf32, #tpu.memory_space<vmem_shared>>) offsets(%dma_start3A_476 : memref<128xi32, #tpu.memory_space<vmem>>) semaphore(%run_scoped3A_473 : memref<!tpu.dma_semaphore, #tpu.memory_space<semaphore_mem>>) {add = true}
        %dma_wait3A_479 = arith.constant 0 : i32
        %dma_wait3A_480 = tpu.memref_slice %arg10[%run_scoped3A_345, %run_scoped3A_346, %dma_wait3A_479] : memref<2x8x128xi32, #tpu.memory_space<vmem>> -> memref<1x1x128xi32, #tpu.memory_space<vmem>>
        %dma_wait3A_481 = tpu.memref_squeeze %dma_wait3A_480 : memref<1x1x128xi32, #tpu.memory_space<vmem>> -> memref<128xi32, #tpu.memory_space<vmem>>
        %dma_wait3A_482 = arith.constant 0 : i32
        %dma_wait3A_483 = tpu.memref_slice %arg19[%dma_wait3A_482] : memref<10240xf32, #tpu.memory_space<vmem_shared>> -> memref<10240xf32, #tpu.memory_space<vmem_shared>>
        tpu.wait_indirect_dma semaphore(%run_scoped3A_473 : memref<!tpu.dma_semaphore, #tpu.memory_space<semaphore_mem>>) src(%arg18 : memref<128xf32, #tpu.memory_space<vmem>>) dst(%dma_wait3A_483 : memref<10240xf32, #tpu.memory_space<vmem_shared>>)
        tpu.yield
      }) : () -> ()
      %dma_wait3A_347 = arith.constant 0 : i32
      %dma_wait3A_348 = arith.constant 3 : i32
      %dma_wait3A_349 = arith.constant 0 : i32
      %dma_wait3A_350 = tpu.memref_slice %arg10[%dma_wait3A_347, %dma_wait3A_348, %dma_wait3A_349] : memref<2x8x128xi32, #tpu.memory_space<vmem>> -> memref<1x1x128xi32, #tpu.memory_space<vmem>>
      %dma_wait3A_351 = tpu.memref_squeeze %dma_wait3A_350 : memref<1x1x128xi32, #tpu.memory_space<vmem>> -> memref<128xi32, #tpu.memory_space<vmem>>
      %dma_wait3A_352 = arith.constant 0 : i32
      %dma_wait3A_353 = arith.constant 0 : i32
      %dma_wait3A_354 = tpu.memref_slice %arg2[%dma_wait3A_352, %dma_wait3A_353] : memref<10240x128xf32, #tpu.memory_space<hbm>> -> memref<10240x128xf32, #tpu.memory_space<hbm>>
      tpu.wait_indirect_dma semaphore(%arg17 : memref<!tpu.dma_semaphore, #tpu.memory_space<semaphore_mem>>) src(%dma_wait3A_354 : memref<10240x128xf32, #tpu.memory_space<hbm>>) dst(%arg12 : memref<128x128xf32, #tpu.memory_space<vmem>>)
      %dma_start3A_355 = arith.constant 0 : i32
      %dma_start3A_356 = arith.constant 4 : i32
      %dma_start3A_357 = arith.constant 0 : i32
      %dma_start3A_358 = tpu.memref_slice %arg10[%dma_start3A_355, %dma_start3A_356, %dma_start3A_357] : memref<2x8x128xi32, #tpu.memory_space<vmem>> -> memref<1x1x128xi32, #tpu.memory_space<vmem>>
      %dma_start3A_359 = tpu.memref_squeeze %dma_start3A_358 : memref<1x1x128xi32, #tpu.memory_space<vmem>> -> memref<128xi32, #tpu.memory_space<vmem>>
      %dma_start3A_360 = arith.constant 0 : i32
      %dma_start3A_361 = arith.constant 0 : i32
      %dma_start3A_362 = tpu.memref_slice %arg2[%dma_start3A_360, %dma_start3A_361] : memref<10240x128xf32, #tpu.memory_space<hbm>> -> memref<10240x128xf32, #tpu.memory_space<hbm>>
      tpu.enqueue_indirect_dma source(%dma_start3A_362 : memref<10240x128xf32, #tpu.memory_space<hbm>>) target(%arg11 : memref<128x128xf32, #tpu.memory_space<vmem>>) offsets(%dma_start3A_359 : memref<128xi32, #tpu.memory_space<vmem>>) semaphore(%arg16 : memref<!tpu.dma_semaphore, #tpu.memory_space<semaphore_mem>>)
      %run_scoped3A_363 = arith.constant 1 : i32
      %run_scoped3A_364 = arith.constant 3 : i32
      "tpu.region"() ({
        %run_scoped3A_473 = tpu.sem_alloc : memref<!tpu.dma_semaphore, #tpu.memory_space<semaphore_mem>>
        %dma_start3A_474 = arith.constant 0 : i32
        %dma_start3A_475 = tpu.memref_slice %arg10[%run_scoped3A_363, %run_scoped3A_364, %dma_start3A_474] : memref<2x8x128xi32, #tpu.memory_space<vmem>> -> memref<1x1x128xi32, #tpu.memory_space<vmem>>
        %dma_start3A_476 = tpu.memref_squeeze %dma_start3A_475 : memref<1x1x128xi32, #tpu.memory_space<vmem>> -> memref<128xi32, #tpu.memory_space<vmem>>
        %dma_start3A_477 = arith.constant 0 : i32
        %dma_start3A_478 = arith.constant 0 : i32
        %dma_start3A_479 = tpu.memref_slice %arg13[%dma_start3A_477, %dma_start3A_478] : memref<10240x128xf32, #tpu.memory_space<vmem_shared>> -> memref<10240x128xf32, #tpu.memory_space<vmem_shared>>
        tpu.enqueue_indirect_dma source(%arg12 : memref<128x128xf32, #tpu.memory_space<vmem>>) target(%dma_start3A_479 : memref<10240x128xf32, #tpu.memory_space<vmem_shared>>) offsets(%dma_start3A_476 : memref<128xi32, #tpu.memory_space<vmem>>) semaphore(%run_scoped3A_473 : memref<!tpu.dma_semaphore, #tpu.memory_space<semaphore_mem>>) {add = true}
        %dma_wait3A_480 = arith.constant 0 : i32
        %dma_wait3A_481 = tpu.memref_slice %arg10[%run_scoped3A_363, %run_scoped3A_364, %dma_wait3A_480] : memref<2x8x128xi32, #tpu.memory_space<vmem>> -> memref<1x1x128xi32, #tpu.memory_space<vmem>>
        %dma_wait3A_482 = tpu.memref_squeeze %dma_wait3A_481 : memref<1x1x128xi32, #tpu.memory_space<vmem>> -> memref<128xi32, #tpu.memory_space<vmem>>
        %dma_wait3A_483 = arith.constant 0 : i32
        %dma_wait3A_484 = arith.constant 0 : i32
        %dma_wait3A_485 = tpu.memref_slice %arg13[%dma_wait3A_483, %dma_wait3A_484] : memref<10240x128xf32, #tpu.memory_space<vmem_shared>> -> memref<10240x128xf32, #tpu.memory_space<vmem_shared>>
        tpu.wait_indirect_dma semaphore(%run_scoped3A_473 : memref<!tpu.dma_semaphore, #tpu.memory_space<semaphore_mem>>) src(%arg12 : memref<128x128xf32, #tpu.memory_space<vmem>>) dst(%dma_wait3A_485 : memref<10240x128xf32, #tpu.memory_space<vmem_shared>>)
        tpu.yield
      }) : () -> ()
      %run_scoped3A_365 = arith.constant 1 : i32
      %run_scoped3A_366 = arith.constant 3 : i32
      "tpu.region"() ({
        %run_scoped3A_473 = tpu.sem_alloc : memref<!tpu.dma_semaphore, #tpu.memory_space<semaphore_mem>>
        %dma_start3A_474 = arith.constant 0 : i32
        %dma_start3A_475 = tpu.memref_slice %arg10[%run_scoped3A_365, %run_scoped3A_366, %dma_start3A_474] : memref<2x8x128xi32, #tpu.memory_space<vmem>> -> memref<1x1x128xi32, #tpu.memory_space<vmem>>
        %dma_start3A_476 = tpu.memref_squeeze %dma_start3A_475 : memref<1x1x128xi32, #tpu.memory_space<vmem>> -> memref<128xi32, #tpu.memory_space<vmem>>
        %dma_start3A_477 = arith.constant 0 : i32
        %dma_start3A_478 = tpu.memref_slice %arg19[%dma_start3A_477] : memref<10240xf32, #tpu.memory_space<vmem_shared>> -> memref<10240xf32, #tpu.memory_space<vmem_shared>>
        tpu.enqueue_indirect_dma source(%arg18 : memref<128xf32, #tpu.memory_space<vmem>>) target(%dma_start3A_478 : memref<10240xf32, #tpu.memory_space<vmem_shared>>) offsets(%dma_start3A_476 : memref<128xi32, #tpu.memory_space<vmem>>) semaphore(%run_scoped3A_473 : memref<!tpu.dma_semaphore, #tpu.memory_space<semaphore_mem>>) {add = true}
        %dma_wait3A_479 = arith.constant 0 : i32
        %dma_wait3A_480 = tpu.memref_slice %arg10[%run_scoped3A_365, %run_scoped3A_366, %dma_wait3A_479] : memref<2x8x128xi32, #tpu.memory_space<vmem>> -> memref<1x1x128xi32, #tpu.memory_space<vmem>>
        %dma_wait3A_481 = tpu.memref_squeeze %dma_wait3A_480 : memref<1x1x128xi32, #tpu.memory_space<vmem>> -> memref<128xi32, #tpu.memory_space<vmem>>
        %dma_wait3A_482 = arith.constant 0 : i32
        %dma_wait3A_483 = tpu.memref_slice %arg19[%dma_wait3A_482] : memref<10240xf32, #tpu.memory_space<vmem_shared>> -> memref<10240xf32, #tpu.memory_space<vmem_shared>>
        tpu.wait_indirect_dma semaphore(%run_scoped3A_473 : memref<!tpu.dma_semaphore, #tpu.memory_space<semaphore_mem>>) src(%arg18 : memref<128xf32, #tpu.memory_space<vmem>>) dst(%dma_wait3A_483 : memref<10240xf32, #tpu.memory_space<vmem_shared>>)
        tpu.yield
      }) : () -> ()
      %dma_wait3A_367 = arith.constant 0 : i32
      %dma_wait3A_368 = arith.constant 4 : i32
      %dma_wait3A_369 = arith.constant 0 : i32
      %dma_wait3A_370 = tpu.memref_slice %arg10[%dma_wait3A_367, %dma_wait3A_368, %dma_wait3A_369] : memref<2x8x128xi32, #tpu.memory_space<vmem>> -> memref<1x1x128xi32, #tpu.memory_space<vmem>>
      %dma_wait3A_371 = tpu.memref_squeeze %dma_wait3A_370 : memref<1x1x128xi32, #tpu.memory_space<vmem>> -> memref<128xi32, #tpu.memory_space<vmem>>
      %dma_wait3A_372 = arith.constant 0 : i32
      %dma_wait3A_373 = arith.constant 0 : i32
      %dma_wait3A_374 = tpu.memref_slice %arg2[%dma_wait3A_372, %dma_wait3A_373] : memref<10240x128xf32, #tpu.memory_space<hbm>> -> memref<10240x128xf32, #tpu.memory_space<hbm>>
      tpu.wait_indirect_dma semaphore(%arg16 : memref<!tpu.dma_semaphore, #tpu.memory_space<semaphore_mem>>) src(%dma_wait3A_374 : memref<10240x128xf32, #tpu.memory_space<hbm>>) dst(%arg11 : memref<128x128xf32, #tpu.memory_space<vmem>>)
      %dma_start3A_375 = arith.constant 0 : i32
      %dma_start3A_376 = arith.constant 5 : i32
      %dma_start3A_377 = arith.constant 0 : i32
      %dma_start3A_378 = tpu.memref_slice %arg10[%dma_start3A_375, %dma_start3A_376, %dma_start3A_377] : memref<2x8x128xi32, #tpu.memory_space<vmem>> -> memref<1x1x128xi32, #tpu.memory_space<vmem>>
      %dma_start3A_379 = tpu.memref_squeeze %dma_start3A_378 : memref<1x1x128xi32, #tpu.memory_space<vmem>> -> memref<128xi32, #tpu.memory_space<vmem>>
      %dma_start3A_380 = arith.constant 0 : i32
      %dma_start3A_381 = arith.constant 0 : i32
      %dma_start3A_382 = tpu.memref_slice %arg2[%dma_start3A_380, %dma_start3A_381] : memref<10240x128xf32, #tpu.memory_space<hbm>> -> memref<10240x128xf32, #tpu.memory_space<hbm>>
      tpu.enqueue_indirect_dma source(%dma_start3A_382 : memref<10240x128xf32, #tpu.memory_space<hbm>>) target(%arg12 : memref<128x128xf32, #tpu.memory_space<vmem>>) offsets(%dma_start3A_379 : memref<128xi32, #tpu.memory_space<vmem>>) semaphore(%arg17 : memref<!tpu.dma_semaphore, #tpu.memory_space<semaphore_mem>>)
      %run_scoped3A_383 = arith.constant 1 : i32
      %run_scoped3A_384 = arith.constant 4 : i32
      "tpu.region"() ({
        %run_scoped3A_473 = tpu.sem_alloc : memref<!tpu.dma_semaphore, #tpu.memory_space<semaphore_mem>>
        %dma_start3A_474 = arith.constant 0 : i32
        %dma_start3A_475 = tpu.memref_slice %arg10[%run_scoped3A_383, %run_scoped3A_384, %dma_start3A_474] : memref<2x8x128xi32, #tpu.memory_space<vmem>> -> memref<1x1x128xi32, #tpu.memory_space<vmem>>
        %dma_start3A_476 = tpu.memref_squeeze %dma_start3A_475 : memref<1x1x128xi32, #tpu.memory_space<vmem>> -> memref<128xi32, #tpu.memory_space<vmem>>
        %dma_start3A_477 = arith.constant 0 : i32
        %dma_start3A_478 = arith.constant 0 : i32
        %dma_start3A_479 = tpu.memref_slice %arg13[%dma_start3A_477, %dma_start3A_478] : memref<10240x128xf32, #tpu.memory_space<vmem_shared>> -> memref<10240x128xf32, #tpu.memory_space<vmem_shared>>
        tpu.enqueue_indirect_dma source(%arg11 : memref<128x128xf32, #tpu.memory_space<vmem>>) target(%dma_start3A_479 : memref<10240x128xf32, #tpu.memory_space<vmem_shared>>) offsets(%dma_start3A_476 : memref<128xi32, #tpu.memory_space<vmem>>) semaphore(%run_scoped3A_473 : memref<!tpu.dma_semaphore, #tpu.memory_space<semaphore_mem>>) {add = true}
        %dma_wait3A_480 = arith.constant 0 : i32
        %dma_wait3A_481 = tpu.memref_slice %arg10[%run_scoped3A_383, %run_scoped3A_384, %dma_wait3A_480] : memref<2x8x128xi32, #tpu.memory_space<vmem>> -> memref<1x1x128xi32, #tpu.memory_space<vmem>>
        %dma_wait3A_482 = tpu.memref_squeeze %dma_wait3A_481 : memref<1x1x128xi32, #tpu.memory_space<vmem>> -> memref<128xi32, #tpu.memory_space<vmem>>
        %dma_wait3A_483 = arith.constant 0 : i32
        %dma_wait3A_484 = arith.constant 0 : i32
        %dma_wait3A_485 = tpu.memref_slice %arg13[%dma_wait3A_483, %dma_wait3A_484] : memref<10240x128xf32, #tpu.memory_space<vmem_shared>> -> memref<10240x128xf32, #tpu.memory_space<vmem_shared>>
        tpu.wait_indirect_dma semaphore(%run_scoped3A_473 : memref<!tpu.dma_semaphore, #tpu.memory_space<semaphore_mem>>) src(%arg11 : memref<128x128xf32, #tpu.memory_space<vmem>>) dst(%dma_wait3A_485 : memref<10240x128xf32, #tpu.memory_space<vmem_shared>>)
        tpu.yield
      }) : () -> ()
      %run_scoped3A_385 = arith.constant 1 : i32
      %run_scoped3A_386 = arith.constant 4 : i32
      "tpu.region"() ({
        %run_scoped3A_473 = tpu.sem_alloc : memref<!tpu.dma_semaphore, #tpu.memory_space<semaphore_mem>>
        %dma_start3A_474 = arith.constant 0 : i32
        %dma_start3A_475 = tpu.memref_slice %arg10[%run_scoped3A_385, %run_scoped3A_386, %dma_start3A_474] : memref<2x8x128xi32, #tpu.memory_space<vmem>> -> memref<1x1x128xi32, #tpu.memory_space<vmem>>
        %dma_start3A_476 = tpu.memref_squeeze %dma_start3A_475 : memref<1x1x128xi32, #tpu.memory_space<vmem>> -> memref<128xi32, #tpu.memory_space<vmem>>
        %dma_start3A_477 = arith.constant 0 : i32
        %dma_start3A_478 = tpu.memref_slice %arg19[%dma_start3A_477] : memref<10240xf32, #tpu.memory_space<vmem_shared>> -> memref<10240xf32, #tpu.memory_space<vmem_shared>>
        tpu.enqueue_indirect_dma source(%arg18 : memref<128xf32, #tpu.memory_space<vmem>>) target(%dma_start3A_478 : memref<10240xf32, #tpu.memory_space<vmem_shared>>) offsets(%dma_start3A_476 : memref<128xi32, #tpu.memory_space<vmem>>) semaphore(%run_scoped3A_473 : memref<!tpu.dma_semaphore, #tpu.memory_space<semaphore_mem>>) {add = true}
        %dma_wait3A_479 = arith.constant 0 : i32
        %dma_wait3A_480 = tpu.memref_slice %arg10[%run_scoped3A_385, %run_scoped3A_386, %dma_wait3A_479] : memref<2x8x128xi32, #tpu.memory_space<vmem>> -> memref<1x1x128xi32, #tpu.memory_space<vmem>>
        %dma_wait3A_481 = tpu.memref_squeeze %dma_wait3A_480 : memref<1x1x128xi32, #tpu.memory_space<vmem>> -> memref<128xi32, #tpu.memory_space<vmem>>
        %dma_wait3A_482 = arith.constant 0 : i32
        %dma_wait3A_483 = tpu.memref_slice %arg19[%dma_wait3A_482] : memref<10240xf32, #tpu.memory_space<vmem_shared>> -> memref<10240xf32, #tpu.memory_space<vmem_shared>>
        tpu.wait_indirect_dma semaphore(%run_scoped3A_473 : memref<!tpu.dma_semaphore, #tpu.memory_space<semaphore_mem>>) src(%arg18 : memref<128xf32, #tpu.memory_space<vmem>>) dst(%dma_wait3A_483 : memref<10240xf32, #tpu.memory_space<vmem_shared>>)
        tpu.yield
      }) : () -> ()
      %dma_wait3A_387 = arith.constant 0 : i32
      %dma_wait3A_388 = arith.constant 5 : i32
      %dma_wait3A_389 = arith.constant 0 : i32
      %dma_wait3A_390 = tpu.memref_slice %arg10[%dma_wait3A_387, %dma_wait3A_388, %dma_wait3A_389] : memref<2x8x128xi32, #tpu.memory_space<vmem>> -> memref<1x1x128xi32, #tpu.memory_space<vmem>>
      %dma_wait3A_391 = tpu.memref_squeeze %dma_wait3A_390 : memref<1x1x128xi32, #tpu.memory_space<vmem>> -> memref<128xi32, #tpu.memory_space<vmem>>
      %dma_wait3A_392 = arith.constant 0 : i32
      %dma_wait3A_393 = arith.constant 0 : i32
      %dma_wait3A_394 = tpu.memref_slice %arg2[%dma_wait3A_392, %dma_wait3A_393] : memref<10240x128xf32, #tpu.memory_space<hbm>> -> memref<10240x128xf32, #tpu.memory_space<hbm>>
      tpu.wait_indirect_dma semaphore(%arg17 : memref<!tpu.dma_semaphore, #tpu.memory_space<semaphore_mem>>) src(%dma_wait3A_394 : memref<10240x128xf32, #tpu.memory_space<hbm>>) dst(%arg12 : memref<128x128xf32, #tpu.memory_space<vmem>>)
      %dma_start3A_395 = arith.constant 0 : i32
      %dma_start3A_396 = arith.constant 6 : i32
      %dma_start3A_397 = arith.constant 0 : i32
      %dma_start3A_398 = tpu.memref_slice %arg10[%dma_start3A_395, %dma_start3A_396, %dma_start3A_397] : memref<2x8x128xi32, #tpu.memory_space<vmem>> -> memref<1x1x128xi32, #tpu.memory_space<vmem>>
      %dma_start3A_399 = tpu.memref_squeeze %dma_start3A_398 : memref<1x1x128xi32, #tpu.memory_space<vmem>> -> memref<128xi32, #tpu.memory_space<vmem>>
      %dma_start3A_400 = arith.constant 0 : i32
      %dma_start3A_401 = arith.constant 0 : i32
      %dma_start3A_402 = tpu.memref_slice %arg2[%dma_start3A_400, %dma_start3A_401] : memref<10240x128xf32, #tpu.memory_space<hbm>> -> memref<10240x128xf32, #tpu.memory_space<hbm>>
      tpu.enqueue_indirect_dma source(%dma_start3A_402 : memref<10240x128xf32, #tpu.memory_space<hbm>>) target(%arg11 : memref<128x128xf32, #tpu.memory_space<vmem>>) offsets(%dma_start3A_399 : memref<128xi32, #tpu.memory_space<vmem>>) semaphore(%arg16 : memref<!tpu.dma_semaphore, #tpu.memory_space<semaphore_mem>>)
      %run_scoped3A_403 = arith.constant 1 : i32
      %run_scoped3A_404 = arith.constant 5 : i32
      "tpu.region"() ({
        %run_scoped3A_473 = tpu.sem_alloc : memref<!tpu.dma_semaphore, #tpu.memory_space<semaphore_mem>>
        %dma_start3A_474 = arith.constant 0 : i32
        %dma_start3A_475 = tpu.memref_slice %arg10[%run_scoped3A_403, %run_scoped3A_404, %dma_start3A_474] : memref<2x8x128xi32, #tpu.memory_space<vmem>> -> memref<1x1x128xi32, #tpu.memory_space<vmem>>
        %dma_start3A_476 = tpu.memref_squeeze %dma_start3A_475 : memref<1x1x128xi32, #tpu.memory_space<vmem>> -> memref<128xi32, #tpu.memory_space<vmem>>
        %dma_start3A_477 = arith.constant 0 : i32
        %dma_start3A_478 = arith.constant 0 : i32
        %dma_start3A_479 = tpu.memref_slice %arg13[%dma_start3A_477, %dma_start3A_478] : memref<10240x128xf32, #tpu.memory_space<vmem_shared>> -> memref<10240x128xf32, #tpu.memory_space<vmem_shared>>
        tpu.enqueue_indirect_dma source(%arg12 : memref<128x128xf32, #tpu.memory_space<vmem>>) target(%dma_start3A_479 : memref<10240x128xf32, #tpu.memory_space<vmem_shared>>) offsets(%dma_start3A_476 : memref<128xi32, #tpu.memory_space<vmem>>) semaphore(%run_scoped3A_473 : memref<!tpu.dma_semaphore, #tpu.memory_space<semaphore_mem>>) {add = true}
        %dma_wait3A_480 = arith.constant 0 : i32
        %dma_wait3A_481 = tpu.memref_slice %arg10[%run_scoped3A_403, %run_scoped3A_404, %dma_wait3A_480] : memref<2x8x128xi32, #tpu.memory_space<vmem>> -> memref<1x1x128xi32, #tpu.memory_space<vmem>>
        %dma_wait3A_482 = tpu.memref_squeeze %dma_wait3A_481 : memref<1x1x128xi32, #tpu.memory_space<vmem>> -> memref<128xi32, #tpu.memory_space<vmem>>
        %dma_wait3A_483 = arith.constant 0 : i32
        %dma_wait3A_484 = arith.constant 0 : i32
        %dma_wait3A_485 = tpu.memref_slice %arg13[%dma_wait3A_483, %dma_wait3A_484] : memref<10240x128xf32, #tpu.memory_space<vmem_shared>> -> memref<10240x128xf32, #tpu.memory_space<vmem_shared>>
        tpu.wait_indirect_dma semaphore(%run_scoped3A_473 : memref<!tpu.dma_semaphore, #tpu.memory_space<semaphore_mem>>) src(%arg12 : memref<128x128xf32, #tpu.memory_space<vmem>>) dst(%dma_wait3A_485 : memref<10240x128xf32, #tpu.memory_space<vmem_shared>>)
        tpu.yield
      }) : () -> ()
      %run_scoped3A_405 = arith.constant 1 : i32
      %run_scoped3A_406 = arith.constant 5 : i32
      "tpu.region"() ({
        %run_scoped3A_473 = tpu.sem_alloc : memref<!tpu.dma_semaphore, #tpu.memory_space<semaphore_mem>>
        %dma_start3A_474 = arith.constant 0 : i32
        %dma_start3A_475 = tpu.memref_slice %arg10[%run_scoped3A_405, %run_scoped3A_406, %dma_start3A_474] : memref<2x8x128xi32, #tpu.memory_space<vmem>> -> memref<1x1x128xi32, #tpu.memory_space<vmem>>
        %dma_start3A_476 = tpu.memref_squeeze %dma_start3A_475 : memref<1x1x128xi32, #tpu.memory_space<vmem>> -> memref<128xi32, #tpu.memory_space<vmem>>
        %dma_start3A_477 = arith.constant 0 : i32
        %dma_start3A_478 = tpu.memref_slice %arg19[%dma_start3A_477] : memref<10240xf32, #tpu.memory_space<vmem_shared>> -> memref<10240xf32, #tpu.memory_space<vmem_shared>>
        tpu.enqueue_indirect_dma source(%arg18 : memref<128xf32, #tpu.memory_space<vmem>>) target(%dma_start3A_478 : memref<10240xf32, #tpu.memory_space<vmem_shared>>) offsets(%dma_start3A_476 : memref<128xi32, #tpu.memory_space<vmem>>) semaphore(%run_scoped3A_473 : memref<!tpu.dma_semaphore, #tpu.memory_space<semaphore_mem>>) {add = true}
        %dma_wait3A_479 = arith.constant 0 : i32
        %dma_wait3A_480 = tpu.memref_slice %arg10[%run_scoped3A_405, %run_scoped3A_406, %dma_wait3A_479] : memref<2x8x128xi32, #tpu.memory_space<vmem>> -> memref<1x1x128xi32, #tpu.memory_space<vmem>>
        %dma_wait3A_481 = tpu.memref_squeeze %dma_wait3A_480 : memref<1x1x128xi32, #tpu.memory_space<vmem>> -> memref<128xi32, #tpu.memory_space<vmem>>
        %dma_wait3A_482 = arith.constant 0 : i32
        %dma_wait3A_483 = tpu.memref_slice %arg19[%dma_wait3A_482] : memref<10240xf32, #tpu.memory_space<vmem_shared>> -> memref<10240xf32, #tpu.memory_space<vmem_shared>>
        tpu.wait_indirect_dma semaphore(%run_scoped3A_473 : memref<!tpu.dma_semaphore, #tpu.memory_space<semaphore_mem>>) src(%arg18 : memref<128xf32, #tpu.memory_space<vmem>>) dst(%dma_wait3A_483 : memref<10240xf32, #tpu.memory_space<vmem_shared>>)
        tpu.yield
      }) : () -> ()
      %dma_wait3A_407 = arith.constant 0 : i32
      %dma_wait3A_408 = arith.constant 6 : i32
      %dma_wait3A_409 = arith.constant 0 : i32
      %dma_wait3A_410 = tpu.memref_slice %arg10[%dma_wait3A_407, %dma_wait3A_408, %dma_wait3A_409] : memref<2x8x128xi32, #tpu.memory_space<vmem>> -> memref<1x1x128xi32, #tpu.memory_space<vmem>>
      %dma_wait3A_411 = tpu.memref_squeeze %dma_wait3A_410 : memref<1x1x128xi32, #tpu.memory_space<vmem>> -> memref<128xi32, #tpu.memory_space<vmem>>
      %dma_wait3A_412 = arith.constant 0 : i32
      %dma_wait3A_413 = arith.constant 0 : i32
      %dma_wait3A_414 = tpu.memref_slice %arg2[%dma_wait3A_412, %dma_wait3A_413] : memref<10240x128xf32, #tpu.memory_space<hbm>> -> memref<10240x128xf32, #tpu.memory_space<hbm>>
      tpu.wait_indirect_dma semaphore(%arg16 : memref<!tpu.dma_semaphore, #tpu.memory_space<semaphore_mem>>) src(%dma_wait3A_414 : memref<10240x128xf32, #tpu.memory_space<hbm>>) dst(%arg11 : memref<128x128xf32, #tpu.memory_space<vmem>>)
      %dma_start3A_415 = arith.constant 0 : i32
      %dma_start3A_416 = arith.constant 7 : i32
      %dma_start3A_417 = arith.constant 0 : i32
      %dma_start3A_418 = tpu.memref_slice %arg10[%dma_start3A_415, %dma_start3A_416, %dma_start3A_417] : memref<2x8x128xi32, #tpu.memory_space<vmem>> -> memref<1x1x128xi32, #tpu.memory_space<vmem>>
      %dma_start3A_419 = tpu.memref_squeeze %dma_start3A_418 : memref<1x1x128xi32, #tpu.memory_space<vmem>> -> memref<128xi32, #tpu.memory_space<vmem>>
      %dma_start3A_420 = arith.constant 0 : i32
      %dma_start3A_421 = arith.constant 0 : i32
      %dma_start3A_422 = tpu.memref_slice %arg2[%dma_start3A_420, %dma_start3A_421] : memref<10240x128xf32, #tpu.memory_space<hbm>> -> memref<10240x128xf32, #tpu.memory_space<hbm>>
      tpu.enqueue_indirect_dma source(%dma_start3A_422 : memref<10240x128xf32, #tpu.memory_space<hbm>>) target(%arg12 : memref<128x128xf32, #tpu.memory_space<vmem>>) offsets(%dma_start3A_419 : memref<128xi32, #tpu.memory_space<vmem>>) semaphore(%arg17 : memref<!tpu.dma_semaphore, #tpu.memory_space<semaphore_mem>>)
      %run_scoped3A_423 = arith.constant 1 : i32
      %run_scoped3A_424 = arith.constant 6 : i32
      "tpu.region"() ({
        %run_scoped3A_473 = tpu.sem_alloc : memref<!tpu.dma_semaphore, #tpu.memory_space<semaphore_mem>>
        %dma_start3A_474 = arith.constant 0 : i32
        %dma_start3A_475 = tpu.memref_slice %arg10[%run_scoped3A_423, %run_scoped3A_424, %dma_start3A_474] : memref<2x8x128xi32, #tpu.memory_space<vmem>> -> memref<1x1x128xi32, #tpu.memory_space<vmem>>
        %dma_start3A_476 = tpu.memref_squeeze %dma_start3A_475 : memref<1x1x128xi32, #tpu.memory_space<vmem>> -> memref<128xi32, #tpu.memory_space<vmem>>
        %dma_start3A_477 = arith.constant 0 : i32
        %dma_start3A_478 = arith.constant 0 : i32
        %dma_start3A_479 = tpu.memref_slice %arg13[%dma_start3A_477, %dma_start3A_478] : memref<10240x128xf32, #tpu.memory_space<vmem_shared>> -> memref<10240x128xf32, #tpu.memory_space<vmem_shared>>
        tpu.enqueue_indirect_dma source(%arg11 : memref<128x128xf32, #tpu.memory_space<vmem>>) target(%dma_start3A_479 : memref<10240x128xf32, #tpu.memory_space<vmem_shared>>) offsets(%dma_start3A_476 : memref<128xi32, #tpu.memory_space<vmem>>) semaphore(%run_scoped3A_473 : memref<!tpu.dma_semaphore, #tpu.memory_space<semaphore_mem>>) {add = true}
        %dma_wait3A_480 = arith.constant 0 : i32
        %dma_wait3A_481 = tpu.memref_slice %arg10[%run_scoped3A_423, %run_scoped3A_424, %dma_wait3A_480] : memref<2x8x128xi32, #tpu.memory_space<vmem>> -> memref<1x1x128xi32, #tpu.memory_space<vmem>>
        %dma_wait3A_482 = tpu.memref_squeeze %dma_wait3A_481 : memref<1x1x128xi32, #tpu.memory_space<vmem>> -> memref<128xi32, #tpu.memory_space<vmem>>
        %dma_wait3A_483 = arith.constant 0 : i32
        %dma_wait3A_484 = arith.constant 0 : i32
        %dma_wait3A_485 = tpu.memref_slice %arg13[%dma_wait3A_483, %dma_wait3A_484] : memref<10240x128xf32, #tpu.memory_space<vmem_shared>> -> memref<10240x128xf32, #tpu.memory_space<vmem_shared>>
        tpu.wait_indirect_dma semaphore(%run_scoped3A_473 : memref<!tpu.dma_semaphore, #tpu.memory_space<semaphore_mem>>) src(%arg11 : memref<128x128xf32, #tpu.memory_space<vmem>>) dst(%dma_wait3A_485 : memref<10240x128xf32, #tpu.memory_space<vmem_shared>>)
        tpu.yield
      }) : () -> ()
      %run_scoped3A_425 = arith.constant 1 : i32
      %run_scoped3A_426 = arith.constant 6 : i32
      "tpu.region"() ({
        %run_scoped3A_473 = tpu.sem_alloc : memref<!tpu.dma_semaphore, #tpu.memory_space<semaphore_mem>>
        %dma_start3A_474 = arith.constant 0 : i32
        %dma_start3A_475 = tpu.memref_slice %arg10[%run_scoped3A_425, %run_scoped3A_426, %dma_start3A_474] : memref<2x8x128xi32, #tpu.memory_space<vmem>> -> memref<1x1x128xi32, #tpu.memory_space<vmem>>
        %dma_start3A_476 = tpu.memref_squeeze %dma_start3A_475 : memref<1x1x128xi32, #tpu.memory_space<vmem>> -> memref<128xi32, #tpu.memory_space<vmem>>
        %dma_start3A_477 = arith.constant 0 : i32
        %dma_start3A_478 = tpu.memref_slice %arg19[%dma_start3A_477] : memref<10240xf32, #tpu.memory_space<vmem_shared>> -> memref<10240xf32, #tpu.memory_space<vmem_shared>>
        tpu.enqueue_indirect_dma source(%arg18 : memref<128xf32, #tpu.memory_space<vmem>>) target(%dma_start3A_478 : memref<10240xf32, #tpu.memory_space<vmem_shared>>) offsets(%dma_start3A_476 : memref<128xi32, #tpu.memory_space<vmem>>) semaphore(%run_scoped3A_473 : memref<!tpu.dma_semaphore, #tpu.memory_space<semaphore_mem>>) {add = true}
        %dma_wait3A_479 = arith.constant 0 : i32
        %dma_wait3A_480 = tpu.memref_slice %arg10[%run_scoped3A_425, %run_scoped3A_426, %dma_wait3A_479] : memref<2x8x128xi32, #tpu.memory_space<vmem>> -> memref<1x1x128xi32, #tpu.memory_space<vmem>>
        %dma_wait3A_481 = tpu.memref_squeeze %dma_wait3A_480 : memref<1x1x128xi32, #tpu.memory_space<vmem>> -> memref<128xi32, #tpu.memory_space<vmem>>
        %dma_wait3A_482 = arith.constant 0 : i32
        %dma_wait3A_483 = tpu.memref_slice %arg19[%dma_wait3A_482] : memref<10240xf32, #tpu.memory_space<vmem_shared>> -> memref<10240xf32, #tpu.memory_space<vmem_shared>>
        tpu.wait_indirect_dma semaphore(%run_scoped3A_473 : memref<!tpu.dma_semaphore, #tpu.memory_space<semaphore_mem>>) src(%arg18 : memref<128xf32, #tpu.memory_space<vmem>>) dst(%dma_wait3A_483 : memref<10240xf32, #tpu.memory_space<vmem_shared>>)
        tpu.yield
      }) : () -> ()
      %dma_wait3A_427 = arith.constant 0 : i32
      %dma_wait3A_428 = arith.constant 7 : i32
      %dma_wait3A_429 = arith.constant 0 : i32
      %dma_wait3A_430 = tpu.memref_slice %arg10[%dma_wait3A_427, %dma_wait3A_428, %dma_wait3A_429] : memref<2x8x128xi32, #tpu.memory_space<vmem>> -> memref<1x1x128xi32, #tpu.memory_space<vmem>>
      %dma_wait3A_431 = tpu.memref_squeeze %dma_wait3A_430 : memref<1x1x128xi32, #tpu.memory_space<vmem>> -> memref<128xi32, #tpu.memory_space<vmem>>
      %dma_wait3A_432 = arith.constant 0 : i32
      %dma_wait3A_433 = arith.constant 0 : i32
      %dma_wait3A_434 = tpu.memref_slice %arg2[%dma_wait3A_432, %dma_wait3A_433] : memref<10240x128xf32, #tpu.memory_space<hbm>> -> memref<10240x128xf32, #tpu.memory_space<hbm>>
      tpu.wait_indirect_dma semaphore(%arg17 : memref<!tpu.dma_semaphore, #tpu.memory_space<semaphore_mem>>) src(%dma_wait3A_434 : memref<10240x128xf32, #tpu.memory_space<hbm>>) dst(%arg12 : memref<128x128xf32, #tpu.memory_space<vmem>>)
      %add3A_435 = arith.addi %select_n3A_10, %add3A_286 : i32
      %add3A_436 = arith.constant 1 : i32
      %add3A_437 = arith.addi %add3A_435, %add3A_436 : i32
      %dma_wait3A_438 = arith.constant 0 : i32
      %dma_wait3A_439 = arith.constant 0 : i32
      %dma_wait3A_440 = arith.constant 0 : i32
      %dma_wait3A_441 = tpu.memref_slice %arg3[%add3A_437, %dma_wait3A_438, %dma_wait3A_439, %dma_wait3A_440] : memref<322x2x8x128xi32, #tpu.memory_space<hbm>> -> memref<1x2x8x128xi32, #tpu.memory_space<hbm>>
      %dma_wait3A_442 = tpu.memref_squeeze %dma_wait3A_441 : memref<1x2x8x128xi32, #tpu.memory_space<hbm>> -> memref<2x8x128xi32, #tpu.memory_space<hbm>>
      %dma_wait3A_443 = arith.constant 0 : i32
      %dma_wait3A_444 = arith.constant 0 : i32
      %dma_wait3A_445 = arith.constant 0 : i32
      %dma_wait3A_446 = tpu.memref_slice %arg3[%add3A_437, %dma_wait3A_443, %dma_wait3A_444, %dma_wait3A_445] : memref<322x2x8x128xi32, #tpu.memory_space<hbm>> -> memref<1x2x8x128xi32, #tpu.memory_space<hbm>>
      %dma_wait3A_447 = tpu.memref_squeeze %dma_wait3A_446 : memref<1x2x8x128xi32, #tpu.memory_space<hbm>> -> memref<2x8x128xi32, #tpu.memory_space<hbm>>
      tpu.wait_dma2 semaphore(%arg14 : memref<!tpu.dma_semaphore, #tpu.memory_space<semaphore_mem>>) src(%dma_wait3A_447 : memref<2x8x128xi32, #tpu.memory_space<hbm>>) dst(%arg9 : memref<2x8x128xi32, #tpu.memory_space<vmem>>)
      %dma_start3A_448 = arith.constant 0 : i32
      %dma_start3A_449 = arith.constant 0 : i32
      %dma_start3A_450 = arith.constant 0 : i32
      %dma_start3A_451 = tpu.memref_slice %arg9[%dma_start3A_448, %dma_start3A_449, %dma_start3A_450] : memref<2x8x128xi32, #tpu.memory_space<vmem>> -> memref<1x1x128xi32, #tpu.memory_space<vmem>>
      %dma_start3A_452 = tpu.memref_squeeze %dma_start3A_451 : memref<1x1x128xi32, #tpu.memory_space<vmem>> -> memref<128xi32, #tpu.memory_space<vmem>>
      %dma_start3A_453 = arith.constant 0 : i32
      %dma_start3A_454 = arith.constant 0 : i32
      %dma_start3A_455 = tpu.memref_slice %arg2[%dma_start3A_453, %dma_start3A_454] : memref<10240x128xf32, #tpu.memory_space<hbm>> -> memref<10240x128xf32, #tpu.memory_space<hbm>>
      tpu.enqueue_indirect_dma source(%dma_start3A_455 : memref<10240x128xf32, #tpu.memory_space<hbm>>) target(%arg11 : memref<128x128xf32, #tpu.memory_space<vmem>>) offsets(%dma_start3A_452 : memref<128xi32, #tpu.memory_space<vmem>>) semaphore(%arg16 : memref<!tpu.dma_semaphore, #tpu.memory_space<semaphore_mem>>)
      %run_scoped3A_456 = arith.constant 1 : i32
      %run_scoped3A_457 = arith.constant 7 : i32
      "tpu.region"() ({
        %run_scoped3A_473 = tpu.sem_alloc : memref<!tpu.dma_semaphore, #tpu.memory_space<semaphore_mem>>
        %dma_start3A_474 = arith.constant 0 : i32
        %dma_start3A_475 = tpu.memref_slice %arg10[%run_scoped3A_456, %run_scoped3A_457, %dma_start3A_474] : memref<2x8x128xi32, #tpu.memory_space<vmem>> -> memref<1x1x128xi32, #tpu.memory_space<vmem>>
        %dma_start3A_476 = tpu.memref_squeeze %dma_start3A_475 : memref<1x1x128xi32, #tpu.memory_space<vmem>> -> memref<128xi32, #tpu.memory_space<vmem>>
        %dma_start3A_477 = arith.constant 0 : i32
        %dma_start3A_478 = arith.constant 0 : i32
        %dma_start3A_479 = tpu.memref_slice %arg13[%dma_start3A_477, %dma_start3A_478] : memref<10240x128xf32, #tpu.memory_space<vmem_shared>> -> memref<10240x128xf32, #tpu.memory_space<vmem_shared>>
        tpu.enqueue_indirect_dma source(%arg12 : memref<128x128xf32, #tpu.memory_space<vmem>>) target(%dma_start3A_479 : memref<10240x128xf32, #tpu.memory_space<vmem_shared>>) offsets(%dma_start3A_476 : memref<128xi32, #tpu.memory_space<vmem>>) semaphore(%run_scoped3A_473 : memref<!tpu.dma_semaphore, #tpu.memory_space<semaphore_mem>>) {add = true}
        %dma_wait3A_480 = arith.constant 0 : i32
        %dma_wait3A_481 = tpu.memref_slice %arg10[%run_scoped3A_456, %run_scoped3A_457, %dma_wait3A_480] : memref<2x8x128xi32, #tpu.memory_space<vmem>> -> memref<1x1x128xi32, #tpu.memory_space<vmem>>
        %dma_wait3A_482 = tpu.memref_squeeze %dma_wait3A_481 : memref<1x1x128xi32, #tpu.memory_space<vmem>> -> memref<128xi32, #tpu.memory_space<vmem>>
        %dma_wait3A_483 = arith.constant 0 : i32
        %dma_wait3A_484 = arith.constant 0 : i32
        %dma_wait3A_485 = tpu.memref_slice %arg13[%dma_wait3A_483, %dma_wait3A_484] : memref<10240x128xf32, #tpu.memory_space<vmem_shared>> -> memref<10240x128xf32, #tpu.memory_space<vmem_shared>>
        tpu.wait_indirect_dma semaphore(%run_scoped3A_473 : memref<!tpu.dma_semaphore, #tpu.memory_space<semaphore_mem>>) src(%arg12 : memref<128x128xf32, #tpu.memory_space<vmem>>) dst(%dma_wait3A_485 : memref<10240x128xf32, #tpu.memory_space<vmem_shared>>)
        tpu.yield
      }) : () -> ()
      %run_scoped3A_458 = arith.constant 1 : i32
      %run_scoped3A_459 = arith.constant 7 : i32
      "tpu.region"() ({
        %run_scoped3A_473 = tpu.sem_alloc : memref<!tpu.dma_semaphore, #tpu.memory_space<semaphore_mem>>
        %dma_start3A_474 = arith.constant 0 : i32
        %dma_start3A_475 = tpu.memref_slice %arg10[%run_scoped3A_458, %run_scoped3A_459, %dma_start3A_474] : memref<2x8x128xi32, #tpu.memory_space<vmem>> -> memref<1x1x128xi32, #tpu.memory_space<vmem>>
        %dma_start3A_476 = tpu.memref_squeeze %dma_start3A_475 : memref<1x1x128xi32, #tpu.memory_space<vmem>> -> memref<128xi32, #tpu.memory_space<vmem>>
        %dma_start3A_477 = arith.constant 0 : i32
        %dma_start3A_478 = tpu.memref_slice %arg19[%dma_start3A_477] : memref<10240xf32, #tpu.memory_space<vmem_shared>> -> memref<10240xf32, #tpu.memory_space<vmem_shared>>
        tpu.enqueue_indirect_dma source(%arg18 : memref<128xf32, #tpu.memory_space<vmem>>) target(%dma_start3A_478 : memref<10240xf32, #tpu.memory_space<vmem_shared>>) offsets(%dma_start3A_476 : memref<128xi32, #tpu.memory_space<vmem>>) semaphore(%run_scoped3A_473 : memref<!tpu.dma_semaphore, #tpu.memory_space<semaphore_mem>>) {add = true}
        %dma_wait3A_479 = arith.constant 0 : i32
        %dma_wait3A_480 = tpu.memref_slice %arg10[%run_scoped3A_458, %run_scoped3A_459, %dma_wait3A_479] : memref<2x8x128xi32, #tpu.memory_space<vmem>> -> memref<1x1x128xi32, #tpu.memory_space<vmem>>
        %dma_wait3A_481 = tpu.memref_squeeze %dma_wait3A_480 : memref<1x1x128xi32, #tpu.memory_space<vmem>> -> memref<128xi32, #tpu.memory_space<vmem>>
        %dma_wait3A_482 = arith.constant 0 : i32
        %dma_wait3A_483 = tpu.memref_slice %arg19[%dma_wait3A_482] : memref<10240xf32, #tpu.memory_space<vmem_shared>> -> memref<10240xf32, #tpu.memory_space<vmem_shared>>
        tpu.wait_indirect_dma semaphore(%run_scoped3A_473 : memref<!tpu.dma_semaphore, #tpu.memory_space<semaphore_mem>>) src(%arg18 : memref<128xf32, #tpu.memory_space<vmem>>) dst(%dma_wait3A_483 : memref<10240xf32, #tpu.memory_space<vmem_shared>>)
        tpu.yield
      }) : () -> ()
      %add3A_460 = arith.addi %select_n3A_10, %add3A_286 : i32
      %add3A_461 = arith.constant 2 : i32
      %add3A_462 = arith.addi %add3A_460, %add3A_461 : i32
      %dma_start3A_463 = arith.constant 0 : i32
      %dma_start3A_464 = arith.constant 0 : i32
      %dma_start3A_465 = arith.constant 0 : i32
      %dma_start3A_466 = tpu.memref_slice %arg3[%add3A_462, %dma_start3A_463, %dma_start3A_464, %dma_start3A_465] : memref<322x2x8x128xi32, #tpu.memory_space<hbm>> -> memref<1x2x8x128xi32, #tpu.memory_space<hbm>>
      %dma_start3A_467 = tpu.memref_squeeze %dma_start3A_466 : memref<1x2x8x128xi32, #tpu.memory_space<hbm>> -> memref<2x8x128xi32, #tpu.memory_space<hbm>>
      %dma_start3A_468 = arith.constant 0 : i32
      %dma_start3A_469 = arith.constant 0 : i32
      %dma_start3A_470 = arith.constant 0 : i32
      %dma_start3A_471 = tpu.memref_slice %arg3[%add3A_462, %dma_start3A_468, %dma_start3A_469, %dma_start3A_470] : memref<322x2x8x128xi32, #tpu.memory_space<hbm>> -> memref<1x2x8x128xi32, #tpu.memory_space<hbm>>
      %dma_start3A_472 = tpu.memref_squeeze %dma_start3A_471 : memref<1x2x8x128xi32, #tpu.memory_space<hbm>> -> memref<2x8x128xi32, #tpu.memory_space<hbm>>
      tpu.enqueue_dma source(%dma_start3A_472 : memref<2x8x128xi32, #tpu.memory_space<hbm>>) target(%arg10 : memref<2x8x128xi32, #tpu.memory_space<vmem>>) target_semaphore(%arg15 : memref<!tpu.dma_semaphore, #tpu.memory_space<semaphore_mem>>)
    }
    %dma_wait3A_76 = arith.constant 0 : i32
    %dma_wait3A_77 = arith.constant 0 : i32
    %dma_wait3A_78 = arith.constant 0 : i32
    %dma_wait3A_79 = tpu.memref_slice %arg9[%dma_wait3A_76, %dma_wait3A_77, %dma_wait3A_78] : memref<2x8x128xi32, #tpu.memory_space<vmem>> -> memref<1x1x128xi32, #tpu.memory_space<vmem>>
    %dma_wait3A_80 = tpu.memref_squeeze %dma_wait3A_79 : memref<1x1x128xi32, #tpu.memory_space<vmem>> -> memref<128xi32, #tpu.memory_space<vmem>>
    %dma_wait3A_81 = arith.constant 0 : i32
    %dma_wait3A_82 = arith.constant 0 : i32
    %dma_wait3A_83 = tpu.memref_slice %arg2[%dma_wait3A_81, %dma_wait3A_82] : memref<10240x128xf32, #tpu.memory_space<hbm>> -> memref<10240x128xf32, #tpu.memory_space<hbm>>
    tpu.wait_indirect_dma semaphore(%arg16 : memref<!tpu.dma_semaphore, #tpu.memory_space<semaphore_mem>>) src(%dma_wait3A_83 : memref<10240x128xf32, #tpu.memory_space<hbm>>) dst(%arg11 : memref<128x128xf32, #tpu.memory_space<vmem>>)
    %dma_wait3A_84 = arith.constant 0 : i32
    %dma_wait3A_85 = arith.constant 0 : i32
    %dma_wait3A_86 = arith.constant 0 : i32
    %dma_wait3A_87 = tpu.memref_slice %arg3[%select_n3A_10, %dma_wait3A_84, %dma_wait3A_85, %dma_wait3A_86] : memref<322x2x8x128xi32, #tpu.memory_space<hbm>> -> memref<1x2x8x128xi32, #tpu.memory_space<hbm>>
    %dma_wait3A_88 = tpu.memref_squeeze %dma_wait3A_87 : memref<1x2x8x128xi32, #tpu.memory_space<hbm>> -> memref<2x8x128xi32, #tpu.memory_space<hbm>>
    %dma_wait3A_89 = arith.constant 0 : i32
    %dma_wait3A_90 = arith.constant 0 : i32
    %dma_wait3A_91 = arith.constant 0 : i32
    %dma_wait3A_92 = tpu.memref_slice %arg3[%select_n3A_10, %dma_wait3A_89, %dma_wait3A_90, %dma_wait3A_91] : memref<322x2x8x128xi32, #tpu.memory_space<hbm>> -> memref<1x2x8x128xi32, #tpu.memory_space<hbm>>
    %dma_wait3A_93 = tpu.memref_squeeze %dma_wait3A_92 : memref<1x2x8x128xi32, #tpu.memory_space<hbm>> -> memref<2x8x128xi32, #tpu.memory_space<hbm>>
    tpu.wait_dma2 semaphore(%arg15 : memref<!tpu.dma_semaphore, #tpu.memory_space<semaphore_mem>>) src(%dma_wait3A_93 : memref<2x8x128xi32, #tpu.memory_space<hbm>>) dst(%arg10 : memref<2x8x128xi32, #tpu.memory_space<vmem>>)
    %barrier3A_94 = arith.constant 0 : index
    tpu.barrier barrier_id(%barrier3A_94)
    "tpu.region"() ({
      %run_scoped3A = tpu.sem_alloc : memref<!tpu.dma_semaphore, #tpu.memory_space<semaphore_mem>>
      %dma_start3A_95 = arith.constant 0 : i32
      %dma_start3A_96 = tpu.memref_slice %arg7[%arg0, %mul3A_0, %dma_start3A_95] : memref<2x10240x128xf32, #tpu.memory_space<hbm>> -> memref<1x640x128xf32, #tpu.memory_space<hbm>>
      %dma_start3A_97 = tpu.memref_squeeze %dma_start3A_96 : memref<1x640x128xf32, #tpu.memory_space<hbm>> -> memref<640x128xf32, #tpu.memory_space<hbm>>
      %dma_start3A_98 = arith.constant 0 : i32
      %dma_start3A_99 = tpu.memref_slice %arg13[%mul3A_0, %dma_start3A_98] : memref<10240x128xf32, #tpu.memory_space<vmem_shared>> -> memref<640x128xf32, #tpu.memory_space<vmem_shared>>
      tpu.enqueue_dma source(%dma_start3A_99 : memref<640x128xf32, #tpu.memory_space<vmem_shared>>) target(%dma_start3A_97 : memref<640x128xf32, #tpu.memory_space<hbm>>) target_semaphore(%run_scoped3A : memref<!tpu.dma_semaphore, #tpu.memory_space<semaphore_mem>>)
      %dma_wait3A_100 = arith.constant 0 : i32
      %dma_wait3A_101 = tpu.memref_slice %arg7[%arg0, %mul3A_0, %dma_wait3A_100] : memref<2x10240x128xf32, #tpu.memory_space<hbm>> -> memref<1x640x128xf32, #tpu.memory_space<hbm>>
      %dma_wait3A_102 = tpu.memref_squeeze %dma_wait3A_101 : memref<1x640x128xf32, #tpu.memory_space<hbm>> -> memref<640x128xf32, #tpu.memory_space<hbm>>
      %dma_wait3A_103 = arith.constant 0 : i32
      %dma_wait3A_104 = tpu.memref_slice %arg13[%mul3A_0, %dma_wait3A_103] : memref<10240x128xf32, #tpu.memory_space<vmem_shared>> -> memref<640x128xf32, #tpu.memory_space<vmem_shared>>
      tpu.wait_dma2 semaphore(%run_scoped3A : memref<!tpu.dma_semaphore, #tpu.memory_space<semaphore_mem>>) src(%dma_wait3A_104 : memref<640x128xf32, #tpu.memory_space<vmem_shared>>) dst(%dma_wait3A_102 : memref<640x128xf32, #tpu.memory_space<hbm>>)
      tpu.yield
    }) : () -> ()
    "tpu.region"() ({
      %run_scoped3A = tpu.sem_alloc : memref<!tpu.dma_semaphore, #tpu.memory_space<semaphore_mem>>
      %dma_start3A_95 = tpu.memref_slice %arg8[%arg0, %mul3A_0] : memref<2x10240xf32, #tpu.memory_space<hbm>> -> memref<1x640xf32, #tpu.memory_space<hbm>>
      %dma_start3A_96 = tpu.memref_squeeze %dma_start3A_95 : memref<1x640xf32, #tpu.memory_space<hbm>> -> memref<640xf32, #tpu.memory_space<hbm>>
      %dma_start3A_97 = tpu.memref_slice %arg19[%mul3A_0] : memref<10240xf32, #tpu.memory_space<vmem_shared>> -> memref<640xf32, #tpu.memory_space<vmem_shared>>
      tpu.enqueue_dma source(%dma_start3A_97 : memref<640xf32, #tpu.memory_space<vmem_shared>>) target(%dma_start3A_96 : memref<640xf32, #tpu.memory_space<hbm>>) target_semaphore(%run_scoped3A : memref<!tpu.dma_semaphore, #tpu.memory_space<semaphore_mem>>)
      %dma_wait3A_98 = tpu.memref_slice %arg8[%arg0, %mul3A_0] : memref<2x10240xf32, #tpu.memory_space<hbm>> -> memref<1x640xf32, #tpu.memory_space<hbm>>
      %dma_wait3A_99 = tpu.memref_squeeze %dma_wait3A_98 : memref<1x640xf32, #tpu.memory_space<hbm>> -> memref<640xf32, #tpu.memory_space<hbm>>
      %dma_wait3A_100 = tpu.memref_slice %arg19[%mul3A_0] : memref<10240xf32, #tpu.memory_space<vmem_shared>> -> memref<640xf32, #tpu.memory_space<vmem_shared>>
      tpu.wait_dma2 semaphore(%run_scoped3A : memref<!tpu.dma_semaphore, #tpu.memory_space<semaphore_mem>>) src(%dma_wait3A_100 : memref<640xf32, #tpu.memory_space<vmem_shared>>) dst(%dma_wait3A_99 : memref<640xf32, #tpu.memory_space<hbm>>)
      tpu.yield
    }) : () -> ()
    return
  }
}

#map = affine_map<(d0, d1) -> (0, 0)>
#map1 = affine_map<(d0, d1) -> (0, 0, 0, 0)>
#map2 = affine_map<(d0, d1) -> (0)>
#map3 = affine_map<(d0, d1) -> (0, 0, 0)>
module attributes {stable_mosaic.version = 14 : i64} {
  func.func @body(%arg0: i32, %arg1: i32, %arg2: memref<10240x128xf32, #tpu.memory_space<hbm>>, %arg3: memref<322x2x8x128xi32, #tpu.memory_space<hbm>>, %arg4: memref<640x128xf32, #tpu.memory_space<hbm>>, %arg5: memref<640xf32, #tpu.memory_space<hbm>>, %arg6: memref<128xf32, #tpu.memory_space<hbm>>, %arg7: memref<2x10240x128xf32, #tpu.memory_space<hbm>>, %arg8: memref<2x8x128xi32, #tpu.memory_space<vmem>>, %arg9: memref<2x8x128xi32, #tpu.memory_space<vmem>>, %arg10: memref<128x128xf32, #tpu.memory_space<vmem>>, %arg11: memref<128x128xf32, #tpu.memory_space<vmem>>, %arg12: memref<10240x128xf32, #tpu.memory_space<vmem_shared>>, %arg13: memref<!tpu.dma_semaphore, #tpu.memory_space<semaphore_mem>>, %arg14: memref<!tpu.dma_semaphore, #tpu.memory_space<semaphore_mem>>, %arg15: memref<!tpu.dma_semaphore, #tpu.memory_space<semaphore_mem>>, %arg16: memref<!tpu.dma_semaphore, #tpu.memory_space<semaphore_mem>>) attributes {dimension_semantics = [#tpu.dimension_semantics<core_parallel>, #tpu.dimension_semantics<subcore_parallel>], iteration_bounds = array<i64: 2, 16>, scalar_prefetch = 0 : i64, scratch_operands = 9 : i64, tpu.core_type = #tpu.core_type<sc_vector_subcore>, window_params = [{transform_indices = #map}, {transform_indices = #map1}, {transform_indices = #map}, {transform_indices = #map2}, {transform_indices = #map2}, {transform_indices = #map3}]} {
    %mul3A = arith.constant 640 : i32
    %mul3A_0 = arith.muli %arg1, %mul3A : i32
    "tpu.region"() ({
      %run_scoped3A = tpu.sem_alloc : memref<!tpu.dma_semaphore, #tpu.memory_space<semaphore_mem>>
      %dma_start3A_95 = arith.constant 0 : i32
      %dma_start3A_96 = tpu.memref_slice %arg12[%mul3A_0, %dma_start3A_95] : memref<10240x128xf32, #tpu.memory_space<vmem_shared>> -> memref<640x128xf32, #tpu.memory_space<vmem_shared>>
      tpu.enqueue_dma source(%arg4 : memref<640x128xf32, #tpu.memory_space<hbm>>) target(%dma_start3A_96 : memref<640x128xf32, #tpu.memory_space<vmem_shared>>) target_semaphore(%run_scoped3A : memref<!tpu.dma_semaphore, #tpu.memory_space<semaphore_mem>>)
      %dma_wait3A_97 = arith.constant 0 : i32
      %dma_wait3A_98 = tpu.memref_slice %arg12[%mul3A_0, %dma_wait3A_97] : memref<10240x128xf32, #tpu.memory_space<vmem_shared>> -> memref<640x128xf32, #tpu.memory_space<vmem_shared>>
      tpu.wait_dma2 semaphore(%run_scoped3A : memref<!tpu.dma_semaphore, #tpu.memory_space<semaphore_mem>>) src(%arg4 : memref<640x128xf32, #tpu.memory_space<hbm>>) dst(%dma_wait3A_98 : memref<640x128xf32, #tpu.memory_space<vmem_shared>>)
      tpu.yield
    }) : () -> ()
    %barrier3A = arith.constant 0 : index
    tpu.barrier barrier_id(%barrier3A)
    %eq3A = arith.constant 0 : i32
    %eq3A_1 = arith.cmpi eq, %arg0, %eq3A : i32
    %jit3A = arith.constant 18 : i32
    %jit3A_2 = arith.constant 2 : i32
    %select_n3A = arith.select %eq3A_1, %jit3A, %jit3A_2 : i32
    %eq3A_3 = arith.constant 0 : i32
    %eq3A_4 = arith.cmpi eq, %arg0, %eq3A_3 : i32
    %mul3A_5 = arith.constant 18 : i32
    %mul3A_6 = arith.muli %arg1, %mul3A_5 : i32
    %mul3A_7 = arith.constant 2 : i32
    %mul3A_8 = arith.muli %arg1, %mul3A_7 : i32
    %add3A = arith.constant 288 : i32
    %add3A_9 = arith.addi %add3A, %mul3A_8 : i32
    %select_n3A_10 = arith.select %eq3A_4, %mul3A_6, %add3A_9 : i32
    %dma_start3A = arith.constant 0 : i32
    %dma_start3A_11 = arith.constant 0 : i32
    %dma_start3A_12 = arith.constant 0 : i32
    %dma_start3A_13 = tpu.memref_slice %arg3[%select_n3A_10, %dma_start3A, %dma_start3A_11, %dma_start3A_12] : memref<322x2x8x128xi32, #tpu.memory_space<hbm>> -> memref<1x2x8x128xi32, #tpu.memory_space<hbm>>
    %dma_start3A_14 = tpu.memref_squeeze %dma_start3A_13 : memref<1x2x8x128xi32, #tpu.memory_space<hbm>> -> memref<2x8x128xi32, #tpu.memory_space<hbm>>
    %dma_start3A_15 = arith.constant 0 : i32
    %dma_start3A_16 = arith.constant 0 : i32
    %dma_start3A_17 = arith.constant 0 : i32
    %dma_start3A_18 = tpu.memref_slice %arg3[%select_n3A_10, %dma_start3A_15, %dma_start3A_16, %dma_start3A_17] : memref<322x2x8x128xi32, #tpu.memory_space<hbm>> -> memref<1x2x8x128xi32, #tpu.memory_space<hbm>>
    %dma_start3A_19 = tpu.memref_squeeze %dma_start3A_18 : memref<1x2x8x128xi32, #tpu.memory_space<hbm>> -> memref<2x8x128xi32, #tpu.memory_space<hbm>>
    tpu.enqueue_dma source(%dma_start3A_19 : memref<2x8x128xi32, #tpu.memory_space<hbm>>) target(%arg8 : memref<2x8x128xi32, #tpu.memory_space<vmem>>) target_semaphore(%arg13 : memref<!tpu.dma_semaphore, #tpu.memory_space<semaphore_mem>>)
    %add3A_20 = arith.constant 1 : i32
    %add3A_21 = arith.addi %select_n3A_10, %add3A_20 : i32
    %dma_start3A_22 = arith.constant 0 : i32
    %dma_start3A_23 = arith.constant 0 : i32
    %dma_start3A_24 = arith.constant 0 : i32
    %dma_start3A_25 = tpu.memref_slice %arg3[%add3A_21, %dma_start3A_22, %dma_start3A_23, %dma_start3A_24] : memref<322x2x8x128xi32, #tpu.memory_space<hbm>> -> memref<1x2x8x128xi32, #tpu.memory_space<hbm>>
    %dma_start3A_26 = tpu.memref_squeeze %dma_start3A_25 : memref<1x2x8x128xi32, #tpu.memory_space<hbm>> -> memref<2x8x128xi32, #tpu.memory_space<hbm>>
    %dma_start3A_27 = arith.constant 0 : i32
    %dma_start3A_28 = arith.constant 0 : i32
    %dma_start3A_29 = arith.constant 0 : i32
    %dma_start3A_30 = tpu.memref_slice %arg3[%add3A_21, %dma_start3A_27, %dma_start3A_28, %dma_start3A_29] : memref<322x2x8x128xi32, #tpu.memory_space<hbm>> -> memref<1x2x8x128xi32, #tpu.memory_space<hbm>>
    %dma_start3A_31 = tpu.memref_squeeze %dma_start3A_30 : memref<1x2x8x128xi32, #tpu.memory_space<hbm>> -> memref<2x8x128xi32, #tpu.memory_space<hbm>>
    tpu.enqueue_dma source(%dma_start3A_31 : memref<2x8x128xi32, #tpu.memory_space<hbm>>) target(%arg9 : memref<2x8x128xi32, #tpu.memory_space<vmem>>) target_semaphore(%arg14 : memref<!tpu.dma_semaphore, #tpu.memory_space<semaphore_mem>>)
    %dma_wait3A = arith.constant 0 : i32
    %dma_wait3A_32 = arith.constant 0 : i32
    %dma_wait3A_33 = arith.constant 0 : i32
    %dma_wait3A_34 = tpu.memref_slice %arg3[%select_n3A_10, %dma_wait3A, %dma_wait3A_32, %dma_wait3A_33] : memref<322x2x8x128xi32, #tpu.memory_space<hbm>> -> memref<1x2x8x128xi32, #tpu.memory_space<hbm>>
    %dma_wait3A_35 = tpu.memref_squeeze %dma_wait3A_34 : memref<1x2x8x128xi32, #tpu.memory_space<hbm>> -> memref<2x8x128xi32, #tpu.memory_space<hbm>>
    %dma_wait3A_36 = arith.constant 0 : i32
    %dma_wait3A_37 = arith.constant 0 : i32
    %dma_wait3A_38 = arith.constant 0 : i32
    %dma_wait3A_39 = tpu.memref_slice %arg3[%select_n3A_10, %dma_wait3A_36, %dma_wait3A_37, %dma_wait3A_38] : memref<322x2x8x128xi32, #tpu.memory_space<hbm>> -> memref<1x2x8x128xi32, #tpu.memory_space<hbm>>
    %dma_wait3A_40 = tpu.memref_squeeze %dma_wait3A_39 : memref<1x2x8x128xi32, #tpu.memory_space<hbm>> -> memref<2x8x128xi32, #tpu.memory_space<hbm>>
    tpu.wait_dma2 semaphore(%arg13 : memref<!tpu.dma_semaphore, #tpu.memory_space<semaphore_mem>>) src(%dma_wait3A_40 : memref<2x8x128xi32, #tpu.memory_space<hbm>>) dst(%arg8 : memref<2x8x128xi32, #tpu.memory_space<vmem>>)
    %dma_start3A_41 = arith.constant 0 : i32
    %dma_start3A_42 = arith.constant 0 : i32
    %dma_start3A_43 = arith.constant 0 : i32
    %dma_start3A_44 = tpu.memref_slice %arg8[%dma_start3A_41, %dma_start3A_42, %dma_start3A_43] : memref<2x8x128xi32, #tpu.memory_space<vmem>> -> memref<1x1x128xi32, #tpu.memory_space<vmem>>
    %dma_start3A_45 = tpu.memref_squeeze %dma_start3A_44 : memref<1x1x128xi32, #tpu.memory_space<vmem>> -> memref<128xi32, #tpu.memory_space<vmem>>
    %dma_start3A_46 = arith.constant 0 : i32
    %dma_start3A_47 = arith.constant 0 : i32
    %dma_start3A_48 = tpu.memref_slice %arg2[%dma_start3A_46, %dma_start3A_47] : memref<10240x128xf32, #tpu.memory_space<hbm>> -> memref<10240x128xf32, #tpu.memory_space<hbm>>
    tpu.enqueue_indirect_dma source(%dma_start3A_48 : memref<10240x128xf32, #tpu.memory_space<hbm>>) target(%arg10 : memref<128x128xf32, #tpu.memory_space<vmem>>) offsets(%dma_start3A_45 : memref<128xi32, #tpu.memory_space<vmem>>) semaphore(%arg15 : memref<!tpu.dma_semaphore, #tpu.memory_space<semaphore_mem>>)
    %jit3A_49 = arith.constant 2 : i32
    %div3A = arith.divsi %select_n3A, %jit3A_49 : i32
    %sign3A = arith.constant 0 : i32
    %sign3A_50 = arith.cmpi sgt, %select_n3A, %sign3A : i32
    %sign3A_51 = arith.extui %sign3A_50 : i1 to i32
    %sign3A_52 = arith.constant 0 : i32
    %sign3A_53 = arith.cmpi slt, %select_n3A, %sign3A_52 : i32
    %sign3A_54 = arith.extui %sign3A_53 : i1 to i32
    %sign3A_55 = arith.subi %sign3A_51, %sign3A_54 : i32
    %sign3A_56 = arith.constant 0 : i32
    %sign3A_57 = arith.cmpi sgt, %jit3A_49, %sign3A_56 : i32
    %sign3A_58 = arith.extui %sign3A_57 : i1 to i32
    %sign3A_59 = arith.constant 0 : i32
    %sign3A_60 = arith.cmpi slt, %jit3A_49, %sign3A_59 : i32
    %sign3A_61 = arith.extui %sign3A_60 : i1 to i32
    %sign3A_62 = arith.subi %sign3A_58, %sign3A_61 : i32
    %ne3A = arith.cmpi ne, %sign3A_55, %sign3A_62 : i32
    %rem3A = arith.remsi %select_n3A, %jit3A_49 : i32
    %ne3A_63 = arith.constant 0 : i32
    %ne3A_64 = arith.cmpi ne, %rem3A, %ne3A_63 : i32
    %and3A = arith.andi %ne3A, %ne3A_64 : i1
    %sub3A = arith.constant 1 : i32
    %sub3A_65 = arith.subi %div3A, %sub3A : i32
    %select_n3A_66 = arith.select %and3A, %sub3A_65, %div3A : i32
    %while3A = arith.constant 0 : i32
    %while3A_67 = arith.constant 0 : i32
    %while3A_68 = arith.subi %select_n3A_66, %while3A_67 : i32
    %while3A_69 = arith.addi %while3A_67, %while3A_68 : i32
    %while3A_70 = arith.constant 1 : i32
    %while3A_71 = arith.divsi %while3A_68, %while3A_70 : i32
    %while3A_72 = arith.muli %while3A_71, %while3A_70 : i32
    %while3A_73 = arith.addi %while3A_67, %while3A_72 : i32
    %while3A_74 = arith.constant 1 : i32
    scf.for %while3A_95 = %while3A_67 to %while3A_73 step %while3A_74  : i32 {
      %mul3A_96 = arith.constant 2 : i32
      %mul3A_97 = arith.muli %mul3A_96, %while3A_95 : i32
      %dma_wait3A_98 = arith.constant 0 : i32
      %dma_wait3A_99 = arith.constant 0 : i32
      %dma_wait3A_100 = arith.constant 0 : i32
      %dma_wait3A_101 = tpu.memref_slice %arg8[%dma_wait3A_98, %dma_wait3A_99, %dma_wait3A_100] : memref<2x8x128xi32, #tpu.memory_space<vmem>> -> memref<1x1x128xi32, #tpu.memory_space<vmem>>
      %dma_wait3A_102 = tpu.memref_squeeze %dma_wait3A_101 : memref<1x1x128xi32, #tpu.memory_space<vmem>> -> memref<128xi32, #tpu.memory_space<vmem>>
      %dma_wait3A_103 = arith.constant 0 : i32
      %dma_wait3A_104 = arith.constant 0 : i32
      %dma_wait3A_105 = tpu.memref_slice %arg2[%dma_wait3A_103, %dma_wait3A_104] : memref<10240x128xf32, #tpu.memory_space<hbm>> -> memref<10240x128xf32, #tpu.memory_space<hbm>>
      tpu.wait_indirect_dma semaphore(%arg15 : memref<!tpu.dma_semaphore, #tpu.memory_space<semaphore_mem>>) src(%dma_wait3A_105 : memref<10240x128xf32, #tpu.memory_space<hbm>>) dst(%arg10 : memref<128x128xf32, #tpu.memory_space<vmem>>)
      %dma_start3A_106 = arith.constant 0 : i32
      %dma_start3A_107 = arith.constant 1 : i32
      %dma_start3A_108 = arith.constant 0 : i32
      %dma_start3A_109 = tpu.memref_slice %arg8[%dma_start3A_106, %dma_start3A_107, %dma_start3A_108] : memref<2x8x128xi32, #tpu.memory_space<vmem>> -> memref<1x1x128xi32, #tpu.memory_space<vmem>>
      %dma_start3A_110 = tpu.memref_squeeze %dma_start3A_109 : memref<1x1x128xi32, #tpu.memory_space<vmem>> -> memref<128xi32, #tpu.memory_space<vmem>>
      %dma_start3A_111 = arith.constant 0 : i32
      %dma_start3A_112 = arith.constant 0 : i32
      %dma_start3A_113 = tpu.memref_slice %arg2[%dma_start3A_111, %dma_start3A_112] : memref<10240x128xf32, #tpu.memory_space<hbm>> -> memref<10240x128xf32, #tpu.memory_space<hbm>>
      tpu.enqueue_indirect_dma source(%dma_start3A_113 : memref<10240x128xf32, #tpu.memory_space<hbm>>) target(%arg11 : memref<128x128xf32, #tpu.memory_space<vmem>>) offsets(%dma_start3A_110 : memref<128xi32, #tpu.memory_space<vmem>>) semaphore(%arg16 : memref<!tpu.dma_semaphore, #tpu.memory_space<semaphore_mem>>)
      %run_scoped3A = arith.constant 1 : i32
      %run_scoped3A_114 = arith.constant 0 : i32
      "tpu.region"() ({
        %run_scoped3A_441 = tpu.sem_alloc : memref<!tpu.dma_semaphore, #tpu.memory_space<semaphore_mem>>
        %dma_start3A_442 = arith.constant 0 : i32
        %dma_start3A_443 = tpu.memref_slice %arg8[%run_scoped3A, %run_scoped3A_114, %dma_start3A_442] : memref<2x8x128xi32, #tpu.memory_space<vmem>> -> memref<1x1x128xi32, #tpu.memory_space<vmem>>
        %dma_start3A_444 = tpu.memref_squeeze %dma_start3A_443 : memref<1x1x128xi32, #tpu.memory_space<vmem>> -> memref<128xi32, #tpu.memory_space<vmem>>
        %dma_start3A_445 = arith.constant 0 : i32
        %dma_start3A_446 = arith.constant 0 : i32
        %dma_start3A_447 = tpu.memref_slice %arg12[%dma_start3A_445, %dma_start3A_446] : memref<10240x128xf32, #tpu.memory_space<vmem_shared>> -> memref<10240x128xf32, #tpu.memory_space<vmem_shared>>
        tpu.enqueue_indirect_dma source(%arg10 : memref<128x128xf32, #tpu.memory_space<vmem>>) target(%dma_start3A_447 : memref<10240x128xf32, #tpu.memory_space<vmem_shared>>) offsets(%dma_start3A_444 : memref<128xi32, #tpu.memory_space<vmem>>) semaphore(%run_scoped3A_441 : memref<!tpu.dma_semaphore, #tpu.memory_space<semaphore_mem>>) {add = true}
        %dma_wait3A_448 = arith.constant 0 : i32
        %dma_wait3A_449 = tpu.memref_slice %arg8[%run_scoped3A, %run_scoped3A_114, %dma_wait3A_448] : memref<2x8x128xi32, #tpu.memory_space<vmem>> -> memref<1x1x128xi32, #tpu.memory_space<vmem>>
        %dma_wait3A_450 = tpu.memref_squeeze %dma_wait3A_449 : memref<1x1x128xi32, #tpu.memory_space<vmem>> -> memref<128xi32, #tpu.memory_space<vmem>>
        %dma_wait3A_451 = arith.constant 0 : i32
        %dma_wait3A_452 = arith.constant 0 : i32
        %dma_wait3A_453 = tpu.memref_slice %arg12[%dma_wait3A_451, %dma_wait3A_452] : memref<10240x128xf32, #tpu.memory_space<vmem_shared>> -> memref<10240x128xf32, #tpu.memory_space<vmem_shared>>
        tpu.wait_indirect_dma semaphore(%run_scoped3A_441 : memref<!tpu.dma_semaphore, #tpu.memory_space<semaphore_mem>>) src(%arg10 : memref<128x128xf32, #tpu.memory_space<vmem>>) dst(%dma_wait3A_453 : memref<10240x128xf32, #tpu.memory_space<vmem_shared>>)
        tpu.yield
      }) : () -> ()
      %dma_wait3A_115 = arith.constant 0 : i32
      %dma_wait3A_116 = arith.constant 1 : i32
      %dma_wait3A_117 = arith.constant 0 : i32
      %dma_wait3A_118 = tpu.memref_slice %arg8[%dma_wait3A_115, %dma_wait3A_116, %dma_wait3A_117] : memref<2x8x128xi32, #tpu.memory_space<vmem>> -> memref<1x1x128xi32, #tpu.memory_space<vmem>>
      %dma_wait3A_119 = tpu.memref_squeeze %dma_wait3A_118 : memref<1x1x128xi32, #tpu.memory_space<vmem>> -> memref<128xi32, #tpu.memory_space<vmem>>
      %dma_wait3A_120 = arith.constant 0 : i32
      %dma_wait3A_121 = arith.constant 0 : i32
      %dma_wait3A_122 = tpu.memref_slice %arg2[%dma_wait3A_120, %dma_wait3A_121] : memref<10240x128xf32, #tpu.memory_space<hbm>> -> memref<10240x128xf32, #tpu.memory_space<hbm>>
      tpu.wait_indirect_dma semaphore(%arg16 : memref<!tpu.dma_semaphore, #tpu.memory_space<semaphore_mem>>) src(%dma_wait3A_122 : memref<10240x128xf32, #tpu.memory_space<hbm>>) dst(%arg11 : memref<128x128xf32, #tpu.memory_space<vmem>>)
      %dma_start3A_123 = arith.constant 0 : i32
      %dma_start3A_124 = arith.constant 2 : i32
      %dma_start3A_125 = arith.constant 0 : i32
      %dma_start3A_126 = tpu.memref_slice %arg8[%dma_start3A_123, %dma_start3A_124, %dma_start3A_125] : memref<2x8x128xi32, #tpu.memory_space<vmem>> -> memref<1x1x128xi32, #tpu.memory_space<vmem>>
      %dma_start3A_127 = tpu.memref_squeeze %dma_start3A_126 : memref<1x1x128xi32, #tpu.memory_space<vmem>> -> memref<128xi32, #tpu.memory_space<vmem>>
      %dma_start3A_128 = arith.constant 0 : i32
      %dma_start3A_129 = arith.constant 0 : i32
      %dma_start3A_130 = tpu.memref_slice %arg2[%dma_start3A_128, %dma_start3A_129] : memref<10240x128xf32, #tpu.memory_space<hbm>> -> memref<10240x128xf32, #tpu.memory_space<hbm>>
      tpu.enqueue_indirect_dma source(%dma_start3A_130 : memref<10240x128xf32, #tpu.memory_space<hbm>>) target(%arg10 : memref<128x128xf32, #tpu.memory_space<vmem>>) offsets(%dma_start3A_127 : memref<128xi32, #tpu.memory_space<vmem>>) semaphore(%arg15 : memref<!tpu.dma_semaphore, #tpu.memory_space<semaphore_mem>>)
      %run_scoped3A_131 = arith.constant 1 : i32
      %run_scoped3A_132 = arith.constant 1 : i32
      "tpu.region"() ({
        %run_scoped3A_441 = tpu.sem_alloc : memref<!tpu.dma_semaphore, #tpu.memory_space<semaphore_mem>>
        %dma_start3A_442 = arith.constant 0 : i32
        %dma_start3A_443 = tpu.memref_slice %arg8[%run_scoped3A_131, %run_scoped3A_132, %dma_start3A_442] : memref<2x8x128xi32, #tpu.memory_space<vmem>> -> memref<1x1x128xi32, #tpu.memory_space<vmem>>
        %dma_start3A_444 = tpu.memref_squeeze %dma_start3A_443 : memref<1x1x128xi32, #tpu.memory_space<vmem>> -> memref<128xi32, #tpu.memory_space<vmem>>
        %dma_start3A_445 = arith.constant 0 : i32
        %dma_start3A_446 = arith.constant 0 : i32
        %dma_start3A_447 = tpu.memref_slice %arg12[%dma_start3A_445, %dma_start3A_446] : memref<10240x128xf32, #tpu.memory_space<vmem_shared>> -> memref<10240x128xf32, #tpu.memory_space<vmem_shared>>
        tpu.enqueue_indirect_dma source(%arg11 : memref<128x128xf32, #tpu.memory_space<vmem>>) target(%dma_start3A_447 : memref<10240x128xf32, #tpu.memory_space<vmem_shared>>) offsets(%dma_start3A_444 : memref<128xi32, #tpu.memory_space<vmem>>) semaphore(%run_scoped3A_441 : memref<!tpu.dma_semaphore, #tpu.memory_space<semaphore_mem>>) {add = true}
        %dma_wait3A_448 = arith.constant 0 : i32
        %dma_wait3A_449 = tpu.memref_slice %arg8[%run_scoped3A_131, %run_scoped3A_132, %dma_wait3A_448] : memref<2x8x128xi32, #tpu.memory_space<vmem>> -> memref<1x1x128xi32, #tpu.memory_space<vmem>>
        %dma_wait3A_450 = tpu.memref_squeeze %dma_wait3A_449 : memref<1x1x128xi32, #tpu.memory_space<vmem>> -> memref<128xi32, #tpu.memory_space<vmem>>
        %dma_wait3A_451 = arith.constant 0 : i32
        %dma_wait3A_452 = arith.constant 0 : i32
        %dma_wait3A_453 = tpu.memref_slice %arg12[%dma_wait3A_451, %dma_wait3A_452] : memref<10240x128xf32, #tpu.memory_space<vmem_shared>> -> memref<10240x128xf32, #tpu.memory_space<vmem_shared>>
        tpu.wait_indirect_dma semaphore(%run_scoped3A_441 : memref<!tpu.dma_semaphore, #tpu.memory_space<semaphore_mem>>) src(%arg11 : memref<128x128xf32, #tpu.memory_space<vmem>>) dst(%dma_wait3A_453 : memref<10240x128xf32, #tpu.memory_space<vmem_shared>>)
        tpu.yield
      }) : () -> ()
      %dma_wait3A_133 = arith.constant 0 : i32
      %dma_wait3A_134 = arith.constant 2 : i32
      %dma_wait3A_135 = arith.constant 0 : i32
      %dma_wait3A_136 = tpu.memref_slice %arg8[%dma_wait3A_133, %dma_wait3A_134, %dma_wait3A_135] : memref<2x8x128xi32, #tpu.memory_space<vmem>> -> memref<1x1x128xi32, #tpu.memory_space<vmem>>
      %dma_wait3A_137 = tpu.memref_squeeze %dma_wait3A_136 : memref<1x1x128xi32, #tpu.memory_space<vmem>> -> memref<128xi32, #tpu.memory_space<vmem>>
      %dma_wait3A_138 = arith.constant 0 : i32
      %dma_wait3A_139 = arith.constant 0 : i32
      %dma_wait3A_140 = tpu.memref_slice %arg2[%dma_wait3A_138, %dma_wait3A_139] : memref<10240x128xf32, #tpu.memory_space<hbm>> -> memref<10240x128xf32, #tpu.memory_space<hbm>>
      tpu.wait_indirect_dma semaphore(%arg15 : memref<!tpu.dma_semaphore, #tpu.memory_space<semaphore_mem>>) src(%dma_wait3A_140 : memref<10240x128xf32, #tpu.memory_space<hbm>>) dst(%arg10 : memref<128x128xf32, #tpu.memory_space<vmem>>)
      %dma_start3A_141 = arith.constant 0 : i32
      %dma_start3A_142 = arith.constant 3 : i32
      %dma_start3A_143 = arith.constant 0 : i32
      %dma_start3A_144 = tpu.memref_slice %arg8[%dma_start3A_141, %dma_start3A_142, %dma_start3A_143] : memref<2x8x128xi32, #tpu.memory_space<vmem>> -> memref<1x1x128xi32, #tpu.memory_space<vmem>>
      %dma_start3A_145 = tpu.memref_squeeze %dma_start3A_144 : memref<1x1x128xi32, #tpu.memory_space<vmem>> -> memref<128xi32, #tpu.memory_space<vmem>>
      %dma_start3A_146 = arith.constant 0 : i32
      %dma_start3A_147 = arith.constant 0 : i32
      %dma_start3A_148 = tpu.memref_slice %arg2[%dma_start3A_146, %dma_start3A_147] : memref<10240x128xf32, #tpu.memory_space<hbm>> -> memref<10240x128xf32, #tpu.memory_space<hbm>>
      tpu.enqueue_indirect_dma source(%dma_start3A_148 : memref<10240x128xf32, #tpu.memory_space<hbm>>) target(%arg11 : memref<128x128xf32, #tpu.memory_space<vmem>>) offsets(%dma_start3A_145 : memref<128xi32, #tpu.memory_space<vmem>>) semaphore(%arg16 : memref<!tpu.dma_semaphore, #tpu.memory_space<semaphore_mem>>)
      %run_scoped3A_149 = arith.constant 1 : i32
      %run_scoped3A_150 = arith.constant 2 : i32
      "tpu.region"() ({
        %run_scoped3A_441 = tpu.sem_alloc : memref<!tpu.dma_semaphore, #tpu.memory_space<semaphore_mem>>
        %dma_start3A_442 = arith.constant 0 : i32
        %dma_start3A_443 = tpu.memref_slice %arg8[%run_scoped3A_149, %run_scoped3A_150, %dma_start3A_442] : memref<2x8x128xi32, #tpu.memory_space<vmem>> -> memref<1x1x128xi32, #tpu.memory_space<vmem>>
        %dma_start3A_444 = tpu.memref_squeeze %dma_start3A_443 : memref<1x1x128xi32, #tpu.memory_space<vmem>> -> memref<128xi32, #tpu.memory_space<vmem>>
        %dma_start3A_445 = arith.constant 0 : i32
        %dma_start3A_446 = arith.constant 0 : i32
        %dma_start3A_447 = tpu.memref_slice %arg12[%dma_start3A_445, %dma_start3A_446] : memref<10240x128xf32, #tpu.memory_space<vmem_shared>> -> memref<10240x128xf32, #tpu.memory_space<vmem_shared>>
        tpu.enqueue_indirect_dma source(%arg10 : memref<128x128xf32, #tpu.memory_space<vmem>>) target(%dma_start3A_447 : memref<10240x128xf32, #tpu.memory_space<vmem_shared>>) offsets(%dma_start3A_444 : memref<128xi32, #tpu.memory_space<vmem>>) semaphore(%run_scoped3A_441 : memref<!tpu.dma_semaphore, #tpu.memory_space<semaphore_mem>>) {add = true}
        %dma_wait3A_448 = arith.constant 0 : i32
        %dma_wait3A_449 = tpu.memref_slice %arg8[%run_scoped3A_149, %run_scoped3A_150, %dma_wait3A_448] : memref<2x8x128xi32, #tpu.memory_space<vmem>> -> memref<1x1x128xi32, #tpu.memory_space<vmem>>
        %dma_wait3A_450 = tpu.memref_squeeze %dma_wait3A_449 : memref<1x1x128xi32, #tpu.memory_space<vmem>> -> memref<128xi32, #tpu.memory_space<vmem>>
        %dma_wait3A_451 = arith.constant 0 : i32
        %dma_wait3A_452 = arith.constant 0 : i32
        %dma_wait3A_453 = tpu.memref_slice %arg12[%dma_wait3A_451, %dma_wait3A_452] : memref<10240x128xf32, #tpu.memory_space<vmem_shared>> -> memref<10240x128xf32, #tpu.memory_space<vmem_shared>>
        tpu.wait_indirect_dma semaphore(%run_scoped3A_441 : memref<!tpu.dma_semaphore, #tpu.memory_space<semaphore_mem>>) src(%arg10 : memref<128x128xf32, #tpu.memory_space<vmem>>) dst(%dma_wait3A_453 : memref<10240x128xf32, #tpu.memory_space<vmem_shared>>)
        tpu.yield
      }) : () -> ()
      %dma_wait3A_151 = arith.constant 0 : i32
      %dma_wait3A_152 = arith.constant 3 : i32
      %dma_wait3A_153 = arith.constant 0 : i32
      %dma_wait3A_154 = tpu.memref_slice %arg8[%dma_wait3A_151, %dma_wait3A_152, %dma_wait3A_153] : memref<2x8x128xi32, #tpu.memory_space<vmem>> -> memref<1x1x128xi32, #tpu.memory_space<vmem>>
      %dma_wait3A_155 = tpu.memref_squeeze %dma_wait3A_154 : memref<1x1x128xi32, #tpu.memory_space<vmem>> -> memref<128xi32, #tpu.memory_space<vmem>>
      %dma_wait3A_156 = arith.constant 0 : i32
      %dma_wait3A_157 = arith.constant 0 : i32
      %dma_wait3A_158 = tpu.memref_slice %arg2[%dma_wait3A_156, %dma_wait3A_157] : memref<10240x128xf32, #tpu.memory_space<hbm>> -> memref<10240x128xf32, #tpu.memory_space<hbm>>
      tpu.wait_indirect_dma semaphore(%arg16 : memref<!tpu.dma_semaphore, #tpu.memory_space<semaphore_mem>>) src(%dma_wait3A_158 : memref<10240x128xf32, #tpu.memory_space<hbm>>) dst(%arg11 : memref<128x128xf32, #tpu.memory_space<vmem>>)
      %dma_start3A_159 = arith.constant 0 : i32
      %dma_start3A_160 = arith.constant 4 : i32
      %dma_start3A_161 = arith.constant 0 : i32
      %dma_start3A_162 = tpu.memref_slice %arg8[%dma_start3A_159, %dma_start3A_160, %dma_start3A_161] : memref<2x8x128xi32, #tpu.memory_space<vmem>> -> memref<1x1x128xi32, #tpu.memory_space<vmem>>
      %dma_start3A_163 = tpu.memref_squeeze %dma_start3A_162 : memref<1x1x128xi32, #tpu.memory_space<vmem>> -> memref<128xi32, #tpu.memory_space<vmem>>
      %dma_start3A_164 = arith.constant 0 : i32
      %dma_start3A_165 = arith.constant 0 : i32
      %dma_start3A_166 = tpu.memref_slice %arg2[%dma_start3A_164, %dma_start3A_165] : memref<10240x128xf32, #tpu.memory_space<hbm>> -> memref<10240x128xf32, #tpu.memory_space<hbm>>
      tpu.enqueue_indirect_dma source(%dma_start3A_166 : memref<10240x128xf32, #tpu.memory_space<hbm>>) target(%arg10 : memref<128x128xf32, #tpu.memory_space<vmem>>) offsets(%dma_start3A_163 : memref<128xi32, #tpu.memory_space<vmem>>) semaphore(%arg15 : memref<!tpu.dma_semaphore, #tpu.memory_space<semaphore_mem>>)
      %run_scoped3A_167 = arith.constant 1 : i32
      %run_scoped3A_168 = arith.constant 3 : i32
      "tpu.region"() ({
        %run_scoped3A_441 = tpu.sem_alloc : memref<!tpu.dma_semaphore, #tpu.memory_space<semaphore_mem>>
        %dma_start3A_442 = arith.constant 0 : i32
        %dma_start3A_443 = tpu.memref_slice %arg8[%run_scoped3A_167, %run_scoped3A_168, %dma_start3A_442] : memref<2x8x128xi32, #tpu.memory_space<vmem>> -> memref<1x1x128xi32, #tpu.memory_space<vmem>>
        %dma_start3A_444 = tpu.memref_squeeze %dma_start3A_443 : memref<1x1x128xi32, #tpu.memory_space<vmem>> -> memref<128xi32, #tpu.memory_space<vmem>>
        %dma_start3A_445 = arith.constant 0 : i32
        %dma_start3A_446 = arith.constant 0 : i32
        %dma_start3A_447 = tpu.memref_slice %arg12[%dma_start3A_445, %dma_start3A_446] : memref<10240x128xf32, #tpu.memory_space<vmem_shared>> -> memref<10240x128xf32, #tpu.memory_space<vmem_shared>>
        tpu.enqueue_indirect_dma source(%arg11 : memref<128x128xf32, #tpu.memory_space<vmem>>) target(%dma_start3A_447 : memref<10240x128xf32, #tpu.memory_space<vmem_shared>>) offsets(%dma_start3A_444 : memref<128xi32, #tpu.memory_space<vmem>>) semaphore(%run_scoped3A_441 : memref<!tpu.dma_semaphore, #tpu.memory_space<semaphore_mem>>) {add = true}
        %dma_wait3A_448 = arith.constant 0 : i32
        %dma_wait3A_449 = tpu.memref_slice %arg8[%run_scoped3A_167, %run_scoped3A_168, %dma_wait3A_448] : memref<2x8x128xi32, #tpu.memory_space<vmem>> -> memref<1x1x128xi32, #tpu.memory_space<vmem>>
        %dma_wait3A_450 = tpu.memref_squeeze %dma_wait3A_449 : memref<1x1x128xi32, #tpu.memory_space<vmem>> -> memref<128xi32, #tpu.memory_space<vmem>>
        %dma_wait3A_451 = arith.constant 0 : i32
        %dma_wait3A_452 = arith.constant 0 : i32
        %dma_wait3A_453 = tpu.memref_slice %arg12[%dma_wait3A_451, %dma_wait3A_452] : memref<10240x128xf32, #tpu.memory_space<vmem_shared>> -> memref<10240x128xf32, #tpu.memory_space<vmem_shared>>
        tpu.wait_indirect_dma semaphore(%run_scoped3A_441 : memref<!tpu.dma_semaphore, #tpu.memory_space<semaphore_mem>>) src(%arg11 : memref<128x128xf32, #tpu.memory_space<vmem>>) dst(%dma_wait3A_453 : memref<10240x128xf32, #tpu.memory_space<vmem_shared>>)
        tpu.yield
      }) : () -> ()
      %dma_wait3A_169 = arith.constant 0 : i32
      %dma_wait3A_170 = arith.constant 4 : i32
      %dma_wait3A_171 = arith.constant 0 : i32
      %dma_wait3A_172 = tpu.memref_slice %arg8[%dma_wait3A_169, %dma_wait3A_170, %dma_wait3A_171] : memref<2x8x128xi32, #tpu.memory_space<vmem>> -> memref<1x1x128xi32, #tpu.memory_space<vmem>>
      %dma_wait3A_173 = tpu.memref_squeeze %dma_wait3A_172 : memref<1x1x128xi32, #tpu.memory_space<vmem>> -> memref<128xi32, #tpu.memory_space<vmem>>
      %dma_wait3A_174 = arith.constant 0 : i32
      %dma_wait3A_175 = arith.constant 0 : i32
      %dma_wait3A_176 = tpu.memref_slice %arg2[%dma_wait3A_174, %dma_wait3A_175] : memref<10240x128xf32, #tpu.memory_space<hbm>> -> memref<10240x128xf32, #tpu.memory_space<hbm>>
      tpu.wait_indirect_dma semaphore(%arg15 : memref<!tpu.dma_semaphore, #tpu.memory_space<semaphore_mem>>) src(%dma_wait3A_176 : memref<10240x128xf32, #tpu.memory_space<hbm>>) dst(%arg10 : memref<128x128xf32, #tpu.memory_space<vmem>>)
      %dma_start3A_177 = arith.constant 0 : i32
      %dma_start3A_178 = arith.constant 5 : i32
      %dma_start3A_179 = arith.constant 0 : i32
      %dma_start3A_180 = tpu.memref_slice %arg8[%dma_start3A_177, %dma_start3A_178, %dma_start3A_179] : memref<2x8x128xi32, #tpu.memory_space<vmem>> -> memref<1x1x128xi32, #tpu.memory_space<vmem>>
      %dma_start3A_181 = tpu.memref_squeeze %dma_start3A_180 : memref<1x1x128xi32, #tpu.memory_space<vmem>> -> memref<128xi32, #tpu.memory_space<vmem>>
      %dma_start3A_182 = arith.constant 0 : i32
      %dma_start3A_183 = arith.constant 0 : i32
      %dma_start3A_184 = tpu.memref_slice %arg2[%dma_start3A_182, %dma_start3A_183] : memref<10240x128xf32, #tpu.memory_space<hbm>> -> memref<10240x128xf32, #tpu.memory_space<hbm>>
      tpu.enqueue_indirect_dma source(%dma_start3A_184 : memref<10240x128xf32, #tpu.memory_space<hbm>>) target(%arg11 : memref<128x128xf32, #tpu.memory_space<vmem>>) offsets(%dma_start3A_181 : memref<128xi32, #tpu.memory_space<vmem>>) semaphore(%arg16 : memref<!tpu.dma_semaphore, #tpu.memory_space<semaphore_mem>>)
      %run_scoped3A_185 = arith.constant 1 : i32
      %run_scoped3A_186 = arith.constant 4 : i32
      "tpu.region"() ({
        %run_scoped3A_441 = tpu.sem_alloc : memref<!tpu.dma_semaphore, #tpu.memory_space<semaphore_mem>>
        %dma_start3A_442 = arith.constant 0 : i32
        %dma_start3A_443 = tpu.memref_slice %arg8[%run_scoped3A_185, %run_scoped3A_186, %dma_start3A_442] : memref<2x8x128xi32, #tpu.memory_space<vmem>> -> memref<1x1x128xi32, #tpu.memory_space<vmem>>
        %dma_start3A_444 = tpu.memref_squeeze %dma_start3A_443 : memref<1x1x128xi32, #tpu.memory_space<vmem>> -> memref<128xi32, #tpu.memory_space<vmem>>
        %dma_start3A_445 = arith.constant 0 : i32
        %dma_start3A_446 = arith.constant 0 : i32
        %dma_start3A_447 = tpu.memref_slice %arg12[%dma_start3A_445, %dma_start3A_446] : memref<10240x128xf32, #tpu.memory_space<vmem_shared>> -> memref<10240x128xf32, #tpu.memory_space<vmem_shared>>
        tpu.enqueue_indirect_dma source(%arg10 : memref<128x128xf32, #tpu.memory_space<vmem>>) target(%dma_start3A_447 : memref<10240x128xf32, #tpu.memory_space<vmem_shared>>) offsets(%dma_start3A_444 : memref<128xi32, #tpu.memory_space<vmem>>) semaphore(%run_scoped3A_441 : memref<!tpu.dma_semaphore, #tpu.memory_space<semaphore_mem>>) {add = true}
        %dma_wait3A_448 = arith.constant 0 : i32
        %dma_wait3A_449 = tpu.memref_slice %arg8[%run_scoped3A_185, %run_scoped3A_186, %dma_wait3A_448] : memref<2x8x128xi32, #tpu.memory_space<vmem>> -> memref<1x1x128xi32, #tpu.memory_space<vmem>>
        %dma_wait3A_450 = tpu.memref_squeeze %dma_wait3A_449 : memref<1x1x128xi32, #tpu.memory_space<vmem>> -> memref<128xi32, #tpu.memory_space<vmem>>
        %dma_wait3A_451 = arith.constant 0 : i32
        %dma_wait3A_452 = arith.constant 0 : i32
        %dma_wait3A_453 = tpu.memref_slice %arg12[%dma_wait3A_451, %dma_wait3A_452] : memref<10240x128xf32, #tpu.memory_space<vmem_shared>> -> memref<10240x128xf32, #tpu.memory_space<vmem_shared>>
        tpu.wait_indirect_dma semaphore(%run_scoped3A_441 : memref<!tpu.dma_semaphore, #tpu.memory_space<semaphore_mem>>) src(%arg10 : memref<128x128xf32, #tpu.memory_space<vmem>>) dst(%dma_wait3A_453 : memref<10240x128xf32, #tpu.memory_space<vmem_shared>>)
        tpu.yield
      }) : () -> ()
      %dma_wait3A_187 = arith.constant 0 : i32
      %dma_wait3A_188 = arith.constant 5 : i32
      %dma_wait3A_189 = arith.constant 0 : i32
      %dma_wait3A_190 = tpu.memref_slice %arg8[%dma_wait3A_187, %dma_wait3A_188, %dma_wait3A_189] : memref<2x8x128xi32, #tpu.memory_space<vmem>> -> memref<1x1x128xi32, #tpu.memory_space<vmem>>
      %dma_wait3A_191 = tpu.memref_squeeze %dma_wait3A_190 : memref<1x1x128xi32, #tpu.memory_space<vmem>> -> memref<128xi32, #tpu.memory_space<vmem>>
      %dma_wait3A_192 = arith.constant 0 : i32
      %dma_wait3A_193 = arith.constant 0 : i32
      %dma_wait3A_194 = tpu.memref_slice %arg2[%dma_wait3A_192, %dma_wait3A_193] : memref<10240x128xf32, #tpu.memory_space<hbm>> -> memref<10240x128xf32, #tpu.memory_space<hbm>>
      tpu.wait_indirect_dma semaphore(%arg16 : memref<!tpu.dma_semaphore, #tpu.memory_space<semaphore_mem>>) src(%dma_wait3A_194 : memref<10240x128xf32, #tpu.memory_space<hbm>>) dst(%arg11 : memref<128x128xf32, #tpu.memory_space<vmem>>)
      %dma_start3A_195 = arith.constant 0 : i32
      %dma_start3A_196 = arith.constant 6 : i32
      %dma_start3A_197 = arith.constant 0 : i32
      %dma_start3A_198 = tpu.memref_slice %arg8[%dma_start3A_195, %dma_start3A_196, %dma_start3A_197] : memref<2x8x128xi32, #tpu.memory_space<vmem>> -> memref<1x1x128xi32, #tpu.memory_space<vmem>>
      %dma_start3A_199 = tpu.memref_squeeze %dma_start3A_198 : memref<1x1x128xi32, #tpu.memory_space<vmem>> -> memref<128xi32, #tpu.memory_space<vmem>>
      %dma_start3A_200 = arith.constant 0 : i32
      %dma_start3A_201 = arith.constant 0 : i32
      %dma_start3A_202 = tpu.memref_slice %arg2[%dma_start3A_200, %dma_start3A_201] : memref<10240x128xf32, #tpu.memory_space<hbm>> -> memref<10240x128xf32, #tpu.memory_space<hbm>>
      tpu.enqueue_indirect_dma source(%dma_start3A_202 : memref<10240x128xf32, #tpu.memory_space<hbm>>) target(%arg10 : memref<128x128xf32, #tpu.memory_space<vmem>>) offsets(%dma_start3A_199 : memref<128xi32, #tpu.memory_space<vmem>>) semaphore(%arg15 : memref<!tpu.dma_semaphore, #tpu.memory_space<semaphore_mem>>)
      %run_scoped3A_203 = arith.constant 1 : i32
      %run_scoped3A_204 = arith.constant 5 : i32
      "tpu.region"() ({
        %run_scoped3A_441 = tpu.sem_alloc : memref<!tpu.dma_semaphore, #tpu.memory_space<semaphore_mem>>
        %dma_start3A_442 = arith.constant 0 : i32
        %dma_start3A_443 = tpu.memref_slice %arg8[%run_scoped3A_203, %run_scoped3A_204, %dma_start3A_442] : memref<2x8x128xi32, #tpu.memory_space<vmem>> -> memref<1x1x128xi32, #tpu.memory_space<vmem>>
        %dma_start3A_444 = tpu.memref_squeeze %dma_start3A_443 : memref<1x1x128xi32, #tpu.memory_space<vmem>> -> memref<128xi32, #tpu.memory_space<vmem>>
        %dma_start3A_445 = arith.constant 0 : i32
        %dma_start3A_446 = arith.constant 0 : i32
        %dma_start3A_447 = tpu.memref_slice %arg12[%dma_start3A_445, %dma_start3A_446] : memref<10240x128xf32, #tpu.memory_space<vmem_shared>> -> memref<10240x128xf32, #tpu.memory_space<vmem_shared>>
        tpu.enqueue_indirect_dma source(%arg11 : memref<128x128xf32, #tpu.memory_space<vmem>>) target(%dma_start3A_447 : memref<10240x128xf32, #tpu.memory_space<vmem_shared>>) offsets(%dma_start3A_444 : memref<128xi32, #tpu.memory_space<vmem>>) semaphore(%run_scoped3A_441 : memref<!tpu.dma_semaphore, #tpu.memory_space<semaphore_mem>>) {add = true}
        %dma_wait3A_448 = arith.constant 0 : i32
        %dma_wait3A_449 = tpu.memref_slice %arg8[%run_scoped3A_203, %run_scoped3A_204, %dma_wait3A_448] : memref<2x8x128xi32, #tpu.memory_space<vmem>> -> memref<1x1x128xi32, #tpu.memory_space<vmem>>
        %dma_wait3A_450 = tpu.memref_squeeze %dma_wait3A_449 : memref<1x1x128xi32, #tpu.memory_space<vmem>> -> memref<128xi32, #tpu.memory_space<vmem>>
        %dma_wait3A_451 = arith.constant 0 : i32
        %dma_wait3A_452 = arith.constant 0 : i32
        %dma_wait3A_453 = tpu.memref_slice %arg12[%dma_wait3A_451, %dma_wait3A_452] : memref<10240x128xf32, #tpu.memory_space<vmem_shared>> -> memref<10240x128xf32, #tpu.memory_space<vmem_shared>>
        tpu.wait_indirect_dma semaphore(%run_scoped3A_441 : memref<!tpu.dma_semaphore, #tpu.memory_space<semaphore_mem>>) src(%arg11 : memref<128x128xf32, #tpu.memory_space<vmem>>) dst(%dma_wait3A_453 : memref<10240x128xf32, #tpu.memory_space<vmem_shared>>)
        tpu.yield
      }) : () -> ()
      %dma_wait3A_205 = arith.constant 0 : i32
      %dma_wait3A_206 = arith.constant 6 : i32
      %dma_wait3A_207 = arith.constant 0 : i32
      %dma_wait3A_208 = tpu.memref_slice %arg8[%dma_wait3A_205, %dma_wait3A_206, %dma_wait3A_207] : memref<2x8x128xi32, #tpu.memory_space<vmem>> -> memref<1x1x128xi32, #tpu.memory_space<vmem>>
      %dma_wait3A_209 = tpu.memref_squeeze %dma_wait3A_208 : memref<1x1x128xi32, #tpu.memory_space<vmem>> -> memref<128xi32, #tpu.memory_space<vmem>>
      %dma_wait3A_210 = arith.constant 0 : i32
      %dma_wait3A_211 = arith.constant 0 : i32
      %dma_wait3A_212 = tpu.memref_slice %arg2[%dma_wait3A_210, %dma_wait3A_211] : memref<10240x128xf32, #tpu.memory_space<hbm>> -> memref<10240x128xf32, #tpu.memory_space<hbm>>
      tpu.wait_indirect_dma semaphore(%arg15 : memref<!tpu.dma_semaphore, #tpu.memory_space<semaphore_mem>>) src(%dma_wait3A_212 : memref<10240x128xf32, #tpu.memory_space<hbm>>) dst(%arg10 : memref<128x128xf32, #tpu.memory_space<vmem>>)
      %dma_start3A_213 = arith.constant 0 : i32
      %dma_start3A_214 = arith.constant 7 : i32
      %dma_start3A_215 = arith.constant 0 : i32
      %dma_start3A_216 = tpu.memref_slice %arg8[%dma_start3A_213, %dma_start3A_214, %dma_start3A_215] : memref<2x8x128xi32, #tpu.memory_space<vmem>> -> memref<1x1x128xi32, #tpu.memory_space<vmem>>
      %dma_start3A_217 = tpu.memref_squeeze %dma_start3A_216 : memref<1x1x128xi32, #tpu.memory_space<vmem>> -> memref<128xi32, #tpu.memory_space<vmem>>
      %dma_start3A_218 = arith.constant 0 : i32
      %dma_start3A_219 = arith.constant 0 : i32
      %dma_start3A_220 = tpu.memref_slice %arg2[%dma_start3A_218, %dma_start3A_219] : memref<10240x128xf32, #tpu.memory_space<hbm>> -> memref<10240x128xf32, #tpu.memory_space<hbm>>
      tpu.enqueue_indirect_dma source(%dma_start3A_220 : memref<10240x128xf32, #tpu.memory_space<hbm>>) target(%arg11 : memref<128x128xf32, #tpu.memory_space<vmem>>) offsets(%dma_start3A_217 : memref<128xi32, #tpu.memory_space<vmem>>) semaphore(%arg16 : memref<!tpu.dma_semaphore, #tpu.memory_space<semaphore_mem>>)
      %run_scoped3A_221 = arith.constant 1 : i32
      %run_scoped3A_222 = arith.constant 6 : i32
      "tpu.region"() ({
        %run_scoped3A_441 = tpu.sem_alloc : memref<!tpu.dma_semaphore, #tpu.memory_space<semaphore_mem>>
        %dma_start3A_442 = arith.constant 0 : i32
        %dma_start3A_443 = tpu.memref_slice %arg8[%run_scoped3A_221, %run_scoped3A_222, %dma_start3A_442] : memref<2x8x128xi32, #tpu.memory_space<vmem>> -> memref<1x1x128xi32, #tpu.memory_space<vmem>>
        %dma_start3A_444 = tpu.memref_squeeze %dma_start3A_443 : memref<1x1x128xi32, #tpu.memory_space<vmem>> -> memref<128xi32, #tpu.memory_space<vmem>>
        %dma_start3A_445 = arith.constant 0 : i32
        %dma_start3A_446 = arith.constant 0 : i32
        %dma_start3A_447 = tpu.memref_slice %arg12[%dma_start3A_445, %dma_start3A_446] : memref<10240x128xf32, #tpu.memory_space<vmem_shared>> -> memref<10240x128xf32, #tpu.memory_space<vmem_shared>>
        tpu.enqueue_indirect_dma source(%arg10 : memref<128x128xf32, #tpu.memory_space<vmem>>) target(%dma_start3A_447 : memref<10240x128xf32, #tpu.memory_space<vmem_shared>>) offsets(%dma_start3A_444 : memref<128xi32, #tpu.memory_space<vmem>>) semaphore(%run_scoped3A_441 : memref<!tpu.dma_semaphore, #tpu.memory_space<semaphore_mem>>) {add = true}
        %dma_wait3A_448 = arith.constant 0 : i32
        %dma_wait3A_449 = tpu.memref_slice %arg8[%run_scoped3A_221, %run_scoped3A_222, %dma_wait3A_448] : memref<2x8x128xi32, #tpu.memory_space<vmem>> -> memref<1x1x128xi32, #tpu.memory_space<vmem>>
        %dma_wait3A_450 = tpu.memref_squeeze %dma_wait3A_449 : memref<1x1x128xi32, #tpu.memory_space<vmem>> -> memref<128xi32, #tpu.memory_space<vmem>>
        %dma_wait3A_451 = arith.constant 0 : i32
        %dma_wait3A_452 = arith.constant 0 : i32
        %dma_wait3A_453 = tpu.memref_slice %arg12[%dma_wait3A_451, %dma_wait3A_452] : memref<10240x128xf32, #tpu.memory_space<vmem_shared>> -> memref<10240x128xf32, #tpu.memory_space<vmem_shared>>
        tpu.wait_indirect_dma semaphore(%run_scoped3A_441 : memref<!tpu.dma_semaphore, #tpu.memory_space<semaphore_mem>>) src(%arg10 : memref<128x128xf32, #tpu.memory_space<vmem>>) dst(%dma_wait3A_453 : memref<10240x128xf32, #tpu.memory_space<vmem_shared>>)
        tpu.yield
      }) : () -> ()
      %dma_wait3A_223 = arith.constant 0 : i32
      %dma_wait3A_224 = arith.constant 7 : i32
      %dma_wait3A_225 = arith.constant 0 : i32
      %dma_wait3A_226 = tpu.memref_slice %arg8[%dma_wait3A_223, %dma_wait3A_224, %dma_wait3A_225] : memref<2x8x128xi32, #tpu.memory_space<vmem>> -> memref<1x1x128xi32, #tpu.memory_space<vmem>>
      %dma_wait3A_227 = tpu.memref_squeeze %dma_wait3A_226 : memref<1x1x128xi32, #tpu.memory_space<vmem>> -> memref<128xi32, #tpu.memory_space<vmem>>
      %dma_wait3A_228 = arith.constant 0 : i32
      %dma_wait3A_229 = arith.constant 0 : i32
      %dma_wait3A_230 = tpu.memref_slice %arg2[%dma_wait3A_228, %dma_wait3A_229] : memref<10240x128xf32, #tpu.memory_space<hbm>> -> memref<10240x128xf32, #tpu.memory_space<hbm>>
      tpu.wait_indirect_dma semaphore(%arg16 : memref<!tpu.dma_semaphore, #tpu.memory_space<semaphore_mem>>) src(%dma_wait3A_230 : memref<10240x128xf32, #tpu.memory_space<hbm>>) dst(%arg11 : memref<128x128xf32, #tpu.memory_space<vmem>>)
      %add3A_231 = arith.addi %select_n3A_10, %mul3A_97 : i32
      %add3A_232 = arith.constant 1 : i32
      %add3A_233 = arith.addi %add3A_231, %add3A_232 : i32
      %dma_wait3A_234 = arith.constant 0 : i32
      %dma_wait3A_235 = arith.constant 0 : i32
      %dma_wait3A_236 = arith.constant 0 : i32
      %dma_wait3A_237 = tpu.memref_slice %arg3[%add3A_233, %dma_wait3A_234, %dma_wait3A_235, %dma_wait3A_236] : memref<322x2x8x128xi32, #tpu.memory_space<hbm>> -> memref<1x2x8x128xi32, #tpu.memory_space<hbm>>
      %dma_wait3A_238 = tpu.memref_squeeze %dma_wait3A_237 : memref<1x2x8x128xi32, #tpu.memory_space<hbm>> -> memref<2x8x128xi32, #tpu.memory_space<hbm>>
      %dma_wait3A_239 = arith.constant 0 : i32
      %dma_wait3A_240 = arith.constant 0 : i32
      %dma_wait3A_241 = arith.constant 0 : i32
      %dma_wait3A_242 = tpu.memref_slice %arg3[%add3A_233, %dma_wait3A_239, %dma_wait3A_240, %dma_wait3A_241] : memref<322x2x8x128xi32, #tpu.memory_space<hbm>> -> memref<1x2x8x128xi32, #tpu.memory_space<hbm>>
      %dma_wait3A_243 = tpu.memref_squeeze %dma_wait3A_242 : memref<1x2x8x128xi32, #tpu.memory_space<hbm>> -> memref<2x8x128xi32, #tpu.memory_space<hbm>>
      tpu.wait_dma2 semaphore(%arg14 : memref<!tpu.dma_semaphore, #tpu.memory_space<semaphore_mem>>) src(%dma_wait3A_243 : memref<2x8x128xi32, #tpu.memory_space<hbm>>) dst(%arg9 : memref<2x8x128xi32, #tpu.memory_space<vmem>>)
      %dma_start3A_244 = arith.constant 0 : i32
      %dma_start3A_245 = arith.constant 0 : i32
      %dma_start3A_246 = arith.constant 0 : i32
      %dma_start3A_247 = tpu.memref_slice %arg9[%dma_start3A_244, %dma_start3A_245, %dma_start3A_246] : memref<2x8x128xi32, #tpu.memory_space<vmem>> -> memref<1x1x128xi32, #tpu.memory_space<vmem>>
      %dma_start3A_248 = tpu.memref_squeeze %dma_start3A_247 : memref<1x1x128xi32, #tpu.memory_space<vmem>> -> memref<128xi32, #tpu.memory_space<vmem>>
      %dma_start3A_249 = arith.constant 0 : i32
      %dma_start3A_250 = arith.constant 0 : i32
      %dma_start3A_251 = tpu.memref_slice %arg2[%dma_start3A_249, %dma_start3A_250] : memref<10240x128xf32, #tpu.memory_space<hbm>> -> memref<10240x128xf32, #tpu.memory_space<hbm>>
      tpu.enqueue_indirect_dma source(%dma_start3A_251 : memref<10240x128xf32, #tpu.memory_space<hbm>>) target(%arg10 : memref<128x128xf32, #tpu.memory_space<vmem>>) offsets(%dma_start3A_248 : memref<128xi32, #tpu.memory_space<vmem>>) semaphore(%arg15 : memref<!tpu.dma_semaphore, #tpu.memory_space<semaphore_mem>>)
      %run_scoped3A_252 = arith.constant 1 : i32
      %run_scoped3A_253 = arith.constant 7 : i32
      "tpu.region"() ({
        %run_scoped3A_441 = tpu.sem_alloc : memref<!tpu.dma_semaphore, #tpu.memory_space<semaphore_mem>>
        %dma_start3A_442 = arith.constant 0 : i32
        %dma_start3A_443 = tpu.memref_slice %arg8[%run_scoped3A_252, %run_scoped3A_253, %dma_start3A_442] : memref<2x8x128xi32, #tpu.memory_space<vmem>> -> memref<1x1x128xi32, #tpu.memory_space<vmem>>
        %dma_start3A_444 = tpu.memref_squeeze %dma_start3A_443 : memref<1x1x128xi32, #tpu.memory_space<vmem>> -> memref<128xi32, #tpu.memory_space<vmem>>
        %dma_start3A_445 = arith.constant 0 : i32
        %dma_start3A_446 = arith.constant 0 : i32
        %dma_start3A_447 = tpu.memref_slice %arg12[%dma_start3A_445, %dma_start3A_446] : memref<10240x128xf32, #tpu.memory_space<vmem_shared>> -> memref<10240x128xf32, #tpu.memory_space<vmem_shared>>
        tpu.enqueue_indirect_dma source(%arg11 : memref<128x128xf32, #tpu.memory_space<vmem>>) target(%dma_start3A_447 : memref<10240x128xf32, #tpu.memory_space<vmem_shared>>) offsets(%dma_start3A_444 : memref<128xi32, #tpu.memory_space<vmem>>) semaphore(%run_scoped3A_441 : memref<!tpu.dma_semaphore, #tpu.memory_space<semaphore_mem>>) {add = true}
        %dma_wait3A_448 = arith.constant 0 : i32
        %dma_wait3A_449 = tpu.memref_slice %arg8[%run_scoped3A_252, %run_scoped3A_253, %dma_wait3A_448] : memref<2x8x128xi32, #tpu.memory_space<vmem>> -> memref<1x1x128xi32, #tpu.memory_space<vmem>>
        %dma_wait3A_450 = tpu.memref_squeeze %dma_wait3A_449 : memref<1x1x128xi32, #tpu.memory_space<vmem>> -> memref<128xi32, #tpu.memory_space<vmem>>
        %dma_wait3A_451 = arith.constant 0 : i32
        %dma_wait3A_452 = arith.constant 0 : i32
        %dma_wait3A_453 = tpu.memref_slice %arg12[%dma_wait3A_451, %dma_wait3A_452] : memref<10240x128xf32, #tpu.memory_space<vmem_shared>> -> memref<10240x128xf32, #tpu.memory_space<vmem_shared>>
        tpu.wait_indirect_dma semaphore(%run_scoped3A_441 : memref<!tpu.dma_semaphore, #tpu.memory_space<semaphore_mem>>) src(%arg11 : memref<128x128xf32, #tpu.memory_space<vmem>>) dst(%dma_wait3A_453 : memref<10240x128xf32, #tpu.memory_space<vmem_shared>>)
        tpu.yield
      }) : () -> ()
      %add3A_254 = arith.addi %select_n3A_10, %mul3A_97 : i32
      %add3A_255 = arith.constant 2 : i32
      %add3A_256 = arith.addi %add3A_254, %add3A_255 : i32
      %dma_start3A_257 = arith.constant 0 : i32
      %dma_start3A_258 = arith.constant 0 : i32
      %dma_start3A_259 = arith.constant 0 : i32
      %dma_start3A_260 = tpu.memref_slice %arg3[%add3A_256, %dma_start3A_257, %dma_start3A_258, %dma_start3A_259] : memref<322x2x8x128xi32, #tpu.memory_space<hbm>> -> memref<1x2x8x128xi32, #tpu.memory_space<hbm>>
      %dma_start3A_261 = tpu.memref_squeeze %dma_start3A_260 : memref<1x2x8x128xi32, #tpu.memory_space<hbm>> -> memref<2x8x128xi32, #tpu.memory_space<hbm>>
      %dma_start3A_262 = arith.constant 0 : i32
      %dma_start3A_263 = arith.constant 0 : i32
      %dma_start3A_264 = arith.constant 0 : i32
      %dma_start3A_265 = tpu.memref_slice %arg3[%add3A_256, %dma_start3A_262, %dma_start3A_263, %dma_start3A_264] : memref<322x2x8x128xi32, #tpu.memory_space<hbm>> -> memref<1x2x8x128xi32, #tpu.memory_space<hbm>>
      %dma_start3A_266 = tpu.memref_squeeze %dma_start3A_265 : memref<1x2x8x128xi32, #tpu.memory_space<hbm>> -> memref<2x8x128xi32, #tpu.memory_space<hbm>>
      tpu.enqueue_dma source(%dma_start3A_266 : memref<2x8x128xi32, #tpu.memory_space<hbm>>) target(%arg8 : memref<2x8x128xi32, #tpu.memory_space<vmem>>) target_semaphore(%arg13 : memref<!tpu.dma_semaphore, #tpu.memory_space<semaphore_mem>>)
      %mul3A_267 = arith.constant 2 : i32
      %mul3A_268 = arith.muli %mul3A_267, %while3A_95 : i32
      %add3A_269 = arith.constant 1 : i32
      %add3A_270 = arith.addi %mul3A_268, %add3A_269 : i32
      %dma_wait3A_271 = arith.constant 0 : i32
      %dma_wait3A_272 = arith.constant 0 : i32
      %dma_wait3A_273 = arith.constant 0 : i32
      %dma_wait3A_274 = tpu.memref_slice %arg9[%dma_wait3A_271, %dma_wait3A_272, %dma_wait3A_273] : memref<2x8x128xi32, #tpu.memory_space<vmem>> -> memref<1x1x128xi32, #tpu.memory_space<vmem>>
      %dma_wait3A_275 = tpu.memref_squeeze %dma_wait3A_274 : memref<1x1x128xi32, #tpu.memory_space<vmem>> -> memref<128xi32, #tpu.memory_space<vmem>>
      %dma_wait3A_276 = arith.constant 0 : i32
      %dma_wait3A_277 = arith.constant 0 : i32
      %dma_wait3A_278 = tpu.memref_slice %arg2[%dma_wait3A_276, %dma_wait3A_277] : memref<10240x128xf32, #tpu.memory_space<hbm>> -> memref<10240x128xf32, #tpu.memory_space<hbm>>
      tpu.wait_indirect_dma semaphore(%arg15 : memref<!tpu.dma_semaphore, #tpu.memory_space<semaphore_mem>>) src(%dma_wait3A_278 : memref<10240x128xf32, #tpu.memory_space<hbm>>) dst(%arg10 : memref<128x128xf32, #tpu.memory_space<vmem>>)
      %dma_start3A_279 = arith.constant 0 : i32
      %dma_start3A_280 = arith.constant 1 : i32
      %dma_start3A_281 = arith.constant 0 : i32
      %dma_start3A_282 = tpu.memref_slice %arg9[%dma_start3A_279, %dma_start3A_280, %dma_start3A_281] : memref<2x8x128xi32, #tpu.memory_space<vmem>> -> memref<1x1x128xi32, #tpu.memory_space<vmem>>
      %dma_start3A_283 = tpu.memref_squeeze %dma_start3A_282 : memref<1x1x128xi32, #tpu.memory_space<vmem>> -> memref<128xi32, #tpu.memory_space<vmem>>
      %dma_start3A_284 = arith.constant 0 : i32
      %dma_start3A_285 = arith.constant 0 : i32
      %dma_start3A_286 = tpu.memref_slice %arg2[%dma_start3A_284, %dma_start3A_285] : memref<10240x128xf32, #tpu.memory_space<hbm>> -> memref<10240x128xf32, #tpu.memory_space<hbm>>
      tpu.enqueue_indirect_dma source(%dma_start3A_286 : memref<10240x128xf32, #tpu.memory_space<hbm>>) target(%arg11 : memref<128x128xf32, #tpu.memory_space<vmem>>) offsets(%dma_start3A_283 : memref<128xi32, #tpu.memory_space<vmem>>) semaphore(%arg16 : memref<!tpu.dma_semaphore, #tpu.memory_space<semaphore_mem>>)
      %run_scoped3A_287 = arith.constant 1 : i32
      %run_scoped3A_288 = arith.constant 0 : i32
      "tpu.region"() ({
        %run_scoped3A_441 = tpu.sem_alloc : memref<!tpu.dma_semaphore, #tpu.memory_space<semaphore_mem>>
        %dma_start3A_442 = arith.constant 0 : i32
        %dma_start3A_443 = tpu.memref_slice %arg9[%run_scoped3A_287, %run_scoped3A_288, %dma_start3A_442] : memref<2x8x128xi32, #tpu.memory_space<vmem>> -> memref<1x1x128xi32, #tpu.memory_space<vmem>>
        %dma_start3A_444 = tpu.memref_squeeze %dma_start3A_443 : memref<1x1x128xi32, #tpu.memory_space<vmem>> -> memref<128xi32, #tpu.memory_space<vmem>>
        %dma_start3A_445 = arith.constant 0 : i32
        %dma_start3A_446 = arith.constant 0 : i32
        %dma_start3A_447 = tpu.memref_slice %arg12[%dma_start3A_445, %dma_start3A_446] : memref<10240x128xf32, #tpu.memory_space<vmem_shared>> -> memref<10240x128xf32, #tpu.memory_space<vmem_shared>>
        tpu.enqueue_indirect_dma source(%arg10 : memref<128x128xf32, #tpu.memory_space<vmem>>) target(%dma_start3A_447 : memref<10240x128xf32, #tpu.memory_space<vmem_shared>>) offsets(%dma_start3A_444 : memref<128xi32, #tpu.memory_space<vmem>>) semaphore(%run_scoped3A_441 : memref<!tpu.dma_semaphore, #tpu.memory_space<semaphore_mem>>) {add = true}
        %dma_wait3A_448 = arith.constant 0 : i32
        %dma_wait3A_449 = tpu.memref_slice %arg9[%run_scoped3A_287, %run_scoped3A_288, %dma_wait3A_448] : memref<2x8x128xi32, #tpu.memory_space<vmem>> -> memref<1x1x128xi32, #tpu.memory_space<vmem>>
        %dma_wait3A_450 = tpu.memref_squeeze %dma_wait3A_449 : memref<1x1x128xi32, #tpu.memory_space<vmem>> -> memref<128xi32, #tpu.memory_space<vmem>>
        %dma_wait3A_451 = arith.constant 0 : i32
        %dma_wait3A_452 = arith.constant 0 : i32
        %dma_wait3A_453 = tpu.memref_slice %arg12[%dma_wait3A_451, %dma_wait3A_452] : memref<10240x128xf32, #tpu.memory_space<vmem_shared>> -> memref<10240x128xf32, #tpu.memory_space<vmem_shared>>
        tpu.wait_indirect_dma semaphore(%run_scoped3A_441 : memref<!tpu.dma_semaphore, #tpu.memory_space<semaphore_mem>>) src(%arg10 : memref<128x128xf32, #tpu.memory_space<vmem>>) dst(%dma_wait3A_453 : memref<10240x128xf32, #tpu.memory_space<vmem_shared>>)
        tpu.yield
      }) : () -> ()
      %dma_wait3A_289 = arith.constant 0 : i32
      %dma_wait3A_290 = arith.constant 1 : i32
      %dma_wait3A_291 = arith.constant 0 : i32
      %dma_wait3A_292 = tpu.memref_slice %arg9[%dma_wait3A_289, %dma_wait3A_290, %dma_wait3A_291] : memref<2x8x128xi32, #tpu.memory_space<vmem>> -> memref<1x1x128xi32, #tpu.memory_space<vmem>>
      %dma_wait3A_293 = tpu.memref_squeeze %dma_wait3A_292 : memref<1x1x128xi32, #tpu.memory_space<vmem>> -> memref<128xi32, #tpu.memory_space<vmem>>
      %dma_wait3A_294 = arith.constant 0 : i32
      %dma_wait3A_295 = arith.constant 0 : i32
      %dma_wait3A_296 = tpu.memref_slice %arg2[%dma_wait3A_294, %dma_wait3A_295] : memref<10240x128xf32, #tpu.memory_space<hbm>> -> memref<10240x128xf32, #tpu.memory_space<hbm>>
      tpu.wait_indirect_dma semaphore(%arg16 : memref<!tpu.dma_semaphore, #tpu.memory_space<semaphore_mem>>) src(%dma_wait3A_296 : memref<10240x128xf32, #tpu.memory_space<hbm>>) dst(%arg11 : memref<128x128xf32, #tpu.memory_space<vmem>>)
      %dma_start3A_297 = arith.constant 0 : i32
      %dma_start3A_298 = arith.constant 2 : i32
      %dma_start3A_299 = arith.constant 0 : i32
      %dma_start3A_300 = tpu.memref_slice %arg9[%dma_start3A_297, %dma_start3A_298, %dma_start3A_299] : memref<2x8x128xi32, #tpu.memory_space<vmem>> -> memref<1x1x128xi32, #tpu.memory_space<vmem>>
      %dma_start3A_301 = tpu.memref_squeeze %dma_start3A_300 : memref<1x1x128xi32, #tpu.memory_space<vmem>> -> memref<128xi32, #tpu.memory_space<vmem>>
      %dma_start3A_302 = arith.constant 0 : i32
      %dma_start3A_303 = arith.constant 0 : i32
      %dma_start3A_304 = tpu.memref_slice %arg2[%dma_start3A_302, %dma_start3A_303] : memref<10240x128xf32, #tpu.memory_space<hbm>> -> memref<10240x128xf32, #tpu.memory_space<hbm>>
      tpu.enqueue_indirect_dma source(%dma_start3A_304 : memref<10240x128xf32, #tpu.memory_space<hbm>>) target(%arg10 : memref<128x128xf32, #tpu.memory_space<vmem>>) offsets(%dma_start3A_301 : memref<128xi32, #tpu.memory_space<vmem>>) semaphore(%arg15 : memref<!tpu.dma_semaphore, #tpu.memory_space<semaphore_mem>>)
      %run_scoped3A_305 = arith.constant 1 : i32
      %run_scoped3A_306 = arith.constant 1 : i32
      "tpu.region"() ({
        %run_scoped3A_441 = tpu.sem_alloc : memref<!tpu.dma_semaphore, #tpu.memory_space<semaphore_mem>>
        %dma_start3A_442 = arith.constant 0 : i32
        %dma_start3A_443 = tpu.memref_slice %arg9[%run_scoped3A_305, %run_scoped3A_306, %dma_start3A_442] : memref<2x8x128xi32, #tpu.memory_space<vmem>> -> memref<1x1x128xi32, #tpu.memory_space<vmem>>
        %dma_start3A_444 = tpu.memref_squeeze %dma_start3A_443 : memref<1x1x128xi32, #tpu.memory_space<vmem>> -> memref<128xi32, #tpu.memory_space<vmem>>
        %dma_start3A_445 = arith.constant 0 : i32
        %dma_start3A_446 = arith.constant 0 : i32
        %dma_start3A_447 = tpu.memref_slice %arg12[%dma_start3A_445, %dma_start3A_446] : memref<10240x128xf32, #tpu.memory_space<vmem_shared>> -> memref<10240x128xf32, #tpu.memory_space<vmem_shared>>
        tpu.enqueue_indirect_dma source(%arg11 : memref<128x128xf32, #tpu.memory_space<vmem>>) target(%dma_start3A_447 : memref<10240x128xf32, #tpu.memory_space<vmem_shared>>) offsets(%dma_start3A_444 : memref<128xi32, #tpu.memory_space<vmem>>) semaphore(%run_scoped3A_441 : memref<!tpu.dma_semaphore, #tpu.memory_space<semaphore_mem>>) {add = true}
        %dma_wait3A_448 = arith.constant 0 : i32
        %dma_wait3A_449 = tpu.memref_slice %arg9[%run_scoped3A_305, %run_scoped3A_306, %dma_wait3A_448] : memref<2x8x128xi32, #tpu.memory_space<vmem>> -> memref<1x1x128xi32, #tpu.memory_space<vmem>>
        %dma_wait3A_450 = tpu.memref_squeeze %dma_wait3A_449 : memref<1x1x128xi32, #tpu.memory_space<vmem>> -> memref<128xi32, #tpu.memory_space<vmem>>
        %dma_wait3A_451 = arith.constant 0 : i32
        %dma_wait3A_452 = arith.constant 0 : i32
        %dma_wait3A_453 = tpu.memref_slice %arg12[%dma_wait3A_451, %dma_wait3A_452] : memref<10240x128xf32, #tpu.memory_space<vmem_shared>> -> memref<10240x128xf32, #tpu.memory_space<vmem_shared>>
        tpu.wait_indirect_dma semaphore(%run_scoped3A_441 : memref<!tpu.dma_semaphore, #tpu.memory_space<semaphore_mem>>) src(%arg11 : memref<128x128xf32, #tpu.memory_space<vmem>>) dst(%dma_wait3A_453 : memref<10240x128xf32, #tpu.memory_space<vmem_shared>>)
        tpu.yield
      }) : () -> ()
      %dma_wait3A_307 = arith.constant 0 : i32
      %dma_wait3A_308 = arith.constant 2 : i32
      %dma_wait3A_309 = arith.constant 0 : i32
      %dma_wait3A_310 = tpu.memref_slice %arg9[%dma_wait3A_307, %dma_wait3A_308, %dma_wait3A_309] : memref<2x8x128xi32, #tpu.memory_space<vmem>> -> memref<1x1x128xi32, #tpu.memory_space<vmem>>
      %dma_wait3A_311 = tpu.memref_squeeze %dma_wait3A_310 : memref<1x1x128xi32, #tpu.memory_space<vmem>> -> memref<128xi32, #tpu.memory_space<vmem>>
      %dma_wait3A_312 = arith.constant 0 : i32
      %dma_wait3A_313 = arith.constant 0 : i32
      %dma_wait3A_314 = tpu.memref_slice %arg2[%dma_wait3A_312, %dma_wait3A_313] : memref<10240x128xf32, #tpu.memory_space<hbm>> -> memref<10240x128xf32, #tpu.memory_space<hbm>>
      tpu.wait_indirect_dma semaphore(%arg15 : memref<!tpu.dma_semaphore, #tpu.memory_space<semaphore_mem>>) src(%dma_wait3A_314 : memref<10240x128xf32, #tpu.memory_space<hbm>>) dst(%arg10 : memref<128x128xf32, #tpu.memory_space<vmem>>)
      %dma_start3A_315 = arith.constant 0 : i32
      %dma_start3A_316 = arith.constant 3 : i32
      %dma_start3A_317 = arith.constant 0 : i32
      %dma_start3A_318 = tpu.memref_slice %arg9[%dma_start3A_315, %dma_start3A_316, %dma_start3A_317] : memref<2x8x128xi32, #tpu.memory_space<vmem>> -> memref<1x1x128xi32, #tpu.memory_space<vmem>>
      %dma_start3A_319 = tpu.memref_squeeze %dma_start3A_318 : memref<1x1x128xi32, #tpu.memory_space<vmem>> -> memref<128xi32, #tpu.memory_space<vmem>>
      %dma_start3A_320 = arith.constant 0 : i32
      %dma_start3A_321 = arith.constant 0 : i32
      %dma_start3A_322 = tpu.memref_slice %arg2[%dma_start3A_320, %dma_start3A_321] : memref<10240x128xf32, #tpu.memory_space<hbm>> -> memref<10240x128xf32, #tpu.memory_space<hbm>>
      tpu.enqueue_indirect_dma source(%dma_start3A_322 : memref<10240x128xf32, #tpu.memory_space<hbm>>) target(%arg11 : memref<128x128xf32, #tpu.memory_space<vmem>>) offsets(%dma_start3A_319 : memref<128xi32, #tpu.memory_space<vmem>>) semaphore(%arg16 : memref<!tpu.dma_semaphore, #tpu.memory_space<semaphore_mem>>)
      %run_scoped3A_323 = arith.constant 1 : i32
      %run_scoped3A_324 = arith.constant 2 : i32
      "tpu.region"() ({
        %run_scoped3A_441 = tpu.sem_alloc : memref<!tpu.dma_semaphore, #tpu.memory_space<semaphore_mem>>
        %dma_start3A_442 = arith.constant 0 : i32
        %dma_start3A_443 = tpu.memref_slice %arg9[%run_scoped3A_323, %run_scoped3A_324, %dma_start3A_442] : memref<2x8x128xi32, #tpu.memory_space<vmem>> -> memref<1x1x128xi32, #tpu.memory_space<vmem>>
        %dma_start3A_444 = tpu.memref_squeeze %dma_start3A_443 : memref<1x1x128xi32, #tpu.memory_space<vmem>> -> memref<128xi32, #tpu.memory_space<vmem>>
        %dma_start3A_445 = arith.constant 0 : i32
        %dma_start3A_446 = arith.constant 0 : i32
        %dma_start3A_447 = tpu.memref_slice %arg12[%dma_start3A_445, %dma_start3A_446] : memref<10240x128xf32, #tpu.memory_space<vmem_shared>> -> memref<10240x128xf32, #tpu.memory_space<vmem_shared>>
        tpu.enqueue_indirect_dma source(%arg10 : memref<128x128xf32, #tpu.memory_space<vmem>>) target(%dma_start3A_447 : memref<10240x128xf32, #tpu.memory_space<vmem_shared>>) offsets(%dma_start3A_444 : memref<128xi32, #tpu.memory_space<vmem>>) semaphore(%run_scoped3A_441 : memref<!tpu.dma_semaphore, #tpu.memory_space<semaphore_mem>>) {add = true}
        %dma_wait3A_448 = arith.constant 0 : i32
        %dma_wait3A_449 = tpu.memref_slice %arg9[%run_scoped3A_323, %run_scoped3A_324, %dma_wait3A_448] : memref<2x8x128xi32, #tpu.memory_space<vmem>> -> memref<1x1x128xi32, #tpu.memory_space<vmem>>
        %dma_wait3A_450 = tpu.memref_squeeze %dma_wait3A_449 : memref<1x1x128xi32, #tpu.memory_space<vmem>> -> memref<128xi32, #tpu.memory_space<vmem>>
        %dma_wait3A_451 = arith.constant 0 : i32
        %dma_wait3A_452 = arith.constant 0 : i32
        %dma_wait3A_453 = tpu.memref_slice %arg12[%dma_wait3A_451, %dma_wait3A_452] : memref<10240x128xf32, #tpu.memory_space<vmem_shared>> -> memref<10240x128xf32, #tpu.memory_space<vmem_shared>>
        tpu.wait_indirect_dma semaphore(%run_scoped3A_441 : memref<!tpu.dma_semaphore, #tpu.memory_space<semaphore_mem>>) src(%arg10 : memref<128x128xf32, #tpu.memory_space<vmem>>) dst(%dma_wait3A_453 : memref<10240x128xf32, #tpu.memory_space<vmem_shared>>)
        tpu.yield
      }) : () -> ()
      %dma_wait3A_325 = arith.constant 0 : i32
      %dma_wait3A_326 = arith.constant 3 : i32
      %dma_wait3A_327 = arith.constant 0 : i32
      %dma_wait3A_328 = tpu.memref_slice %arg9[%dma_wait3A_325, %dma_wait3A_326, %dma_wait3A_327] : memref<2x8x128xi32, #tpu.memory_space<vmem>> -> memref<1x1x128xi32, #tpu.memory_space<vmem>>
      %dma_wait3A_329 = tpu.memref_squeeze %dma_wait3A_328 : memref<1x1x128xi32, #tpu.memory_space<vmem>> -> memref<128xi32, #tpu.memory_space<vmem>>
      %dma_wait3A_330 = arith.constant 0 : i32
      %dma_wait3A_331 = arith.constant 0 : i32
      %dma_wait3A_332 = tpu.memref_slice %arg2[%dma_wait3A_330, %dma_wait3A_331] : memref<10240x128xf32, #tpu.memory_space<hbm>> -> memref<10240x128xf32, #tpu.memory_space<hbm>>
      tpu.wait_indirect_dma semaphore(%arg16 : memref<!tpu.dma_semaphore, #tpu.memory_space<semaphore_mem>>) src(%dma_wait3A_332 : memref<10240x128xf32, #tpu.memory_space<hbm>>) dst(%arg11 : memref<128x128xf32, #tpu.memory_space<vmem>>)
      %dma_start3A_333 = arith.constant 0 : i32
      %dma_start3A_334 = arith.constant 4 : i32
      %dma_start3A_335 = arith.constant 0 : i32
      %dma_start3A_336 = tpu.memref_slice %arg9[%dma_start3A_333, %dma_start3A_334, %dma_start3A_335] : memref<2x8x128xi32, #tpu.memory_space<vmem>> -> memref<1x1x128xi32, #tpu.memory_space<vmem>>
      %dma_start3A_337 = tpu.memref_squeeze %dma_start3A_336 : memref<1x1x128xi32, #tpu.memory_space<vmem>> -> memref<128xi32, #tpu.memory_space<vmem>>
      %dma_start3A_338 = arith.constant 0 : i32
      %dma_start3A_339 = arith.constant 0 : i32
      %dma_start3A_340 = tpu.memref_slice %arg2[%dma_start3A_338, %dma_start3A_339] : memref<10240x128xf32, #tpu.memory_space<hbm>> -> memref<10240x128xf32, #tpu.memory_space<hbm>>
      tpu.enqueue_indirect_dma source(%dma_start3A_340 : memref<10240x128xf32, #tpu.memory_space<hbm>>) target(%arg10 : memref<128x128xf32, #tpu.memory_space<vmem>>) offsets(%dma_start3A_337 : memref<128xi32, #tpu.memory_space<vmem>>) semaphore(%arg15 : memref<!tpu.dma_semaphore, #tpu.memory_space<semaphore_mem>>)
      %run_scoped3A_341 = arith.constant 1 : i32
      %run_scoped3A_342 = arith.constant 3 : i32
      "tpu.region"() ({
        %run_scoped3A_441 = tpu.sem_alloc : memref<!tpu.dma_semaphore, #tpu.memory_space<semaphore_mem>>
        %dma_start3A_442 = arith.constant 0 : i32
        %dma_start3A_443 = tpu.memref_slice %arg9[%run_scoped3A_341, %run_scoped3A_342, %dma_start3A_442] : memref<2x8x128xi32, #tpu.memory_space<vmem>> -> memref<1x1x128xi32, #tpu.memory_space<vmem>>
        %dma_start3A_444 = tpu.memref_squeeze %dma_start3A_443 : memref<1x1x128xi32, #tpu.memory_space<vmem>> -> memref<128xi32, #tpu.memory_space<vmem>>
        %dma_start3A_445 = arith.constant 0 : i32
        %dma_start3A_446 = arith.constant 0 : i32
        %dma_start3A_447 = tpu.memref_slice %arg12[%dma_start3A_445, %dma_start3A_446] : memref<10240x128xf32, #tpu.memory_space<vmem_shared>> -> memref<10240x128xf32, #tpu.memory_space<vmem_shared>>
        tpu.enqueue_indirect_dma source(%arg11 : memref<128x128xf32, #tpu.memory_space<vmem>>) target(%dma_start3A_447 : memref<10240x128xf32, #tpu.memory_space<vmem_shared>>) offsets(%dma_start3A_444 : memref<128xi32, #tpu.memory_space<vmem>>) semaphore(%run_scoped3A_441 : memref<!tpu.dma_semaphore, #tpu.memory_space<semaphore_mem>>) {add = true}
        %dma_wait3A_448 = arith.constant 0 : i32
        %dma_wait3A_449 = tpu.memref_slice %arg9[%run_scoped3A_341, %run_scoped3A_342, %dma_wait3A_448] : memref<2x8x128xi32, #tpu.memory_space<vmem>> -> memref<1x1x128xi32, #tpu.memory_space<vmem>>
        %dma_wait3A_450 = tpu.memref_squeeze %dma_wait3A_449 : memref<1x1x128xi32, #tpu.memory_space<vmem>> -> memref<128xi32, #tpu.memory_space<vmem>>
        %dma_wait3A_451 = arith.constant 0 : i32
        %dma_wait3A_452 = arith.constant 0 : i32
        %dma_wait3A_453 = tpu.memref_slice %arg12[%dma_wait3A_451, %dma_wait3A_452] : memref<10240x128xf32, #tpu.memory_space<vmem_shared>> -> memref<10240x128xf32, #tpu.memory_space<vmem_shared>>
        tpu.wait_indirect_dma semaphore(%run_scoped3A_441 : memref<!tpu.dma_semaphore, #tpu.memory_space<semaphore_mem>>) src(%arg11 : memref<128x128xf32, #tpu.memory_space<vmem>>) dst(%dma_wait3A_453 : memref<10240x128xf32, #tpu.memory_space<vmem_shared>>)
        tpu.yield
      }) : () -> ()
      %dma_wait3A_343 = arith.constant 0 : i32
      %dma_wait3A_344 = arith.constant 4 : i32
      %dma_wait3A_345 = arith.constant 0 : i32
      %dma_wait3A_346 = tpu.memref_slice %arg9[%dma_wait3A_343, %dma_wait3A_344, %dma_wait3A_345] : memref<2x8x128xi32, #tpu.memory_space<vmem>> -> memref<1x1x128xi32, #tpu.memory_space<vmem>>
      %dma_wait3A_347 = tpu.memref_squeeze %dma_wait3A_346 : memref<1x1x128xi32, #tpu.memory_space<vmem>> -> memref<128xi32, #tpu.memory_space<vmem>>
      %dma_wait3A_348 = arith.constant 0 : i32
      %dma_wait3A_349 = arith.constant 0 : i32
      %dma_wait3A_350 = tpu.memref_slice %arg2[%dma_wait3A_348, %dma_wait3A_349] : memref<10240x128xf32, #tpu.memory_space<hbm>> -> memref<10240x128xf32, #tpu.memory_space<hbm>>
      tpu.wait_indirect_dma semaphore(%arg15 : memref<!tpu.dma_semaphore, #tpu.memory_space<semaphore_mem>>) src(%dma_wait3A_350 : memref<10240x128xf32, #tpu.memory_space<hbm>>) dst(%arg10 : memref<128x128xf32, #tpu.memory_space<vmem>>)
      %dma_start3A_351 = arith.constant 0 : i32
      %dma_start3A_352 = arith.constant 5 : i32
      %dma_start3A_353 = arith.constant 0 : i32
      %dma_start3A_354 = tpu.memref_slice %arg9[%dma_start3A_351, %dma_start3A_352, %dma_start3A_353] : memref<2x8x128xi32, #tpu.memory_space<vmem>> -> memref<1x1x128xi32, #tpu.memory_space<vmem>>
      %dma_start3A_355 = tpu.memref_squeeze %dma_start3A_354 : memref<1x1x128xi32, #tpu.memory_space<vmem>> -> memref<128xi32, #tpu.memory_space<vmem>>
      %dma_start3A_356 = arith.constant 0 : i32
      %dma_start3A_357 = arith.constant 0 : i32
      %dma_start3A_358 = tpu.memref_slice %arg2[%dma_start3A_356, %dma_start3A_357] : memref<10240x128xf32, #tpu.memory_space<hbm>> -> memref<10240x128xf32, #tpu.memory_space<hbm>>
      tpu.enqueue_indirect_dma source(%dma_start3A_358 : memref<10240x128xf32, #tpu.memory_space<hbm>>) target(%arg11 : memref<128x128xf32, #tpu.memory_space<vmem>>) offsets(%dma_start3A_355 : memref<128xi32, #tpu.memory_space<vmem>>) semaphore(%arg16 : memref<!tpu.dma_semaphore, #tpu.memory_space<semaphore_mem>>)
      %run_scoped3A_359 = arith.constant 1 : i32
      %run_scoped3A_360 = arith.constant 4 : i32
      "tpu.region"() ({
        %run_scoped3A_441 = tpu.sem_alloc : memref<!tpu.dma_semaphore, #tpu.memory_space<semaphore_mem>>
        %dma_start3A_442 = arith.constant 0 : i32
        %dma_start3A_443 = tpu.memref_slice %arg9[%run_scoped3A_359, %run_scoped3A_360, %dma_start3A_442] : memref<2x8x128xi32, #tpu.memory_space<vmem>> -> memref<1x1x128xi32, #tpu.memory_space<vmem>>
        %dma_start3A_444 = tpu.memref_squeeze %dma_start3A_443 : memref<1x1x128xi32, #tpu.memory_space<vmem>> -> memref<128xi32, #tpu.memory_space<vmem>>
        %dma_start3A_445 = arith.constant 0 : i32
        %dma_start3A_446 = arith.constant 0 : i32
        %dma_start3A_447 = tpu.memref_slice %arg12[%dma_start3A_445, %dma_start3A_446] : memref<10240x128xf32, #tpu.memory_space<vmem_shared>> -> memref<10240x128xf32, #tpu.memory_space<vmem_shared>>
        tpu.enqueue_indirect_dma source(%arg10 : memref<128x128xf32, #tpu.memory_space<vmem>>) target(%dma_start3A_447 : memref<10240x128xf32, #tpu.memory_space<vmem_shared>>) offsets(%dma_start3A_444 : memref<128xi32, #tpu.memory_space<vmem>>) semaphore(%run_scoped3A_441 : memref<!tpu.dma_semaphore, #tpu.memory_space<semaphore_mem>>) {add = true}
        %dma_wait3A_448 = arith.constant 0 : i32
        %dma_wait3A_449 = tpu.memref_slice %arg9[%run_scoped3A_359, %run_scoped3A_360, %dma_wait3A_448] : memref<2x8x128xi32, #tpu.memory_space<vmem>> -> memref<1x1x128xi32, #tpu.memory_space<vmem>>
        %dma_wait3A_450 = tpu.memref_squeeze %dma_wait3A_449 : memref<1x1x128xi32, #tpu.memory_space<vmem>> -> memref<128xi32, #tpu.memory_space<vmem>>
        %dma_wait3A_451 = arith.constant 0 : i32
        %dma_wait3A_452 = arith.constant 0 : i32
        %dma_wait3A_453 = tpu.memref_slice %arg12[%dma_wait3A_451, %dma_wait3A_452] : memref<10240x128xf32, #tpu.memory_space<vmem_shared>> -> memref<10240x128xf32, #tpu.memory_space<vmem_shared>>
        tpu.wait_indirect_dma semaphore(%run_scoped3A_441 : memref<!tpu.dma_semaphore, #tpu.memory_space<semaphore_mem>>) src(%arg10 : memref<128x128xf32, #tpu.memory_space<vmem>>) dst(%dma_wait3A_453 : memref<10240x128xf32, #tpu.memory_space<vmem_shared>>)
        tpu.yield
      }) : () -> ()
      %dma_wait3A_361 = arith.constant 0 : i32
      %dma_wait3A_362 = arith.constant 5 : i32
      %dma_wait3A_363 = arith.constant 0 : i32
      %dma_wait3A_364 = tpu.memref_slice %arg9[%dma_wait3A_361, %dma_wait3A_362, %dma_wait3A_363] : memref<2x8x128xi32, #tpu.memory_space<vmem>> -> memref<1x1x128xi32, #tpu.memory_space<vmem>>
      %dma_wait3A_365 = tpu.memref_squeeze %dma_wait3A_364 : memref<1x1x128xi32, #tpu.memory_space<vmem>> -> memref<128xi32, #tpu.memory_space<vmem>>
      %dma_wait3A_366 = arith.constant 0 : i32
      %dma_wait3A_367 = arith.constant 0 : i32
      %dma_wait3A_368 = tpu.memref_slice %arg2[%dma_wait3A_366, %dma_wait3A_367] : memref<10240x128xf32, #tpu.memory_space<hbm>> -> memref<10240x128xf32, #tpu.memory_space<hbm>>
      tpu.wait_indirect_dma semaphore(%arg16 : memref<!tpu.dma_semaphore, #tpu.memory_space<semaphore_mem>>) src(%dma_wait3A_368 : memref<10240x128xf32, #tpu.memory_space<hbm>>) dst(%arg11 : memref<128x128xf32, #tpu.memory_space<vmem>>)
      %dma_start3A_369 = arith.constant 0 : i32
      %dma_start3A_370 = arith.constant 6 : i32
      %dma_start3A_371 = arith.constant 0 : i32
      %dma_start3A_372 = tpu.memref_slice %arg9[%dma_start3A_369, %dma_start3A_370, %dma_start3A_371] : memref<2x8x128xi32, #tpu.memory_space<vmem>> -> memref<1x1x128xi32, #tpu.memory_space<vmem>>
      %dma_start3A_373 = tpu.memref_squeeze %dma_start3A_372 : memref<1x1x128xi32, #tpu.memory_space<vmem>> -> memref<128xi32, #tpu.memory_space<vmem>>
      %dma_start3A_374 = arith.constant 0 : i32
      %dma_start3A_375 = arith.constant 0 : i32
      %dma_start3A_376 = tpu.memref_slice %arg2[%dma_start3A_374, %dma_start3A_375] : memref<10240x128xf32, #tpu.memory_space<hbm>> -> memref<10240x128xf32, #tpu.memory_space<hbm>>
      tpu.enqueue_indirect_dma source(%dma_start3A_376 : memref<10240x128xf32, #tpu.memory_space<hbm>>) target(%arg10 : memref<128x128xf32, #tpu.memory_space<vmem>>) offsets(%dma_start3A_373 : memref<128xi32, #tpu.memory_space<vmem>>) semaphore(%arg15 : memref<!tpu.dma_semaphore, #tpu.memory_space<semaphore_mem>>)
      %run_scoped3A_377 = arith.constant 1 : i32
      %run_scoped3A_378 = arith.constant 5 : i32
      "tpu.region"() ({
        %run_scoped3A_441 = tpu.sem_alloc : memref<!tpu.dma_semaphore, #tpu.memory_space<semaphore_mem>>
        %dma_start3A_442 = arith.constant 0 : i32
        %dma_start3A_443 = tpu.memref_slice %arg9[%run_scoped3A_377, %run_scoped3A_378, %dma_start3A_442] : memref<2x8x128xi32, #tpu.memory_space<vmem>> -> memref<1x1x128xi32, #tpu.memory_space<vmem>>
        %dma_start3A_444 = tpu.memref_squeeze %dma_start3A_443 : memref<1x1x128xi32, #tpu.memory_space<vmem>> -> memref<128xi32, #tpu.memory_space<vmem>>
        %dma_start3A_445 = arith.constant 0 : i32
        %dma_start3A_446 = arith.constant 0 : i32
        %dma_start3A_447 = tpu.memref_slice %arg12[%dma_start3A_445, %dma_start3A_446] : memref<10240x128xf32, #tpu.memory_space<vmem_shared>> -> memref<10240x128xf32, #tpu.memory_space<vmem_shared>>
        tpu.enqueue_indirect_dma source(%arg11 : memref<128x128xf32, #tpu.memory_space<vmem>>) target(%dma_start3A_447 : memref<10240x128xf32, #tpu.memory_space<vmem_shared>>) offsets(%dma_start3A_444 : memref<128xi32, #tpu.memory_space<vmem>>) semaphore(%run_scoped3A_441 : memref<!tpu.dma_semaphore, #tpu.memory_space<semaphore_mem>>) {add = true}
        %dma_wait3A_448 = arith.constant 0 : i32
        %dma_wait3A_449 = tpu.memref_slice %arg9[%run_scoped3A_377, %run_scoped3A_378, %dma_wait3A_448] : memref<2x8x128xi32, #tpu.memory_space<vmem>> -> memref<1x1x128xi32, #tpu.memory_space<vmem>>
        %dma_wait3A_450 = tpu.memref_squeeze %dma_wait3A_449 : memref<1x1x128xi32, #tpu.memory_space<vmem>> -> memref<128xi32, #tpu.memory_space<vmem>>
        %dma_wait3A_451 = arith.constant 0 : i32
        %dma_wait3A_452 = arith.constant 0 : i32
        %dma_wait3A_453 = tpu.memref_slice %arg12[%dma_wait3A_451, %dma_wait3A_452] : memref<10240x128xf32, #tpu.memory_space<vmem_shared>> -> memref<10240x128xf32, #tpu.memory_space<vmem_shared>>
        tpu.wait_indirect_dma semaphore(%run_scoped3A_441 : memref<!tpu.dma_semaphore, #tpu.memory_space<semaphore_mem>>) src(%arg11 : memref<128x128xf32, #tpu.memory_space<vmem>>) dst(%dma_wait3A_453 : memref<10240x128xf32, #tpu.memory_space<vmem_shared>>)
        tpu.yield
      }) : () -> ()
      %dma_wait3A_379 = arith.constant 0 : i32
      %dma_wait3A_380 = arith.constant 6 : i32
      %dma_wait3A_381 = arith.constant 0 : i32
      %dma_wait3A_382 = tpu.memref_slice %arg9[%dma_wait3A_379, %dma_wait3A_380, %dma_wait3A_381] : memref<2x8x128xi32, #tpu.memory_space<vmem>> -> memref<1x1x128xi32, #tpu.memory_space<vmem>>
      %dma_wait3A_383 = tpu.memref_squeeze %dma_wait3A_382 : memref<1x1x128xi32, #tpu.memory_space<vmem>> -> memref<128xi32, #tpu.memory_space<vmem>>
      %dma_wait3A_384 = arith.constant 0 : i32
      %dma_wait3A_385 = arith.constant 0 : i32
      %dma_wait3A_386 = tpu.memref_slice %arg2[%dma_wait3A_384, %dma_wait3A_385] : memref<10240x128xf32, #tpu.memory_space<hbm>> -> memref<10240x128xf32, #tpu.memory_space<hbm>>
      tpu.wait_indirect_dma semaphore(%arg15 : memref<!tpu.dma_semaphore, #tpu.memory_space<semaphore_mem>>) src(%dma_wait3A_386 : memref<10240x128xf32, #tpu.memory_space<hbm>>) dst(%arg10 : memref<128x128xf32, #tpu.memory_space<vmem>>)
      %dma_start3A_387 = arith.constant 0 : i32
      %dma_start3A_388 = arith.constant 7 : i32
      %dma_start3A_389 = arith.constant 0 : i32
      %dma_start3A_390 = tpu.memref_slice %arg9[%dma_start3A_387, %dma_start3A_388, %dma_start3A_389] : memref<2x8x128xi32, #tpu.memory_space<vmem>> -> memref<1x1x128xi32, #tpu.memory_space<vmem>>
      %dma_start3A_391 = tpu.memref_squeeze %dma_start3A_390 : memref<1x1x128xi32, #tpu.memory_space<vmem>> -> memref<128xi32, #tpu.memory_space<vmem>>
      %dma_start3A_392 = arith.constant 0 : i32
      %dma_start3A_393 = arith.constant 0 : i32
      %dma_start3A_394 = tpu.memref_slice %arg2[%dma_start3A_392, %dma_start3A_393] : memref<10240x128xf32, #tpu.memory_space<hbm>> -> memref<10240x128xf32, #tpu.memory_space<hbm>>
      tpu.enqueue_indirect_dma source(%dma_start3A_394 : memref<10240x128xf32, #tpu.memory_space<hbm>>) target(%arg11 : memref<128x128xf32, #tpu.memory_space<vmem>>) offsets(%dma_start3A_391 : memref<128xi32, #tpu.memory_space<vmem>>) semaphore(%arg16 : memref<!tpu.dma_semaphore, #tpu.memory_space<semaphore_mem>>)
      %run_scoped3A_395 = arith.constant 1 : i32
      %run_scoped3A_396 = arith.constant 6 : i32
      "tpu.region"() ({
        %run_scoped3A_441 = tpu.sem_alloc : memref<!tpu.dma_semaphore, #tpu.memory_space<semaphore_mem>>
        %dma_start3A_442 = arith.constant 0 : i32
        %dma_start3A_443 = tpu.memref_slice %arg9[%run_scoped3A_395, %run_scoped3A_396, %dma_start3A_442] : memref<2x8x128xi32, #tpu.memory_space<vmem>> -> memref<1x1x128xi32, #tpu.memory_space<vmem>>
        %dma_start3A_444 = tpu.memref_squeeze %dma_start3A_443 : memref<1x1x128xi32, #tpu.memory_space<vmem>> -> memref<128xi32, #tpu.memory_space<vmem>>
        %dma_start3A_445 = arith.constant 0 : i32
        %dma_start3A_446 = arith.constant 0 : i32
        %dma_start3A_447 = tpu.memref_slice %arg12[%dma_start3A_445, %dma_start3A_446] : memref<10240x128xf32, #tpu.memory_space<vmem_shared>> -> memref<10240x128xf32, #tpu.memory_space<vmem_shared>>
        tpu.enqueue_indirect_dma source(%arg10 : memref<128x128xf32, #tpu.memory_space<vmem>>) target(%dma_start3A_447 : memref<10240x128xf32, #tpu.memory_space<vmem_shared>>) offsets(%dma_start3A_444 : memref<128xi32, #tpu.memory_space<vmem>>) semaphore(%run_scoped3A_441 : memref<!tpu.dma_semaphore, #tpu.memory_space<semaphore_mem>>) {add = true}
        %dma_wait3A_448 = arith.constant 0 : i32
        %dma_wait3A_449 = tpu.memref_slice %arg9[%run_scoped3A_395, %run_scoped3A_396, %dma_wait3A_448] : memref<2x8x128xi32, #tpu.memory_space<vmem>> -> memref<1x1x128xi32, #tpu.memory_space<vmem>>
        %dma_wait3A_450 = tpu.memref_squeeze %dma_wait3A_449 : memref<1x1x128xi32, #tpu.memory_space<vmem>> -> memref<128xi32, #tpu.memory_space<vmem>>
        %dma_wait3A_451 = arith.constant 0 : i32
        %dma_wait3A_452 = arith.constant 0 : i32
        %dma_wait3A_453 = tpu.memref_slice %arg12[%dma_wait3A_451, %dma_wait3A_452] : memref<10240x128xf32, #tpu.memory_space<vmem_shared>> -> memref<10240x128xf32, #tpu.memory_space<vmem_shared>>
        tpu.wait_indirect_dma semaphore(%run_scoped3A_441 : memref<!tpu.dma_semaphore, #tpu.memory_space<semaphore_mem>>) src(%arg10 : memref<128x128xf32, #tpu.memory_space<vmem>>) dst(%dma_wait3A_453 : memref<10240x128xf32, #tpu.memory_space<vmem_shared>>)
        tpu.yield
      }) : () -> ()
      %dma_wait3A_397 = arith.constant 0 : i32
      %dma_wait3A_398 = arith.constant 7 : i32
      %dma_wait3A_399 = arith.constant 0 : i32
      %dma_wait3A_400 = tpu.memref_slice %arg9[%dma_wait3A_397, %dma_wait3A_398, %dma_wait3A_399] : memref<2x8x128xi32, #tpu.memory_space<vmem>> -> memref<1x1x128xi32, #tpu.memory_space<vmem>>
      %dma_wait3A_401 = tpu.memref_squeeze %dma_wait3A_400 : memref<1x1x128xi32, #tpu.memory_space<vmem>> -> memref<128xi32, #tpu.memory_space<vmem>>
      %dma_wait3A_402 = arith.constant 0 : i32
      %dma_wait3A_403 = arith.constant 0 : i32
      %dma_wait3A_404 = tpu.memref_slice %arg2[%dma_wait3A_402, %dma_wait3A_403] : memref<10240x128xf32, #tpu.memory_space<hbm>> -> memref<10240x128xf32, #tpu.memory_space<hbm>>
      tpu.wait_indirect_dma semaphore(%arg16 : memref<!tpu.dma_semaphore, #tpu.memory_space<semaphore_mem>>) src(%dma_wait3A_404 : memref<10240x128xf32, #tpu.memory_space<hbm>>) dst(%arg11 : memref<128x128xf32, #tpu.memory_space<vmem>>)
      %add3A_405 = arith.addi %select_n3A_10, %add3A_270 : i32
      %add3A_406 = arith.constant 1 : i32
      %add3A_407 = arith.addi %add3A_405, %add3A_406 : i32
      %dma_wait3A_408 = arith.constant 0 : i32
      %dma_wait3A_409 = arith.constant 0 : i32
      %dma_wait3A_410 = arith.constant 0 : i32
      %dma_wait3A_411 = tpu.memref_slice %arg3[%add3A_407, %dma_wait3A_408, %dma_wait3A_409, %dma_wait3A_410] : memref<322x2x8x128xi32, #tpu.memory_space<hbm>> -> memref<1x2x8x128xi32, #tpu.memory_space<hbm>>
      %dma_wait3A_412 = tpu.memref_squeeze %dma_wait3A_411 : memref<1x2x8x128xi32, #tpu.memory_space<hbm>> -> memref<2x8x128xi32, #tpu.memory_space<hbm>>
      %dma_wait3A_413 = arith.constant 0 : i32
      %dma_wait3A_414 = arith.constant 0 : i32
      %dma_wait3A_415 = arith.constant 0 : i32
      %dma_wait3A_416 = tpu.memref_slice %arg3[%add3A_407, %dma_wait3A_413, %dma_wait3A_414, %dma_wait3A_415] : memref<322x2x8x128xi32, #tpu.memory_space<hbm>> -> memref<1x2x8x128xi32, #tpu.memory_space<hbm>>
      %dma_wait3A_417 = tpu.memref_squeeze %dma_wait3A_416 : memref<1x2x8x128xi32, #tpu.memory_space<hbm>> -> memref<2x8x128xi32, #tpu.memory_space<hbm>>
      tpu.wait_dma2 semaphore(%arg13 : memref<!tpu.dma_semaphore, #tpu.memory_space<semaphore_mem>>) src(%dma_wait3A_417 : memref<2x8x128xi32, #tpu.memory_space<hbm>>) dst(%arg8 : memref<2x8x128xi32, #tpu.memory_space<vmem>>)
      %dma_start3A_418 = arith.constant 0 : i32
      %dma_start3A_419 = arith.constant 0 : i32
      %dma_start3A_420 = arith.constant 0 : i32
      %dma_start3A_421 = tpu.memref_slice %arg8[%dma_start3A_418, %dma_start3A_419, %dma_start3A_420] : memref<2x8x128xi32, #tpu.memory_space<vmem>> -> memref<1x1x128xi32, #tpu.memory_space<vmem>>
      %dma_start3A_422 = tpu.memref_squeeze %dma_start3A_421 : memref<1x1x128xi32, #tpu.memory_space<vmem>> -> memref<128xi32, #tpu.memory_space<vmem>>
      %dma_start3A_423 = arith.constant 0 : i32
      %dma_start3A_424 = arith.constant 0 : i32
      %dma_start3A_425 = tpu.memref_slice %arg2[%dma_start3A_423, %dma_start3A_424] : memref<10240x128xf32, #tpu.memory_space<hbm>> -> memref<10240x128xf32, #tpu.memory_space<hbm>>
      tpu.enqueue_indirect_dma source(%dma_start3A_425 : memref<10240x128xf32, #tpu.memory_space<hbm>>) target(%arg10 : memref<128x128xf32, #tpu.memory_space<vmem>>) offsets(%dma_start3A_422 : memref<128xi32, #tpu.memory_space<vmem>>) semaphore(%arg15 : memref<!tpu.dma_semaphore, #tpu.memory_space<semaphore_mem>>)
      %run_scoped3A_426 = arith.constant 1 : i32
      %run_scoped3A_427 = arith.constant 7 : i32
      "tpu.region"() ({
        %run_scoped3A_441 = tpu.sem_alloc : memref<!tpu.dma_semaphore, #tpu.memory_space<semaphore_mem>>
        %dma_start3A_442 = arith.constant 0 : i32
        %dma_start3A_443 = tpu.memref_slice %arg9[%run_scoped3A_426, %run_scoped3A_427, %dma_start3A_442] : memref<2x8x128xi32, #tpu.memory_space<vmem>> -> memref<1x1x128xi32, #tpu.memory_space<vmem>>
        %dma_start3A_444 = tpu.memref_squeeze %dma_start3A_443 : memref<1x1x128xi32, #tpu.memory_space<vmem>> -> memref<128xi32, #tpu.memory_space<vmem>>
        %dma_start3A_445 = arith.constant 0 : i32
        %dma_start3A_446 = arith.constant 0 : i32
        %dma_start3A_447 = tpu.memref_slice %arg12[%dma_start3A_445, %dma_start3A_446] : memref<10240x128xf32, #tpu.memory_space<vmem_shared>> -> memref<10240x128xf32, #tpu.memory_space<vmem_shared>>
        tpu.enqueue_indirect_dma source(%arg11 : memref<128x128xf32, #tpu.memory_space<vmem>>) target(%dma_start3A_447 : memref<10240x128xf32, #tpu.memory_space<vmem_shared>>) offsets(%dma_start3A_444 : memref<128xi32, #tpu.memory_space<vmem>>) semaphore(%run_scoped3A_441 : memref<!tpu.dma_semaphore, #tpu.memory_space<semaphore_mem>>) {add = true}
        %dma_wait3A_448 = arith.constant 0 : i32
        %dma_wait3A_449 = tpu.memref_slice %arg9[%run_scoped3A_426, %run_scoped3A_427, %dma_wait3A_448] : memref<2x8x128xi32, #tpu.memory_space<vmem>> -> memref<1x1x128xi32, #tpu.memory_space<vmem>>
        %dma_wait3A_450 = tpu.memref_squeeze %dma_wait3A_449 : memref<1x1x128xi32, #tpu.memory_space<vmem>> -> memref<128xi32, #tpu.memory_space<vmem>>
        %dma_wait3A_451 = arith.constant 0 : i32
        %dma_wait3A_452 = arith.constant 0 : i32
        %dma_wait3A_453 = tpu.memref_slice %arg12[%dma_wait3A_451, %dma_wait3A_452] : memref<10240x128xf32, #tpu.memory_space<vmem_shared>> -> memref<10240x128xf32, #tpu.memory_space<vmem_shared>>
        tpu.wait_indirect_dma semaphore(%run_scoped3A_441 : memref<!tpu.dma_semaphore, #tpu.memory_space<semaphore_mem>>) src(%arg11 : memref<128x128xf32, #tpu.memory_space<vmem>>) dst(%dma_wait3A_453 : memref<10240x128xf32, #tpu.memory_space<vmem_shared>>)
        tpu.yield
      }) : () -> ()
      %add3A_428 = arith.addi %select_n3A_10, %add3A_270 : i32
      %add3A_429 = arith.constant 2 : i32
      %add3A_430 = arith.addi %add3A_428, %add3A_429 : i32
      %dma_start3A_431 = arith.constant 0 : i32
      %dma_start3A_432 = arith.constant 0 : i32
      %dma_start3A_433 = arith.constant 0 : i32
      %dma_start3A_434 = tpu.memref_slice %arg3[%add3A_430, %dma_start3A_431, %dma_start3A_432, %dma_start3A_433] : memref<322x2x8x128xi32, #tpu.memory_space<hbm>> -> memref<1x2x8x128xi32, #tpu.memory_space<hbm>>
      %dma_start3A_435 = tpu.memref_squeeze %dma_start3A_434 : memref<1x2x8x128xi32, #tpu.memory_space<hbm>> -> memref<2x8x128xi32, #tpu.memory_space<hbm>>
      %dma_start3A_436 = arith.constant 0 : i32
      %dma_start3A_437 = arith.constant 0 : i32
      %dma_start3A_438 = arith.constant 0 : i32
      %dma_start3A_439 = tpu.memref_slice %arg3[%add3A_430, %dma_start3A_436, %dma_start3A_437, %dma_start3A_438] : memref<322x2x8x128xi32, #tpu.memory_space<hbm>> -> memref<1x2x8x128xi32, #tpu.memory_space<hbm>>
      %dma_start3A_440 = tpu.memref_squeeze %dma_start3A_439 : memref<1x2x8x128xi32, #tpu.memory_space<hbm>> -> memref<2x8x128xi32, #tpu.memory_space<hbm>>
      tpu.enqueue_dma source(%dma_start3A_440 : memref<2x8x128xi32, #tpu.memory_space<hbm>>) target(%arg9 : memref<2x8x128xi32, #tpu.memory_space<vmem>>) target_semaphore(%arg14 : memref<!tpu.dma_semaphore, #tpu.memory_space<semaphore_mem>>)
    }
    %while3A_75 = arith.constant 1 : i32
    scf.for %while3A_95 = %while3A_73 to %while3A_69 step %while3A_75  : i32 {
      %mul3A_96 = arith.constant 2 : i32
      %mul3A_97 = arith.muli %mul3A_96, %while3A_95 : i32
      %dma_wait3A_98 = arith.constant 0 : i32
      %dma_wait3A_99 = arith.constant 0 : i32
      %dma_wait3A_100 = arith.constant 0 : i32
      %dma_wait3A_101 = tpu.memref_slice %arg8[%dma_wait3A_98, %dma_wait3A_99, %dma_wait3A_100] : memref<2x8x128xi32, #tpu.memory_space<vmem>> -> memref<1x1x128xi32, #tpu.memory_space<vmem>>
      %dma_wait3A_102 = tpu.memref_squeeze %dma_wait3A_101 : memref<1x1x128xi32, #tpu.memory_space<vmem>> -> memref<128xi32, #tpu.memory_space<vmem>>
      %dma_wait3A_103 = arith.constant 0 : i32
      %dma_wait3A_104 = arith.constant 0 : i32
      %dma_wait3A_105 = tpu.memref_slice %arg2[%dma_wait3A_103, %dma_wait3A_104] : memref<10240x128xf32, #tpu.memory_space<hbm>> -> memref<10240x128xf32, #tpu.memory_space<hbm>>
      tpu.wait_indirect_dma semaphore(%arg15 : memref<!tpu.dma_semaphore, #tpu.memory_space<semaphore_mem>>) src(%dma_wait3A_105 : memref<10240x128xf32, #tpu.memory_space<hbm>>) dst(%arg10 : memref<128x128xf32, #tpu.memory_space<vmem>>)
      %dma_start3A_106 = arith.constant 0 : i32
      %dma_start3A_107 = arith.constant 1 : i32
      %dma_start3A_108 = arith.constant 0 : i32
      %dma_start3A_109 = tpu.memref_slice %arg8[%dma_start3A_106, %dma_start3A_107, %dma_start3A_108] : memref<2x8x128xi32, #tpu.memory_space<vmem>> -> memref<1x1x128xi32, #tpu.memory_space<vmem>>
      %dma_start3A_110 = tpu.memref_squeeze %dma_start3A_109 : memref<1x1x128xi32, #tpu.memory_space<vmem>> -> memref<128xi32, #tpu.memory_space<vmem>>
      %dma_start3A_111 = arith.constant 0 : i32
      %dma_start3A_112 = arith.constant 0 : i32
      %dma_start3A_113 = tpu.memref_slice %arg2[%dma_start3A_111, %dma_start3A_112] : memref<10240x128xf32, #tpu.memory_space<hbm>> -> memref<10240x128xf32, #tpu.memory_space<hbm>>
      tpu.enqueue_indirect_dma source(%dma_start3A_113 : memref<10240x128xf32, #tpu.memory_space<hbm>>) target(%arg11 : memref<128x128xf32, #tpu.memory_space<vmem>>) offsets(%dma_start3A_110 : memref<128xi32, #tpu.memory_space<vmem>>) semaphore(%arg16 : memref<!tpu.dma_semaphore, #tpu.memory_space<semaphore_mem>>)
      %run_scoped3A = arith.constant 1 : i32
      %run_scoped3A_114 = arith.constant 0 : i32
      "tpu.region"() ({
        %run_scoped3A_441 = tpu.sem_alloc : memref<!tpu.dma_semaphore, #tpu.memory_space<semaphore_mem>>
        %dma_start3A_442 = arith.constant 0 : i32
        %dma_start3A_443 = tpu.memref_slice %arg8[%run_scoped3A, %run_scoped3A_114, %dma_start3A_442] : memref<2x8x128xi32, #tpu.memory_space<vmem>> -> memref<1x1x128xi32, #tpu.memory_space<vmem>>
        %dma_start3A_444 = tpu.memref_squeeze %dma_start3A_443 : memref<1x1x128xi32, #tpu.memory_space<vmem>> -> memref<128xi32, #tpu.memory_space<vmem>>
        %dma_start3A_445 = arith.constant 0 : i32
        %dma_start3A_446 = arith.constant 0 : i32
        %dma_start3A_447 = tpu.memref_slice %arg12[%dma_start3A_445, %dma_start3A_446] : memref<10240x128xf32, #tpu.memory_space<vmem_shared>> -> memref<10240x128xf32, #tpu.memory_space<vmem_shared>>
        tpu.enqueue_indirect_dma source(%arg10 : memref<128x128xf32, #tpu.memory_space<vmem>>) target(%dma_start3A_447 : memref<10240x128xf32, #tpu.memory_space<vmem_shared>>) offsets(%dma_start3A_444 : memref<128xi32, #tpu.memory_space<vmem>>) semaphore(%run_scoped3A_441 : memref<!tpu.dma_semaphore, #tpu.memory_space<semaphore_mem>>) {add = true}
        %dma_wait3A_448 = arith.constant 0 : i32
        %dma_wait3A_449 = tpu.memref_slice %arg8[%run_scoped3A, %run_scoped3A_114, %dma_wait3A_448] : memref<2x8x128xi32, #tpu.memory_space<vmem>> -> memref<1x1x128xi32, #tpu.memory_space<vmem>>
        %dma_wait3A_450 = tpu.memref_squeeze %dma_wait3A_449 : memref<1x1x128xi32, #tpu.memory_space<vmem>> -> memref<128xi32, #tpu.memory_space<vmem>>
        %dma_wait3A_451 = arith.constant 0 : i32
        %dma_wait3A_452 = arith.constant 0 : i32
        %dma_wait3A_453 = tpu.memref_slice %arg12[%dma_wait3A_451, %dma_wait3A_452] : memref<10240x128xf32, #tpu.memory_space<vmem_shared>> -> memref<10240x128xf32, #tpu.memory_space<vmem_shared>>
        tpu.wait_indirect_dma semaphore(%run_scoped3A_441 : memref<!tpu.dma_semaphore, #tpu.memory_space<semaphore_mem>>) src(%arg10 : memref<128x128xf32, #tpu.memory_space<vmem>>) dst(%dma_wait3A_453 : memref<10240x128xf32, #tpu.memory_space<vmem_shared>>)
        tpu.yield
      }) : () -> ()
      %dma_wait3A_115 = arith.constant 0 : i32
      %dma_wait3A_116 = arith.constant 1 : i32
      %dma_wait3A_117 = arith.constant 0 : i32
      %dma_wait3A_118 = tpu.memref_slice %arg8[%dma_wait3A_115, %dma_wait3A_116, %dma_wait3A_117] : memref<2x8x128xi32, #tpu.memory_space<vmem>> -> memref<1x1x128xi32, #tpu.memory_space<vmem>>
      %dma_wait3A_119 = tpu.memref_squeeze %dma_wait3A_118 : memref<1x1x128xi32, #tpu.memory_space<vmem>> -> memref<128xi32, #tpu.memory_space<vmem>>
      %dma_wait3A_120 = arith.constant 0 : i32
      %dma_wait3A_121 = arith.constant 0 : i32
      %dma_wait3A_122 = tpu.memref_slice %arg2[%dma_wait3A_120, %dma_wait3A_121] : memref<10240x128xf32, #tpu.memory_space<hbm>> -> memref<10240x128xf32, #tpu.memory_space<hbm>>
      tpu.wait_indirect_dma semaphore(%arg16 : memref<!tpu.dma_semaphore, #tpu.memory_space<semaphore_mem>>) src(%dma_wait3A_122 : memref<10240x128xf32, #tpu.memory_space<hbm>>) dst(%arg11 : memref<128x128xf32, #tpu.memory_space<vmem>>)
      %dma_start3A_123 = arith.constant 0 : i32
      %dma_start3A_124 = arith.constant 2 : i32
      %dma_start3A_125 = arith.constant 0 : i32
      %dma_start3A_126 = tpu.memref_slice %arg8[%dma_start3A_123, %dma_start3A_124, %dma_start3A_125] : memref<2x8x128xi32, #tpu.memory_space<vmem>> -> memref<1x1x128xi32, #tpu.memory_space<vmem>>
      %dma_start3A_127 = tpu.memref_squeeze %dma_start3A_126 : memref<1x1x128xi32, #tpu.memory_space<vmem>> -> memref<128xi32, #tpu.memory_space<vmem>>
      %dma_start3A_128 = arith.constant 0 : i32
      %dma_start3A_129 = arith.constant 0 : i32
      %dma_start3A_130 = tpu.memref_slice %arg2[%dma_start3A_128, %dma_start3A_129] : memref<10240x128xf32, #tpu.memory_space<hbm>> -> memref<10240x128xf32, #tpu.memory_space<hbm>>
      tpu.enqueue_indirect_dma source(%dma_start3A_130 : memref<10240x128xf32, #tpu.memory_space<hbm>>) target(%arg10 : memref<128x128xf32, #tpu.memory_space<vmem>>) offsets(%dma_start3A_127 : memref<128xi32, #tpu.memory_space<vmem>>) semaphore(%arg15 : memref<!tpu.dma_semaphore, #tpu.memory_space<semaphore_mem>>)
      %run_scoped3A_131 = arith.constant 1 : i32
      %run_scoped3A_132 = arith.constant 1 : i32
      "tpu.region"() ({
        %run_scoped3A_441 = tpu.sem_alloc : memref<!tpu.dma_semaphore, #tpu.memory_space<semaphore_mem>>
        %dma_start3A_442 = arith.constant 0 : i32
        %dma_start3A_443 = tpu.memref_slice %arg8[%run_scoped3A_131, %run_scoped3A_132, %dma_start3A_442] : memref<2x8x128xi32, #tpu.memory_space<vmem>> -> memref<1x1x128xi32, #tpu.memory_space<vmem>>
        %dma_start3A_444 = tpu.memref_squeeze %dma_start3A_443 : memref<1x1x128xi32, #tpu.memory_space<vmem>> -> memref<128xi32, #tpu.memory_space<vmem>>
        %dma_start3A_445 = arith.constant 0 : i32
        %dma_start3A_446 = arith.constant 0 : i32
        %dma_start3A_447 = tpu.memref_slice %arg12[%dma_start3A_445, %dma_start3A_446] : memref<10240x128xf32, #tpu.memory_space<vmem_shared>> -> memref<10240x128xf32, #tpu.memory_space<vmem_shared>>
        tpu.enqueue_indirect_dma source(%arg11 : memref<128x128xf32, #tpu.memory_space<vmem>>) target(%dma_start3A_447 : memref<10240x128xf32, #tpu.memory_space<vmem_shared>>) offsets(%dma_start3A_444 : memref<128xi32, #tpu.memory_space<vmem>>) semaphore(%run_scoped3A_441 : memref<!tpu.dma_semaphore, #tpu.memory_space<semaphore_mem>>) {add = true}
        %dma_wait3A_448 = arith.constant 0 : i32
        %dma_wait3A_449 = tpu.memref_slice %arg8[%run_scoped3A_131, %run_scoped3A_132, %dma_wait3A_448] : memref<2x8x128xi32, #tpu.memory_space<vmem>> -> memref<1x1x128xi32, #tpu.memory_space<vmem>>
        %dma_wait3A_450 = tpu.memref_squeeze %dma_wait3A_449 : memref<1x1x128xi32, #tpu.memory_space<vmem>> -> memref<128xi32, #tpu.memory_space<vmem>>
        %dma_wait3A_451 = arith.constant 0 : i32
        %dma_wait3A_452 = arith.constant 0 : i32
        %dma_wait3A_453 = tpu.memref_slice %arg12[%dma_wait3A_451, %dma_wait3A_452] : memref<10240x128xf32, #tpu.memory_space<vmem_shared>> -> memref<10240x128xf32, #tpu.memory_space<vmem_shared>>
        tpu.wait_indirect_dma semaphore(%run_scoped3A_441 : memref<!tpu.dma_semaphore, #tpu.memory_space<semaphore_mem>>) src(%arg11 : memref<128x128xf32, #tpu.memory_space<vmem>>) dst(%dma_wait3A_453 : memref<10240x128xf32, #tpu.memory_space<vmem_shared>>)
        tpu.yield
      }) : () -> ()
      %dma_wait3A_133 = arith.constant 0 : i32
      %dma_wait3A_134 = arith.constant 2 : i32
      %dma_wait3A_135 = arith.constant 0 : i32
      %dma_wait3A_136 = tpu.memref_slice %arg8[%dma_wait3A_133, %dma_wait3A_134, %dma_wait3A_135] : memref<2x8x128xi32, #tpu.memory_space<vmem>> -> memref<1x1x128xi32, #tpu.memory_space<vmem>>
      %dma_wait3A_137 = tpu.memref_squeeze %dma_wait3A_136 : memref<1x1x128xi32, #tpu.memory_space<vmem>> -> memref<128xi32, #tpu.memory_space<vmem>>
      %dma_wait3A_138 = arith.constant 0 : i32
      %dma_wait3A_139 = arith.constant 0 : i32
      %dma_wait3A_140 = tpu.memref_slice %arg2[%dma_wait3A_138, %dma_wait3A_139] : memref<10240x128xf32, #tpu.memory_space<hbm>> -> memref<10240x128xf32, #tpu.memory_space<hbm>>
      tpu.wait_indirect_dma semaphore(%arg15 : memref<!tpu.dma_semaphore, #tpu.memory_space<semaphore_mem>>) src(%dma_wait3A_140 : memref<10240x128xf32, #tpu.memory_space<hbm>>) dst(%arg10 : memref<128x128xf32, #tpu.memory_space<vmem>>)
      %dma_start3A_141 = arith.constant 0 : i32
      %dma_start3A_142 = arith.constant 3 : i32
      %dma_start3A_143 = arith.constant 0 : i32
      %dma_start3A_144 = tpu.memref_slice %arg8[%dma_start3A_141, %dma_start3A_142, %dma_start3A_143] : memref<2x8x128xi32, #tpu.memory_space<vmem>> -> memref<1x1x128xi32, #tpu.memory_space<vmem>>
      %dma_start3A_145 = tpu.memref_squeeze %dma_start3A_144 : memref<1x1x128xi32, #tpu.memory_space<vmem>> -> memref<128xi32, #tpu.memory_space<vmem>>
      %dma_start3A_146 = arith.constant 0 : i32
      %dma_start3A_147 = arith.constant 0 : i32
      %dma_start3A_148 = tpu.memref_slice %arg2[%dma_start3A_146, %dma_start3A_147] : memref<10240x128xf32, #tpu.memory_space<hbm>> -> memref<10240x128xf32, #tpu.memory_space<hbm>>
      tpu.enqueue_indirect_dma source(%dma_start3A_148 : memref<10240x128xf32, #tpu.memory_space<hbm>>) target(%arg11 : memref<128x128xf32, #tpu.memory_space<vmem>>) offsets(%dma_start3A_145 : memref<128xi32, #tpu.memory_space<vmem>>) semaphore(%arg16 : memref<!tpu.dma_semaphore, #tpu.memory_space<semaphore_mem>>)
      %run_scoped3A_149 = arith.constant 1 : i32
      %run_scoped3A_150 = arith.constant 2 : i32
      "tpu.region"() ({
        %run_scoped3A_441 = tpu.sem_alloc : memref<!tpu.dma_semaphore, #tpu.memory_space<semaphore_mem>>
        %dma_start3A_442 = arith.constant 0 : i32
        %dma_start3A_443 = tpu.memref_slice %arg8[%run_scoped3A_149, %run_scoped3A_150, %dma_start3A_442] : memref<2x8x128xi32, #tpu.memory_space<vmem>> -> memref<1x1x128xi32, #tpu.memory_space<vmem>>
        %dma_start3A_444 = tpu.memref_squeeze %dma_start3A_443 : memref<1x1x128xi32, #tpu.memory_space<vmem>> -> memref<128xi32, #tpu.memory_space<vmem>>
        %dma_start3A_445 = arith.constant 0 : i32
        %dma_start3A_446 = arith.constant 0 : i32
        %dma_start3A_447 = tpu.memref_slice %arg12[%dma_start3A_445, %dma_start3A_446] : memref<10240x128xf32, #tpu.memory_space<vmem_shared>> -> memref<10240x128xf32, #tpu.memory_space<vmem_shared>>
        tpu.enqueue_indirect_dma source(%arg10 : memref<128x128xf32, #tpu.memory_space<vmem>>) target(%dma_start3A_447 : memref<10240x128xf32, #tpu.memory_space<vmem_shared>>) offsets(%dma_start3A_444 : memref<128xi32, #tpu.memory_space<vmem>>) semaphore(%run_scoped3A_441 : memref<!tpu.dma_semaphore, #tpu.memory_space<semaphore_mem>>) {add = true}
        %dma_wait3A_448 = arith.constant 0 : i32
        %dma_wait3A_449 = tpu.memref_slice %arg8[%run_scoped3A_149, %run_scoped3A_150, %dma_wait3A_448] : memref<2x8x128xi32, #tpu.memory_space<vmem>> -> memref<1x1x128xi32, #tpu.memory_space<vmem>>
        %dma_wait3A_450 = tpu.memref_squeeze %dma_wait3A_449 : memref<1x1x128xi32, #tpu.memory_space<vmem>> -> memref<128xi32, #tpu.memory_space<vmem>>
        %dma_wait3A_451 = arith.constant 0 : i32
        %dma_wait3A_452 = arith.constant 0 : i32
        %dma_wait3A_453 = tpu.memref_slice %arg12[%dma_wait3A_451, %dma_wait3A_452] : memref<10240x128xf32, #tpu.memory_space<vmem_shared>> -> memref<10240x128xf32, #tpu.memory_space<vmem_shared>>
        tpu.wait_indirect_dma semaphore(%run_scoped3A_441 : memref<!tpu.dma_semaphore, #tpu.memory_space<semaphore_mem>>) src(%arg10 : memref<128x128xf32, #tpu.memory_space<vmem>>) dst(%dma_wait3A_453 : memref<10240x128xf32, #tpu.memory_space<vmem_shared>>)
        tpu.yield
      }) : () -> ()
      %dma_wait3A_151 = arith.constant 0 : i32
      %dma_wait3A_152 = arith.constant 3 : i32
      %dma_wait3A_153 = arith.constant 0 : i32
      %dma_wait3A_154 = tpu.memref_slice %arg8[%dma_wait3A_151, %dma_wait3A_152, %dma_wait3A_153] : memref<2x8x128xi32, #tpu.memory_space<vmem>> -> memref<1x1x128xi32, #tpu.memory_space<vmem>>
      %dma_wait3A_155 = tpu.memref_squeeze %dma_wait3A_154 : memref<1x1x128xi32, #tpu.memory_space<vmem>> -> memref<128xi32, #tpu.memory_space<vmem>>
      %dma_wait3A_156 = arith.constant 0 : i32
      %dma_wait3A_157 = arith.constant 0 : i32
      %dma_wait3A_158 = tpu.memref_slice %arg2[%dma_wait3A_156, %dma_wait3A_157] : memref<10240x128xf32, #tpu.memory_space<hbm>> -> memref<10240x128xf32, #tpu.memory_space<hbm>>
      tpu.wait_indirect_dma semaphore(%arg16 : memref<!tpu.dma_semaphore, #tpu.memory_space<semaphore_mem>>) src(%dma_wait3A_158 : memref<10240x128xf32, #tpu.memory_space<hbm>>) dst(%arg11 : memref<128x128xf32, #tpu.memory_space<vmem>>)
      %dma_start3A_159 = arith.constant 0 : i32
      %dma_start3A_160 = arith.constant 4 : i32
      %dma_start3A_161 = arith.constant 0 : i32
      %dma_start3A_162 = tpu.memref_slice %arg8[%dma_start3A_159, %dma_start3A_160, %dma_start3A_161] : memref<2x8x128xi32, #tpu.memory_space<vmem>> -> memref<1x1x128xi32, #tpu.memory_space<vmem>>
      %dma_start3A_163 = tpu.memref_squeeze %dma_start3A_162 : memref<1x1x128xi32, #tpu.memory_space<vmem>> -> memref<128xi32, #tpu.memory_space<vmem>>
      %dma_start3A_164 = arith.constant 0 : i32
      %dma_start3A_165 = arith.constant 0 : i32
      %dma_start3A_166 = tpu.memref_slice %arg2[%dma_start3A_164, %dma_start3A_165] : memref<10240x128xf32, #tpu.memory_space<hbm>> -> memref<10240x128xf32, #tpu.memory_space<hbm>>
      tpu.enqueue_indirect_dma source(%dma_start3A_166 : memref<10240x128xf32, #tpu.memory_space<hbm>>) target(%arg10 : memref<128x128xf32, #tpu.memory_space<vmem>>) offsets(%dma_start3A_163 : memref<128xi32, #tpu.memory_space<vmem>>) semaphore(%arg15 : memref<!tpu.dma_semaphore, #tpu.memory_space<semaphore_mem>>)
      %run_scoped3A_167 = arith.constant 1 : i32
      %run_scoped3A_168 = arith.constant 3 : i32
      "tpu.region"() ({
        %run_scoped3A_441 = tpu.sem_alloc : memref<!tpu.dma_semaphore, #tpu.memory_space<semaphore_mem>>
        %dma_start3A_442 = arith.constant 0 : i32
        %dma_start3A_443 = tpu.memref_slice %arg8[%run_scoped3A_167, %run_scoped3A_168, %dma_start3A_442] : memref<2x8x128xi32, #tpu.memory_space<vmem>> -> memref<1x1x128xi32, #tpu.memory_space<vmem>>
        %dma_start3A_444 = tpu.memref_squeeze %dma_start3A_443 : memref<1x1x128xi32, #tpu.memory_space<vmem>> -> memref<128xi32, #tpu.memory_space<vmem>>
        %dma_start3A_445 = arith.constant 0 : i32
        %dma_start3A_446 = arith.constant 0 : i32
        %dma_start3A_447 = tpu.memref_slice %arg12[%dma_start3A_445, %dma_start3A_446] : memref<10240x128xf32, #tpu.memory_space<vmem_shared>> -> memref<10240x128xf32, #tpu.memory_space<vmem_shared>>
        tpu.enqueue_indirect_dma source(%arg11 : memref<128x128xf32, #tpu.memory_space<vmem>>) target(%dma_start3A_447 : memref<10240x128xf32, #tpu.memory_space<vmem_shared>>) offsets(%dma_start3A_444 : memref<128xi32, #tpu.memory_space<vmem>>) semaphore(%run_scoped3A_441 : memref<!tpu.dma_semaphore, #tpu.memory_space<semaphore_mem>>) {add = true}
        %dma_wait3A_448 = arith.constant 0 : i32
        %dma_wait3A_449 = tpu.memref_slice %arg8[%run_scoped3A_167, %run_scoped3A_168, %dma_wait3A_448] : memref<2x8x128xi32, #tpu.memory_space<vmem>> -> memref<1x1x128xi32, #tpu.memory_space<vmem>>
        %dma_wait3A_450 = tpu.memref_squeeze %dma_wait3A_449 : memref<1x1x128xi32, #tpu.memory_space<vmem>> -> memref<128xi32, #tpu.memory_space<vmem>>
        %dma_wait3A_451 = arith.constant 0 : i32
        %dma_wait3A_452 = arith.constant 0 : i32
        %dma_wait3A_453 = tpu.memref_slice %arg12[%dma_wait3A_451, %dma_wait3A_452] : memref<10240x128xf32, #tpu.memory_space<vmem_shared>> -> memref<10240x128xf32, #tpu.memory_space<vmem_shared>>
        tpu.wait_indirect_dma semaphore(%run_scoped3A_441 : memref<!tpu.dma_semaphore, #tpu.memory_space<semaphore_mem>>) src(%arg11 : memref<128x128xf32, #tpu.memory_space<vmem>>) dst(%dma_wait3A_453 : memref<10240x128xf32, #tpu.memory_space<vmem_shared>>)
        tpu.yield
      }) : () -> ()
      %dma_wait3A_169 = arith.constant 0 : i32
      %dma_wait3A_170 = arith.constant 4 : i32
      %dma_wait3A_171 = arith.constant 0 : i32
      %dma_wait3A_172 = tpu.memref_slice %arg8[%dma_wait3A_169, %dma_wait3A_170, %dma_wait3A_171] : memref<2x8x128xi32, #tpu.memory_space<vmem>> -> memref<1x1x128xi32, #tpu.memory_space<vmem>>
      %dma_wait3A_173 = tpu.memref_squeeze %dma_wait3A_172 : memref<1x1x128xi32, #tpu.memory_space<vmem>> -> memref<128xi32, #tpu.memory_space<vmem>>
      %dma_wait3A_174 = arith.constant 0 : i32
      %dma_wait3A_175 = arith.constant 0 : i32
      %dma_wait3A_176 = tpu.memref_slice %arg2[%dma_wait3A_174, %dma_wait3A_175] : memref<10240x128xf32, #tpu.memory_space<hbm>> -> memref<10240x128xf32, #tpu.memory_space<hbm>>
      tpu.wait_indirect_dma semaphore(%arg15 : memref<!tpu.dma_semaphore, #tpu.memory_space<semaphore_mem>>) src(%dma_wait3A_176 : memref<10240x128xf32, #tpu.memory_space<hbm>>) dst(%arg10 : memref<128x128xf32, #tpu.memory_space<vmem>>)
      %dma_start3A_177 = arith.constant 0 : i32
      %dma_start3A_178 = arith.constant 5 : i32
      %dma_start3A_179 = arith.constant 0 : i32
      %dma_start3A_180 = tpu.memref_slice %arg8[%dma_start3A_177, %dma_start3A_178, %dma_start3A_179] : memref<2x8x128xi32, #tpu.memory_space<vmem>> -> memref<1x1x128xi32, #tpu.memory_space<vmem>>
      %dma_start3A_181 = tpu.memref_squeeze %dma_start3A_180 : memref<1x1x128xi32, #tpu.memory_space<vmem>> -> memref<128xi32, #tpu.memory_space<vmem>>
      %dma_start3A_182 = arith.constant 0 : i32
      %dma_start3A_183 = arith.constant 0 : i32
      %dma_start3A_184 = tpu.memref_slice %arg2[%dma_start3A_182, %dma_start3A_183] : memref<10240x128xf32, #tpu.memory_space<hbm>> -> memref<10240x128xf32, #tpu.memory_space<hbm>>
      tpu.enqueue_indirect_dma source(%dma_start3A_184 : memref<10240x128xf32, #tpu.memory_space<hbm>>) target(%arg11 : memref<128x128xf32, #tpu.memory_space<vmem>>) offsets(%dma_start3A_181 : memref<128xi32, #tpu.memory_space<vmem>>) semaphore(%arg16 : memref<!tpu.dma_semaphore, #tpu.memory_space<semaphore_mem>>)
      %run_scoped3A_185 = arith.constant 1 : i32
      %run_scoped3A_186 = arith.constant 4 : i32
      "tpu.region"() ({
        %run_scoped3A_441 = tpu.sem_alloc : memref<!tpu.dma_semaphore, #tpu.memory_space<semaphore_mem>>
        %dma_start3A_442 = arith.constant 0 : i32
        %dma_start3A_443 = tpu.memref_slice %arg8[%run_scoped3A_185, %run_scoped3A_186, %dma_start3A_442] : memref<2x8x128xi32, #tpu.memory_space<vmem>> -> memref<1x1x128xi32, #tpu.memory_space<vmem>>
        %dma_start3A_444 = tpu.memref_squeeze %dma_start3A_443 : memref<1x1x128xi32, #tpu.memory_space<vmem>> -> memref<128xi32, #tpu.memory_space<vmem>>
        %dma_start3A_445 = arith.constant 0 : i32
        %dma_start3A_446 = arith.constant 0 : i32
        %dma_start3A_447 = tpu.memref_slice %arg12[%dma_start3A_445, %dma_start3A_446] : memref<10240x128xf32, #tpu.memory_space<vmem_shared>> -> memref<10240x128xf32, #tpu.memory_space<vmem_shared>>
        tpu.enqueue_indirect_dma source(%arg10 : memref<128x128xf32, #tpu.memory_space<vmem>>) target(%dma_start3A_447 : memref<10240x128xf32, #tpu.memory_space<vmem_shared>>) offsets(%dma_start3A_444 : memref<128xi32, #tpu.memory_space<vmem>>) semaphore(%run_scoped3A_441 : memref<!tpu.dma_semaphore, #tpu.memory_space<semaphore_mem>>) {add = true}
        %dma_wait3A_448 = arith.constant 0 : i32
        %dma_wait3A_449 = tpu.memref_slice %arg8[%run_scoped3A_185, %run_scoped3A_186, %dma_wait3A_448] : memref<2x8x128xi32, #tpu.memory_space<vmem>> -> memref<1x1x128xi32, #tpu.memory_space<vmem>>
        %dma_wait3A_450 = tpu.memref_squeeze %dma_wait3A_449 : memref<1x1x128xi32, #tpu.memory_space<vmem>> -> memref<128xi32, #tpu.memory_space<vmem>>
        %dma_wait3A_451 = arith.constant 0 : i32
        %dma_wait3A_452 = arith.constant 0 : i32
        %dma_wait3A_453 = tpu.memref_slice %arg12[%dma_wait3A_451, %dma_wait3A_452] : memref<10240x128xf32, #tpu.memory_space<vmem_shared>> -> memref<10240x128xf32, #tpu.memory_space<vmem_shared>>
        tpu.wait_indirect_dma semaphore(%run_scoped3A_441 : memref<!tpu.dma_semaphore, #tpu.memory_space<semaphore_mem>>) src(%arg10 : memref<128x128xf32, #tpu.memory_space<vmem>>) dst(%dma_wait3A_453 : memref<10240x128xf32, #tpu.memory_space<vmem_shared>>)
        tpu.yield
      }) : () -> ()
      %dma_wait3A_187 = arith.constant 0 : i32
      %dma_wait3A_188 = arith.constant 5 : i32
      %dma_wait3A_189 = arith.constant 0 : i32
      %dma_wait3A_190 = tpu.memref_slice %arg8[%dma_wait3A_187, %dma_wait3A_188, %dma_wait3A_189] : memref<2x8x128xi32, #tpu.memory_space<vmem>> -> memref<1x1x128xi32, #tpu.memory_space<vmem>>
      %dma_wait3A_191 = tpu.memref_squeeze %dma_wait3A_190 : memref<1x1x128xi32, #tpu.memory_space<vmem>> -> memref<128xi32, #tpu.memory_space<vmem>>
      %dma_wait3A_192 = arith.constant 0 : i32
      %dma_wait3A_193 = arith.constant 0 : i32
      %dma_wait3A_194 = tpu.memref_slice %arg2[%dma_wait3A_192, %dma_wait3A_193] : memref<10240x128xf32, #tpu.memory_space<hbm>> -> memref<10240x128xf32, #tpu.memory_space<hbm>>
      tpu.wait_indirect_dma semaphore(%arg16 : memref<!tpu.dma_semaphore, #tpu.memory_space<semaphore_mem>>) src(%dma_wait3A_194 : memref<10240x128xf32, #tpu.memory_space<hbm>>) dst(%arg11 : memref<128x128xf32, #tpu.memory_space<vmem>>)
      %dma_start3A_195 = arith.constant 0 : i32
      %dma_start3A_196 = arith.constant 6 : i32
      %dma_start3A_197 = arith.constant 0 : i32
      %dma_start3A_198 = tpu.memref_slice %arg8[%dma_start3A_195, %dma_start3A_196, %dma_start3A_197] : memref<2x8x128xi32, #tpu.memory_space<vmem>> -> memref<1x1x128xi32, #tpu.memory_space<vmem>>
      %dma_start3A_199 = tpu.memref_squeeze %dma_start3A_198 : memref<1x1x128xi32, #tpu.memory_space<vmem>> -> memref<128xi32, #tpu.memory_space<vmem>>
      %dma_start3A_200 = arith.constant 0 : i32
      %dma_start3A_201 = arith.constant 0 : i32
      %dma_start3A_202 = tpu.memref_slice %arg2[%dma_start3A_200, %dma_start3A_201] : memref<10240x128xf32, #tpu.memory_space<hbm>> -> memref<10240x128xf32, #tpu.memory_space<hbm>>
      tpu.enqueue_indirect_dma source(%dma_start3A_202 : memref<10240x128xf32, #tpu.memory_space<hbm>>) target(%arg10 : memref<128x128xf32, #tpu.memory_space<vmem>>) offsets(%dma_start3A_199 : memref<128xi32, #tpu.memory_space<vmem>>) semaphore(%arg15 : memref<!tpu.dma_semaphore, #tpu.memory_space<semaphore_mem>>)
      %run_scoped3A_203 = arith.constant 1 : i32
      %run_scoped3A_204 = arith.constant 5 : i32
      "tpu.region"() ({
        %run_scoped3A_441 = tpu.sem_alloc : memref<!tpu.dma_semaphore, #tpu.memory_space<semaphore_mem>>
        %dma_start3A_442 = arith.constant 0 : i32
        %dma_start3A_443 = tpu.memref_slice %arg8[%run_scoped3A_203, %run_scoped3A_204, %dma_start3A_442] : memref<2x8x128xi32, #tpu.memory_space<vmem>> -> memref<1x1x128xi32, #tpu.memory_space<vmem>>
        %dma_start3A_444 = tpu.memref_squeeze %dma_start3A_443 : memref<1x1x128xi32, #tpu.memory_space<vmem>> -> memref<128xi32, #tpu.memory_space<vmem>>
        %dma_start3A_445 = arith.constant 0 : i32
        %dma_start3A_446 = arith.constant 0 : i32
        %dma_start3A_447 = tpu.memref_slice %arg12[%dma_start3A_445, %dma_start3A_446] : memref<10240x128xf32, #tpu.memory_space<vmem_shared>> -> memref<10240x128xf32, #tpu.memory_space<vmem_shared>>
        tpu.enqueue_indirect_dma source(%arg11 : memref<128x128xf32, #tpu.memory_space<vmem>>) target(%dma_start3A_447 : memref<10240x128xf32, #tpu.memory_space<vmem_shared>>) offsets(%dma_start3A_444 : memref<128xi32, #tpu.memory_space<vmem>>) semaphore(%run_scoped3A_441 : memref<!tpu.dma_semaphore, #tpu.memory_space<semaphore_mem>>) {add = true}
        %dma_wait3A_448 = arith.constant 0 : i32
        %dma_wait3A_449 = tpu.memref_slice %arg8[%run_scoped3A_203, %run_scoped3A_204, %dma_wait3A_448] : memref<2x8x128xi32, #tpu.memory_space<vmem>> -> memref<1x1x128xi32, #tpu.memory_space<vmem>>
        %dma_wait3A_450 = tpu.memref_squeeze %dma_wait3A_449 : memref<1x1x128xi32, #tpu.memory_space<vmem>> -> memref<128xi32, #tpu.memory_space<vmem>>
        %dma_wait3A_451 = arith.constant 0 : i32
        %dma_wait3A_452 = arith.constant 0 : i32
        %dma_wait3A_453 = tpu.memref_slice %arg12[%dma_wait3A_451, %dma_wait3A_452] : memref<10240x128xf32, #tpu.memory_space<vmem_shared>> -> memref<10240x128xf32, #tpu.memory_space<vmem_shared>>
        tpu.wait_indirect_dma semaphore(%run_scoped3A_441 : memref<!tpu.dma_semaphore, #tpu.memory_space<semaphore_mem>>) src(%arg11 : memref<128x128xf32, #tpu.memory_space<vmem>>) dst(%dma_wait3A_453 : memref<10240x128xf32, #tpu.memory_space<vmem_shared>>)
        tpu.yield
      }) : () -> ()
      %dma_wait3A_205 = arith.constant 0 : i32
      %dma_wait3A_206 = arith.constant 6 : i32
      %dma_wait3A_207 = arith.constant 0 : i32
      %dma_wait3A_208 = tpu.memref_slice %arg8[%dma_wait3A_205, %dma_wait3A_206, %dma_wait3A_207] : memref<2x8x128xi32, #tpu.memory_space<vmem>> -> memref<1x1x128xi32, #tpu.memory_space<vmem>>
      %dma_wait3A_209 = tpu.memref_squeeze %dma_wait3A_208 : memref<1x1x128xi32, #tpu.memory_space<vmem>> -> memref<128xi32, #tpu.memory_space<vmem>>
      %dma_wait3A_210 = arith.constant 0 : i32
      %dma_wait3A_211 = arith.constant 0 : i32
      %dma_wait3A_212 = tpu.memref_slice %arg2[%dma_wait3A_210, %dma_wait3A_211] : memref<10240x128xf32, #tpu.memory_space<hbm>> -> memref<10240x128xf32, #tpu.memory_space<hbm>>
      tpu.wait_indirect_dma semaphore(%arg15 : memref<!tpu.dma_semaphore, #tpu.memory_space<semaphore_mem>>) src(%dma_wait3A_212 : memref<10240x128xf32, #tpu.memory_space<hbm>>) dst(%arg10 : memref<128x128xf32, #tpu.memory_space<vmem>>)
      %dma_start3A_213 = arith.constant 0 : i32
      %dma_start3A_214 = arith.constant 7 : i32
      %dma_start3A_215 = arith.constant 0 : i32
      %dma_start3A_216 = tpu.memref_slice %arg8[%dma_start3A_213, %dma_start3A_214, %dma_start3A_215] : memref<2x8x128xi32, #tpu.memory_space<vmem>> -> memref<1x1x128xi32, #tpu.memory_space<vmem>>
      %dma_start3A_217 = tpu.memref_squeeze %dma_start3A_216 : memref<1x1x128xi32, #tpu.memory_space<vmem>> -> memref<128xi32, #tpu.memory_space<vmem>>
      %dma_start3A_218 = arith.constant 0 : i32
      %dma_start3A_219 = arith.constant 0 : i32
      %dma_start3A_220 = tpu.memref_slice %arg2[%dma_start3A_218, %dma_start3A_219] : memref<10240x128xf32, #tpu.memory_space<hbm>> -> memref<10240x128xf32, #tpu.memory_space<hbm>>
      tpu.enqueue_indirect_dma source(%dma_start3A_220 : memref<10240x128xf32, #tpu.memory_space<hbm>>) target(%arg11 : memref<128x128xf32, #tpu.memory_space<vmem>>) offsets(%dma_start3A_217 : memref<128xi32, #tpu.memory_space<vmem>>) semaphore(%arg16 : memref<!tpu.dma_semaphore, #tpu.memory_space<semaphore_mem>>)
      %run_scoped3A_221 = arith.constant 1 : i32
      %run_scoped3A_222 = arith.constant 6 : i32
      "tpu.region"() ({
        %run_scoped3A_441 = tpu.sem_alloc : memref<!tpu.dma_semaphore, #tpu.memory_space<semaphore_mem>>
        %dma_start3A_442 = arith.constant 0 : i32
        %dma_start3A_443 = tpu.memref_slice %arg8[%run_scoped3A_221, %run_scoped3A_222, %dma_start3A_442] : memref<2x8x128xi32, #tpu.memory_space<vmem>> -> memref<1x1x128xi32, #tpu.memory_space<vmem>>
        %dma_start3A_444 = tpu.memref_squeeze %dma_start3A_443 : memref<1x1x128xi32, #tpu.memory_space<vmem>> -> memref<128xi32, #tpu.memory_space<vmem>>
        %dma_start3A_445 = arith.constant 0 : i32
        %dma_start3A_446 = arith.constant 0 : i32
        %dma_start3A_447 = tpu.memref_slice %arg12[%dma_start3A_445, %dma_start3A_446] : memref<10240x128xf32, #tpu.memory_space<vmem_shared>> -> memref<10240x128xf32, #tpu.memory_space<vmem_shared>>
        tpu.enqueue_indirect_dma source(%arg10 : memref<128x128xf32, #tpu.memory_space<vmem>>) target(%dma_start3A_447 : memref<10240x128xf32, #tpu.memory_space<vmem_shared>>) offsets(%dma_start3A_444 : memref<128xi32, #tpu.memory_space<vmem>>) semaphore(%run_scoped3A_441 : memref<!tpu.dma_semaphore, #tpu.memory_space<semaphore_mem>>) {add = true}
        %dma_wait3A_448 = arith.constant 0 : i32
        %dma_wait3A_449 = tpu.memref_slice %arg8[%run_scoped3A_221, %run_scoped3A_222, %dma_wait3A_448] : memref<2x8x128xi32, #tpu.memory_space<vmem>> -> memref<1x1x128xi32, #tpu.memory_space<vmem>>
        %dma_wait3A_450 = tpu.memref_squeeze %dma_wait3A_449 : memref<1x1x128xi32, #tpu.memory_space<vmem>> -> memref<128xi32, #tpu.memory_space<vmem>>
        %dma_wait3A_451 = arith.constant 0 : i32
        %dma_wait3A_452 = arith.constant 0 : i32
        %dma_wait3A_453 = tpu.memref_slice %arg12[%dma_wait3A_451, %dma_wait3A_452] : memref<10240x128xf32, #tpu.memory_space<vmem_shared>> -> memref<10240x128xf32, #tpu.memory_space<vmem_shared>>
        tpu.wait_indirect_dma semaphore(%run_scoped3A_441 : memref<!tpu.dma_semaphore, #tpu.memory_space<semaphore_mem>>) src(%arg10 : memref<128x128xf32, #tpu.memory_space<vmem>>) dst(%dma_wait3A_453 : memref<10240x128xf32, #tpu.memory_space<vmem_shared>>)
        tpu.yield
      }) : () -> ()
      %dma_wait3A_223 = arith.constant 0 : i32
      %dma_wait3A_224 = arith.constant 7 : i32
      %dma_wait3A_225 = arith.constant 0 : i32
      %dma_wait3A_226 = tpu.memref_slice %arg8[%dma_wait3A_223, %dma_wait3A_224, %dma_wait3A_225] : memref<2x8x128xi32, #tpu.memory_space<vmem>> -> memref<1x1x128xi32, #tpu.memory_space<vmem>>
      %dma_wait3A_227 = tpu.memref_squeeze %dma_wait3A_226 : memref<1x1x128xi32, #tpu.memory_space<vmem>> -> memref<128xi32, #tpu.memory_space<vmem>>
      %dma_wait3A_228 = arith.constant 0 : i32
      %dma_wait3A_229 = arith.constant 0 : i32
      %dma_wait3A_230 = tpu.memref_slice %arg2[%dma_wait3A_228, %dma_wait3A_229] : memref<10240x128xf32, #tpu.memory_space<hbm>> -> memref<10240x128xf32, #tpu.memory_space<hbm>>
      tpu.wait_indirect_dma semaphore(%arg16 : memref<!tpu.dma_semaphore, #tpu.memory_space<semaphore_mem>>) src(%dma_wait3A_230 : memref<10240x128xf32, #tpu.memory_space<hbm>>) dst(%arg11 : memref<128x128xf32, #tpu.memory_space<vmem>>)
      %add3A_231 = arith.addi %select_n3A_10, %mul3A_97 : i32
      %add3A_232 = arith.constant 1 : i32
      %add3A_233 = arith.addi %add3A_231, %add3A_232 : i32
      %dma_wait3A_234 = arith.constant 0 : i32
      %dma_wait3A_235 = arith.constant 0 : i32
      %dma_wait3A_236 = arith.constant 0 : i32
      %dma_wait3A_237 = tpu.memref_slice %arg3[%add3A_233, %dma_wait3A_234, %dma_wait3A_235, %dma_wait3A_236] : memref<322x2x8x128xi32, #tpu.memory_space<hbm>> -> memref<1x2x8x128xi32, #tpu.memory_space<hbm>>
      %dma_wait3A_238 = tpu.memref_squeeze %dma_wait3A_237 : memref<1x2x8x128xi32, #tpu.memory_space<hbm>> -> memref<2x8x128xi32, #tpu.memory_space<hbm>>
      %dma_wait3A_239 = arith.constant 0 : i32
      %dma_wait3A_240 = arith.constant 0 : i32
      %dma_wait3A_241 = arith.constant 0 : i32
      %dma_wait3A_242 = tpu.memref_slice %arg3[%add3A_233, %dma_wait3A_239, %dma_wait3A_240, %dma_wait3A_241] : memref<322x2x8x128xi32, #tpu.memory_space<hbm>> -> memref<1x2x8x128xi32, #tpu.memory_space<hbm>>
      %dma_wait3A_243 = tpu.memref_squeeze %dma_wait3A_242 : memref<1x2x8x128xi32, #tpu.memory_space<hbm>> -> memref<2x8x128xi32, #tpu.memory_space<hbm>>
      tpu.wait_dma2 semaphore(%arg14 : memref<!tpu.dma_semaphore, #tpu.memory_space<semaphore_mem>>) src(%dma_wait3A_243 : memref<2x8x128xi32, #tpu.memory_space<hbm>>) dst(%arg9 : memref<2x8x128xi32, #tpu.memory_space<vmem>>)
      %dma_start3A_244 = arith.constant 0 : i32
      %dma_start3A_245 = arith.constant 0 : i32
      %dma_start3A_246 = arith.constant 0 : i32
      %dma_start3A_247 = tpu.memref_slice %arg9[%dma_start3A_244, %dma_start3A_245, %dma_start3A_246] : memref<2x8x128xi32, #tpu.memory_space<vmem>> -> memref<1x1x128xi32, #tpu.memory_space<vmem>>
      %dma_start3A_248 = tpu.memref_squeeze %dma_start3A_247 : memref<1x1x128xi32, #tpu.memory_space<vmem>> -> memref<128xi32, #tpu.memory_space<vmem>>
      %dma_start3A_249 = arith.constant 0 : i32
      %dma_start3A_250 = arith.constant 0 : i32
      %dma_start3A_251 = tpu.memref_slice %arg2[%dma_start3A_249, %dma_start3A_250] : memref<10240x128xf32, #tpu.memory_space<hbm>> -> memref<10240x128xf32, #tpu.memory_space<hbm>>
      tpu.enqueue_indirect_dma source(%dma_start3A_251 : memref<10240x128xf32, #tpu.memory_space<hbm>>) target(%arg10 : memref<128x128xf32, #tpu.memory_space<vmem>>) offsets(%dma_start3A_248 : memref<128xi32, #tpu.memory_space<vmem>>) semaphore(%arg15 : memref<!tpu.dma_semaphore, #tpu.memory_space<semaphore_mem>>)
      %run_scoped3A_252 = arith.constant 1 : i32
      %run_scoped3A_253 = arith.constant 7 : i32
      "tpu.region"() ({
        %run_scoped3A_441 = tpu.sem_alloc : memref<!tpu.dma_semaphore, #tpu.memory_space<semaphore_mem>>
        %dma_start3A_442 = arith.constant 0 : i32
        %dma_start3A_443 = tpu.memref_slice %arg8[%run_scoped3A_252, %run_scoped3A_253, %dma_start3A_442] : memref<2x8x128xi32, #tpu.memory_space<vmem>> -> memref<1x1x128xi32, #tpu.memory_space<vmem>>
        %dma_start3A_444 = tpu.memref_squeeze %dma_start3A_443 : memref<1x1x128xi32, #tpu.memory_space<vmem>> -> memref<128xi32, #tpu.memory_space<vmem>>
        %dma_start3A_445 = arith.constant 0 : i32
        %dma_start3A_446 = arith.constant 0 : i32
        %dma_start3A_447 = tpu.memref_slice %arg12[%dma_start3A_445, %dma_start3A_446] : memref<10240x128xf32, #tpu.memory_space<vmem_shared>> -> memref<10240x128xf32, #tpu.memory_space<vmem_shared>>
        tpu.enqueue_indirect_dma source(%arg11 : memref<128x128xf32, #tpu.memory_space<vmem>>) target(%dma_start3A_447 : memref<10240x128xf32, #tpu.memory_space<vmem_shared>>) offsets(%dma_start3A_444 : memref<128xi32, #tpu.memory_space<vmem>>) semaphore(%run_scoped3A_441 : memref<!tpu.dma_semaphore, #tpu.memory_space<semaphore_mem>>) {add = true}
        %dma_wait3A_448 = arith.constant 0 : i32
        %dma_wait3A_449 = tpu.memref_slice %arg8[%run_scoped3A_252, %run_scoped3A_253, %dma_wait3A_448] : memref<2x8x128xi32, #tpu.memory_space<vmem>> -> memref<1x1x128xi32, #tpu.memory_space<vmem>>
        %dma_wait3A_450 = tpu.memref_squeeze %dma_wait3A_449 : memref<1x1x128xi32, #tpu.memory_space<vmem>> -> memref<128xi32, #tpu.memory_space<vmem>>
        %dma_wait3A_451 = arith.constant 0 : i32
        %dma_wait3A_452 = arith.constant 0 : i32
        %dma_wait3A_453 = tpu.memref_slice %arg12[%dma_wait3A_451, %dma_wait3A_452] : memref<10240x128xf32, #tpu.memory_space<vmem_shared>> -> memref<10240x128xf32, #tpu.memory_space<vmem_shared>>
        tpu.wait_indirect_dma semaphore(%run_scoped3A_441 : memref<!tpu.dma_semaphore, #tpu.memory_space<semaphore_mem>>) src(%arg11 : memref<128x128xf32, #tpu.memory_space<vmem>>) dst(%dma_wait3A_453 : memref<10240x128xf32, #tpu.memory_space<vmem_shared>>)
        tpu.yield
      }) : () -> ()
      %add3A_254 = arith.addi %select_n3A_10, %mul3A_97 : i32
      %add3A_255 = arith.constant 2 : i32
      %add3A_256 = arith.addi %add3A_254, %add3A_255 : i32
      %dma_start3A_257 = arith.constant 0 : i32
      %dma_start3A_258 = arith.constant 0 : i32
      %dma_start3A_259 = arith.constant 0 : i32
      %dma_start3A_260 = tpu.memref_slice %arg3[%add3A_256, %dma_start3A_257, %dma_start3A_258, %dma_start3A_259] : memref<322x2x8x128xi32, #tpu.memory_space<hbm>> -> memref<1x2x8x128xi32, #tpu.memory_space<hbm>>
      %dma_start3A_261 = tpu.memref_squeeze %dma_start3A_260 : memref<1x2x8x128xi32, #tpu.memory_space<hbm>> -> memref<2x8x128xi32, #tpu.memory_space<hbm>>
      %dma_start3A_262 = arith.constant 0 : i32
      %dma_start3A_263 = arith.constant 0 : i32
      %dma_start3A_264 = arith.constant 0 : i32
      %dma_start3A_265 = tpu.memref_slice %arg3[%add3A_256, %dma_start3A_262, %dma_start3A_263, %dma_start3A_264] : memref<322x2x8x128xi32, #tpu.memory_space<hbm>> -> memref<1x2x8x128xi32, #tpu.memory_space<hbm>>
      %dma_start3A_266 = tpu.memref_squeeze %dma_start3A_265 : memref<1x2x8x128xi32, #tpu.memory_space<hbm>> -> memref<2x8x128xi32, #tpu.memory_space<hbm>>
      tpu.enqueue_dma source(%dma_start3A_266 : memref<2x8x128xi32, #tpu.memory_space<hbm>>) target(%arg8 : memref<2x8x128xi32, #tpu.memory_space<vmem>>) target_semaphore(%arg13 : memref<!tpu.dma_semaphore, #tpu.memory_space<semaphore_mem>>)
      %mul3A_267 = arith.constant 2 : i32
      %mul3A_268 = arith.muli %mul3A_267, %while3A_95 : i32
      %add3A_269 = arith.constant 1 : i32
      %add3A_270 = arith.addi %mul3A_268, %add3A_269 : i32
      %dma_wait3A_271 = arith.constant 0 : i32
      %dma_wait3A_272 = arith.constant 0 : i32
      %dma_wait3A_273 = arith.constant 0 : i32
      %dma_wait3A_274 = tpu.memref_slice %arg9[%dma_wait3A_271, %dma_wait3A_272, %dma_wait3A_273] : memref<2x8x128xi32, #tpu.memory_space<vmem>> -> memref<1x1x128xi32, #tpu.memory_space<vmem>>
      %dma_wait3A_275 = tpu.memref_squeeze %dma_wait3A_274 : memref<1x1x128xi32, #tpu.memory_space<vmem>> -> memref<128xi32, #tpu.memory_space<vmem>>
      %dma_wait3A_276 = arith.constant 0 : i32
      %dma_wait3A_277 = arith.constant 0 : i32
      %dma_wait3A_278 = tpu.memref_slice %arg2[%dma_wait3A_276, %dma_wait3A_277] : memref<10240x128xf32, #tpu.memory_space<hbm>> -> memref<10240x128xf32, #tpu.memory_space<hbm>>
      tpu.wait_indirect_dma semaphore(%arg15 : memref<!tpu.dma_semaphore, #tpu.memory_space<semaphore_mem>>) src(%dma_wait3A_278 : memref<10240x128xf32, #tpu.memory_space<hbm>>) dst(%arg10 : memref<128x128xf32, #tpu.memory_space<vmem>>)
      %dma_start3A_279 = arith.constant 0 : i32
      %dma_start3A_280 = arith.constant 1 : i32
      %dma_start3A_281 = arith.constant 0 : i32
      %dma_start3A_282 = tpu.memref_slice %arg9[%dma_start3A_279, %dma_start3A_280, %dma_start3A_281] : memref<2x8x128xi32, #tpu.memory_space<vmem>> -> memref<1x1x128xi32, #tpu.memory_space<vmem>>
      %dma_start3A_283 = tpu.memref_squeeze %dma_start3A_282 : memref<1x1x128xi32, #tpu.memory_space<vmem>> -> memref<128xi32, #tpu.memory_space<vmem>>
      %dma_start3A_284 = arith.constant 0 : i32
      %dma_start3A_285 = arith.constant 0 : i32
      %dma_start3A_286 = tpu.memref_slice %arg2[%dma_start3A_284, %dma_start3A_285] : memref<10240x128xf32, #tpu.memory_space<hbm>> -> memref<10240x128xf32, #tpu.memory_space<hbm>>
      tpu.enqueue_indirect_dma source(%dma_start3A_286 : memref<10240x128xf32, #tpu.memory_space<hbm>>) target(%arg11 : memref<128x128xf32, #tpu.memory_space<vmem>>) offsets(%dma_start3A_283 : memref<128xi32, #tpu.memory_space<vmem>>) semaphore(%arg16 : memref<!tpu.dma_semaphore, #tpu.memory_space<semaphore_mem>>)
      %run_scoped3A_287 = arith.constant 1 : i32
      %run_scoped3A_288 = arith.constant 0 : i32
      "tpu.region"() ({
        %run_scoped3A_441 = tpu.sem_alloc : memref<!tpu.dma_semaphore, #tpu.memory_space<semaphore_mem>>
        %dma_start3A_442 = arith.constant 0 : i32
        %dma_start3A_443 = tpu.memref_slice %arg9[%run_scoped3A_287, %run_scoped3A_288, %dma_start3A_442] : memref<2x8x128xi32, #tpu.memory_space<vmem>> -> memref<1x1x128xi32, #tpu.memory_space<vmem>>
        %dma_start3A_444 = tpu.memref_squeeze %dma_start3A_443 : memref<1x1x128xi32, #tpu.memory_space<vmem>> -> memref<128xi32, #tpu.memory_space<vmem>>
        %dma_start3A_445 = arith.constant 0 : i32
        %dma_start3A_446 = arith.constant 0 : i32
        %dma_start3A_447 = tpu.memref_slice %arg12[%dma_start3A_445, %dma_start3A_446] : memref<10240x128xf32, #tpu.memory_space<vmem_shared>> -> memref<10240x128xf32, #tpu.memory_space<vmem_shared>>
        tpu.enqueue_indirect_dma source(%arg10 : memref<128x128xf32, #tpu.memory_space<vmem>>) target(%dma_start3A_447 : memref<10240x128xf32, #tpu.memory_space<vmem_shared>>) offsets(%dma_start3A_444 : memref<128xi32, #tpu.memory_space<vmem>>) semaphore(%run_scoped3A_441 : memref<!tpu.dma_semaphore, #tpu.memory_space<semaphore_mem>>) {add = true}
        %dma_wait3A_448 = arith.constant 0 : i32
        %dma_wait3A_449 = tpu.memref_slice %arg9[%run_scoped3A_287, %run_scoped3A_288, %dma_wait3A_448] : memref<2x8x128xi32, #tpu.memory_space<vmem>> -> memref<1x1x128xi32, #tpu.memory_space<vmem>>
        %dma_wait3A_450 = tpu.memref_squeeze %dma_wait3A_449 : memref<1x1x128xi32, #tpu.memory_space<vmem>> -> memref<128xi32, #tpu.memory_space<vmem>>
        %dma_wait3A_451 = arith.constant 0 : i32
        %dma_wait3A_452 = arith.constant 0 : i32
        %dma_wait3A_453 = tpu.memref_slice %arg12[%dma_wait3A_451, %dma_wait3A_452] : memref<10240x128xf32, #tpu.memory_space<vmem_shared>> -> memref<10240x128xf32, #tpu.memory_space<vmem_shared>>
        tpu.wait_indirect_dma semaphore(%run_scoped3A_441 : memref<!tpu.dma_semaphore, #tpu.memory_space<semaphore_mem>>) src(%arg10 : memref<128x128xf32, #tpu.memory_space<vmem>>) dst(%dma_wait3A_453 : memref<10240x128xf32, #tpu.memory_space<vmem_shared>>)
        tpu.yield
      }) : () -> ()
      %dma_wait3A_289 = arith.constant 0 : i32
      %dma_wait3A_290 = arith.constant 1 : i32
      %dma_wait3A_291 = arith.constant 0 : i32
      %dma_wait3A_292 = tpu.memref_slice %arg9[%dma_wait3A_289, %dma_wait3A_290, %dma_wait3A_291] : memref<2x8x128xi32, #tpu.memory_space<vmem>> -> memref<1x1x128xi32, #tpu.memory_space<vmem>>
      %dma_wait3A_293 = tpu.memref_squeeze %dma_wait3A_292 : memref<1x1x128xi32, #tpu.memory_space<vmem>> -> memref<128xi32, #tpu.memory_space<vmem>>
      %dma_wait3A_294 = arith.constant 0 : i32
      %dma_wait3A_295 = arith.constant 0 : i32
      %dma_wait3A_296 = tpu.memref_slice %arg2[%dma_wait3A_294, %dma_wait3A_295] : memref<10240x128xf32, #tpu.memory_space<hbm>> -> memref<10240x128xf32, #tpu.memory_space<hbm>>
      tpu.wait_indirect_dma semaphore(%arg16 : memref<!tpu.dma_semaphore, #tpu.memory_space<semaphore_mem>>) src(%dma_wait3A_296 : memref<10240x128xf32, #tpu.memory_space<hbm>>) dst(%arg11 : memref<128x128xf32, #tpu.memory_space<vmem>>)
      %dma_start3A_297 = arith.constant 0 : i32
      %dma_start3A_298 = arith.constant 2 : i32
      %dma_start3A_299 = arith.constant 0 : i32
      %dma_start3A_300 = tpu.memref_slice %arg9[%dma_start3A_297, %dma_start3A_298, %dma_start3A_299] : memref<2x8x128xi32, #tpu.memory_space<vmem>> -> memref<1x1x128xi32, #tpu.memory_space<vmem>>
      %dma_start3A_301 = tpu.memref_squeeze %dma_start3A_300 : memref<1x1x128xi32, #tpu.memory_space<vmem>> -> memref<128xi32, #tpu.memory_space<vmem>>
      %dma_start3A_302 = arith.constant 0 : i32
      %dma_start3A_303 = arith.constant 0 : i32
      %dma_start3A_304 = tpu.memref_slice %arg2[%dma_start3A_302, %dma_start3A_303] : memref<10240x128xf32, #tpu.memory_space<hbm>> -> memref<10240x128xf32, #tpu.memory_space<hbm>>
      tpu.enqueue_indirect_dma source(%dma_start3A_304 : memref<10240x128xf32, #tpu.memory_space<hbm>>) target(%arg10 : memref<128x128xf32, #tpu.memory_space<vmem>>) offsets(%dma_start3A_301 : memref<128xi32, #tpu.memory_space<vmem>>) semaphore(%arg15 : memref<!tpu.dma_semaphore, #tpu.memory_space<semaphore_mem>>)
      %run_scoped3A_305 = arith.constant 1 : i32
      %run_scoped3A_306 = arith.constant 1 : i32
      "tpu.region"() ({
        %run_scoped3A_441 = tpu.sem_alloc : memref<!tpu.dma_semaphore, #tpu.memory_space<semaphore_mem>>
        %dma_start3A_442 = arith.constant 0 : i32
        %dma_start3A_443 = tpu.memref_slice %arg9[%run_scoped3A_305, %run_scoped3A_306, %dma_start3A_442] : memref<2x8x128xi32, #tpu.memory_space<vmem>> -> memref<1x1x128xi32, #tpu.memory_space<vmem>>
        %dma_start3A_444 = tpu.memref_squeeze %dma_start3A_443 : memref<1x1x128xi32, #tpu.memory_space<vmem>> -> memref<128xi32, #tpu.memory_space<vmem>>
        %dma_start3A_445 = arith.constant 0 : i32
        %dma_start3A_446 = arith.constant 0 : i32
        %dma_start3A_447 = tpu.memref_slice %arg12[%dma_start3A_445, %dma_start3A_446] : memref<10240x128xf32, #tpu.memory_space<vmem_shared>> -> memref<10240x128xf32, #tpu.memory_space<vmem_shared>>
        tpu.enqueue_indirect_dma source(%arg11 : memref<128x128xf32, #tpu.memory_space<vmem>>) target(%dma_start3A_447 : memref<10240x128xf32, #tpu.memory_space<vmem_shared>>) offsets(%dma_start3A_444 : memref<128xi32, #tpu.memory_space<vmem>>) semaphore(%run_scoped3A_441 : memref<!tpu.dma_semaphore, #tpu.memory_space<semaphore_mem>>) {add = true}
        %dma_wait3A_448 = arith.constant 0 : i32
        %dma_wait3A_449 = tpu.memref_slice %arg9[%run_scoped3A_305, %run_scoped3A_306, %dma_wait3A_448] : memref<2x8x128xi32, #tpu.memory_space<vmem>> -> memref<1x1x128xi32, #tpu.memory_space<vmem>>
        %dma_wait3A_450 = tpu.memref_squeeze %dma_wait3A_449 : memref<1x1x128xi32, #tpu.memory_space<vmem>> -> memref<128xi32, #tpu.memory_space<vmem>>
        %dma_wait3A_451 = arith.constant 0 : i32
        %dma_wait3A_452 = arith.constant 0 : i32
        %dma_wait3A_453 = tpu.memref_slice %arg12[%dma_wait3A_451, %dma_wait3A_452] : memref<10240x128xf32, #tpu.memory_space<vmem_shared>> -> memref<10240x128xf32, #tpu.memory_space<vmem_shared>>
        tpu.wait_indirect_dma semaphore(%run_scoped3A_441 : memref<!tpu.dma_semaphore, #tpu.memory_space<semaphore_mem>>) src(%arg11 : memref<128x128xf32, #tpu.memory_space<vmem>>) dst(%dma_wait3A_453 : memref<10240x128xf32, #tpu.memory_space<vmem_shared>>)
        tpu.yield
      }) : () -> ()
      %dma_wait3A_307 = arith.constant 0 : i32
      %dma_wait3A_308 = arith.constant 2 : i32
      %dma_wait3A_309 = arith.constant 0 : i32
      %dma_wait3A_310 = tpu.memref_slice %arg9[%dma_wait3A_307, %dma_wait3A_308, %dma_wait3A_309] : memref<2x8x128xi32, #tpu.memory_space<vmem>> -> memref<1x1x128xi32, #tpu.memory_space<vmem>>
      %dma_wait3A_311 = tpu.memref_squeeze %dma_wait3A_310 : memref<1x1x128xi32, #tpu.memory_space<vmem>> -> memref<128xi32, #tpu.memory_space<vmem>>
      %dma_wait3A_312 = arith.constant 0 : i32
      %dma_wait3A_313 = arith.constant 0 : i32
      %dma_wait3A_314 = tpu.memref_slice %arg2[%dma_wait3A_312, %dma_wait3A_313] : memref<10240x128xf32, #tpu.memory_space<hbm>> -> memref<10240x128xf32, #tpu.memory_space<hbm>>
      tpu.wait_indirect_dma semaphore(%arg15 : memref<!tpu.dma_semaphore, #tpu.memory_space<semaphore_mem>>) src(%dma_wait3A_314 : memref<10240x128xf32, #tpu.memory_space<hbm>>) dst(%arg10 : memref<128x128xf32, #tpu.memory_space<vmem>>)
      %dma_start3A_315 = arith.constant 0 : i32
      %dma_start3A_316 = arith.constant 3 : i32
      %dma_start3A_317 = arith.constant 0 : i32
      %dma_start3A_318 = tpu.memref_slice %arg9[%dma_start3A_315, %dma_start3A_316, %dma_start3A_317] : memref<2x8x128xi32, #tpu.memory_space<vmem>> -> memref<1x1x128xi32, #tpu.memory_space<vmem>>
      %dma_start3A_319 = tpu.memref_squeeze %dma_start3A_318 : memref<1x1x128xi32, #tpu.memory_space<vmem>> -> memref<128xi32, #tpu.memory_space<vmem>>
      %dma_start3A_320 = arith.constant 0 : i32
      %dma_start3A_321 = arith.constant 0 : i32
      %dma_start3A_322 = tpu.memref_slice %arg2[%dma_start3A_320, %dma_start3A_321] : memref<10240x128xf32, #tpu.memory_space<hbm>> -> memref<10240x128xf32, #tpu.memory_space<hbm>>
      tpu.enqueue_indirect_dma source(%dma_start3A_322 : memref<10240x128xf32, #tpu.memory_space<hbm>>) target(%arg11 : memref<128x128xf32, #tpu.memory_space<vmem>>) offsets(%dma_start3A_319 : memref<128xi32, #tpu.memory_space<vmem>>) semaphore(%arg16 : memref<!tpu.dma_semaphore, #tpu.memory_space<semaphore_mem>>)
      %run_scoped3A_323 = arith.constant 1 : i32
      %run_scoped3A_324 = arith.constant 2 : i32
      "tpu.region"() ({
        %run_scoped3A_441 = tpu.sem_alloc : memref<!tpu.dma_semaphore, #tpu.memory_space<semaphore_mem>>
        %dma_start3A_442 = arith.constant 0 : i32
        %dma_start3A_443 = tpu.memref_slice %arg9[%run_scoped3A_323, %run_scoped3A_324, %dma_start3A_442] : memref<2x8x128xi32, #tpu.memory_space<vmem>> -> memref<1x1x128xi32, #tpu.memory_space<vmem>>
        %dma_start3A_444 = tpu.memref_squeeze %dma_start3A_443 : memref<1x1x128xi32, #tpu.memory_space<vmem>> -> memref<128xi32, #tpu.memory_space<vmem>>
        %dma_start3A_445 = arith.constant 0 : i32
        %dma_start3A_446 = arith.constant 0 : i32
        %dma_start3A_447 = tpu.memref_slice %arg12[%dma_start3A_445, %dma_start3A_446] : memref<10240x128xf32, #tpu.memory_space<vmem_shared>> -> memref<10240x128xf32, #tpu.memory_space<vmem_shared>>
        tpu.enqueue_indirect_dma source(%arg10 : memref<128x128xf32, #tpu.memory_space<vmem>>) target(%dma_start3A_447 : memref<10240x128xf32, #tpu.memory_space<vmem_shared>>) offsets(%dma_start3A_444 : memref<128xi32, #tpu.memory_space<vmem>>) semaphore(%run_scoped3A_441 : memref<!tpu.dma_semaphore, #tpu.memory_space<semaphore_mem>>) {add = true}
        %dma_wait3A_448 = arith.constant 0 : i32
        %dma_wait3A_449 = tpu.memref_slice %arg9[%run_scoped3A_323, %run_scoped3A_324, %dma_wait3A_448] : memref<2x8x128xi32, #tpu.memory_space<vmem>> -> memref<1x1x128xi32, #tpu.memory_space<vmem>>
        %dma_wait3A_450 = tpu.memref_squeeze %dma_wait3A_449 : memref<1x1x128xi32, #tpu.memory_space<vmem>> -> memref<128xi32, #tpu.memory_space<vmem>>
        %dma_wait3A_451 = arith.constant 0 : i32
        %dma_wait3A_452 = arith.constant 0 : i32
        %dma_wait3A_453 = tpu.memref_slice %arg12[%dma_wait3A_451, %dma_wait3A_452] : memref<10240x128xf32, #tpu.memory_space<vmem_shared>> -> memref<10240x128xf32, #tpu.memory_space<vmem_shared>>
        tpu.wait_indirect_dma semaphore(%run_scoped3A_441 : memref<!tpu.dma_semaphore, #tpu.memory_space<semaphore_mem>>) src(%arg10 : memref<128x128xf32, #tpu.memory_space<vmem>>) dst(%dma_wait3A_453 : memref<10240x128xf32, #tpu.memory_space<vmem_shared>>)
        tpu.yield
      }) : () -> ()
      %dma_wait3A_325 = arith.constant 0 : i32
      %dma_wait3A_326 = arith.constant 3 : i32
      %dma_wait3A_327 = arith.constant 0 : i32
      %dma_wait3A_328 = tpu.memref_slice %arg9[%dma_wait3A_325, %dma_wait3A_326, %dma_wait3A_327] : memref<2x8x128xi32, #tpu.memory_space<vmem>> -> memref<1x1x128xi32, #tpu.memory_space<vmem>>
      %dma_wait3A_329 = tpu.memref_squeeze %dma_wait3A_328 : memref<1x1x128xi32, #tpu.memory_space<vmem>> -> memref<128xi32, #tpu.memory_space<vmem>>
      %dma_wait3A_330 = arith.constant 0 : i32
      %dma_wait3A_331 = arith.constant 0 : i32
      %dma_wait3A_332 = tpu.memref_slice %arg2[%dma_wait3A_330, %dma_wait3A_331] : memref<10240x128xf32, #tpu.memory_space<hbm>> -> memref<10240x128xf32, #tpu.memory_space<hbm>>
      tpu.wait_indirect_dma semaphore(%arg16 : memref<!tpu.dma_semaphore, #tpu.memory_space<semaphore_mem>>) src(%dma_wait3A_332 : memref<10240x128xf32, #tpu.memory_space<hbm>>) dst(%arg11 : memref<128x128xf32, #tpu.memory_space<vmem>>)
      %dma_start3A_333 = arith.constant 0 : i32
      %dma_start3A_334 = arith.constant 4 : i32
      %dma_start3A_335 = arith.constant 0 : i32
      %dma_start3A_336 = tpu.memref_slice %arg9[%dma_start3A_333, %dma_start3A_334, %dma_start3A_335] : memref<2x8x128xi32, #tpu.memory_space<vmem>> -> memref<1x1x128xi32, #tpu.memory_space<vmem>>
      %dma_start3A_337 = tpu.memref_squeeze %dma_start3A_336 : memref<1x1x128xi32, #tpu.memory_space<vmem>> -> memref<128xi32, #tpu.memory_space<vmem>>
      %dma_start3A_338 = arith.constant 0 : i32
      %dma_start3A_339 = arith.constant 0 : i32
      %dma_start3A_340 = tpu.memref_slice %arg2[%dma_start3A_338, %dma_start3A_339] : memref<10240x128xf32, #tpu.memory_space<hbm>> -> memref<10240x128xf32, #tpu.memory_space<hbm>>
      tpu.enqueue_indirect_dma source(%dma_start3A_340 : memref<10240x128xf32, #tpu.memory_space<hbm>>) target(%arg10 : memref<128x128xf32, #tpu.memory_space<vmem>>) offsets(%dma_start3A_337 : memref<128xi32, #tpu.memory_space<vmem>>) semaphore(%arg15 : memref<!tpu.dma_semaphore, #tpu.memory_space<semaphore_mem>>)
      %run_scoped3A_341 = arith.constant 1 : i32
      %run_scoped3A_342 = arith.constant 3 : i32
      "tpu.region"() ({
        %run_scoped3A_441 = tpu.sem_alloc : memref<!tpu.dma_semaphore, #tpu.memory_space<semaphore_mem>>
        %dma_start3A_442 = arith.constant 0 : i32
        %dma_start3A_443 = tpu.memref_slice %arg9[%run_scoped3A_341, %run_scoped3A_342, %dma_start3A_442] : memref<2x8x128xi32, #tpu.memory_space<vmem>> -> memref<1x1x128xi32, #tpu.memory_space<vmem>>
        %dma_start3A_444 = tpu.memref_squeeze %dma_start3A_443 : memref<1x1x128xi32, #tpu.memory_space<vmem>> -> memref<128xi32, #tpu.memory_space<vmem>>
        %dma_start3A_445 = arith.constant 0 : i32
        %dma_start3A_446 = arith.constant 0 : i32
        %dma_start3A_447 = tpu.memref_slice %arg12[%dma_start3A_445, %dma_start3A_446] : memref<10240x128xf32, #tpu.memory_space<vmem_shared>> -> memref<10240x128xf32, #tpu.memory_space<vmem_shared>>
        tpu.enqueue_indirect_dma source(%arg11 : memref<128x128xf32, #tpu.memory_space<vmem>>) target(%dma_start3A_447 : memref<10240x128xf32, #tpu.memory_space<vmem_shared>>) offsets(%dma_start3A_444 : memref<128xi32, #tpu.memory_space<vmem>>) semaphore(%run_scoped3A_441 : memref<!tpu.dma_semaphore, #tpu.memory_space<semaphore_mem>>) {add = true}
        %dma_wait3A_448 = arith.constant 0 : i32
        %dma_wait3A_449 = tpu.memref_slice %arg9[%run_scoped3A_341, %run_scoped3A_342, %dma_wait3A_448] : memref<2x8x128xi32, #tpu.memory_space<vmem>> -> memref<1x1x128xi32, #tpu.memory_space<vmem>>
        %dma_wait3A_450 = tpu.memref_squeeze %dma_wait3A_449 : memref<1x1x128xi32, #tpu.memory_space<vmem>> -> memref<128xi32, #tpu.memory_space<vmem>>
        %dma_wait3A_451 = arith.constant 0 : i32
        %dma_wait3A_452 = arith.constant 0 : i32
        %dma_wait3A_453 = tpu.memref_slice %arg12[%dma_wait3A_451, %dma_wait3A_452] : memref<10240x128xf32, #tpu.memory_space<vmem_shared>> -> memref<10240x128xf32, #tpu.memory_space<vmem_shared>>
        tpu.wait_indirect_dma semaphore(%run_scoped3A_441 : memref<!tpu.dma_semaphore, #tpu.memory_space<semaphore_mem>>) src(%arg11 : memref<128x128xf32, #tpu.memory_space<vmem>>) dst(%dma_wait3A_453 : memref<10240x128xf32, #tpu.memory_space<vmem_shared>>)
        tpu.yield
      }) : () -> ()
      %dma_wait3A_343 = arith.constant 0 : i32
      %dma_wait3A_344 = arith.constant 4 : i32
      %dma_wait3A_345 = arith.constant 0 : i32
      %dma_wait3A_346 = tpu.memref_slice %arg9[%dma_wait3A_343, %dma_wait3A_344, %dma_wait3A_345] : memref<2x8x128xi32, #tpu.memory_space<vmem>> -> memref<1x1x128xi32, #tpu.memory_space<vmem>>
      %dma_wait3A_347 = tpu.memref_squeeze %dma_wait3A_346 : memref<1x1x128xi32, #tpu.memory_space<vmem>> -> memref<128xi32, #tpu.memory_space<vmem>>
      %dma_wait3A_348 = arith.constant 0 : i32
      %dma_wait3A_349 = arith.constant 0 : i32
      %dma_wait3A_350 = tpu.memref_slice %arg2[%dma_wait3A_348, %dma_wait3A_349] : memref<10240x128xf32, #tpu.memory_space<hbm>> -> memref<10240x128xf32, #tpu.memory_space<hbm>>
      tpu.wait_indirect_dma semaphore(%arg15 : memref<!tpu.dma_semaphore, #tpu.memory_space<semaphore_mem>>) src(%dma_wait3A_350 : memref<10240x128xf32, #tpu.memory_space<hbm>>) dst(%arg10 : memref<128x128xf32, #tpu.memory_space<vmem>>)
      %dma_start3A_351 = arith.constant 0 : i32
      %dma_start3A_352 = arith.constant 5 : i32
      %dma_start3A_353 = arith.constant 0 : i32
      %dma_start3A_354 = tpu.memref_slice %arg9[%dma_start3A_351, %dma_start3A_352, %dma_start3A_353] : memref<2x8x128xi32, #tpu.memory_space<vmem>> -> memref<1x1x128xi32, #tpu.memory_space<vmem>>
      %dma_start3A_355 = tpu.memref_squeeze %dma_start3A_354 : memref<1x1x128xi32, #tpu.memory_space<vmem>> -> memref<128xi32, #tpu.memory_space<vmem>>
      %dma_start3A_356 = arith.constant 0 : i32
      %dma_start3A_357 = arith.constant 0 : i32
      %dma_start3A_358 = tpu.memref_slice %arg2[%dma_start3A_356, %dma_start3A_357] : memref<10240x128xf32, #tpu.memory_space<hbm>> -> memref<10240x128xf32, #tpu.memory_space<hbm>>
      tpu.enqueue_indirect_dma source(%dma_start3A_358 : memref<10240x128xf32, #tpu.memory_space<hbm>>) target(%arg11 : memref<128x128xf32, #tpu.memory_space<vmem>>) offsets(%dma_start3A_355 : memref<128xi32, #tpu.memory_space<vmem>>) semaphore(%arg16 : memref<!tpu.dma_semaphore, #tpu.memory_space<semaphore_mem>>)
      %run_scoped3A_359 = arith.constant 1 : i32
      %run_scoped3A_360 = arith.constant 4 : i32
      "tpu.region"() ({
        %run_scoped3A_441 = tpu.sem_alloc : memref<!tpu.dma_semaphore, #tpu.memory_space<semaphore_mem>>
        %dma_start3A_442 = arith.constant 0 : i32
        %dma_start3A_443 = tpu.memref_slice %arg9[%run_scoped3A_359, %run_scoped3A_360, %dma_start3A_442] : memref<2x8x128xi32, #tpu.memory_space<vmem>> -> memref<1x1x128xi32, #tpu.memory_space<vmem>>
        %dma_start3A_444 = tpu.memref_squeeze %dma_start3A_443 : memref<1x1x128xi32, #tpu.memory_space<vmem>> -> memref<128xi32, #tpu.memory_space<vmem>>
        %dma_start3A_445 = arith.constant 0 : i32
        %dma_start3A_446 = arith.constant 0 : i32
        %dma_start3A_447 = tpu.memref_slice %arg12[%dma_start3A_445, %dma_start3A_446] : memref<10240x128xf32, #tpu.memory_space<vmem_shared>> -> memref<10240x128xf32, #tpu.memory_space<vmem_shared>>
        tpu.enqueue_indirect_dma source(%arg10 : memref<128x128xf32, #tpu.memory_space<vmem>>) target(%dma_start3A_447 : memref<10240x128xf32, #tpu.memory_space<vmem_shared>>) offsets(%dma_start3A_444 : memref<128xi32, #tpu.memory_space<vmem>>) semaphore(%run_scoped3A_441 : memref<!tpu.dma_semaphore, #tpu.memory_space<semaphore_mem>>) {add = true}
        %dma_wait3A_448 = arith.constant 0 : i32
        %dma_wait3A_449 = tpu.memref_slice %arg9[%run_scoped3A_359, %run_scoped3A_360, %dma_wait3A_448] : memref<2x8x128xi32, #tpu.memory_space<vmem>> -> memref<1x1x128xi32, #tpu.memory_space<vmem>>
        %dma_wait3A_450 = tpu.memref_squeeze %dma_wait3A_449 : memref<1x1x128xi32, #tpu.memory_space<vmem>> -> memref<128xi32, #tpu.memory_space<vmem>>
        %dma_wait3A_451 = arith.constant 0 : i32
        %dma_wait3A_452 = arith.constant 0 : i32
        %dma_wait3A_453 = tpu.memref_slice %arg12[%dma_wait3A_451, %dma_wait3A_452] : memref<10240x128xf32, #tpu.memory_space<vmem_shared>> -> memref<10240x128xf32, #tpu.memory_space<vmem_shared>>
        tpu.wait_indirect_dma semaphore(%run_scoped3A_441 : memref<!tpu.dma_semaphore, #tpu.memory_space<semaphore_mem>>) src(%arg10 : memref<128x128xf32, #tpu.memory_space<vmem>>) dst(%dma_wait3A_453 : memref<10240x128xf32, #tpu.memory_space<vmem_shared>>)
        tpu.yield
      }) : () -> ()
      %dma_wait3A_361 = arith.constant 0 : i32
      %dma_wait3A_362 = arith.constant 5 : i32
      %dma_wait3A_363 = arith.constant 0 : i32
      %dma_wait3A_364 = tpu.memref_slice %arg9[%dma_wait3A_361, %dma_wait3A_362, %dma_wait3A_363] : memref<2x8x128xi32, #tpu.memory_space<vmem>> -> memref<1x1x128xi32, #tpu.memory_space<vmem>>
      %dma_wait3A_365 = tpu.memref_squeeze %dma_wait3A_364 : memref<1x1x128xi32, #tpu.memory_space<vmem>> -> memref<128xi32, #tpu.memory_space<vmem>>
      %dma_wait3A_366 = arith.constant 0 : i32
      %dma_wait3A_367 = arith.constant 0 : i32
      %dma_wait3A_368 = tpu.memref_slice %arg2[%dma_wait3A_366, %dma_wait3A_367] : memref<10240x128xf32, #tpu.memory_space<hbm>> -> memref<10240x128xf32, #tpu.memory_space<hbm>>
      tpu.wait_indirect_dma semaphore(%arg16 : memref<!tpu.dma_semaphore, #tpu.memory_space<semaphore_mem>>) src(%dma_wait3A_368 : memref<10240x128xf32, #tpu.memory_space<hbm>>) dst(%arg11 : memref<128x128xf32, #tpu.memory_space<vmem>>)
      %dma_start3A_369 = arith.constant 0 : i32
      %dma_start3A_370 = arith.constant 6 : i32
      %dma_start3A_371 = arith.constant 0 : i32
      %dma_start3A_372 = tpu.memref_slice %arg9[%dma_start3A_369, %dma_start3A_370, %dma_start3A_371] : memref<2x8x128xi32, #tpu.memory_space<vmem>> -> memref<1x1x128xi32, #tpu.memory_space<vmem>>
      %dma_start3A_373 = tpu.memref_squeeze %dma_start3A_372 : memref<1x1x128xi32, #tpu.memory_space<vmem>> -> memref<128xi32, #tpu.memory_space<vmem>>
      %dma_start3A_374 = arith.constant 0 : i32
      %dma_start3A_375 = arith.constant 0 : i32
      %dma_start3A_376 = tpu.memref_slice %arg2[%dma_start3A_374, %dma_start3A_375] : memref<10240x128xf32, #tpu.memory_space<hbm>> -> memref<10240x128xf32, #tpu.memory_space<hbm>>
      tpu.enqueue_indirect_dma source(%dma_start3A_376 : memref<10240x128xf32, #tpu.memory_space<hbm>>) target(%arg10 : memref<128x128xf32, #tpu.memory_space<vmem>>) offsets(%dma_start3A_373 : memref<128xi32, #tpu.memory_space<vmem>>) semaphore(%arg15 : memref<!tpu.dma_semaphore, #tpu.memory_space<semaphore_mem>>)
      %run_scoped3A_377 = arith.constant 1 : i32
      %run_scoped3A_378 = arith.constant 5 : i32
      "tpu.region"() ({
        %run_scoped3A_441 = tpu.sem_alloc : memref<!tpu.dma_semaphore, #tpu.memory_space<semaphore_mem>>
        %dma_start3A_442 = arith.constant 0 : i32
        %dma_start3A_443 = tpu.memref_slice %arg9[%run_scoped3A_377, %run_scoped3A_378, %dma_start3A_442] : memref<2x8x128xi32, #tpu.memory_space<vmem>> -> memref<1x1x128xi32, #tpu.memory_space<vmem>>
        %dma_start3A_444 = tpu.memref_squeeze %dma_start3A_443 : memref<1x1x128xi32, #tpu.memory_space<vmem>> -> memref<128xi32, #tpu.memory_space<vmem>>
        %dma_start3A_445 = arith.constant 0 : i32
        %dma_start3A_446 = arith.constant 0 : i32
        %dma_start3A_447 = tpu.memref_slice %arg12[%dma_start3A_445, %dma_start3A_446] : memref<10240x128xf32, #tpu.memory_space<vmem_shared>> -> memref<10240x128xf32, #tpu.memory_space<vmem_shared>>
        tpu.enqueue_indirect_dma source(%arg11 : memref<128x128xf32, #tpu.memory_space<vmem>>) target(%dma_start3A_447 : memref<10240x128xf32, #tpu.memory_space<vmem_shared>>) offsets(%dma_start3A_444 : memref<128xi32, #tpu.memory_space<vmem>>) semaphore(%run_scoped3A_441 : memref<!tpu.dma_semaphore, #tpu.memory_space<semaphore_mem>>) {add = true}
        %dma_wait3A_448 = arith.constant 0 : i32
        %dma_wait3A_449 = tpu.memref_slice %arg9[%run_scoped3A_377, %run_scoped3A_378, %dma_wait3A_448] : memref<2x8x128xi32, #tpu.memory_space<vmem>> -> memref<1x1x128xi32, #tpu.memory_space<vmem>>
        %dma_wait3A_450 = tpu.memref_squeeze %dma_wait3A_449 : memref<1x1x128xi32, #tpu.memory_space<vmem>> -> memref<128xi32, #tpu.memory_space<vmem>>
        %dma_wait3A_451 = arith.constant 0 : i32
        %dma_wait3A_452 = arith.constant 0 : i32
        %dma_wait3A_453 = tpu.memref_slice %arg12[%dma_wait3A_451, %dma_wait3A_452] : memref<10240x128xf32, #tpu.memory_space<vmem_shared>> -> memref<10240x128xf32, #tpu.memory_space<vmem_shared>>
        tpu.wait_indirect_dma semaphore(%run_scoped3A_441 : memref<!tpu.dma_semaphore, #tpu.memory_space<semaphore_mem>>) src(%arg11 : memref<128x128xf32, #tpu.memory_space<vmem>>) dst(%dma_wait3A_453 : memref<10240x128xf32, #tpu.memory_space<vmem_shared>>)
        tpu.yield
      }) : () -> ()
      %dma_wait3A_379 = arith.constant 0 : i32
      %dma_wait3A_380 = arith.constant 6 : i32
      %dma_wait3A_381 = arith.constant 0 : i32
      %dma_wait3A_382 = tpu.memref_slice %arg9[%dma_wait3A_379, %dma_wait3A_380, %dma_wait3A_381] : memref<2x8x128xi32, #tpu.memory_space<vmem>> -> memref<1x1x128xi32, #tpu.memory_space<vmem>>
      %dma_wait3A_383 = tpu.memref_squeeze %dma_wait3A_382 : memref<1x1x128xi32, #tpu.memory_space<vmem>> -> memref<128xi32, #tpu.memory_space<vmem>>
      %dma_wait3A_384 = arith.constant 0 : i32
      %dma_wait3A_385 = arith.constant 0 : i32
      %dma_wait3A_386 = tpu.memref_slice %arg2[%dma_wait3A_384, %dma_wait3A_385] : memref<10240x128xf32, #tpu.memory_space<hbm>> -> memref<10240x128xf32, #tpu.memory_space<hbm>>
      tpu.wait_indirect_dma semaphore(%arg15 : memref<!tpu.dma_semaphore, #tpu.memory_space<semaphore_mem>>) src(%dma_wait3A_386 : memref<10240x128xf32, #tpu.memory_space<hbm>>) dst(%arg10 : memref<128x128xf32, #tpu.memory_space<vmem>>)
      %dma_start3A_387 = arith.constant 0 : i32
      %dma_start3A_388 = arith.constant 7 : i32
      %dma_start3A_389 = arith.constant 0 : i32
      %dma_start3A_390 = tpu.memref_slice %arg9[%dma_start3A_387, %dma_start3A_388, %dma_start3A_389] : memref<2x8x128xi32, #tpu.memory_space<vmem>> -> memref<1x1x128xi32, #tpu.memory_space<vmem>>
      %dma_start3A_391 = tpu.memref_squeeze %dma_start3A_390 : memref<1x1x128xi32, #tpu.memory_space<vmem>> -> memref<128xi32, #tpu.memory_space<vmem>>
      %dma_start3A_392 = arith.constant 0 : i32
      %dma_start3A_393 = arith.constant 0 : i32
      %dma_start3A_394 = tpu.memref_slice %arg2[%dma_start3A_392, %dma_start3A_393] : memref<10240x128xf32, #tpu.memory_space<hbm>> -> memref<10240x128xf32, #tpu.memory_space<hbm>>
      tpu.enqueue_indirect_dma source(%dma_start3A_394 : memref<10240x128xf32, #tpu.memory_space<hbm>>) target(%arg11 : memref<128x128xf32, #tpu.memory_space<vmem>>) offsets(%dma_start3A_391 : memref<128xi32, #tpu.memory_space<vmem>>) semaphore(%arg16 : memref<!tpu.dma_semaphore, #tpu.memory_space<semaphore_mem>>)
      %run_scoped3A_395 = arith.constant 1 : i32
      %run_scoped3A_396 = arith.constant 6 : i32
      "tpu.region"() ({
        %run_scoped3A_441 = tpu.sem_alloc : memref<!tpu.dma_semaphore, #tpu.memory_space<semaphore_mem>>
        %dma_start3A_442 = arith.constant 0 : i32
        %dma_start3A_443 = tpu.memref_slice %arg9[%run_scoped3A_395, %run_scoped3A_396, %dma_start3A_442] : memref<2x8x128xi32, #tpu.memory_space<vmem>> -> memref<1x1x128xi32, #tpu.memory_space<vmem>>
        %dma_start3A_444 = tpu.memref_squeeze %dma_start3A_443 : memref<1x1x128xi32, #tpu.memory_space<vmem>> -> memref<128xi32, #tpu.memory_space<vmem>>
        %dma_start3A_445 = arith.constant 0 : i32
        %dma_start3A_446 = arith.constant 0 : i32
        %dma_start3A_447 = tpu.memref_slice %arg12[%dma_start3A_445, %dma_start3A_446] : memref<10240x128xf32, #tpu.memory_space<vmem_shared>> -> memref<10240x128xf32, #tpu.memory_space<vmem_shared>>
        tpu.enqueue_indirect_dma source(%arg10 : memref<128x128xf32, #tpu.memory_space<vmem>>) target(%dma_start3A_447 : memref<10240x128xf32, #tpu.memory_space<vmem_shared>>) offsets(%dma_start3A_444 : memref<128xi32, #tpu.memory_space<vmem>>) semaphore(%run_scoped3A_441 : memref<!tpu.dma_semaphore, #tpu.memory_space<semaphore_mem>>) {add = true}
        %dma_wait3A_448 = arith.constant 0 : i32
        %dma_wait3A_449 = tpu.memref_slice %arg9[%run_scoped3A_395, %run_scoped3A_396, %dma_wait3A_448] : memref<2x8x128xi32, #tpu.memory_space<vmem>> -> memref<1x1x128xi32, #tpu.memory_space<vmem>>
        %dma_wait3A_450 = tpu.memref_squeeze %dma_wait3A_449 : memref<1x1x128xi32, #tpu.memory_space<vmem>> -> memref<128xi32, #tpu.memory_space<vmem>>
        %dma_wait3A_451 = arith.constant 0 : i32
        %dma_wait3A_452 = arith.constant 0 : i32
        %dma_wait3A_453 = tpu.memref_slice %arg12[%dma_wait3A_451, %dma_wait3A_452] : memref<10240x128xf32, #tpu.memory_space<vmem_shared>> -> memref<10240x128xf32, #tpu.memory_space<vmem_shared>>
        tpu.wait_indirect_dma semaphore(%run_scoped3A_441 : memref<!tpu.dma_semaphore, #tpu.memory_space<semaphore_mem>>) src(%arg10 : memref<128x128xf32, #tpu.memory_space<vmem>>) dst(%dma_wait3A_453 : memref<10240x128xf32, #tpu.memory_space<vmem_shared>>)
        tpu.yield
      }) : () -> ()
      %dma_wait3A_397 = arith.constant 0 : i32
      %dma_wait3A_398 = arith.constant 7 : i32
      %dma_wait3A_399 = arith.constant 0 : i32
      %dma_wait3A_400 = tpu.memref_slice %arg9[%dma_wait3A_397, %dma_wait3A_398, %dma_wait3A_399] : memref<2x8x128xi32, #tpu.memory_space<vmem>> -> memref<1x1x128xi32, #tpu.memory_space<vmem>>
      %dma_wait3A_401 = tpu.memref_squeeze %dma_wait3A_400 : memref<1x1x128xi32, #tpu.memory_space<vmem>> -> memref<128xi32, #tpu.memory_space<vmem>>
      %dma_wait3A_402 = arith.constant 0 : i32
      %dma_wait3A_403 = arith.constant 0 : i32
      %dma_wait3A_404 = tpu.memref_slice %arg2[%dma_wait3A_402, %dma_wait3A_403] : memref<10240x128xf32, #tpu.memory_space<hbm>> -> memref<10240x128xf32, #tpu.memory_space<hbm>>
      tpu.wait_indirect_dma semaphore(%arg16 : memref<!tpu.dma_semaphore, #tpu.memory_space<semaphore_mem>>) src(%dma_wait3A_404 : memref<10240x128xf32, #tpu.memory_space<hbm>>) dst(%arg11 : memref<128x128xf32, #tpu.memory_space<vmem>>)
      %add3A_405 = arith.addi %select_n3A_10, %add3A_270 : i32
      %add3A_406 = arith.constant 1 : i32
      %add3A_407 = arith.addi %add3A_405, %add3A_406 : i32
      %dma_wait3A_408 = arith.constant 0 : i32
      %dma_wait3A_409 = arith.constant 0 : i32
      %dma_wait3A_410 = arith.constant 0 : i32
      %dma_wait3A_411 = tpu.memref_slice %arg3[%add3A_407, %dma_wait3A_408, %dma_wait3A_409, %dma_wait3A_410] : memref<322x2x8x128xi32, #tpu.memory_space<hbm>> -> memref<1x2x8x128xi32, #tpu.memory_space<hbm>>
      %dma_wait3A_412 = tpu.memref_squeeze %dma_wait3A_411 : memref<1x2x8x128xi32, #tpu.memory_space<hbm>> -> memref<2x8x128xi32, #tpu.memory_space<hbm>>
      %dma_wait3A_413 = arith.constant 0 : i32
      %dma_wait3A_414 = arith.constant 0 : i32
      %dma_wait3A_415 = arith.constant 0 : i32
      %dma_wait3A_416 = tpu.memref_slice %arg3[%add3A_407, %dma_wait3A_413, %dma_wait3A_414, %dma_wait3A_415] : memref<322x2x8x128xi32, #tpu.memory_space<hbm>> -> memref<1x2x8x128xi32, #tpu.memory_space<hbm>>
      %dma_wait3A_417 = tpu.memref_squeeze %dma_wait3A_416 : memref<1x2x8x128xi32, #tpu.memory_space<hbm>> -> memref<2x8x128xi32, #tpu.memory_space<hbm>>
      tpu.wait_dma2 semaphore(%arg13 : memref<!tpu.dma_semaphore, #tpu.memory_space<semaphore_mem>>) src(%dma_wait3A_417 : memref<2x8x128xi32, #tpu.memory_space<hbm>>) dst(%arg8 : memref<2x8x128xi32, #tpu.memory_space<vmem>>)
      %dma_start3A_418 = arith.constant 0 : i32
      %dma_start3A_419 = arith.constant 0 : i32
      %dma_start3A_420 = arith.constant 0 : i32
      %dma_start3A_421 = tpu.memref_slice %arg8[%dma_start3A_418, %dma_start3A_419, %dma_start3A_420] : memref<2x8x128xi32, #tpu.memory_space<vmem>> -> memref<1x1x128xi32, #tpu.memory_space<vmem>>
      %dma_start3A_422 = tpu.memref_squeeze %dma_start3A_421 : memref<1x1x128xi32, #tpu.memory_space<vmem>> -> memref<128xi32, #tpu.memory_space<vmem>>
      %dma_start3A_423 = arith.constant 0 : i32
      %dma_start3A_424 = arith.constant 0 : i32
      %dma_start3A_425 = tpu.memref_slice %arg2[%dma_start3A_423, %dma_start3A_424] : memref<10240x128xf32, #tpu.memory_space<hbm>> -> memref<10240x128xf32, #tpu.memory_space<hbm>>
      tpu.enqueue_indirect_dma source(%dma_start3A_425 : memref<10240x128xf32, #tpu.memory_space<hbm>>) target(%arg10 : memref<128x128xf32, #tpu.memory_space<vmem>>) offsets(%dma_start3A_422 : memref<128xi32, #tpu.memory_space<vmem>>) semaphore(%arg15 : memref<!tpu.dma_semaphore, #tpu.memory_space<semaphore_mem>>)
      %run_scoped3A_426 = arith.constant 1 : i32
      %run_scoped3A_427 = arith.constant 7 : i32
      "tpu.region"() ({
        %run_scoped3A_441 = tpu.sem_alloc : memref<!tpu.dma_semaphore, #tpu.memory_space<semaphore_mem>>
        %dma_start3A_442 = arith.constant 0 : i32
        %dma_start3A_443 = tpu.memref_slice %arg9[%run_scoped3A_426, %run_scoped3A_427, %dma_start3A_442] : memref<2x8x128xi32, #tpu.memory_space<vmem>> -> memref<1x1x128xi32, #tpu.memory_space<vmem>>
        %dma_start3A_444 = tpu.memref_squeeze %dma_start3A_443 : memref<1x1x128xi32, #tpu.memory_space<vmem>> -> memref<128xi32, #tpu.memory_space<vmem>>
        %dma_start3A_445 = arith.constant 0 : i32
        %dma_start3A_446 = arith.constant 0 : i32
        %dma_start3A_447 = tpu.memref_slice %arg12[%dma_start3A_445, %dma_start3A_446] : memref<10240x128xf32, #tpu.memory_space<vmem_shared>> -> memref<10240x128xf32, #tpu.memory_space<vmem_shared>>
        tpu.enqueue_indirect_dma source(%arg11 : memref<128x128xf32, #tpu.memory_space<vmem>>) target(%dma_start3A_447 : memref<10240x128xf32, #tpu.memory_space<vmem_shared>>) offsets(%dma_start3A_444 : memref<128xi32, #tpu.memory_space<vmem>>) semaphore(%run_scoped3A_441 : memref<!tpu.dma_semaphore, #tpu.memory_space<semaphore_mem>>) {add = true}
        %dma_wait3A_448 = arith.constant 0 : i32
        %dma_wait3A_449 = tpu.memref_slice %arg9[%run_scoped3A_426, %run_scoped3A_427, %dma_wait3A_448] : memref<2x8x128xi32, #tpu.memory_space<vmem>> -> memref<1x1x128xi32, #tpu.memory_space<vmem>>
        %dma_wait3A_450 = tpu.memref_squeeze %dma_wait3A_449 : memref<1x1x128xi32, #tpu.memory_space<vmem>> -> memref<128xi32, #tpu.memory_space<vmem>>
        %dma_wait3A_451 = arith.constant 0 : i32
        %dma_wait3A_452 = arith.constant 0 : i32
        %dma_wait3A_453 = tpu.memref_slice %arg12[%dma_wait3A_451, %dma_wait3A_452] : memref<10240x128xf32, #tpu.memory_space<vmem_shared>> -> memref<10240x128xf32, #tpu.memory_space<vmem_shared>>
        tpu.wait_indirect_dma semaphore(%run_scoped3A_441 : memref<!tpu.dma_semaphore, #tpu.memory_space<semaphore_mem>>) src(%arg11 : memref<128x128xf32, #tpu.memory_space<vmem>>) dst(%dma_wait3A_453 : memref<10240x128xf32, #tpu.memory_space<vmem_shared>>)
        tpu.yield
      }) : () -> ()
      %add3A_428 = arith.addi %select_n3A_10, %add3A_270 : i32
      %add3A_429 = arith.constant 2 : i32
      %add3A_430 = arith.addi %add3A_428, %add3A_429 : i32
      %dma_start3A_431 = arith.constant 0 : i32
      %dma_start3A_432 = arith.constant 0 : i32
      %dma_start3A_433 = arith.constant 0 : i32
      %dma_start3A_434 = tpu.memref_slice %arg3[%add3A_430, %dma_start3A_431, %dma_start3A_432, %dma_start3A_433] : memref<322x2x8x128xi32, #tpu.memory_space<hbm>> -> memref<1x2x8x128xi32, #tpu.memory_space<hbm>>
      %dma_start3A_435 = tpu.memref_squeeze %dma_start3A_434 : memref<1x2x8x128xi32, #tpu.memory_space<hbm>> -> memref<2x8x128xi32, #tpu.memory_space<hbm>>
      %dma_start3A_436 = arith.constant 0 : i32
      %dma_start3A_437 = arith.constant 0 : i32
      %dma_start3A_438 = arith.constant 0 : i32
      %dma_start3A_439 = tpu.memref_slice %arg3[%add3A_430, %dma_start3A_436, %dma_start3A_437, %dma_start3A_438] : memref<322x2x8x128xi32, #tpu.memory_space<hbm>> -> memref<1x2x8x128xi32, #tpu.memory_space<hbm>>
      %dma_start3A_440 = tpu.memref_squeeze %dma_start3A_439 : memref<1x2x8x128xi32, #tpu.memory_space<hbm>> -> memref<2x8x128xi32, #tpu.memory_space<hbm>>
      tpu.enqueue_dma source(%dma_start3A_440 : memref<2x8x128xi32, #tpu.memory_space<hbm>>) target(%arg9 : memref<2x8x128xi32, #tpu.memory_space<vmem>>) target_semaphore(%arg14 : memref<!tpu.dma_semaphore, #tpu.memory_space<semaphore_mem>>)
    }
    %dma_wait3A_76 = arith.constant 0 : i32
    %dma_wait3A_77 = arith.constant 0 : i32
    %dma_wait3A_78 = arith.constant 0 : i32
    %dma_wait3A_79 = tpu.memref_slice %arg8[%dma_wait3A_76, %dma_wait3A_77, %dma_wait3A_78] : memref<2x8x128xi32, #tpu.memory_space<vmem>> -> memref<1x1x128xi32, #tpu.memory_space<vmem>>
    %dma_wait3A_80 = tpu.memref_squeeze %dma_wait3A_79 : memref<1x1x128xi32, #tpu.memory_space<vmem>> -> memref<128xi32, #tpu.memory_space<vmem>>
    %dma_wait3A_81 = arith.constant 0 : i32
    %dma_wait3A_82 = arith.constant 0 : i32
    %dma_wait3A_83 = tpu.memref_slice %arg2[%dma_wait3A_81, %dma_wait3A_82] : memref<10240x128xf32, #tpu.memory_space<hbm>> -> memref<10240x128xf32, #tpu.memory_space<hbm>>
    tpu.wait_indirect_dma semaphore(%arg15 : memref<!tpu.dma_semaphore, #tpu.memory_space<semaphore_mem>>) src(%dma_wait3A_83 : memref<10240x128xf32, #tpu.memory_space<hbm>>) dst(%arg10 : memref<128x128xf32, #tpu.memory_space<vmem>>)
    %dma_wait3A_84 = arith.constant 0 : i32
    %dma_wait3A_85 = arith.constant 0 : i32
    %dma_wait3A_86 = arith.constant 0 : i32
    %dma_wait3A_87 = tpu.memref_slice %arg3[%select_n3A_10, %dma_wait3A_84, %dma_wait3A_85, %dma_wait3A_86] : memref<322x2x8x128xi32, #tpu.memory_space<hbm>> -> memref<1x2x8x128xi32, #tpu.memory_space<hbm>>
    %dma_wait3A_88 = tpu.memref_squeeze %dma_wait3A_87 : memref<1x2x8x128xi32, #tpu.memory_space<hbm>> -> memref<2x8x128xi32, #tpu.memory_space<hbm>>
    %dma_wait3A_89 = arith.constant 0 : i32
    %dma_wait3A_90 = arith.constant 0 : i32
    %dma_wait3A_91 = arith.constant 0 : i32
    %dma_wait3A_92 = tpu.memref_slice %arg3[%select_n3A_10, %dma_wait3A_89, %dma_wait3A_90, %dma_wait3A_91] : memref<322x2x8x128xi32, #tpu.memory_space<hbm>> -> memref<1x2x8x128xi32, #tpu.memory_space<hbm>>
    %dma_wait3A_93 = tpu.memref_squeeze %dma_wait3A_92 : memref<1x2x8x128xi32, #tpu.memory_space<hbm>> -> memref<2x8x128xi32, #tpu.memory_space<hbm>>
    tpu.wait_dma2 semaphore(%arg14 : memref<!tpu.dma_semaphore, #tpu.memory_space<semaphore_mem>>) src(%dma_wait3A_93 : memref<2x8x128xi32, #tpu.memory_space<hbm>>) dst(%arg9 : memref<2x8x128xi32, #tpu.memory_space<vmem>>)
    %barrier3A_94 = arith.constant 0 : index
    tpu.barrier barrier_id(%barrier3A_94)
    "tpu.region"() ({
      %run_scoped3A = tpu.sem_alloc : memref<!tpu.dma_semaphore, #tpu.memory_space<semaphore_mem>>
      %dma_start3A_95 = arith.constant 0 : i32
      %dma_start3A_96 = tpu.memref_slice %arg7[%arg0, %mul3A_0, %dma_start3A_95] : memref<2x10240x128xf32, #tpu.memory_space<hbm>> -> memref<1x640x128xf32, #tpu.memory_space<hbm>>
      %dma_start3A_97 = tpu.memref_squeeze %dma_start3A_96 : memref<1x640x128xf32, #tpu.memory_space<hbm>> -> memref<640x128xf32, #tpu.memory_space<hbm>>
      %dma_start3A_98 = arith.constant 0 : i32
      %dma_start3A_99 = tpu.memref_slice %arg12[%mul3A_0, %dma_start3A_98] : memref<10240x128xf32, #tpu.memory_space<vmem_shared>> -> memref<640x128xf32, #tpu.memory_space<vmem_shared>>
      tpu.enqueue_dma source(%dma_start3A_99 : memref<640x128xf32, #tpu.memory_space<vmem_shared>>) target(%dma_start3A_97 : memref<640x128xf32, #tpu.memory_space<hbm>>) target_semaphore(%run_scoped3A : memref<!tpu.dma_semaphore, #tpu.memory_space<semaphore_mem>>)
      %dma_wait3A_100 = arith.constant 0 : i32
      %dma_wait3A_101 = tpu.memref_slice %arg7[%arg0, %mul3A_0, %dma_wait3A_100] : memref<2x10240x128xf32, #tpu.memory_space<hbm>> -> memref<1x640x128xf32, #tpu.memory_space<hbm>>
      %dma_wait3A_102 = tpu.memref_squeeze %dma_wait3A_101 : memref<1x640x128xf32, #tpu.memory_space<hbm>> -> memref<640x128xf32, #tpu.memory_space<hbm>>
      %dma_wait3A_103 = arith.constant 0 : i32
      %dma_wait3A_104 = tpu.memref_slice %arg12[%mul3A_0, %dma_wait3A_103] : memref<10240x128xf32, #tpu.memory_space<vmem_shared>> -> memref<640x128xf32, #tpu.memory_space<vmem_shared>>
      tpu.wait_dma2 semaphore(%run_scoped3A : memref<!tpu.dma_semaphore, #tpu.memory_space<semaphore_mem>>) src(%dma_wait3A_104 : memref<640x128xf32, #tpu.memory_space<vmem_shared>>) dst(%dma_wait3A_102 : memref<640x128xf32, #tpu.memory_space<hbm>>)
      tpu.yield
    }) : () -> ()
    return
  }
}

module attributes {stable_mosaic.version = 14 : i64} {
  func.func @_tc_layer1_body(%arg0: i32, %arg1: memref<2x2048x128xf32, #tpu.memory_space<vmem>>, %arg2: memref<2x2048xf32, #tpu.memory_space<vmem>>, %arg3: memref<2048x128xf32, #tpu.memory_space<vmem>>, %arg4: memref<128x128xf32, #tpu.memory_space<vmem>>, %arg5: memref<128xf32, #tpu.memory_space<vmem>>, %arg6: memref<2048x128xf32, #tpu.memory_space<vmem>>, %arg7: memref<2048xf32, #tpu.memory_space<vmem>>) attributes {dimension_semantics = [#tpu.dimension_semantics<arbitrary>], iteration_bounds = array<i64: 5>, scalar_prefetch = 0 : i64, scratch_operands = 0 : i64, tpu.core_type = #tpu.core_type<tc>, window_params = [{transform_indices = @transform_0, window_bounds = array<i64: 2, 2048, 128>}, {transform_indices = @transform_1, window_bounds = array<i64: 2, 2048>}, {transform_indices = @transform_2, window_bounds = array<i64: 2048, 128>}, {pipeline_mode = #tpu.pipeline_mode<synchronous>, transform_indices = @transform_3, window_bounds = array<i64: 128, 128>}, {pipeline_mode = #tpu.pipeline_mode<synchronous>, transform_indices = @transform_4, window_bounds = array<i64: 128>}, {transform_indices = @transform_5, window_bounds = array<i64: 2048, 128>}, {transform_indices = @transform_6, window_bounds = array<i64: 2048>}]} {
    %get3A = arith.constant 0 : index
    %get3A_0 = arith.constant 0 : index
    %get3A_1 = arith.constant 0 : index
    %get3A_2 = vector.load %arg1[%get3A, %get3A_0, %get3A_1] : memref<2x2048x128xf32, #tpu.memory_space<vmem>>, vector<1x2048x128xf32>
    %get3A_3 = vector.shape_cast %get3A_2 : vector<1x2048x128xf32> to vector<2048x128xf32>
    %get3A_4 = arith.constant 1 : index
    %get3A_5 = arith.constant 0 : index
    %get3A_6 = arith.constant 0 : index
    %get3A_7 = vector.load %arg1[%get3A_4, %get3A_5, %get3A_6] : memref<2x2048x128xf32, #tpu.memory_space<vmem>>, vector<1x2048x128xf32>
    %get3A_8 = vector.shape_cast %get3A_7 : vector<1x2048x128xf32> to vector<2048x128xf32>
    %add3A = arith.addf %get3A_3, %get3A_8 : vector<2048x128xf32>
    %get3A_9 = arith.constant 0 : index
    %get3A_10 = arith.constant 0 : index
    %get3A_11 = vector.load %arg2[%get3A_9, %get3A_10] : memref<2x2048xf32, #tpu.memory_space<vmem>>, vector<1x2048xf32>
    %get3A_12 = vector.shape_cast %get3A_11 : vector<1x2048xf32> to vector<2048xf32>
    %get3A_13 = arith.constant 1 : index
    %get3A_14 = arith.constant 0 : index
    %get3A_15 = vector.load %arg2[%get3A_13, %get3A_14] : memref<2x2048xf32, #tpu.memory_space<vmem>>, vector<1x2048xf32>
    %get3A_16 = vector.shape_cast %get3A_15 : vector<1x2048xf32> to vector<2048xf32>
    %add3A_17 = arith.addf %get3A_12, %get3A_16 : vector<2048xf32>
    %max3A = arith.constant 1.000000e+00 : f32
    %max3A_18 = vector.broadcast %max3A : f32 to vector<2048xf32>
    %max3A_19 = arith.maximumf %add3A_17, %max3A_18 : vector<2048xf32>
    %broadcast_in_dim3A = vector.shape_cast %max3A_19 : vector<2048xf32> to vector<2048x1xf32>
    %div3A = vector.broadcast %broadcast_in_dim3A : vector<2048x1xf32> to vector<2048x128xf32>
    %div3A_20 = arith.divf %add3A, %div3A : vector<2048x128xf32>
    %get3A_21 = arith.constant 0 : index
    %get3A_22 = arith.constant 0 : index
    %get3A_23 = vector.load %arg4[%get3A_21, %get3A_22] : memref<128x128xf32, #tpu.memory_space<vmem>>, vector<128x128xf32>
    %dot_general3A = arith.constant dense<0.000000e+00> : vector<2048x128xf32>
    %dot_general3A_24 = tpu.matmul %div3A_20, %get3A_23, %dot_general3A {dimension_numbers = #tpu.dot_dimension_numbers<[1], [0], [0], [1], [0, 0, 1, 1], [], []>, transpose_lhs_hint = false} : vector<2048x128xf32>, vector<128x128xf32>, vector<2048x128xf32> -> vector<2048x128xf32>
    %get3A_25 = arith.constant 0 : index
    %get3A_26 = vector.load %arg5[%get3A_25] : memref<128xf32, #tpu.memory_space<vmem>>, vector<128xf32>
    %broadcast_in_dim3A_27 = vector.shape_cast %get3A_26 : vector<128xf32> to vector<1x128xf32>
    %add3A_28 = vector.broadcast %broadcast_in_dim3A_27 : vector<1x128xf32> to vector<2048x128xf32>
    %add3A_29 = arith.addf %dot_general3A_24, %add3A_28 : vector<2048x128xf32>
    %max3A_30 = arith.constant 0.000000e+00 : f32
    %max3A_31 = vector.broadcast %max3A_30 : f32 to vector<2048x128xf32>
    %max3A_32 = arith.maximumf %add3A_29, %max3A_31 : vector<2048x128xf32>
    %get3A_33 = arith.constant 0 : index
    %get3A_34 = arith.constant 0 : index
    %get3A_35 = vector.load %arg3[%get3A_33, %get3A_34] : memref<2048x128xf32, #tpu.memory_space<vmem>>, vector<2048x128xf32>
    %add3A_36 = arith.addf %max3A_32, %get3A_35 : vector<2048x128xf32>
    %swap3A = arith.constant 0 : index
    %swap3A_37 = arith.constant 0 : index
    %swap3A_38 = vector.load %arg6[%swap3A, %swap3A_37] : memref<2048x128xf32, #tpu.memory_space<vmem>>, vector<2048x128xf32>
    tpu.vector_store %arg6[%swap3A, %swap3A_37], %add3A_36 {strides = array<i32>} : memref<2048x128xf32, #tpu.memory_space<vmem>>, vector<2048x128xf32>,
    %swap3A_39 = arith.constant 0 : index
    %swap3A_40 = vector.load %arg7[%swap3A_39] : memref<2048xf32, #tpu.memory_space<vmem>>, vector<2048xf32>
    tpu.vector_store %arg7[%swap3A_39], %max3A_19 {strides = array<i32>} : memref<2048xf32, #tpu.memory_space<vmem>>, vector<2048xf32>,
    return
  }
  func.func @transform_0(%arg0: i32) -> (i32, i32, i32) {
    %c0_i32 = arith.constant 0 : i32
    %c0_i32_0 = arith.constant 0 : i32
    %c0_i32_1 = arith.constant 0 : i32
    return %c0_i32, %arg0, %c0_i32_0 : i32, i32, i32
  }
  func.func @transform_1(%arg0: i32) -> (i32, i32) {
    %c0_i32 = arith.constant 0 : i32
    %c0_i32_0 = arith.constant 0 : i32
    return %c0_i32, %arg0 : i32, i32
  }
  func.func @transform_2(%arg0: i32) -> (i32, i32) {
    %c0_i32 = arith.constant 0 : i32
    %c0_i32_0 = arith.constant 0 : i32
    return %arg0, %c0_i32 : i32, i32
  }
  func.func @transform_3(%arg0: i32) -> (i32, i32) {
    %c0_i32 = arith.constant 0 : i32
    %c0_i32_0 = arith.constant 0 : i32
    %c0_i32_1 = arith.constant 0 : i32
    return %c0_i32, %c0_i32_0 : i32, i32
  }
  func.func @transform_4(%arg0: i32) -> i32 {
    %c0_i32 = arith.constant 0 : i32
    %c0_i32_0 = arith.constant 0 : i32
    return %c0_i32 : i32
  }
  func.func @transform_5(%arg0: i32) -> (i32, i32) {
    %c0_i32 = arith.constant 0 : i32
    %c0_i32_0 = arith.constant 0 : i32
    return %arg0, %c0_i32 : i32, i32
  }
  func.func @transform_6(%arg0: i32) -> i32 {
    %c0_i32 = arith.constant 0 : i32
    return %arg0 : i32
  }
}

module attributes {stable_mosaic.version = 14 : i64} {
  func.func @_tc_layer2_body(%arg0: i32, %arg1: memref<2x2048x128xf32, #tpu.memory_space<vmem>>, %arg2: memref<2048xf32, #tpu.memory_space<vmem>>, %arg3: memref<2048x128xf32, #tpu.memory_space<vmem>>, %arg4: memref<128x128xf32, #tpu.memory_space<vmem>>, %arg5: memref<128xf32, #tpu.memory_space<vmem>>, %arg6: memref<2048x128xf32, #tpu.memory_space<vmem>>) attributes {dimension_semantics = [#tpu.dimension_semantics<arbitrary>], iteration_bounds = array<i64: 5>, scalar_prefetch = 0 : i64, scratch_operands = 0 : i64, tpu.core_type = #tpu.core_type<tc>, window_params = [{transform_indices = @transform_0, window_bounds = array<i64: 2, 2048, 128>}, {transform_indices = @transform_1, window_bounds = array<i64: 2048>}, {transform_indices = @transform_2, window_bounds = array<i64: 2048, 128>}, {pipeline_mode = #tpu.pipeline_mode<synchronous>, transform_indices = @transform_3, window_bounds = array<i64: 128, 128>}, {pipeline_mode = #tpu.pipeline_mode<synchronous>, transform_indices = @transform_4, window_bounds = array<i64: 128>}, {transform_indices = @transform_5, window_bounds = array<i64: 2048, 128>}]} {
    %get3A = arith.constant 0 : index
    %get3A_0 = arith.constant 0 : index
    %get3A_1 = arith.constant 0 : index
    %get3A_2 = vector.load %arg1[%get3A, %get3A_0, %get3A_1] : memref<2x2048x128xf32, #tpu.memory_space<vmem>>, vector<1x2048x128xf32>
    %get3A_3 = vector.shape_cast %get3A_2 : vector<1x2048x128xf32> to vector<2048x128xf32>
    %get3A_4 = arith.constant 1 : index
    %get3A_5 = arith.constant 0 : index
    %get3A_6 = arith.constant 0 : index
    %get3A_7 = vector.load %arg1[%get3A_4, %get3A_5, %get3A_6] : memref<2x2048x128xf32, #tpu.memory_space<vmem>>, vector<1x2048x128xf32>
    %get3A_8 = vector.shape_cast %get3A_7 : vector<1x2048x128xf32> to vector<2048x128xf32>
    %add3A = arith.addf %get3A_3, %get3A_8 : vector<2048x128xf32>
    %get3A_9 = arith.constant 0 : index
    %get3A_10 = vector.load %arg2[%get3A_9] : memref<2048xf32, #tpu.memory_space<vmem>>, vector<2048xf32>
    %broadcast_in_dim3A = vector.shape_cast %get3A_10 : vector<2048xf32> to vector<2048x1xf32>
    %div3A = vector.broadcast %broadcast_in_dim3A : vector<2048x1xf32> to vector<2048x128xf32>
    %div3A_11 = arith.divf %add3A, %div3A : vector<2048x128xf32>
    %get3A_12 = arith.constant 0 : index
    %get3A_13 = arith.constant 0 : index
    %get3A_14 = vector.load %arg4[%get3A_12, %get3A_13] : memref<128x128xf32, #tpu.memory_space<vmem>>, vector<128x128xf32>
    %dot_general3A = arith.constant dense<0.000000e+00> : vector<2048x128xf32>
    %dot_general3A_15 = tpu.matmul %div3A_11, %get3A_14, %dot_general3A {dimension_numbers = #tpu.dot_dimension_numbers<[1], [0], [0], [1], [0, 0, 1, 1], [], []>, transpose_lhs_hint = false} : vector<2048x128xf32>, vector<128x128xf32>, vector<2048x128xf32> -> vector<2048x128xf32>
    %get3A_16 = arith.constant 0 : index
    %get3A_17 = vector.load %arg5[%get3A_16] : memref<128xf32, #tpu.memory_space<vmem>>, vector<128xf32>
    %broadcast_in_dim3A_18 = vector.shape_cast %get3A_17 : vector<128xf32> to vector<1x128xf32>
    %add3A_19 = vector.broadcast %broadcast_in_dim3A_18 : vector<1x128xf32> to vector<2048x128xf32>
    %add3A_20 = arith.addf %dot_general3A_15, %add3A_19 : vector<2048x128xf32>
    %max3A = arith.constant 0.000000e+00 : f32
    %max3A_21 = vector.broadcast %max3A : f32 to vector<2048x128xf32>
    %max3A_22 = arith.maximumf %add3A_20, %max3A_21 : vector<2048x128xf32>
    %get3A_23 = arith.constant 0 : index
    %get3A_24 = arith.constant 0 : index
    %get3A_25 = vector.load %arg3[%get3A_23, %get3A_24] : memref<2048x128xf32, #tpu.memory_space<vmem>>, vector<2048x128xf32>
    %add3A_26 = arith.addf %max3A_22, %get3A_25 : vector<2048x128xf32>
    %swap3A = arith.constant 0 : index
    %swap3A_27 = arith.constant 0 : index
    %swap3A_28 = vector.load %arg6[%swap3A, %swap3A_27] : memref<2048x128xf32, #tpu.memory_space<vmem>>, vector<2048x128xf32>
    tpu.vector_store %arg6[%swap3A, %swap3A_27], %add3A_26 {strides = array<i32>} : memref<2048x128xf32, #tpu.memory_space<vmem>>, vector<2048x128xf32>,
    return
  }
  func.func @transform_0(%arg0: i32) -> (i32, i32, i32) {
    %c0_i32 = arith.constant 0 : i32
    %c0_i32_0 = arith.constant 0 : i32
    %c0_i32_1 = arith.constant 0 : i32
    return %c0_i32, %arg0, %c0_i32_0 : i32, i32, i32
  }
  func.func @transform_1(%arg0: i32) -> i32 {
    %c0_i32 = arith.constant 0 : i32
    return %arg0 : i32
  }
  func.func @transform_2(%arg0: i32) -> (i32, i32) {
    %c0_i32 = arith.constant 0 : i32
    %c0_i32_0 = arith.constant 0 : i32
    return %arg0, %c0_i32 : i32, i32
  }
  func.func @transform_3(%arg0: i32) -> (i32, i32) {
    %c0_i32 = arith.constant 0 : i32
    %c0_i32_0 = arith.constant 0 : i32
    %c0_i32_1 = arith.constant 0 : i32
    return %c0_i32, %c0_i32_0 : i32, i32
  }
  func.func @transform_4(%arg0: i32) -> i32 {
    %c0_i32 = arith.constant 0 : i32
    %c0_i32_0 = arith.constant 0 : i32
    return %c0_i32 : i32
  }
  func.func @transform_5(%arg0: i32) -> (i32, i32) {
    %c0_i32 = arith.constant 0 : i32
    %c0_i32_0 = arith.constant 0 : i32
    return %arg0, %c0_i32 : i32, i32
  }
}

module attributes {stable_mosaic.version = 14 : i64} {
  func.func @_tc_reduce_body(%arg0: memref<4096x128xf32, #tpu.memory_space<vmem>>, %arg1: memref<4096xf32, #tpu.memory_space<vmem>>) attributes {dimension_semantics = [], scalar_prefetch = 0 : i64, scratch_operands = 0 : i64, tpu.core_type = #tpu.core_type<tc>} {
    %get3A = arith.constant 0 : index
    %get3A_0 = arith.constant 0 : index
    %get3A_1 = vector.load %arg0[%get3A, %get3A_0] : memref<4096x128xf32, #tpu.memory_space<vmem>>, vector<4096x128xf32>
    %reduce_sum3A = arith.constant dense<0.000000e+00> : vector<4096xf32>
    %reduce_sum3A_2 = vector.multi_reduction <add>, %get3A_1, %reduce_sum3A [1] : vector<4096x128xf32> to vector<4096xf32>
    %swap3A = arith.constant 0 : index
    %swap3A_3 = vector.load %arg1[%swap3A] : memref<4096xf32, #tpu.memory_space<vmem>>, vector<4096xf32>
    tpu.vector_store %arg1[%swap3A], %reduce_sum3A_2 {strides = array<i32>} : memref<4096xf32, #tpu.memory_space<vmem>>, vector<4096xf32>,
    return
  }
}

</mosaic_0001>

<sc_bundles>
// kernel: kernel.11.cloned.1.call-start
scs
__scs_entry_jumppad:
0x0: {  	(pc) =	sbr.rel $0x88, $3  }
0x1: {  	(tag) =	ssettag $0x0;
	lr =	simm.s32 $0x1  }
0x2: {  	[smem:$0x3F9A] =	sst lr;
	_ =	strace $0xD0000000  }
0x3: {  	_ = 	snop  }
0x4: {  	_ = 	snop  }
0x5: {  	_ = 	snop  }
0x6: {  	_ = 	snop  }
0x7: {  	_ = 	snop  }
__scs_overlays_trampoline_lowered:
0x8: {  	[smem:$0x3FA9] =	sst s0  }
0x9: {  	[smem:$0x3FAA] =	sst s1  }
0xa: {  	[smem:$0x3FAB] =	sst s2  }
0xb: {  	[smem:$0x3FAC] =	sst s3  }
0xc: {  	[smem:$0x3FAD] =	sst s4  }
0xd: {  	[smem:$0x3FAE] =	sst s5  }
0xe: {  	[smem:$0x3FAF] =	sst s6  }
0xf: {  	[smem:$0x3FB0] =	sst s7  }
0x10: {  	[smem:$0x3FB1] =	sst s8  }
0x11: {  	[smem:$0x3FB2] =	sst s9;
	s0 =	simm.s32 @!p0 $0x0  }
0x12: {  	s1 =	sld [smem:$0x3F98];
	s0 =	simm.s32 @p0 $0x1  }
0x13: {  	[smem:$0x3FB3] =	sst s0;
	s0 =	simm.s32 @!p1 $0x0  }
0x14: {  	s2 =	sld [smem:$0x3F97];
	s0 =	simm.s32 @p1 $0x1  }
0x15: {  	[smem:$0x3FB4] =	sst s0;
	s0 =	simm.s32 @!p2 $0x0  }
0x16: {  	s3 =	sld [smem:$0x3FDB];
	s0 =	simm.s32 @p2 $0x1  }
0x17: {  	s4 =	simm.s32 $0x1BF5;
	[smem:$0x3FB6] =	sst s0  }
0x18: {  	s0 =	sld [smem:$0x3F99];
	_ =	swait.ge [sflag:s4], $0x0  }
0x19: {  	s7 =	sld [smem:$0x3F9A]  }
0x1a: {  	s8 =	sadd.s32 $0xFFFFE003, lr  }
0x1b: {  	s9 =	sadd.s32 $0xFFFFFEF7, lr;
	s5 =	simm.s32 $0xFFFFFFFF;
	p2 =	slt.u32 s8, $0xFFFFF086  }
0x1c: {  	p1 =	slt.u32 s9, $0xF7A;
	s5 =	simm.s32 @!p2 $0x0  }
0x1d: {  	s5 =	simm.s32 @p1 $0x1;
	p0 =	seq.s32 s7, s2  }
0x1e: {  	s7 =	smul.u32 @!p0 $0xF7A, s2;
	p2 =	seq.s32 @!p0 s5, $0x0  }
0x1f: {  	s9 =	smul.u32 $0xF7A, s1;
	s8 =	simm.s32 @!p0 $0x1BF5;
	p2 =	por !p2, p0  }
0x20: {  	[sflag:s8] =	ssyncset.s32 @!p0 $0xFFFFF086;
	s6 =	sadd.s32 @!p0 s3, s7;
	s7 =	simm.s32 @!p0 $0x108  }
0x21: {  	s3 =	sadd.s32 s3, s9;
	s6 =	sadd.s32 @!p0 $0x88, s6;
	s7 =	simm.s32 @p2 $0x1082  }
0x22: {  	[simem:s7], [sflag:s8] =	dma.local @!p0 [hbm:s6], $0xF7A  }
0x23: {  	s9 =	sor.u32 $0xD0000000, s2;
	s6 =	simm.s32 $0x108;
	_ =	swait.ge @!p0 [sflag:s8], $0x0  }
0x24: {  	s3 =	sadd.s32 $0x88, s3;
	s6 =	simm.s32 @!p1 $0x1082;
	[sflag:s4] =	ssyncset.s32 $0xFFFFF086  }
0x25: {  	[simem:s6], [sflag:s4] =	dma.local [hbm:s3], $0xF7A  }
0x26: {  	[smem:$0x3F9A] =	sst s1;
	(tag) =	ssettag s2;
	_ =	strace s9  }
0x27: {  	s1 =	sld [smem:$0x3FAA]  }
0x28: {  	s2 =	sld [smem:$0x3FAB]  }
0x29: {  	s4 =	sld [smem:$0x3FAD]  }
0x2a: {  	p0 =	seq.s32 s5, $0x0;
	s5 =	sld [smem:$0x3FAE]  }
0x2b: {  	s6 =	sld [smem:$0x3FAF]  }
0x2c: {  	s7 =	sld [smem:$0x3FB0]  }
0x2d: {  	s3 =	simm.s32 $0x108;
	s8 =	sld [smem:$0x3FB1]  }
0x2e: {  	s3 =	simm.s32 @!p0 $0x1082;
	s9 =	sld [smem:$0x3FB2]  }
0x2f: {  	lr =	sadd.s32 s0, s3;
	s0 =	sld [smem:$0x3FA9]  }
0x30: {  	s3 =	sld [smem:$0x3FAC]  }
0x31: {  	[smem:$0x3FB5] =	sst s10  }
0x32: {  	s10 =	sld [smem:$0x3FB3];
	_ =	sdelay $0x3  }
0x33: {  	p0 =	seq.s32 s10, $0x1;
	s10 =	sld [smem:$0x3FB5];
	_ =	sdelay $0x3  }
0x34: {  	[smem:$0x3FB5] =	sst s10  }
0x35: {  	s10 =	sld [smem:$0x3FB4];
	_ =	sdelay $0x3  }
0x36: {  	p1 =	seq.s32 s10, $0x1;
	s10 =	sld [smem:$0x3FB5];
	_ =	sdelay $0x3  }
0x37: {  	[smem:$0x3FB5] =	sst s10  }
0x38: {  	s10 =	sld [smem:$0x3FB6]  }
0x39: {  	_ = 	snop;
	(pc) =	sbr.ind lr, $3  }
0x3a: {  	_ = 	snop  }
0x3b: {  	_ = 	snop  }
0x3c: {  	p2 =	seq.s32 s10, $0x1;
	s10 =	sld [smem:$0x3FB5]  }
0x3d: {  	_ =	shalt  }
0x3e: {  	_ =	shalt  }
0x3f: {  	_ =	shalt  }
0x40: {  	_ =	shalt  }
0x41: {  	_ =	shalt  }
0x42: {  	_ =	shalt  }
0x43: {  	_ =	shalt  }
0x44: {  	_ =	shalt  }
0x45: {  	_ =	shalt  }
0x46: {  	_ =	shalt  }
0x47: {  	_ =	shalt  }
0x48: {  	_ =	shalt  }
0x49: {  	_ =	shalt  }
0x4a: {  	_ =	shalt  }
0x4b: {  	_ =	shalt  }
0x4c: {  	_ =	shalt  }
0x4d: {  	_ =	shalt  }
0x4e: {  	_ =	shalt  }
0x4f: {  	_ =	shalt  }
0x50: {  	_ =	shalt  }
0x51: {  	_ =	shalt  }
0x52: {  	_ =	shalt  }
0x53: {  	_ =	shalt  }
0x54: {  	_ =	shalt  }
0x55: {  	_ =	shalt  }
0x56: {  	_ =	shalt  }
0x57: {  	_ =	shalt  }
0x58: {  	_ =	shalt  }
0x59: {  	_ =	shalt  }
0x5a: {  	_ =	shalt  }
0x5b: {  	_ =	shalt  }
0x5c: {  	_ =	shalt  }
0x5d: {  	_ =	shalt  }
0x5e: {  	_ =	shalt  }
0x5f: {  	_ =	shalt  }
0x60: {  	_ =	shalt  }
0x61: {  	_ =	shalt  }
0x62: {  	_ =	shalt  }
0x63: {  	_ =	shalt  }
0x64: {  	_ =	shalt  }
0x65: {  	_ =	shalt  }
0x66: {  	_ =	shalt  }
0x67: {  	_ =	shalt  }
0x68: {  	_ =	shalt  }
0x69: {  	_ =	shalt  }
0x6a: {  	_ =	shalt  }
0x6b: {  	_ =	shalt  }
0x6c: {  	_ =	shalt  }
0x6d: {  	_ =	shalt  }
0x6e: {  	_ =	shalt  }
0x6f: {  	_ =	shalt  }
0x70: {  	_ =	shalt  }
0x71: {  	_ =	shalt  }
0x72: {  	_ =	shalt  }
0x73: {  	_ =	shalt  }
0x74: {  	_ =	shalt  }
0x75: {  	_ =	shalt  }
0x76: {  	_ =	shalt  }
0x77: {  	_ =	shalt  }
0x78: {  	_ =	shalt  }
0x79: {  	_ =	shalt  }
0x7a: {  	_ =	shalt  }
0x7b: {  	_ =	shalt  }
0x7c: {  	_ =	shalt  }
0x7d: {  	_ =	shalt  }
0x7e: {  	_ =	shalt  }
0x7f: {  	_ =	shalt  }
0x80: {  	_ =	shalt  }
0x81: {  	_ =	shalt  }
0x82: {  	_ =	shalt  }
0x83: {  	_ =	shalt  }
0x84: {  	_ =	shalt  }
0x85: {  	_ =	shalt  }
0x86: {  	_ =	shalt  }
0x87: {  	_ =	shalt  }
.Lfunc_end0:
.L_simem_size_0:
called_computation.1_lowered:
.L_overlay_start_0:
0x88: {  	s2 =	sld [smem:$0x3FD9]  }
0x89: {  	s3 =	sld [smem:$0x3FFE];
	_ =	sdelay $0x1  }
0x8a: {  	s1 =	srdreg.scid  }
0x8b: {  	s0 =	sand.u32 $0x1, s1  }
0x8c: {  	s16 =	sshll.u32 s0, $0xA;
	s2 =	sadd.s32 s3, s2  }
0x8d: {  	s2 =	sadd.s32 s2, s16  }
0x8e: {  	[smem:$0x3FC1] =	sst s2  }
0x8f: {  	_ = 	snop  }
0x90: {  	(tm) =	ssettm $0x1  }
0x91: {  	s17 =	sld [smem:$0x3FFB];
	_ =	sdelay $0x3  }
0x92: {  	_ =	strace s17  }
0x93: {  	s2 =	sld [smem:$0x3FFC];
	_ =	sdelay $0x3  }
0x94: {  	_ =	strace s2  }
0x95: {  	s2 =	sld [smem:$0x3FFD];
	_ =	sdelay $0x3  }
0x96: {  	_ =	strace s2  }
0x97: {  	_ =	strace $0x8FFFFFFF  }
0x98: {  	s18 =	sld [smem:$0x3FDB];
	_ =	sdelay $0x1  }
0x99: {  	s19 =	simm.s32 $_scs_section_size  }
0x9a: {  	s4 =	simm.s32 $_size__tile_overlayer_lowered;
	s5 =	simm.s32 $_tile_overlayer_lowered  }
0x9b: {  	s22 =	simm.s32 $0x1BFF;
	s21 =	sshll.u32 s5, $0x1;
	s2 =	sadd.s32 s19, s18  }
0x9c: {  	s6 =	simm.s32 $0x0;
	s20 =	sshll.u32 s4, $0x1;
	s4 =	sadd.s32 s21, s2  }
0x9d: {  	[timem:s6], [sflag:s22] =	dma.local [hbm:s4], s20  }
0x9e: {  	_ =	swait.ge [sflag:s22], s20  }
0x9f: {  	s3 =	ssub.s32 $0x0, s20;
	[sflag:s22] =	ssyncset.done $0x0  }
0xa0: {  	[sflag:s22] =	ssyncadd.s32 s3;
	_ =	sdelay $0x1  }
0xa1: {  	s23 =	simm.s32 $0x1B8B  }
0xa2: {  	_ =	swait.ge [sflag:s23], $0x1  }
0xa3: {  	[sflag:s23] =	ssyncset.done $0x0  }
0xa4: {  	s25 =	simm.s32 $0x1B8E;
	s24 =	sld [smem:$0x3FFE];
	[sflag:s23] =	ssyncadd.s32 $0xFFFFFFFF  }
0xa5: {  	s26 =	simm.s32 $execute0_lowered;
	[smem:$0x3FD2] =	sst s25  }
0xa6: {  	s4 =	sshll.u32 s26, $0x1;
	_ =	strace $0x80000049;
	[dreg:$0x1] =	wrdreg $0xFFFFFFFF  }
0xa7: {  	s28 =	simm.s32 $_size_execute0_lowered;
	s2 =	sadd.s32 s2, s4;
	[dreg:$0x0] =	wrdreg $0x0  }
0xa8: {  	s4 =	sshll.u32 s28, $0x1;
	[dreg:$0x2] =	wrdreg s2  }
0xa9: {  	[dreg:$0x3] =	wrdreg s4  }
0xaa: {  	[dreg:$0x4] =	wrdreg $0xC0  }
0xab: {  	_ =	task [dreg:s6], $0x5FFFF  }
0xac: {  	[dreg:$0x1] =	wrdreg $0xFFFFFFFF  }
0xad: {  	[dreg:$0x0] =	wrdreg $0x60  }
0xae: {  	[dreg:$0x2] =	wrdreg s24  }
0xaf: {  	[dreg:$0x3] =	wrdreg $0x90000  }
0xb0: {  	[dreg:$0x4] =	wrdreg $0x9  }
0xb1: {  	_ =	task.clear_ibuf [dreg:s6], $0x5FFFF;
	_ =	strace $0x90000049  }
0xb2: {  	s29 =	simm.s32 $0x9;
	_ =	strace $0x8000004B  }
0xb3: {  	_ =	swait.ge [sflag:s29], $0x1  }
0xb4: {  	[sflag:s29] =	ssyncadd.s32 $0xFFFFFFFF  }
0xb5: {  	_ =	strace $0x9000004B  }
0xb6: {  	_ =	sfence  }
0xb7: {  	s30 =	sld [smem:$0x0];
	_ =	sdelay $0x2  }
0xb8: {  	s31 =	sshll.u32 s1, $0xD;
	s1 =	sshrl.u32 s1, $0x2  }
0xb9: {  	s3 =	sand.u32 $0x4000, s31;
	s1 =	sadd.s32 s1, s30  }
0xba: {  	s0 =	sor.u32 s3, s0;
	s1 =	sshll.u32 s1, $0x11  }
0xbb: {  	s0 =	sor.u32 s1, s0  }
0xbc: {  	s0 =	sadd.s32 $0x8F2B, s0  }
0xbd: {  	[sflag:s0] =	ssyncadd.remote.s32 $0x1  }
0xbe: {  	_ =	sfence.sel $0xFFFF  }
0xbf: {  	[dreg:$0x0] =	wrdreg $0xFFFFFFFF;
	(pc) =	sbr.abs _section_cstart, $3  }
0xc0: {  	[dreg:$0x1] =	wrdreg $0xFFFFFFFF  }
0xc1: {  	_ =	task.clear_ibuf [dreg:s6], $0x2FFFF;
	_ =	strace $0x9FFFFFFF  }
0xc2: {  	(tm) =	ssettm $0x7FFFFFFF  }
0xc3: {  	_ =	shalt  }
tec
execute0_lowered:
.L_overlay_start_1:
0x0: {  	(tag) =	ssettag $0x1  }
0x1: {  	s0 =	rddreg [dreg:$0x0]  }
0x2: {  	s1 =	rddreg [dreg:$0x1]  }
0x3: {  	s3 =	simm.s32 $0x0;
	s2 =	srdreg.scid;
	s9 =	stileid.u32  }
0x4: {  	s13 =	simm.s32 $0x5;
	s14 =	simm.s32 $0x800;
	s15 =	simm.s32 $0x1  }
0x5: {  	s16 =	simm.s32 $0x80;
	s17 =	simm.s32 $0x1000;
	s18 =	simm.s32 $0x3  }
0x6: {  	s29 =	simm.s32 $0x780;
	s30 =	simm.s32 $0x880;
	s31 =	simm.s32 $0xC00  }
0x7: {  	s11 =	simm.s32 $0xD00;
	s12 =	simm.s32 $0xD80;
	s4 =	smul.u32 $0x12, s9  }
0x8: {  	s28 =	simm.s32 $0xF80;
	[smem:$0x7FF] =	sst s3;
	s7 =	smul.u32 $0x14000, s9  }
0x9: {  	s2 =	sand.u32 $0x1, s2;
	s5 =	sshll.u32 s9, $0x1;
	s8 =	smul.u32 $0x50000, s9  }
0xa: {  	s10 =	sadd.s32 $0x3FE00, s0;
	s22 =	sshll.u32 s9, $0x6;
	s9 =	simm.s32 $0xC80  }
0xb: {  	p0 =	seq.s32 s2, $0x0;
	s5 =	sor.u32 $0x120, s5;
	s6 =	smul.u32 $0x140000, s2  }
0xc: {  	_ =	strace $0x8000004A;
	s19 =	ssub.s32 $0x2, s2;
	[dreg:$0x3] =	wrdreg s10  }
0xd: {  	s10 =	simm.s32 $0x980;
	s5 =	smov.u32 @p0 s4;
	s4 =	sadd.s32 $0x17E00, s0  }
0xe: {  	s20 =	sshrl.u32 s19, $0x1;
	s21 =	sshrl.u32 s8, $0x2;
	s8 =	sor.u32 $0x1C05, s22  }
0xf: {  	p0 =	sne.s32 s2, $0x0;
	s22 =	simm.s32 $0xE00;
	s5 =	sshll.u32 s5, $0x8  }
0x10: {  	s6 =	sadd.s32 s7, s6;
	s7 =	sadd.s32 s21, s1;
	s2 =	smov.u32 s8  }
0x11: {  	s21 =	simm.s32 $0x4;
	s8 =	simm.s32 $0x900;
	s6 =	sshrl.u32 s6, $0x3  }
0x12: {  	s5 =	sadd.s32 s5, s0;
	[dreg:$0x4] =	wrdreg s2;
	s0 =	sadd.s32 s6, s0  }
0x13: {  	s6 =	ssub.s32 s19, s20;
	s23 =	sadd.s32 $0x3C00, s5;
	s24 =	sadd.s32 $0x3D00, s5  }
0x14: {  	s26 =	sadd.s32 $0x3F00, s5;
	s5 =	sshrl.u32 s7, $0x3;
	[dreg:$0x5] =	wrdreg s23  }
0x15: {  	s19 =	simm.s32 $0x5000;
	s7 =	simm.s32 $0x2;
	[dreg:$0x6] =	wrdreg s24  }
0x16: {  	s20 =	simm.s32 $0xA80;
	s0 =	sadd.s32 $0x42A00, s0;
	[dreg:$0x9] =	wrdreg s26  }
0x17: {  	s25 =	smax.u32 s6, $0x1;
	s6 =	simm.s32 $0x0;
	[dreg:$0xa] =	wrdreg s5  }
0x18: {  	s23 =	simm.s32 $0xB00;
	s24 =	simm.s32 $0xE80;
	[dreg:$0x7] =	wrdreg s0  }
0x19: {  	s26 =	simm.s32 $0xF00;
	[dreg:$0x8] =	wrdreg s25;
	s25 =	simm.s32 $0xB80  }
.LBB2_1:
0x1a: {  	[dreg:$0xb] =	wrdreg s6  }
0x1b: {  	s0 =	rddreg [dreg:$0x3]  }
0x1c: {  	[spmem:s5], [sflag:s2] =	dma.local [hbm:s0], $0x2800  }
0x1d: {  	_ =	swait.ge [sflag:s13], $0x2800  }
0x1e: {  	[sflag:s13] =	ssyncset.done $0x0  }
0x1f: {  	[sflag:s13] =	ssyncadd.s32 $0xFFFFD800  }
0x20: {  	[bflag:$0x0] =	sbarrier.arrive $0xFFFF  }
0x21: {  	s5 =	rddreg [dreg:$0x5]  }
0x22: {  	[tilespmem:s3], [sflag:$0x1] =	stream.linear.gather [hbm4b:s5+s3], $0x800, $0x38;
	[tilespmem:$0x1D000] =	vst v63  }
0x23: {  	s6 =	rddreg [dreg:$0x6]  }
0x24: {  	[tilespmem:s14], [sflag:$0x2] =	stream.linear.gather [hbm4b:s6+s3], $0x800, $0x38;
	[tilespmem:$0x1D000] =	vst v63  }
0x25: {  	_ =	swait.ge [sflag:s15], $0x800  }
0x26: {  	s2 =	simm.s32 $0x0;
	[sflag:s15] =	ssyncset.done $0x0  }
0x27: {  	s6 =	simm.s32 $0xA00;
	s0 =	rddreg [dreg:$0x9];
	[sflag:s15] =	ssyncadd.s32 $0xFFFFF800  }
0x28: {  	[tilespmem:s17], [sflag:$0x3] =	stream.indirect.gather [hbm4b:s4+s16], $0x80, s3, s16, $0xb8;
	[tilespmem:$0x1D000] =	vst v63  }
.LBB2_2:
0x29: {  	_ =	swait.ge [sflag:s18], $0x4000  }
0x2a: {  	[sflag:s18] =	ssyncset.done $0x0  }
0x2b: {  	[sflag:s18] =	ssyncadd.s32 $0xFFFFC000  }
0x2c: {  	[tilespmem:s19], [sflag:$0x4] =	stream.indirect.gather [hbm4b:s4+s16], $0x80, s16, s16, $0xb8;
	[tilespmem:$0x1D000] =	vst v63  }
0x2d: {  	s5 =	simm.s32 $0x400  }
0x2e: {  	[spmem:s1] =	stream.indirect.scatter.add.f32 [tilespmem:s17], [sflag:$0x5], $0x80, s5, s16, $0xb8;
	[tilespmem:$0x1D000] =	vst v63  }
0x2f: {  	_ =	swait.ge [sflag:s13], $0x4000  }
0x30: {  	[sflag:s13] =	ssyncset.done $0x0  }
0x31: {  	[sflag:s13] =	ssyncadd.s32 $0xFFFFC000  }
0x32: {  	_ =	swait.ge [sflag:s21], $0x4000  }
0x33: {  	[sflag:s21] =	ssyncset.done $0x0  }
0x34: {  	s5 =	simm.s32 $0x100;
	[sflag:s21] =	ssyncadd.s32 $0xFFFFC000  }
0x35: {  	[tilespmem:s17], [sflag:$0x3] =	stream.indirect.gather [hbm4b:s4+s16], $0x80, s5, s16, $0xb8;
	[tilespmem:$0x1D000] =	vst v63  }
0x36: {  	s5 =	simm.s32 $0x480  }
0x37: {  	[spmem:s1] =	stream.indirect.scatter.add.f32 [tilespmem:s19], [sflag:$0x5], $0x80, s5, s16, $0xb8;
	[tilespmem:$0x1D000] =	vst v63  }
0x38: {  	_ =	swait.ge [sflag:s13], $0x4000  }
0x39: {  	[sflag:s13] =	ssyncset.done $0x0  }
0x3a: {  	[sflag:s13] =	ssyncadd.s32 $0xFFFFC000  }
0x3b: {  	_ =	swait.ge [sflag:s18], $0x4000  }
0x3c: {  	[sflag:s18] =	ssyncset.done $0x0  }
0x3d: {  	s5 =	simm.s32 $0x180;
	[sflag:s18] =	ssyncadd.s32 $0xFFFFC000  }
0x3e: {  	[tilespmem:s19], [sflag:$0x4] =	stream.indirect.gather [hbm4b:s4+s16], $0x80, s5, s16, $0xb8;
	[tilespmem:$0x1D000] =	vst v63  }
0x3f: {  	s5 =	simm.s32 $0x500  }
0x40: {  	[spmem:s1] =	stream.indirect.scatter.add.f32 [tilespmem:s17], [sflag:$0x5], $0x80, s5, s16, $0xb8;
	[tilespmem:$0x1D000] =	vst v63  }
0x41: {  	_ =	swait.ge [sflag:s13], $0x4000  }
0x42: {  	[sflag:s13] =	ssyncset.done $0x0  }
0x43: {  	[sflag:s13] =	ssyncadd.s32 $0xFFFFC000  }
0x44: {  	_ =	swait.ge [sflag:s21], $0x4000  }
0x45: {  	[sflag:s21] =	ssyncset.done $0x0  }
0x46: {  	s5 =	simm.s32 $0x200;
	[sflag:s21] =	ssyncadd.s32 $0xFFFFC000  }
0x47: {  	[tilespmem:s17], [sflag:$0x3] =	stream.indirect.gather [hbm4b:s4+s16], $0x80, s5, s16, $0xb8;
	[tilespmem:$0x1D000] =	vst v63  }
0x48: {  	s5 =	simm.s32 $0x580  }
0x49: {  	[spmem:s1] =	stream.indirect.scatter.add.f32 [tilespmem:s19], [sflag:$0x5], $0x80, s5, s16, $0xb8;
	[tilespmem:$0x1D000] =	vst v63  }
0x4a: {  	_ =	swait.ge [sflag:s13], $0x4000  }
0x4b: {  	[sflag:s13] =	ssyncset.done $0x0  }
0x4c: {  	[sflag:s13] =	ssyncadd.s32 $0xFFFFC000  }
0x4d: {  	_ =	swait.ge [sflag:s18], $0x4000  }
0x4e: {  	[sflag:s18] =	ssyncset.done $0x0  }
0x4f: {  	s5 =	simm.s32 $0x280;
	[sflag:s18] =	ssyncadd.s32 $0xFFFFC000  }
0x50: {  	[tilespmem:s19], [sflag:$0x4] =	stream.indirect.gather [hbm4b:s4+s16], $0x80, s5, s16, $0xb8;
	[tilespmem:$0x1D000] =	vst v63  }
0x51: {  	s5 =	simm.s32 $0x600  }
0x52: {  	[spmem:s1] =	stream.indirect.scatter.add.f32 [tilespmem:s17], [sflag:$0x5], $0x80, s5, s16, $0xb8;
	[tilespmem:$0x1D000] =	vst v63  }
0x53: {  	_ =	swait.ge [sflag:s13], $0x4000  }
0x54: {  	[sflag:s13] =	ssyncset.done $0x0  }
0x55: {  	[sflag:s13] =	ssyncadd.s32 $0xFFFFC000  }
0x56: {  	_ =	swait.ge [sflag:s21], $0x4000  }
0x57: {  	[sflag:s21] =	ssyncset.done $0x0  }
0x58: {  	s5 =	simm.s32 $0x300;
	[sflag:s21] =	ssyncadd.s32 $0xFFFFC000  }
0x59: {  	[tilespmem:s17], [sflag:$0x3] =	stream.indirect.gather [hbm4b:s4+s16], $0x80, s5, s16, $0xb8;
	[tilespmem:$0x1D000] =	vst v63  }
0x5a: {  	s5 =	simm.s32 $0x680  }
0x5b: {  	[spmem:s1] =	stream.indirect.scatter.add.f32 [tilespmem:s19], [sflag:$0x5], $0x80, s5, s16, $0xb8;
	[tilespmem:$0x1D000] =	vst v63  }
0x5c: {  	_ =	swait.ge [sflag:s13], $0x4000  }
0x5d: {  	[sflag:s13] =	ssyncset.done $0x0  }
0x5e: {  	[sflag:s13] =	ssyncadd.s32 $0xFFFFC000  }
0x5f: {  	_ =	swait.ge [sflag:s18], $0x4000  }
0x60: {  	[sflag:s18] =	ssyncset.done $0x0  }
0x61: {  	s5 =	simm.s32 $0x380;
	[sflag:s18] =	ssyncadd.s32 $0xFFFFC000  }
0x62: {  	[tilespmem:s19], [sflag:$0x4] =	stream.indirect.gather [hbm4b:s4+s16], $0x80, s5, s16, $0xb8;
	[tilespmem:$0x1D000] =	vst v63  }
0x63: {  	s5 =	simm.s32 $0x700  }
0x64: {  	[spmem:s1] =	stream.indirect.scatter.add.f32 [tilespmem:s17], [sflag:$0x5], $0x80, s5, s16, $0xb8;
	[tilespmem:$0x1D000] =	vst v63  }
0x65: {  	_ =	swait.ge [sflag:s13], $0x4000  }
0x66: {  	[sflag:s13] =	ssyncset.done $0x0  }
0x67: {  	[sflag:s13] =	ssyncadd.s32 $0xFFFFC000  }
0x68: {  	_ =	swait.ge [sflag:s21], $0x4000  }
0x69: {  	[sflag:s21] =	ssyncset.done $0x0  }
0x6a: {  	[sflag:s21] =	ssyncadd.s32 $0xFFFFC000  }
0x6b: {  	_ =	swait.ge [sflag:s7], $0x800  }
0x6c: {  	[sflag:s7] =	ssyncset.done $0x0  }
0x6d: {  	[sflag:s7] =	ssyncadd.s32 $0xFFFFF800  }
0x6e: {  	[tilespmem:s17], [sflag:$0x3] =	stream.indirect.gather [hbm4b:s4+s16], $0x80, s14, s16, $0xb8;
	[tilespmem:$0x1D000] =	vst v63  }
0x6f: {  	_ = 	snop  }
0x70: {  	[spmem:s1] =	stream.indirect.scatter.add.f32 [tilespmem:s19], [sflag:$0x5], $0x80, s29, s16, $0xb8;
	[tilespmem:$0x1D000] =	vst v63  }
0x71: {  	_ =	swait.ge [sflag:s13], $0x4000  }
0x72: {  	[sflag:s13] =	ssyncset.done $0x0  }
0x73: {  	s5 =	sadd.s32 $0xFFFFFF00, s0;
	[sflag:s13] =	ssyncadd.s32 $0xFFFFC000  }
0x74: {  	[tilespmem:s3], [sflag:$0x1] =	stream.linear.gather [hbm4b:s5+s3], $0x800, $0x38;
	[tilespmem:$0x1D000] =	vst v63  }
0x75: {  	_ =	swait.ge [sflag:s18], $0x4000  }
0x76: {  	[sflag:s18] =	ssyncset.done $0x0  }
0x77: {  	[sflag:s18] =	ssyncadd.s32 $0xFFFFC000  }
0x78: {  	[tilespmem:s19], [sflag:$0x4] =	stream.indirect.gather [hbm4b:s4+s16], $0x80, s30, s16, $0xb8;
	[tilespmem:$0x1D000] =	vst v63  }
0x79: {  	_ = 	snop  }
0x7a: {  	[spmem:s1] =	stream.indirect.scatter.add.f32 [tilespmem:s17], [sflag:$0x5], $0x80, s31, s16, $0xb8;
	[tilespmem:$0x1D000] =	vst v63  }
0x7b: {  	_ =	swait.ge [sflag:s13], $0x4000  }
0x7c: {  	[sflag:s13] =	ssyncset.done $0x0  }
0x7d: {  	[sflag:s13] =	ssyncadd.s32 $0xFFFFC000  }
0x7e: {  	_ =	swait.ge [sflag:s21], $0x4000  }
0x7f: {  	[sflag:s21] =	ssyncset.done $0x0  }
0x80: {  	[sflag:s21] =	ssyncadd.s32 $0xFFFFC000  }
0x81: {  	[tilespmem:s17], [sflag:$0x3] =	stream.indirect.gather [hbm4b:s4+s16], $0x80, s8, s16, $0xb8;
	[tilespmem:$0x1D000] =	vst v63  }
0x82: {  	_ = 	snop  }
0x83: {  	[spmem:s1] =	stream.indirect.scatter.add.f32 [tilespmem:s19], [sflag:$0x5], $0x80, s9, s16, $0xb8;
	[tilespmem:$0x1D000] =	vst v63  }
0x84: {  	_ =	swait.ge [sflag:s13], $0x4000  }
0x85: {  	[sflag:s13] =	ssyncset.done $0x0  }
0x86: {  	[sflag:s13] =	ssyncadd.s32 $0xFFFFC000  }
0x87: {  	_ =	swait.ge [sflag:s18], $0x4000  }
0x88: {  	[sflag:s18] =	ssyncset.done $0x0  }
0x89: {  	[sflag:s18] =	ssyncadd.s32 $0xFFFFC000  }
0x8a: {  	[tilespmem:s19], [sflag:$0x4] =	stream.indirect.gather [hbm4b:s4+s16], $0x80, s10, s16, $0xb8;
	[tilespmem:$0x1D000] =	vst v63  }
0x8b: {  	_ = 	snop  }
0x8c: {  	[spmem:s1] =	stream.indirect.scatter.add.f32 [tilespmem:s17], [sflag:$0x5], $0x80, s11, s16, $0xb8;
	[tilespmem:$0x1D000] =	vst v63  }
0x8d: {  	_ =	swait.ge [sflag:s13], $0x4000  }
0x8e: {  	[sflag:s13] =	ssyncset.done $0x0  }
0x8f: {  	[sflag:s13] =	ssyncadd.s32 $0xFFFFC000  }
0x90: {  	_ =	swait.ge [sflag:s21], $0x4000  }
0x91: {  	[sflag:s21] =	ssyncset.done $0x0  }
0x92: {  	[sflag:s21] =	ssyncadd.s32 $0xFFFFC000  }
0x93: {  	[tilespmem:s17], [sflag:$0x3] =	stream.indirect.gather [hbm4b:s4+s16], $0x80, s6, s16, $0xb8;
	[tilespmem:$0x1D000] =	vst v63  }
0x94: {  	_ = 	snop  }
0x95: {  	[spmem:s1] =	stream.indirect.scatter.add.f32 [tilespmem:s19], [sflag:$0x5], $0x80, s12, s16, $0xb8;
	[tilespmem:$0x1D000] =	vst v63  }
0x96: {  	_ =	swait.ge [sflag:s13], $0x4000  }
0x97: {  	[sflag:s13] =	ssyncset.done $0x0  }
0x98: {  	[sflag:s13] =	ssyncadd.s32 $0xFFFFC000  }
0x99: {  	_ =	swait.ge [sflag:s18], $0x4000  }
0x9a: {  	[sflag:s18] =	ssyncset.done $0x0  }
0x9b: {  	[sflag:s18] =	ssyncadd.s32 $0xFFFFC000  }
0x9c: {  	[tilespmem:s19], [sflag:$0x4] =	stream.indirect.gather [hbm4b:s4+s16], $0x80, s20, s16, $0xb8;
	[tilespmem:$0x1D000] =	vst v63  }
0x9d: {  	_ = 	snop  }
0x9e: {  	[spmem:s1] =	stream.indirect.scatter.add.f32 [tilespmem:s17], [sflag:$0x5], $0x80, s22, s16, $0xb8;
	[tilespmem:$0x1D000] =	vst v63  }
0x9f: {  	_ =	swait.ge [sflag:s13], $0x4000  }
0xa0: {  	[sflag:s13] =	ssyncset.done $0x0  }
0xa1: {  	[sflag:s13] =	ssyncadd.s32 $0xFFFFC000  }
0xa2: {  	_ =	swait.ge [sflag:s21], $0x4000  }
0xa3: {  	[sflag:s21] =	ssyncset.done $0x0  }
0xa4: {  	[sflag:s21] =	ssyncadd.s32 $0xFFFFC000  }
0xa5: {  	[tilespmem:s17], [sflag:$0x3] =	stream.indirect.gather [hbm4b:s4+s16], $0x80, s23, s16, $0xb8;
	[tilespmem:$0x1D000] =	vst v63  }
0xa6: {  	_ = 	snop  }
0xa7: {  	[spmem:s1] =	stream.indirect.scatter.add.f32 [tilespmem:s19], [sflag:$0x5], $0x80, s24, s16, $0xb8;
	[tilespmem:$0x1D000] =	vst v63  }
0xa8: {  	_ =	swait.ge [sflag:s13], $0x4000  }
0xa9: {  	[sflag:s13] =	ssyncset.done $0x0  }
0xaa: {  	[sflag:s13] =	ssyncadd.s32 $0xFFFFC000  }
0xab: {  	_ =	swait.ge [sflag:s18], $0x4000  }
0xac: {  	[sflag:s18] =	ssyncset.done $0x0  }
0xad: {  	[sflag:s18] =	ssyncadd.s32 $0xFFFFC000  }
0xae: {  	[tilespmem:s19], [sflag:$0x4] =	stream.indirect.gather [hbm4b:s4+s16], $0x80, s25, s16, $0xb8;
	[tilespmem:$0x1D000] =	vst v63  }
0xaf: {  	_ = 	snop  }
0xb0: {  	[spmem:s1] =	stream.indirect.scatter.add.f32 [tilespmem:s17], [sflag:$0x5], $0x80, s26, s16, $0xb8;
	[tilespmem:$0x1D000] =	vst v63  }
0xb1: {  	_ =	swait.ge [sflag:s13], $0x4000  }
0xb2: {  	[sflag:s13] =	ssyncset.done $0x0  }
0xb3: {  	[sflag:s13] =	ssyncadd.s32 $0xFFFFC000  }
0xb4: {  	_ =	swait.ge [sflag:s21], $0x4000  }
0xb5: {  	[sflag:s21] =	ssyncset.done $0x0  }
0xb6: {  	[sflag:s21] =	ssyncadd.s32 $0xFFFFC000  }
0xb7: {  	_ =	swait.ge [sflag:s15], $0x800  }
0xb8: {  	[sflag:s15] =	ssyncset.done $0x0  }
0xb9: {  	p1 =	slt.u32 @!p0 s2, $0x8;
	[sflag:s15] =	ssyncadd.s32 $0xFFFFF800  }
0xba: {  	[tilespmem:s17], [sflag:$0x3] =	stream.indirect.gather [hbm4b:s4+s16], $0x80, s3, s16, $0xb8;
	[tilespmem:$0x1D000] =	vst v63  }
0xbb: {  	p1 =	por p0, !p1  }
0xbc: {  	[spmem:s1] =	stream.indirect.scatter.add.f32 [tilespmem:s19], [sflag:$0x5], $0x80, s28, s16, $0xb8;
	[tilespmem:$0x1D000] =	vst v63  }
.Ltmp0:
0xbd: {  	_ =	swait.ge [sflag:s13], $0x4000;
	(pc) =	sbr.rel @!p1 .LBB2_2-.Ltmp0, $4  }
0xbe: {  	[sflag:s13] =	ssyncset.done $0x0  }
0xbf: {  	[sflag:s13] =	ssyncadd.s32 $0xFFFFC000  }
0xc0: {  	[tilespmem:s14], [sflag:$0x2] =	stream.linear.gather [hbm4b:s0+s3], $0x800, $0x38;
	[tilespmem:$0x1D000] =	vst v63  }
0xc1: {  	s2 =	sadd.s32 $0x1, s2;
	s0 =	sadd.s32 $0x200, s0  }
0xc2: {  	_ =	swait.ge [sflag:s18], $0x4000  }
0xc3: {  	[sflag:s18] =	ssyncset.done $0x0  }
0xc4: {  	[sflag:s18] =	ssyncadd.s32 $0xFFFFC000  }
0xc5: {  	_ =	swait.ge [sflag:s7], $0x800  }
0xc6: {  	[sflag:s7] =	ssyncset.done $0x0  }
0xc7: {  	[sflag:s7] =	ssyncadd.s32 $0xFFFFF800  }
0xc8: {  	[bflag:$0x0] =	sbarrier.arrive $0xFFFF  }
0xc9: {  	s2 =	rddreg [dreg:$0x4]  }
0xca: {  	s0 =	rddreg [dreg:$0x7]  }
0xcb: {  	s5 =	rddreg [dreg:$0xa]  }
0xcc: {  	[hbm:s0], [sflag:s2] =	dma.local [spmem:s5], $0x2800  }
0xcd: {  	_ =	swait.ge [sflag:s13], $0x2800  }
0xce: {  	s6 =	rddreg [dreg:$0xb]  }
0xcf: {  	s0 =	rddreg [dreg:$0x8];
	s6 =	sadd.s32 $0x1, s6  }
0xd0: {  	p1 =	sne.s32 s6, s0  }
.Ltmp1:
0xd1: {  	_ = 	snop;
	(pc) =	sbr.rel @p1 .LBB2_1-.Ltmp1, $3  }
0xd2: {  	_ =	sdelay $0x1  }
0xd3: {  	[sflag:s13] =	ssyncset.done $0x0  }
0xd4: {  	[sflag:s13] =	ssyncadd.s32 $0xFFFFD800  }
0xd5: {  	_ =	sfence.sel $0x180000  }
0xd6: {  	[bflag:$0x0] =	sbarrier.arrive $0xFFFF  }
0xd7: {  	_ =	strace $0x9000004A  }
0xd8: {  	s0 =	stileid.u32;
	[bflag:$0x2] =	sbarrier.arrive $0xFFFF  }
0xd9: {  	p0 =	sne.s32 s0, $0x0;
	s0 =	rddreg [dreg:$0x2]  }
0xda: {  	s0 =	sadd.s32 @!p0 $0x100000, s0  }
0xdb: {  	[sflag:s0] =	ssyncadd.tile.s32 @!p0 $0x1;
	_ =	shalt  }
.Lfunc_end2:
_tile_overlayer_lowered:
.L_overlay_start_2:
0xdc: {  	(tag) =	ssettag $0x2  }
0xdd: {  	s0 =	rddreg [dreg:$0x0];
	s2 =	stileid.u32  }
0xde: {  	s1 =	rddreg [dreg:$0x1];
	p0 =	sne.s32 s2, $0x0  }
0xdf: {  	s3 =	rddreg [dreg:$0x2];
	[bflag:$0x3] =	sbarrier.arrive $0xFFFF;
	s2 =	simm.s32 @!p0 $0x1C05  }
0xe0: {  	[timem:s3], [sflag:s2] =	dma.local @!p0 [hbm:s0], s1  }
0xe1: {  	s0 =	simm.s32 @!p0 $0x5  }
0xe2: {  	_ =	swait.ge @!p0 [sflag:s0], s1  }
0xe3: {  	s1 =	ssub.s32 @!p0 $0x0, s1;
	[sflag:s0] =	ssyncset.done @!p0 $0x0  }
0xe4: {  	[sflag:s0] =	ssyncadd.s32 @!p0 s1  }
0xe5: {  	[bflag:$0x3] =	sbarrier.arrive $0xFFFF  }
0xe6: {  	_ =	shalt  }

// kernel: kernel.14.cloned.1.call-start
scs
__scs_entry_jumppad:
0x0: {  	(pc) =	sbr.rel $0x88, $3  }
0x1: {  	(tag) =	ssettag $0x0;
	lr =	simm.s32 $0x1  }
0x2: {  	[smem:$0x3F9A] =	sst lr;
	_ =	strace $0xD0000000  }
0x3: {  	_ = 	snop  }
0x4: {  	_ = 	snop  }
0x5: {  	_ = 	snop  }
0x6: {  	_ = 	snop  }
0x7: {  	_ = 	snop  }
__scs_overlays_trampoline_lowered:
0x8: {  	[smem:$0x3FA9] =	sst s0  }
0x9: {  	[smem:$0x3FAA] =	sst s1  }
0xa: {  	[smem:$0x3FAB] =	sst s2  }
0xb: {  	[smem:$0x3FAC] =	sst s3  }
0xc: {  	[smem:$0x3FAD] =	sst s4  }
0xd: {  	[smem:$0x3FAE] =	sst s5  }
0xe: {  	[smem:$0x3FAF] =	sst s6  }
0xf: {  	[smem:$0x3FB0] =	sst s7  }
0x10: {  	[smem:$0x3FB1] =	sst s8  }
0x11: {  	[smem:$0x3FB2] =	sst s9;
	s0 =	simm.s32 @!p0 $0x0  }
0x12: {  	s1 =	sld [smem:$0x3F98];
	s0 =	simm.s32 @p0 $0x1  }
0x13: {  	[smem:$0x3FB3] =	sst s0;
	s0 =	simm.s32 @!p1 $0x0  }
0x14: {  	s2 =	sld [smem:$0x3F97];
	s0 =	simm.s32 @p1 $0x1  }
0x15: {  	[smem:$0x3FB4] =	sst s0;
	s0 =	simm.s32 @!p2 $0x0  }
0x16: {  	s3 =	sld [smem:$0x3FDB];
	s0 =	simm.s32 @p2 $0x1  }
0x17: {  	s4 =	simm.s32 $0x1BF5;
	[smem:$0x3FB6] =	sst s0  }
0x18: {  	s0 =	sld [smem:$0x3F99];
	_ =	swait.ge [sflag:s4], $0x0  }
0x19: {  	s7 =	sld [smem:$0x3F9A]  }
0x1a: {  	s8 =	sadd.s32 $0xFFFFE003, lr  }
0x1b: {  	s9 =	sadd.s32 $0xFFFFFEF7, lr;
	s5 =	simm.s32 $0xFFFFFFFF;
	p2 =	slt.u32 s8, $0xFFFFF086  }
0x1c: {  	p1 =	slt.u32 s9, $0xF7A;
	s5 =	simm.s32 @!p2 $0x0  }
0x1d: {  	s5 =	simm.s32 @p1 $0x1;
	p0 =	seq.s32 s7, s2  }
0x1e: {  	s7 =	smul.u32 @!p0 $0xF7A, s2;
	p2 =	seq.s32 @!p0 s5, $0x0  }
0x1f: {  	s9 =	smul.u32 $0xF7A, s1;
	s8 =	simm.s32 @!p0 $0x1BF5;
	p2 =	por !p2, p0  }
0x20: {  	[sflag:s8] =	ssyncset.s32 @!p0 $0xFFFFF086;
	s6 =	sadd.s32 @!p0 s3, s7;
	s7 =	simm.s32 @!p0 $0x108  }
0x21: {  	s3 =	sadd.s32 s3, s9;
	s6 =	sadd.s32 @!p0 $0x88, s6;
	s7 =	simm.s32 @p2 $0x1082  }
0x22: {  	[simem:s7], [sflag:s8] =	dma.local @!p0 [hbm:s6], $0xF7A  }
0x23: {  	s9 =	sor.u32 $0xD0000000, s2;
	s6 =	simm.s32 $0x108;
	_ =	swait.ge @!p0 [sflag:s8], $0x0  }
0x24: {  	s3 =	sadd.s32 $0x88, s3;
	s6 =	simm.s32 @!p1 $0x1082;
	[sflag:s4] =	ssyncset.s32 $0xFFFFF086  }
0x25: {  	[simem:s6], [sflag:s4] =	dma.local [hbm:s3], $0xF7A  }
0x26: {  	[smem:$0x3F9A] =	sst s1;
	(tag) =	ssettag s2;
	_ =	strace s9  }
0x27: {  	s1 =	sld [smem:$0x3FAA]  }
0x28: {  	s2 =	sld [smem:$0x3FAB]  }
0x29: {  	s4 =	sld [smem:$0x3FAD]  }
0x2a: {  	p0 =	seq.s32 s5, $0x0;
	s5 =	sld [smem:$0x3FAE]  }
0x2b: {  	s6 =	sld [smem:$0x3FAF]  }
0x2c: {  	s7 =	sld [smem:$0x3FB0]  }
0x2d: {  	s3 =	simm.s32 $0x108;
	s8 =	sld [smem:$0x3FB1]  }
0x2e: {  	s3 =	simm.s32 @!p0 $0x1082;
	s9 =	sld [smem:$0x3FB2]  }
0x2f: {  	lr =	sadd.s32 s0, s3;
	s0 =	sld [smem:$0x3FA9]  }
0x30: {  	s3 =	sld [smem:$0x3FAC]  }
0x31: {  	[smem:$0x3FB5] =	sst s10  }
0x32: {  	s10 =	sld [smem:$0x3FB3];
	_ =	sdelay $0x3  }
0x33: {  	p0 =	seq.s32 s10, $0x1;
	s10 =	sld [smem:$0x3FB5];
	_ =	sdelay $0x3  }
0x34: {  	[smem:$0x3FB5] =	sst s10  }
0x35: {  	s10 =	sld [smem:$0x3FB4];
	_ =	sdelay $0x3  }
0x36: {  	p1 =	seq.s32 s10, $0x1;
	s10 =	sld [smem:$0x3FB5];
	_ =	sdelay $0x3  }
0x37: {  	[smem:$0x3FB5] =	sst s10  }
0x38: {  	s10 =	sld [smem:$0x3FB6]  }
0x39: {  	_ = 	snop;
	(pc) =	sbr.ind lr, $3  }
0x3a: {  	_ = 	snop  }
0x3b: {  	_ = 	snop  }
0x3c: {  	p2 =	seq.s32 s10, $0x1;
	s10 =	sld [smem:$0x3FB5]  }
0x3d: {  	_ =	shalt  }
0x3e: {  	_ =	shalt  }
0x3f: {  	_ =	shalt  }
0x40: {  	_ =	shalt  }
0x41: {  	_ =	shalt  }
0x42: {  	_ =	shalt  }
0x43: {  	_ =	shalt  }
0x44: {  	_ =	shalt  }
0x45: {  	_ =	shalt  }
0x46: {  	_ =	shalt  }
0x47: {  	_ =	shalt  }
0x48: {  	_ =	shalt  }
0x49: {  	_ =	shalt  }
0x4a: {  	_ =	shalt  }
0x4b: {  	_ =	shalt  }
0x4c: {  	_ =	shalt  }
0x4d: {  	_ =	shalt  }
0x4e: {  	_ =	shalt  }
0x4f: {  	_ =	shalt  }
0x50: {  	_ =	shalt  }
0x51: {  	_ =	shalt  }
0x52: {  	_ =	shalt  }
0x53: {  	_ =	shalt  }
0x54: {  	_ =	shalt  }
0x55: {  	_ =	shalt  }
0x56: {  	_ =	shalt  }
0x57: {  	_ =	shalt  }
0x58: {  	_ =	shalt  }
0x59: {  	_ =	shalt  }
0x5a: {  	_ =	shalt  }
0x5b: {  	_ =	shalt  }
0x5c: {  	_ =	shalt  }
0x5d: {  	_ =	shalt  }
0x5e: {  	_ =	shalt  }
0x5f: {  	_ =	shalt  }
0x60: {  	_ =	shalt  }
0x61: {  	_ =	shalt  }
0x62: {  	_ =	shalt  }
0x63: {  	_ =	shalt  }
0x64: {  	_ =	shalt  }
0x65: {  	_ =	shalt  }
0x66: {  	_ =	shalt  }
0x67: {  	_ =	shalt  }
0x68: {  	_ =	shalt  }
0x69: {  	_ =	shalt  }
0x6a: {  	_ =	shalt  }
0x6b: {  	_ =	shalt  }
0x6c: {  	_ =	shalt  }
0x6d: {  	_ =	shalt  }
0x6e: {  	_ =	shalt  }
0x6f: {  	_ =	shalt  }
0x70: {  	_ =	shalt  }
0x71: {  	_ =	shalt  }
0x72: {  	_ =	shalt  }
0x73: {  	_ =	shalt  }
0x74: {  	_ =	shalt  }
0x75: {  	_ =	shalt  }
0x76: {  	_ =	shalt  }
0x77: {  	_ =	shalt  }
0x78: {  	_ =	shalt  }
0x79: {  	_ =	shalt  }
0x7a: {  	_ =	shalt  }
0x7b: {  	_ =	shalt  }
0x7c: {  	_ =	shalt  }
0x7d: {  	_ =	shalt  }
0x7e: {  	_ =	shalt  }
0x7f: {  	_ =	shalt  }
0x80: {  	_ =	shalt  }
0x81: {  	_ =	shalt  }
0x82: {  	_ =	shalt  }
0x83: {  	_ =	shalt  }
0x84: {  	_ =	shalt  }
0x85: {  	_ =	shalt  }
0x86: {  	_ =	shalt  }
0x87: {  	_ =	shalt  }
.Lfunc_end0:
.L_simem_size_0:
called_computation.2_lowered:
.L_overlay_start_0:
0x88: {  	s2 =	sld [smem:$0x3FD9]  }
0x89: {  	s3 =	sld [smem:$0x3FFE];
	_ =	sdelay $0x1  }
0x8a: {  	s1 =	srdreg.scid  }
0x8b: {  	s0 =	sand.u32 $0x1, s1  }
0x8c: {  	s17 =	sshll.u32 s0, $0xA;
	s2 =	sadd.s32 s3, s2  }
0x8d: {  	s2 =	sadd.s32 s2, s17  }
0x8e: {  	[smem:$0x3FC1] =	sst s2  }
0x8f: {  	_ = 	snop  }
0x90: {  	s2 =	sld [smem:$0x3FD0];
	(tm) =	ssettm $0x1  }
0x91: {  	s18 =	sld [smem:$0x3FFB];
	_ =	sdelay $0x3  }
0x92: {  	_ =	strace s18  }
0x93: {  	s3 =	sld [smem:$0x3FFC];
	_ =	sdelay $0x3  }
0x94: {  	_ =	strace s3  }
0x95: {  	s3 =	sld [smem:$0x3FFD];
	_ =	sdelay $0x3  }
0x96: {  	_ =	strace s3  }
0x97: {  	_ =	strace $0x8FFFFFFF  }
0x98: {  	s19 =	sld [smem:$0x3FDB];
	_ =	sdelay $0x1  }
0x99: {  	s4 =	simm.s32 $_scs_section_size  }
0x9a: {  	s5 =	simm.s32 $_size__tile_overlayer_lowered;
	s6 =	simm.s32 $_tile_overlayer_lowered  }
0x9b: {  	s22 =	simm.s32 $0x1BFF;
	s21 =	sshll.u32 s6, $0x1;
	s3 =	sadd.s32 s4, s19  }
0x9c: {  	s7 =	simm.s32 $0x0;
	s20 =	sshll.u32 s5, $0x1;
	s5 =	sadd.s32 s21, s3  }
0x9d: {  	[timem:s7], [sflag:s22] =	dma.local [hbm:s5], s20  }
0x9e: {  	_ =	swait.ge [sflag:s22], s20  }
0x9f: {  	s4 =	ssub.s32 $0x0, s20;
	[sflag:s22] =	ssyncset.done $0x0  }
0xa0: {  	[sflag:s22] =	ssyncadd.s32 s4;
	_ =	sdelay $0x1  }
0xa1: {  	s23 =	simm.s32 $0x1B8B  }
0xa2: {  	_ =	swait.ge [sflag:s23], $0x1  }
0xa3: {  	[sflag:s23] =	ssyncset.done $0x0  }
0xa4: {  	s25 =	simm.s32 $0x1B8E;
	s24 =	sld [smem:$0x3FFE];
	[sflag:s23] =	ssyncadd.s32 $0xFFFFFFFF  }
0xa5: {  	s26 =	simm.s32 $execute0_lowered;
	[smem:$0x3FD2] =	sst s25  }
0xa6: {  	s5 =	sshll.u32 s26, $0x1;
	_ =	strace $0x8000004C;
	[dreg:$0x1] =	wrdreg $0xFFFFFFFF  }
0xa7: {  	s28 =	simm.s32 $_size_execute0_lowered;
	s3 =	sadd.s32 s3, s5;
	[dreg:$0x0] =	wrdreg $0x0  }
0xa8: {  	s5 =	sshll.u32 s28, $0x1;
	[dreg:$0x2] =	wrdreg s3  }
0xa9: {  	[dreg:$0x3] =	wrdreg s5  }
0xaa: {  	[dreg:$0x4] =	wrdreg $0xC0  }
0xab: {  	_ =	task [dreg:s7], $0x5FFFF  }
0xac: {  	[dreg:$0x1] =	wrdreg $0xFFFFFFFF  }
0xad: {  	[dreg:$0x0] =	wrdreg $0x60  }
0xae: {  	[dreg:$0x2] =	wrdreg s24  }
0xaf: {  	[dreg:$0x3] =	wrdreg s2  }
0xb0: {  	[dreg:$0x4] =	wrdreg $0x9  }
0xb1: {  	_ =	task.clear_ibuf [dreg:s7], $0x5FFFF;
	_ =	strace $0x9000004C  }
0xb2: {  	s29 =	simm.s32 $0x9;
	_ =	strace $0x8000004E  }
0xb3: {  	_ =	swait.ge [sflag:s29], $0x1  }
0xb4: {  	[sflag:s29] =	ssyncadd.s32 $0xFFFFFFFF  }
0xb5: {  	_ =	strace $0x9000004E  }
0xb6: {  	_ =	sfence  }
0xb7: {  	s30 =	sld [smem:$0x0];
	_ =	sdelay $0x2  }
0xb8: {  	s31 =	sshll.u32 s1, $0xD;
	s1 =	sshrl.u32 s1, $0x2  }
0xb9: {  	s3 =	sand.u32 $0x4000, s31;
	s1 =	sadd.s32 s1, s30  }
0xba: {  	s0 =	sor.u32 s3, s0;
	s1 =	sshll.u32 s1, $0x11  }
0xbb: {  	s0 =	sor.u32 s1, s0  }
0xbc: {  	s0 =	sadd.s32 $0x8F2B, s0  }
0xbd: {  	[sflag:s0] =	ssyncadd.remote.s32 $0x1  }
0xbe: {  	_ =	sfence.sel $0xFFFF  }
0xbf: {  	[dreg:$0x0] =	wrdreg $0xFFFFFFFF;
	(pc) =	sbr.abs _section_cstart, $3  }
0xc0: {  	[dreg:$0x1] =	wrdreg $0xFFFFFFFF  }
0xc1: {  	_ =	task.clear_ibuf [dreg:s7], $0x2FFFF;
	_ =	strace $0x9FFFFFFF  }
0xc2: {  	(tm) =	ssettm $0x7FFFFFFF  }
0xc3: {  	_ =	shalt  }
tec
execute0_lowered:
.L_overlay_start_1:
0x0: {  	(tag) =	ssettag $0x1  }
0x1: {  	s4 =	rddreg [dreg:$0x0]  }
0x2: {  	s5 =	rddreg [dreg:$0x1]  }
0x3: {  	s1 =	srdreg.scid;
	s0 =	rddreg [dreg:$0x2]  }
0x4: {  	s2 =	simm.s32 $0x0;
	s11 =	simm.s32 $0x1;
	s12 =	simm.s32 $0x4100  }
0x5: {  	s13 =	simm.s32 $0x8100;
	s14 =	simm.s32 $0x0;
	s6 =	sand.u32 $0x1, s1  }
0x6: {  	s1 =	stileid.u32;
	[smem:$0x7FF] =	sst s2;
	s3 =	sshll.u32 s6, $0x4  }
0x7: {  	_ =	strace $0x8000004D;
	s9 =	sshll.u32 s1, $0x4;
	s6 =	ssub.s32 $0x2, s6  }
0x8: {  	s7 =	sor.u32 s1, s3;
	s3 =	sadd.s32 $0x3C00, s4;
	s9 =	sand.u32 $0x70, s9  }
0x9: {  	s31 =	sshrl.u32 s6, $0x1;
	s8 =	sshll.u32 s7, $0x4;
	s7 =	sshll.u32 s7, $0xB  }
0xa: {  	s10 =	ssub.s32 s6, s31;
	s8 =	sand.u32 $0x180, s8;
	s7 =	sadd.s32 s7, s4  }
0xb: {  	s8 =	sor.u32 s9, s8;
	s6 =	sadd.s32 $0x2BC00, s7;
	s7 =	smax.u32 s10, $0x1  }
0xc: {  	s10 =	simm.s32 $0x100;
	s9 =	sadd.s32 s8, s4;
	s5 =	sadd.s32 s5, s8  }
0xd: {  	s8 =	simm.s32 $0x2;
	s4 =	sadd.s32 $0x92A00, s9;
	s9 =	simm.s32 $0x80  }
.LBB2_1:
0xe: {  	[tilespmem:s2], [sflag:$0x2] =	stream.linear.gather [hbm4b:s4+s2], $0x80, $0x38;
	[tilespmem:$0xC100] =	vst v63  }
0xf: {  	_ =	swait.ge [sflag:s8], $0x80  }
0x10: {  	[sflag:s8] =	ssyncset.done $0x0  }
0x11: {  	[sflag:s8] =	ssyncadd.s32 $0xFFFFFF80  }
0x12: {  	[tilespmem:s9], [sflag:$0x2] =	stream.linear.gather [hbm4b:s5+s2], $0x80, $0x38;
	[tilespmem:$0xC100] =	vst v63  }
0x13: {  	_ =	swait.ge [sflag:s8], $0x80  }
0x14: {  	[sflag:s8] =	ssyncset.done $0x0  }
0x15: {  	[sflag:s8] =	ssyncadd.s32 $0xFFFFFF80  }
0x16: {  	[tilespmem:s10], [sflag:$0x1] =	stream.indirect.gather [hbm4b:s3+s9], $0x80, s2, s9, $0xb8;
	[tilespmem:$0xC100] =	vst v63  }
0x17: {  	_ =	swait.ge [sflag:s11], $0x4000  }
0x18: {  	[sflag:s11] =	ssyncset.done $0x0  }
0x19: {  	[sflag:s11] =	ssyncadd.s32 $0xFFFFC000  }
0x1a: {  	[tilespmem:s12], [sflag:$0x1] =	stream.indirect.gather [hbm4b:s3+s9], $0x80, s9, s9, $0xb8;
	[tilespmem:$0xC100] =	vst v63  }
0x1b: {  	_ =	swait.ge [sflag:s11], $0x4000  }
0x1c: {  	[sflag:s11] =	ssyncset.done $0x0  }
0x1d: {  	s15 =	simm.s32 $0x0;
	[sflag:s11] =	ssyncadd.s32 $0xFFFFC000  }
0x1e: {  	v0 =	vld [tilespmem:s15+$0x170]  }
0x1f: {  	v1 =	vld [tilespmem:s15+$0x4170]  }
0x20: {  	v2 =	vld [tilespmem:s15+$0x100]  }
0x21: {  	v3 =	vld [tilespmem:s15+$0x4100]  }
0x22: {  	v4 =	vld [tilespmem:s15+$0x110]  }
0x23: {  	v5 =	vld [tilespmem:s15+$0x4110]  }
0x24: {  	v6 =	vld [tilespmem:s15+$0x120]  }
0x25: {  	v7 =	vld [tilespmem:s15+$0x130]  }
0x26: {  	v0 =	vmul.f32 v1, v0;
	v1 =	vld [tilespmem:s15+$0x4120]  }
0x27: {  	v8 =	vld [tilespmem:s15+$0x4130]  }
0x28: {  	v9 =	vld [tilespmem:s15+$0x4140];
	v2 =	vmul.f32 v3, v2  }
0x29: {  	[tilespmem:s15+$0x8170] =	vst v0;
	v0 =	vmul.f32 v5, v4;
	v5 =	vld [tilespmem:s15+$0x140]  }
0x2a: {  	v3 =	vld [tilespmem:s15+$0x4150];
	[tilespmem:s15+$0x8100] =	vst v2  }
0x2b: {  	v2 =	vld [tilespmem:s15+$0x150];
	[tilespmem:s15+$0x8110] =	vst v0;
	v0 =	vmul.f32 v1, v6  }
0x2c: {  	v4 =	vld [tilespmem:s15+$0x4160];
	v6 =	vmul.f32 v8, v7  }
0x2d: {  	s16 =	simm.s32 $0x80;
	[tilespmem:s15+$0x8120] =	vst v0;
	v0 =	vld [tilespmem:s15+$0x160]  }
0x2e: {  	s17 =	simm.s32 $0x400;
	v5 =	vmul.f32 v9, v5;
	v1 =	vld [tilespmem:s16+$0x170];
	[tilespmem:s15+$0x8130] =	vst v6  }
.LBB2_2:
0x2f: {  	p0 =	sne.s32 s17, $0xFE00;
	v6 =	vld [tilespmem:s16+$0x4170]  }
0x30: {  	v7 =	vld [tilespmem:s16+$0x100];
	[tilespmem:s15+$0x8140] =	vst v5;
	v2 =	vmul.f32 v3, v2  }
0x31: {  	v3 =	vld [tilespmem:s16+$0x4100]  }
0x32: {  	v5 =	vld [tilespmem:s16+$0x110];
	[tilespmem:s15+$0x8150] =	vst v2;
	v0 =	vmul.f32 v4, v0  }
0x33: {  	v2 =	vld [tilespmem:s16+$0x4110]  }
0x34: {  	v4 =	vld [tilespmem:s16+$0x120];
	v1 =	vmul.f32 v6, v1;
	[tilespmem:s15+$0x8160] =	vst v0;
	s15 =	smov.u32 s16  }
0x35: {  	v0 =	vld [tilespmem:s15+$0x4120]  }
0x36: {  	v3 =	vmul.f32 v3, v7;
	v6 =	vld [tilespmem:s15+$0x130];
	[tilespmem:s15+$0x8170] =	vst v1  }
0x37: {  	v1 =	vld [tilespmem:s15+$0x4130]  }
0x38: {  	[tilespmem:s15+$0x8100] =	vst v3;
	v2 =	vmul.f32 v2, v5;
	v5 =	vld [tilespmem:s15+$0x140]  }
0x39: {  	v7 =	vld [tilespmem:s15+$0x4140]  }
.Ltmp0:
0x3a: {  	[tilespmem:s15+$0x8110] =	vst v2;
	v0 =	vmul.f32 v0, v4;
	v2 =	vld [tilespmem:s15+$0x150];
	(pc) =	sbr.rel @p0 .LBB2_2-.Ltmp0, $4  }
0x3b: {  	v3 =	vld [tilespmem:s15+$0x4150]  }
0x3c: {  	[tilespmem:s15+$0x8120] =	vst v0;
	v6 =	vmul.f32 v1, v6;
	v0 =	vld [tilespmem:s15+$0x160]  }
0x3d: {  	s16 =	sshra.s32 s17, $0x2;
	v4 =	vld [tilespmem:s15+$0x4160]  }
0x3e: {  	s17 =	sadd.s32 $0x200, s17;
	v1 =	vld [tilespmem:s16+$0x170];
	[tilespmem:s15+$0x8130] =	vst v6;
	v5 =	vmul.f32 v7, v5  }
0x3f: {  	v6 =	vld [tilespmem:s16+$0x4170]  }
0x40: {  	v7 =	vld [tilespmem:s16+$0x100];
	[tilespmem:s15+$0x8140] =	vst v5;
	v2 =	vmul.f32 v3, v2  }
0x41: {  	v51 =	vld [tilespmem:s16+$0x4100]  }
0x42: {  	v5 =	vld [tilespmem:s16+$0x110];
	[tilespmem:s15+$0x8150] =	vst v2;
	v0 =	vmul.f32 v4, v0  }
0x43: {  	v2 =	vld [tilespmem:s16+$0x4110]  }
0x44: {  	v52 =	vld [tilespmem:s16+$0x120];
	[tilespmem:s15+$0x8160] =	vst v0  }
0x45: {  	v54 =	vld [tilespmem:s16+$0x4120]  }
0x46: {  	v55 =	vld [tilespmem:s16+$0x130]  }
0x47: {  	v56 =	vld [tilespmem:s16+$0x4130]  }
0x48: {  	v57 =	vld [tilespmem:s16+$0x140]  }
0x49: {  	v58 =	vld [tilespmem:s16+$0x4140]  }
0x4a: {  	v59 =	vld [tilespmem:s16+$0x150]  }
0x4b: {  	v53 =	vmul.f32 v6, v1;
	v60 =	vld [tilespmem:s16+$0x4150]  }
0x4c: {  	v61 =	vld [tilespmem:s16+$0x160];
	v3 =	vmul.f32 v51, v7  }
0x4d: {  	v62 =	vld [tilespmem:s16+$0x4160];
	[tilespmem:s16+$0x8170] =	vst v53;
	v2 =	vmul.f32 v2, v5  }
0x4e: {  	[tilespmem:s16+$0x8100] =	vst v3;
	v1 =	vmul.f32 v54, v52  }
0x4f: {  	[tilespmem:s16+$0x8110] =	vst v2;
	v0 =	vmul.f32 v56, v55  }
0x50: {  	v3 =	vmul.f32 v58, v57;
	[tilespmem:s16+$0x8120] =	vst v1  }
0x51: {  	v63 =	vmul.f32 v60, v59;
	[tilespmem:s16+$0x8130] =	vst v0  }
0x52: {  	s14 =	sadd.s32 $0x1, s14;
	[tilespmem:s16+$0x8140] =	vst v3;
	v1 =	vmul.f32 v62, v61  }
0x53: {  	p0 =	sne.s32 s14, s7;
	[tilespmem:s16+$0x8150] =	vst v63  }
.Ltmp1:
0x54: {  	[tilespmem:s16+$0x8160] =	vst v1;
	(pc) =	sbr.rel @p0 .LBB2_1-.Ltmp1, $4  }
0x55: {  	[hbm4b:s6+s2] =	stream.linear.scatter [tilespmem:s13], [sflag:$0x2], $0x4000, $0x38;
	[tilespmem:$0xC100] =	vst v63  }
0x56: {  	_ =	swait.ge [sflag:s8], $0x4000  }
0x57: {  	[sflag:s8] =	ssyncset.done $0x0  }
0x58: {  	[sflag:s8] =	ssyncadd.s32 $0xFFFFC000  }
0x59: {  	_ =	sfence.sel $0x180000  }
0x5a: {  	[bflag:$0x0] =	sbarrier.arrive $0xFFFF  }
0x5b: {  	p0 =	sne.s32 s1, $0x0;
	_ =	strace $0x9000004D  }
0x5c: {  	s0 =	sadd.s32 @!p0 $0x100000, s0;
	[bflag:$0x2] =	sbarrier.arrive $0xFFFF  }
0x5d: {  	[sflag:s0] =	ssyncadd.tile.s32 @!p0 $0x1;
	_ =	shalt  }
.Lfunc_end2:
_tile_overlayer_lowered:
.L_overlay_start_2:
0x5e: {  	(tag) =	ssettag $0x2  }
0x5f: {  	s0 =	rddreg [dreg:$0x0];
	s2 =	stileid.u32  }
0x60: {  	s1 =	rddreg [dreg:$0x1];
	p0 =	sne.s32 s2, $0x0  }
0x61: {  	s3 =	rddreg [dreg:$0x2];
	[bflag:$0x3] =	sbarrier.arrive $0xFFFF;
	s2 =	simm.s32 @!p0 $0x1C02  }
0x62: {  	[timem:s3], [sflag:s2] =	dma.local @!p0 [hbm:s0], s1  }
0x63: {  	s0 =	simm.s32 @!p0 $0x2  }
0x64: {  	_ =	swait.ge @!p0 [sflag:s0], s1  }
0x65: {  	s1 =	ssub.s32 @!p0 $0x0, s1;
	[sflag:s0] =	ssyncset.done @!p0 $0x0  }
0x66: {  	[sflag:s0] =	ssyncadd.s32 @!p0 s1  }
0x67: {  	[bflag:$0x3] =	sbarrier.arrive $0xFFFF  }
0x68: {  	_ =	shalt  }

// kernel: kernel.8.cloned.1.call-start
scs
__scs_entry_jumppad:
0x0: {  	(pc) =	sbr.rel $0x88, $3  }
0x1: {  	(tag) =	ssettag $0x0;
	lr =	simm.s32 $0x1  }
0x2: {  	[smem:$0x3F9A] =	sst lr;
	_ =	strace $0xD0000000  }
0x3: {  	_ = 	snop  }
0x4: {  	_ = 	snop  }
0x5: {  	_ = 	snop  }
0x6: {  	_ = 	snop  }
0x7: {  	_ = 	snop  }
__scs_overlays_trampoline_lowered:
0x8: {  	[smem:$0x3FA9] =	sst s0  }
0x9: {  	[smem:$0x3FAA] =	sst s1  }
0xa: {  	[smem:$0x3FAB] =	sst s2  }
0xb: {  	[smem:$0x3FAC] =	sst s3  }
0xc: {  	[smem:$0x3FAD] =	sst s4  }
0xd: {  	[smem:$0x3FAE] =	sst s5  }
0xe: {  	[smem:$0x3FAF] =	sst s6  }
0xf: {  	[smem:$0x3FB0] =	sst s7  }
0x10: {  	[smem:$0x3FB1] =	sst s8  }
0x11: {  	[smem:$0x3FB2] =	sst s9;
	s0 =	simm.s32 @!p0 $0x0  }
0x12: {  	s1 =	sld [smem:$0x3F98];
	s0 =	simm.s32 @p0 $0x1  }
0x13: {  	[smem:$0x3FB3] =	sst s0;
	s0 =	simm.s32 @!p1 $0x0  }
0x14: {  	s2 =	sld [smem:$0x3F97];
	s0 =	simm.s32 @p1 $0x1  }
0x15: {  	[smem:$0x3FB4] =	sst s0;
	s0 =	simm.s32 @!p2 $0x0  }
0x16: {  	s3 =	sld [smem:$0x3FDB];
	s0 =	simm.s32 @p2 $0x1  }
0x17: {  	s4 =	simm.s32 $0x1BF5;
	[smem:$0x3FB6] =	sst s0  }
0x18: {  	s0 =	sld [smem:$0x3F99];
	_ =	swait.ge [sflag:s4], $0x0  }
0x19: {  	s7 =	sld [smem:$0x3F9A]  }
0x1a: {  	s8 =	sadd.s32 $0xFFFFE003, lr  }
0x1b: {  	s9 =	sadd.s32 $0xFFFFFEF7, lr;
	s5 =	simm.s32 $0xFFFFFFFF;
	p2 =	slt.u32 s8, $0xFFFFF086  }
0x1c: {  	p1 =	slt.u32 s9, $0xF7A;
	s5 =	simm.s32 @!p2 $0x0  }
0x1d: {  	s5 =	simm.s32 @p1 $0x1;
	p0 =	seq.s32 s7, s2  }
0x1e: {  	s7 =	smul.u32 @!p0 $0xF7A, s2;
	p2 =	seq.s32 @!p0 s5, $0x0  }
0x1f: {  	s9 =	smul.u32 $0xF7A, s1;
	s8 =	simm.s32 @!p0 $0x1BF5;
	p2 =	por !p2, p0  }
0x20: {  	[sflag:s8] =	ssyncset.s32 @!p0 $0xFFFFF086;
	s6 =	sadd.s32 @!p0 s3, s7;
	s7 =	simm.s32 @!p0 $0x108  }
0x21: {  	s3 =	sadd.s32 s3, s9;
	s6 =	sadd.s32 @!p0 $0x88, s6;
	s7 =	simm.s32 @p2 $0x1082  }
0x22: {  	[simem:s7], [sflag:s8] =	dma.local @!p0 [hbm:s6], $0xF7A  }
0x23: {  	s9 =	sor.u32 $0xD0000000, s2;
	s6 =	simm.s32 $0x108;
	_ =	swait.ge @!p0 [sflag:s8], $0x0  }
0x24: {  	s3 =	sadd.s32 $0x88, s3;
	s6 =	simm.s32 @!p1 $0x1082;
	[sflag:s4] =	ssyncset.s32 $0xFFFFF086  }
0x25: {  	[simem:s6], [sflag:s4] =	dma.local [hbm:s3], $0xF7A  }
0x26: {  	[smem:$0x3F9A] =	sst s1;
	(tag) =	ssettag s2;
	_ =	strace s9  }
0x27: {  	s1 =	sld [smem:$0x3FAA]  }
0x28: {  	s2 =	sld [smem:$0x3FAB]  }
0x29: {  	s4 =	sld [smem:$0x3FAD]  }
0x2a: {  	p0 =	seq.s32 s5, $0x0;
	s5 =	sld [smem:$0x3FAE]  }
0x2b: {  	s6 =	sld [smem:$0x3FAF]  }
0x2c: {  	s7 =	sld [smem:$0x3FB0]  }
0x2d: {  	s3 =	simm.s32 $0x108;
	s8 =	sld [smem:$0x3FB1]  }
0x2e: {  	s3 =	simm.s32 @!p0 $0x1082;
	s9 =	sld [smem:$0x3FB2]  }
0x2f: {  	lr =	sadd.s32 s0, s3;
	s0 =	sld [smem:$0x3FA9]  }
0x30: {  	s3 =	sld [smem:$0x3FAC]  }
0x31: {  	[smem:$0x3FB5] =	sst s10  }
0x32: {  	s10 =	sld [smem:$0x3FB3];
	_ =	sdelay $0x3  }
0x33: {  	p0 =	seq.s32 s10, $0x1;
	s10 =	sld [smem:$0x3FB5];
	_ =	sdelay $0x3  }
0x34: {  	[smem:$0x3FB5] =	sst s10  }
0x35: {  	s10 =	sld [smem:$0x3FB4];
	_ =	sdelay $0x3  }
0x36: {  	p1 =	seq.s32 s10, $0x1;
	s10 =	sld [smem:$0x3FB5];
	_ =	sdelay $0x3  }
0x37: {  	[smem:$0x3FB5] =	sst s10  }
0x38: {  	s10 =	sld [smem:$0x3FB6]  }
0x39: {  	_ = 	snop;
	(pc) =	sbr.ind lr, $3  }
0x3a: {  	_ = 	snop  }
0x3b: {  	_ = 	snop  }
0x3c: {  	p2 =	seq.s32 s10, $0x1;
	s10 =	sld [smem:$0x3FB5]  }
0x3d: {  	_ =	shalt  }
0x3e: {  	_ =	shalt  }
0x3f: {  	_ =	shalt  }
0x40: {  	_ =	shalt  }
0x41: {  	_ =	shalt  }
0x42: {  	_ =	shalt  }
0x43: {  	_ =	shalt  }
0x44: {  	_ =	shalt  }
0x45: {  	_ =	shalt  }
0x46: {  	_ =	shalt  }
0x47: {  	_ =	shalt  }
0x48: {  	_ =	shalt  }
0x49: {  	_ =	shalt  }
0x4a: {  	_ =	shalt  }
0x4b: {  	_ =	shalt  }
0x4c: {  	_ =	shalt  }
0x4d: {  	_ =	shalt  }
0x4e: {  	_ =	shalt  }
0x4f: {  	_ =	shalt  }
0x50: {  	_ =	shalt  }
0x51: {  	_ =	shalt  }
0x52: {  	_ =	shalt  }
0x53: {  	_ =	shalt  }
0x54: {  	_ =	shalt  }
0x55: {  	_ =	shalt  }
0x56: {  	_ =	shalt  }
0x57: {  	_ =	shalt  }
0x58: {  	_ =	shalt  }
0x59: {  	_ =	shalt  }
0x5a: {  	_ =	shalt  }
0x5b: {  	_ =	shalt  }
0x5c: {  	_ =	shalt  }
0x5d: {  	_ =	shalt  }
0x5e: {  	_ =	shalt  }
0x5f: {  	_ =	shalt  }
0x60: {  	_ =	shalt  }
0x61: {  	_ =	shalt  }
0x62: {  	_ =	shalt  }
0x63: {  	_ =	shalt  }
0x64: {  	_ =	shalt  }
0x65: {  	_ =	shalt  }
0x66: {  	_ =	shalt  }
0x67: {  	_ =	shalt  }
0x68: {  	_ =	shalt  }
0x69: {  	_ =	shalt  }
0x6a: {  	_ =	shalt  }
0x6b: {  	_ =	shalt  }
0x6c: {  	_ =	shalt  }
0x6d: {  	_ =	shalt  }
0x6e: {  	_ =	shalt  }
0x6f: {  	_ =	shalt  }
0x70: {  	_ =	shalt  }
0x71: {  	_ =	shalt  }
0x72: {  	_ =	shalt  }
0x73: {  	_ =	shalt  }
0x74: {  	_ =	shalt  }
0x75: {  	_ =	shalt  }
0x76: {  	_ =	shalt  }
0x77: {  	_ =	shalt  }
0x78: {  	_ =	shalt  }
0x79: {  	_ =	shalt  }
0x7a: {  	_ =	shalt  }
0x7b: {  	_ =	shalt  }
0x7c: {  	_ =	shalt  }
0x7d: {  	_ =	shalt  }
0x7e: {  	_ =	shalt  }
0x7f: {  	_ =	shalt  }
0x80: {  	_ =	shalt  }
0x81: {  	_ =	shalt  }
0x82: {  	_ =	shalt  }
0x83: {  	_ =	shalt  }
0x84: {  	_ =	shalt  }
0x85: {  	_ =	shalt  }
0x86: {  	_ =	shalt  }
0x87: {  	_ =	shalt  }
.Lfunc_end0:
.L_simem_size_0:
called_computation_lowered:
.L_overlay_start_0:
0x88: {  	s2 =	sld [smem:$0x3FD9]  }
0x89: {  	s3 =	sld [smem:$0x3FFE];
	_ =	sdelay $0x1  }
0x8a: {  	s1 =	srdreg.scid  }
0x8b: {  	s0 =	sand.u32 $0x1, s1  }
0x8c: {  	s16 =	sshll.u32 s0, $0xA;
	s2 =	sadd.s32 s3, s2  }
0x8d: {  	s2 =	sadd.s32 s2, s16  }
0x8e: {  	[smem:$0x3FC1] =	sst s2  }
0x8f: {  	_ = 	snop  }
0x90: {  	(tm) =	ssettm $0x1  }
0x91: {  	s17 =	sld [smem:$0x3FFB];
	_ =	sdelay $0x3  }
0x92: {  	_ =	strace s17  }
0x93: {  	s2 =	sld [smem:$0x3FFC];
	_ =	sdelay $0x3  }
0x94: {  	_ =	strace s2  }
0x95: {  	s2 =	sld [smem:$0x3FFD];
	_ =	sdelay $0x3  }
0x96: {  	_ =	strace s2  }
0x97: {  	_ =	strace $0x8FFFFFFF  }
0x98: {  	s18 =	sld [smem:$0x3FDB];
	_ =	sdelay $0x1  }
0x99: {  	s19 =	simm.s32 $_scs_section_size  }
0x9a: {  	s4 =	simm.s32 $_size__tile_overlayer_lowered;
	s5 =	simm.s32 $_tile_overlayer_lowered  }
0x9b: {  	s22 =	simm.s32 $0x1BFF;
	s21 =	sshll.u32 s5, $0x1;
	s2 =	sadd.s32 s19, s18  }
0x9c: {  	s6 =	simm.s32 $0x0;
	s20 =	sshll.u32 s4, $0x1;
	s4 =	sadd.s32 s21, s2  }
0x9d: {  	[timem:s6], [sflag:s22] =	dma.local [hbm:s4], s20  }
0x9e: {  	_ =	swait.ge [sflag:s22], s20  }
0x9f: {  	s3 =	ssub.s32 $0x0, s20;
	[sflag:s22] =	ssyncset.done $0x0  }
0xa0: {  	[sflag:s22] =	ssyncadd.s32 s3;
	_ =	sdelay $0x1  }
0xa1: {  	s23 =	simm.s32 $0x1B8B  }
0xa2: {  	_ =	swait.ge [sflag:s23], $0x1  }
0xa3: {  	[sflag:s23] =	ssyncset.done $0x0  }
0xa4: {  	s25 =	simm.s32 $0x1B8E;
	s24 =	sld [smem:$0x3FFE];
	[sflag:s23] =	ssyncadd.s32 $0xFFFFFFFF  }
0xa5: {  	s26 =	simm.s32 $execute0_lowered;
	[smem:$0x3FD2] =	sst s25  }
0xa6: {  	s4 =	sshll.u32 s26, $0x1;
	_ =	strace $0x80000046;
	[dreg:$0x1] =	wrdreg $0xFFFFFFFF  }
0xa7: {  	s28 =	simm.s32 $_size_execute0_lowered;
	s2 =	sadd.s32 s2, s4;
	[dreg:$0x0] =	wrdreg $0x0  }
0xa8: {  	s4 =	sshll.u32 s28, $0x1;
	[dreg:$0x2] =	wrdreg s2  }
0xa9: {  	[dreg:$0x3] =	wrdreg s4  }
0xaa: {  	[dreg:$0x4] =	wrdreg $0xC0  }
0xab: {  	_ =	task [dreg:s6], $0x5FFFF  }
0xac: {  	[dreg:$0x1] =	wrdreg $0xFFFFFFFF  }
0xad: {  	[dreg:$0x0] =	wrdreg $0x60  }
0xae: {  	[dreg:$0x2] =	wrdreg s24  }
0xaf: {  	[dreg:$0x3] =	wrdreg $0x90000  }
0xb0: {  	[dreg:$0x4] =	wrdreg $0x1D0800  }
0xb1: {  	[dreg:$0x5] =	wrdreg $0x9  }
0xb2: {  	_ =	task.clear_ibuf [dreg:s6], $0x6FFFF;
	_ =	strace $0x90000046  }
0xb3: {  	s29 =	simm.s32 $0x9;
	_ =	strace $0x80000048  }
0xb4: {  	_ =	swait.ge [sflag:s29], $0x1  }
0xb5: {  	[sflag:s29] =	ssyncadd.s32 $0xFFFFFFFF  }
0xb6: {  	_ =	strace $0x90000048  }
0xb7: {  	_ =	sfence  }
0xb8: {  	s30 =	sld [smem:$0x0];
	_ =	sdelay $0x2  }
0xb9: {  	s31 =	sshll.u32 s1, $0xD;
	s1 =	sshrl.u32 s1, $0x2  }
0xba: {  	s3 =	sand.u32 $0x4000, s31;
	s1 =	sadd.s32 s1, s30  }
0xbb: {  	s0 =	sor.u32 s3, s0;
	s1 =	sshll.u32 s1, $0x11  }
0xbc: {  	s0 =	sor.u32 s1, s0  }
0xbd: {  	s0 =	sadd.s32 $0x8F2B, s0  }
0xbe: {  	[sflag:s0] =	ssyncadd.remote.s32 $0x1  }
0xbf: {  	_ =	sfence.sel $0xFFFF  }
0xc0: {  	[dreg:$0x0] =	wrdreg $0xFFFFFFFF;
	(pc) =	sbr.abs _section_cstart, $3  }
0xc1: {  	[dreg:$0x1] =	wrdreg $0xFFFFFFFF  }
0xc2: {  	_ =	task.clear_ibuf [dreg:s6], $0x2FFFF;
	_ =	strace $0x9FFFFFFF  }
0xc3: {  	(tm) =	ssettm $0x7FFFFFFF  }
tec
execute0_lowered:
.L_overlay_start_1:
0x0: {  	(tag) =	ssettag $0x1  }
0x1: {  	s0 =	rddreg [dreg:$0x0]  }
0x2: {  	s1 =	rddreg [dreg:$0x1]  }
0x3: {  	s3 =	rddreg [dreg:$0x2]  }
0x4: {  	s4 =	simm.s32 $0x0;
	s2 =	srdreg.scid;
	s13 =	stileid.u32  }
0x5: {  	s28 =	simm.s32 $0x4;
	s29 =	simm.s32 $0xC00;
	s31 =	simm.s32 $0xE00  }
0x6: {  	s30 =	simm.s32 $0x0;
	s2 =	sand.u32 $0x1, s2;
	s5 =	smul.u32 $0x12, s13  }
0x7: {  	s6 =	sshll.u32 s13, $0x1;
	[smem:$0x7FF] =	sst s4;
	s8 =	smul.u32 $0x14000, s13  }
0x8: {  	s9 =	sadd.s32 $0x3FE00, s0;
	s12 =	sadd.s32 $0x42600, s0;
	s14 =	smul.u32 $0x500, s13  }
0x9: {  	s15 =	sadd.s32 $0x42800, s0;
	s10 =	smul.u32 $0x50000, s13;
	s20 =	sshll.u32 s13, $0x6  }
0xa: {  	p0 =	seq.s32 s2, $0x0;
	_ =	strace $0x80000047;
	[dreg:$0x4] =	wrdreg s9  }
0xb: {  	s6 =	sor.u32 $0x120, s6;
	s7 =	smul.u32 $0x140000, s2;
	[dreg:$0x5] =	wrdreg s12  }
0xc: {  	[dreg:$0x6] =	wrdreg s15;
	s16 =	sshll.u32 s2, $0x7;
	s17 =	ssub.s32 $0x2, s2  }
0xd: {  	s12 =	smul.u32 $0xA00, s13;
	s20 =	sor.u32 $0x1C05, s20;
	s13 =	simm.s32 $0x680  }
0xe: {  	s15 =	simm.s32 $0x700;
	s6 =	smov.u32 @p0 s5;
	s5 =	sadd.s32 $0x17E00, s0  }
0xf: {  	s11 =	sshrl.u32 s17, $0x1;
	s19 =	sshrl.u32 s10, $0x2;
	p0 =	sne.s32 s2, $0x0  }
0x10: {  	[dreg:$0x7] =	wrdreg s20;
	s10 =	simm.s32 $0xD00;
	s6 =	sshll.u32 s6, $0x8  }
0x11: {  	s7 =	sadd.s32 s8, s7;
	s8 =	sor.u32 s16, s14;
	s18 =	ssub.s32 s17, s11  }
0x12: {  	s21 =	sshrl.u32 s12, $0x2;
	s9 =	sadd.s32 s19, s1;
	s17 =	simm.s32 $0x5  }
0x13: {  	s19 =	simm.s32 $0x1D000;
	s14 =	simm.s32 $0x2;
	s11 =	simm.s32 $0x600  }
0x14: {  	s16 =	simm.s32 $0xD80;
	s12 =	simm.s32 $0xE80;
	s6 =	sadd.s32 s6, s0  }
0x15: {  	s7 =	sshrl.u32 s7, $0x3;
	s8 =	sshrl.u32 s8, $0x3;
	s22 =	sadd.s32 s21, s3  }
0x16: {  	s25 =	smax.u32 s18, $0x1;
	s21 =	simm.s32 $0x1;
	s18 =	simm.s32 $0x780  }
0x17: {  	s7 =	sadd.s32 s7, s0;
	s23 =	sadd.s32 $0x3C00, s6;
	[dreg:$0xc] =	wrdreg s25  }
0x18: {  	s0 =	sadd.s32 s8, s0;
	s24 =	sadd.s32 $0x3D00, s6;
	[dreg:$0x8] =	wrdreg s23  }
0x19: {  	s26 =	sadd.s32 $0x3F00, s6;
	s6 =	sshrl.u32 s9, $0x3;
	[dreg:$0x9] =	wrdreg s24  }
0x1a: {  	s25 =	simm.s32 $0x5000;
	s8 =	simm.s32 $0x580;
	[dreg:$0xd] =	wrdreg s26  }
0x1b: {  	s9 =	simm.s32 $0xF00;
	s7 =	sadd.s32 $0x42A00, s7;
	[dreg:$0xe] =	wrdreg s6  }
0x1c: {  	s0 =	sadd.s32 $0x92A00, s0;
	s26 =	sshrl.u32 s22, $0x3;
	[dreg:$0xa] =	wrdreg s7  }
0x1d: {  	s22 =	simm.s32 $0x80;
	s23 =	simm.s32 $0x1000;
	[dreg:$0xb] =	wrdreg s0  }
0x1e: {  	s24 =	simm.s32 $0x3;
	s0 =	simm.s32 $0x0;
	[dreg:$0xf] =	wrdreg s26  }
.LBB2_1:
0x1f: {  	[dreg:$0x10] =	wrdreg s0  }
0x20: {  	s7 =	rddreg [dreg:$0x4]  }
0x21: {  	[spmem:s6], [sflag:s20] =	dma.local [hbm:s7], $0x2800  }
0x22: {  	_ =	swait.ge [sflag:s17], $0x2800  }
0x23: {  	[sflag:s17] =	ssyncset.done $0x0  }
0x24: {  	s0 =	rddreg [dreg:$0x5];
	[sflag:s17] =	ssyncadd.s32 $0xFFFFD800  }
0x25: {  	[spmem:s26], [sflag:s20] =	dma.local [hbm:s0], $0x50  }
0x26: {  	_ =	swait.ge [sflag:s17], $0x50  }
0x27: {  	[sflag:s17] =	ssyncset.done $0x0  }
0x28: {  	s2 =	rddreg [dreg:$0x6];
	[sflag:s17] =	ssyncadd.s32 $0xFFFFFFB0  }
0x29: {  	[tilespmem:s19], [sflag:$0x5] =	stream.linear.gather [hbm4b:s2+s4], $0x80, $0x38;
	[tilespmem:$0x1D300] =	vst v63  }
0x2a: {  	_ =	swait.ge [sflag:s17], $0x80  }
0x2b: {  	[sflag:s17] =	ssyncset.done $0x0  }
0x2c: {  	[sflag:s17] =	ssyncadd.s32 $0xFFFFFF80  }
0x2d: {  	[bflag:$0x0] =	sbarrier.arrive $0xFFFF  }
0x2e: {  	s6 =	rddreg [dreg:$0x8]  }
0x2f: {  	[tilespmem:s4], [sflag:$0x1] =	stream.linear.gather [hbm4b:s6+s4], $0x800, $0x38;
	[tilespmem:$0x1D300] =	vst v63  }
0x30: {  	s26 =	simm.s32 $0x800;
	s20 =	rddreg [dreg:$0x9]  }
0x31: {  	[tilespmem:s26], [sflag:$0x2] =	stream.linear.gather [hbm4b:s20+s4], $0x800, $0x38;
	[tilespmem:$0x1D300] =	vst v63  }
0x32: {  	_ =	swait.ge [sflag:s21], $0x800  }
0x33: {  	[sflag:s21] =	ssyncset.done $0x0  }
0x34: {  	s2 =	simm.s32 $0xC80;
	s6 =	simm.s32 $0x500;
	[sflag:s21] =	ssyncadd.s32 $0xFFFFF800  }
0x35: {  	[tilespmem:s23], [sflag:$0x3] =	stream.indirect.gather [hbm4b:s5+s22], $0x80, s4, s22, $0xb8;
	[tilespmem:$0x1D300] =	vst v63  }
0x36: {  	s20 =	simm.s32 $0x0;
	s7 =	rddreg [dreg:$0xd];
	s4 =	simm.s32 $0xF80  }
.LBB2_2:
0x37: {  	_ =	swait.ge [sflag:s24], $0x4000  }
0x38: {  	[sflag:s24] =	ssyncset.done $0x0  }
0x39: {  	[sflag:s24] =	ssyncadd.s32 $0xFFFFC000  }
0x3a: {  	[tilespmem:s25], [sflag:$0x4] =	stream.indirect.gather [hbm4b:s5+s22], $0x80, s22, s22, $0xb8;
	[tilespmem:$0x1D300] =	vst v63  }
0x3b: {  	s0 =	simm.s32 $0x400  }
0x3c: {  	[spmem:s1] =	stream.indirect.scatter.add.f32 [tilespmem:s23], [sflag:$0x5], $0x80, s0, s22, $0xb8;
	[tilespmem:$0x1D300] =	vst v63  }
0x3d: {  	_ =	swait.ge [sflag:s17], $0x4000  }
0x3e: {  	[sflag:s17] =	ssyncset.done $0x0  }
0x3f: {  	[sflag:s17] =	ssyncadd.s32 $0xFFFFC000  }
0x40: {  	[spmem:s3] =	stream.indirect.scatter.add.f32 [tilespmem:s19], [sflag:$0x5], $0x1, s0, s22, $0xb8;
	[tilespmem:$0x1D300] =	vst v63  }
0x41: {  	_ =	swait.ge [sflag:s17], $0x80  }
0x42: {  	[sflag:s17] =	ssyncset.done $0x0  }
0x43: {  	[sflag:s17] =	ssyncadd.s32 $0xFFFFFF80  }
0x44: {  	_ =	swait.ge [sflag:s28], $0x4000  }
0x45: {  	[sflag:s28] =	ssyncset.done $0x0  }
0x46: {  	s0 =	simm.s32 $0x100;
	[sflag:s28] =	ssyncadd.s32 $0xFFFFC000  }
0x47: {  	[tilespmem:s23], [sflag:$0x3] =	stream.indirect.gather [hbm4b:s5+s22], $0x80, s0, s22, $0xb8;
	[tilespmem:$0x1D300] =	vst v63  }
0x48: {  	s0 =	simm.s32 $0x480  }
0x49: {  	[spmem:s1] =	stream.indirect.scatter.add.f32 [tilespmem:s25], [sflag:$0x5], $0x80, s0, s22, $0xb8;
	[tilespmem:$0x1D300] =	vst v63  }
0x4a: {  	_ =	swait.ge [sflag:s17], $0x4000  }
0x4b: {  	[sflag:s17] =	ssyncset.done $0x0  }
0x4c: {  	[sflag:s17] =	ssyncadd.s32 $0xFFFFC000  }
0x4d: {  	[spmem:s3] =	stream.indirect.scatter.add.f32 [tilespmem:s19], [sflag:$0x5], $0x1, s0, s22, $0xb8;
	[tilespmem:$0x1D300] =	vst v63  }
0x4e: {  	_ =	swait.ge [sflag:s17], $0x80  }
0x4f: {  	[sflag:s17] =	ssyncset.done $0x0  }
0x50: {  	[sflag:s17] =	ssyncadd.s32 $0xFFFFFF80  }
0x51: {  	_ =	swait.ge [sflag:s24], $0x4000  }
0x52: {  	[sflag:s24] =	ssyncset.done $0x0  }
0x53: {  	s0 =	simm.s32 $0x180;
	[sflag:s24] =	ssyncadd.s32 $0xFFFFC000  }
0x54: {  	[tilespmem:s25], [sflag:$0x4] =	stream.indirect.gather [hbm4b:s5+s22], $0x80, s0, s22, $0xb8;
	[tilespmem:$0x1D300] =	vst v63  }
0x55: {  	_ = 	snop  }
0x56: {  	[spmem:s1] =	stream.indirect.scatter.add.f32 [tilespmem:s23], [sflag:$0x5], $0x80, s6, s22, $0xb8;
	[tilespmem:$0x1D300] =	vst v63  }
0x57: {  	_ =	swait.ge [sflag:s17], $0x4000  }
0x58: {  	[sflag:s17] =	ssyncset.done $0x0  }
0x59: {  	[sflag:s17] =	ssyncadd.s32 $0xFFFFC000  }
0x5a: {  	[spmem:s3] =	stream.indirect.scatter.add.f32 [tilespmem:s19], [sflag:$0x5], $0x1, s6, s22, $0xb8;
	[tilespmem:$0x1D300] =	vst v63  }
0x5b: {  	_ =	swait.ge [sflag:s17], $0x80  }
0x5c: {  	[sflag:s17] =	ssyncset.done $0x0  }
0x5d: {  	[sflag:s17] =	ssyncadd.s32 $0xFFFFFF80  }
0x5e: {  	_ =	swait.ge [sflag:s28], $0x4000  }
0x5f: {  	[sflag:s28] =	ssyncset.done $0x0  }
0x60: {  	s0 =	simm.s32 $0x200;
	[sflag:s28] =	ssyncadd.s32 $0xFFFFC000  }
0x61: {  	[tilespmem:s23], [sflag:$0x3] =	stream.indirect.gather [hbm4b:s5+s22], $0x80, s0, s22, $0xb8;
	[tilespmem:$0x1D300] =	vst v63  }
0x62: {  	_ = 	snop  }
0x63: {  	[spmem:s1] =	stream.indirect.scatter.add.f32 [tilespmem:s25], [sflag:$0x5], $0x80, s8, s22, $0xb8;
	[tilespmem:$0x1D300] =	vst v63  }
0x64: {  	_ =	swait.ge [sflag:s17], $0x4000  }
0x65: {  	[sflag:s17] =	ssyncset.done $0x0  }
0x66: {  	[sflag:s17] =	ssyncadd.s32 $0xFFFFC000  }
0x67: {  	[spmem:s3] =	stream.indirect.scatter.add.f32 [tilespmem:s19], [sflag:$0x5], $0x1, s8, s22, $0xb8;
	[tilespmem:$0x1D300] =	vst v63  }
0x68: {  	_ =	swait.ge [sflag:s17], $0x80  }
0x69: {  	[sflag:s17] =	ssyncset.done $0x0  }
0x6a: {  	[sflag:s17] =	ssyncadd.s32 $0xFFFFFF80  }
0x6b: {  	_ =	swait.ge [sflag:s24], $0x4000  }
0x6c: {  	[sflag:s24] =	ssyncset.done $0x0  }
0x6d: {  	s0 =	simm.s32 $0x280;
	[sflag:s24] =	ssyncadd.s32 $0xFFFFC000  }
0x6e: {  	[tilespmem:s25], [sflag:$0x4] =	stream.indirect.gather [hbm4b:s5+s22], $0x80, s0, s22, $0xb8;
	[tilespmem:$0x1D300] =	vst v63  }
0x6f: {  	_ = 	snop  }
0x70: {  	[spmem:s1] =	stream.indirect.scatter.add.f32 [tilespmem:s23], [sflag:$0x5], $0x80, s11, s22, $0xb8;
	[tilespmem:$0x1D300] =	vst v63  }
0x71: {  	_ =	swait.ge [sflag:s17], $0x4000  }
0x72: {  	[sflag:s17] =	ssyncset.done $0x0  }
0x73: {  	[sflag:s17] =	ssyncadd.s32 $0xFFFFC000  }
0x74: {  	[spmem:s3] =	stream.indirect.scatter.add.f32 [tilespmem:s19], [sflag:$0x5], $0x1, s11, s22, $0xb8;
	[tilespmem:$0x1D300] =	vst v63  }
0x75: {  	_ =	swait.ge [sflag:s17], $0x80  }
0x76: {  	[sflag:s17] =	ssyncset.done $0x0  }
0x77: {  	[sflag:s17] =	ssyncadd.s32 $0xFFFFFF80  }
0x78: {  	_ =	swait.ge [sflag:s28], $0x4000  }
0x79: {  	[sflag:s28] =	ssyncset.done $0x0  }
0x7a: {  	s0 =	simm.s32 $0x300;
	[sflag:s28] =	ssyncadd.s32 $0xFFFFC000  }
0x7b: {  	[tilespmem:s23], [sflag:$0x3] =	stream.indirect.gather [hbm4b:s5+s22], $0x80, s0, s22, $0xb8;
	[tilespmem:$0x1D300] =	vst v63  }
0x7c: {  	_ = 	snop  }
0x7d: {  	[spmem:s1] =	stream.indirect.scatter.add.f32 [tilespmem:s25], [sflag:$0x5], $0x80, s13, s22, $0xb8;
	[tilespmem:$0x1D300] =	vst v63  }
0x7e: {  	_ =	swait.ge [sflag:s17], $0x4000  }
0x7f: {  	[sflag:s17] =	ssyncset.done $0x0  }
0x80: {  	[sflag:s17] =	ssyncadd.s32 $0xFFFFC000  }
0x81: {  	[spmem:s3] =	stream.indirect.scatter.add.f32 [tilespmem:s19], [sflag:$0x5], $0x1, s13, s22, $0xb8;
	[tilespmem:$0x1D300] =	vst v63  }
0x82: {  	_ =	swait.ge [sflag:s17], $0x80  }
0x83: {  	[sflag:s17] =	ssyncset.done $0x0  }
0x84: {  	[sflag:s17] =	ssyncadd.s32 $0xFFFFFF80  }
0x85: {  	_ =	swait.ge [sflag:s24], $0x4000  }
0x86: {  	[sflag:s24] =	ssyncset.done $0x0  }
0x87: {  	s0 =	simm.s32 $0x380;
	[sflag:s24] =	ssyncadd.s32 $0xFFFFC000  }
0x88: {  	[tilespmem:s25], [sflag:$0x4] =	stream.indirect.gather [hbm4b:s5+s22], $0x80, s0, s22, $0xb8;
	[tilespmem:$0x1D300] =	vst v63  }
0x89: {  	_ = 	snop  }
0x8a: {  	[spmem:s1] =	stream.indirect.scatter.add.f32 [tilespmem:s23], [sflag:$0x5], $0x80, s15, s22, $0xb8;
	[tilespmem:$0x1D300] =	vst v63  }
0x8b: {  	_ =	swait.ge [sflag:s17], $0x4000  }
0x8c: {  	[sflag:s17] =	ssyncset.done $0x0  }
0x8d: {  	[sflag:s17] =	ssyncadd.s32 $0xFFFFC000  }
0x8e: {  	[spmem:s3] =	stream.indirect.scatter.add.f32 [tilespmem:s19], [sflag:$0x5], $0x1, s15, s22, $0xb8;
	[tilespmem:$0x1D300] =	vst v63  }
0x8f: {  	_ =	swait.ge [sflag:s17], $0x80  }
0x90: {  	[sflag:s17] =	ssyncset.done $0x0  }
0x91: {  	[sflag:s17] =	ssyncadd.s32 $0xFFFFFF80  }
0x92: {  	_ =	swait.ge [sflag:s28], $0x4000  }
0x93: {  	[sflag:s28] =	ssyncset.done $0x0  }
0x94: {  	[sflag:s28] =	ssyncadd.s32 $0xFFFFC000  }
0x95: {  	_ =	swait.ge [sflag:s14], $0x800  }
0x96: {  	[sflag:s14] =	ssyncset.done $0x0  }
0x97: {  	[sflag:s14] =	ssyncadd.s32 $0xFFFFF800  }
0x98: {  	[tilespmem:s23], [sflag:$0x3] =	stream.indirect.gather [hbm4b:s5+s22], $0x80, s26, s22, $0xb8;
	[tilespmem:$0x1D300] =	vst v63  }
0x99: {  	_ = 	snop  }
0x9a: {  	[spmem:s1] =	stream.indirect.scatter.add.f32 [tilespmem:s25], [sflag:$0x5], $0x80, s18, s22, $0xb8;
	[tilespmem:$0x1D300] =	vst v63  }
0x9b: {  	_ =	swait.ge [sflag:s17], $0x4000  }
0x9c: {  	[sflag:s17] =	ssyncset.done $0x0  }
0x9d: {  	[sflag:s17] =	ssyncadd.s32 $0xFFFFC000  }
0x9e: {  	[spmem:s3] =	stream.indirect.scatter.add.f32 [tilespmem:s19], [sflag:$0x5], $0x1, s18, s22, $0xb8;
	[tilespmem:$0x1D300] =	vst v63  }
0x9f: {  	_ =	swait.ge [sflag:s17], $0x80  }
0xa0: {  	[sflag:s17] =	ssyncset.done $0x0  }
0xa1: {  	s0 =	sadd.s32 $0xFFFFFF00, s7;
	[sflag:s17] =	ssyncadd.s32 $0xFFFFFF80  }
0xa2: {  	[tilespmem:s30], [sflag:$0x1] =	stream.linear.gather [hbm4b:s0+s30], $0x800, $0x38;
	[tilespmem:$0x1D300] =	vst v63  }
0xa3: {  	_ =	swait.ge [sflag:s24], $0x4000  }
0xa4: {  	[sflag:s24] =	ssyncset.done $0x0  }
0xa5: {  	s0 =	simm.s32 $0x880;
	[sflag:s24] =	ssyncadd.s32 $0xFFFFC000  }
0xa6: {  	[tilespmem:s25], [sflag:$0x4] =	stream.indirect.gather [hbm4b:s5+s22], $0x80, s0, s22, $0xb8;
	[tilespmem:$0x1D300] =	vst v63  }
0xa7: {  	_ = 	snop  }
0xa8: {  	[spmem:s1] =	stream.indirect.scatter.add.f32 [tilespmem:s23], [sflag:$0x5], $0x80, s29, s22, $0xb8;
	[tilespmem:$0x1D300] =	vst v63  }
0xa9: {  	_ =	swait.ge [sflag:s17], $0x4000  }
0xaa: {  	[sflag:s17] =	ssyncset.done $0x0  }
0xab: {  	[sflag:s17] =	ssyncadd.s32 $0xFFFFC000  }
0xac: {  	[spmem:s3] =	stream.indirect.scatter.add.f32 [tilespmem:s19], [sflag:$0x5], $0x1, s29, s22, $0xb8;
	[tilespmem:$0x1D300] =	vst v63  }
0xad: {  	_ =	swait.ge [sflag:s17], $0x80  }
0xae: {  	[sflag:s17] =	ssyncset.done $0x0  }
0xaf: {  	[sflag:s17] =	ssyncadd.s32 $0xFFFFFF80  }
0xb0: {  	_ =	swait.ge [sflag:s28], $0x4000  }
0xb1: {  	[sflag:s28] =	ssyncset.done $0x0  }
0xb2: {  	s0 =	simm.s32 $0x900;
	[sflag:s28] =	ssyncadd.s32 $0xFFFFC000  }
0xb3: {  	[tilespmem:s23], [sflag:$0x3] =	stream.indirect.gather [hbm4b:s5+s22], $0x80, s0, s22, $0xb8;
	[tilespmem:$0x1D300] =	vst v63  }
0xb4: {  	_ = 	snop  }
0xb5: {  	[spmem:s1] =	stream.indirect.scatter.add.f32 [tilespmem:s25], [sflag:$0x5], $0x80, s2, s22, $0xb8;
	[tilespmem:$0x1D300] =	vst v63  }
0xb6: {  	_ =	swait.ge [sflag:s17], $0x4000  }
0xb7: {  	[sflag:s17] =	ssyncset.done $0x0  }
0xb8: {  	[sflag:s17] =	ssyncadd.s32 $0xFFFFC000  }
0xb9: {  	[spmem:s3] =	stream.indirect.scatter.add.f32 [tilespmem:s19], [sflag:$0x5], $0x1, s2, s22, $0xb8;
	[tilespmem:$0x1D300] =	vst v63  }
0xba: {  	_ =	swait.ge [sflag:s17], $0x80  }
0xbb: {  	[sflag:s17] =	ssyncset.done $0x0  }
0xbc: {  	[sflag:s17] =	ssyncadd.s32 $0xFFFFFF80  }
0xbd: {  	_ =	swait.ge [sflag:s24], $0x4000  }
0xbe: {  	[sflag:s24] =	ssyncset.done $0x0  }
0xbf: {  	s0 =	simm.s32 $0x980;
	[sflag:s24] =	ssyncadd.s32 $0xFFFFC000  }
0xc0: {  	[tilespmem:s25], [sflag:$0x4] =	stream.indirect.gather [hbm4b:s5+s22], $0x80, s0, s22, $0xb8;
	[tilespmem:$0x1D300] =	vst v63  }
0xc1: {  	_ = 	snop  }
0xc2: {  	[spmem:s1] =	stream.indirect.scatter.add.f32 [tilespmem:s23], [sflag:$0x5], $0x80, s10, s22, $0xb8;
	[tilespmem:$0x1D300] =	vst v63  }
0xc3: {  	_ =	swait.ge [sflag:s17], $0x4000  }
0xc4: {  	[sflag:s17] =	ssyncset.done $0x0  }
0xc5: {  	[sflag:s17] =	ssyncadd.s32 $0xFFFFC000  }
0xc6: {  	[spmem:s3] =	stream.indirect.scatter.add.f32 [tilespmem:s19], [sflag:$0x5], $0x1, s10, s22, $0xb8;
	[tilespmem:$0x1D300] =	vst v63  }
0xc7: {  	_ =	swait.ge [sflag:s17], $0x80  }
0xc8: {  	[sflag:s17] =	ssyncset.done $0x0  }
0xc9: {  	[sflag:s17] =	ssyncadd.s32 $0xFFFFFF80  }
0xca: {  	_ =	swait.ge [sflag:s28], $0x4000  }
0xcb: {  	[sflag:s28] =	ssyncset.done $0x0  }
0xcc: {  	s0 =	simm.s32 $0xA00;
	[sflag:s28] =	ssyncadd.s32 $0xFFFFC000  }
0xcd: {  	[tilespmem:s23], [sflag:$0x3] =	stream.indirect.gather [hbm4b:s5+s22], $0x80, s0, s22, $0xb8;
	[tilespmem:$0x1D300] =	vst v63  }
0xce: {  	_ = 	snop  }
0xcf: {  	[spmem:s1] =	stream.indirect.scatter.add.f32 [tilespmem:s25], [sflag:$0x5], $0x80, s16, s22, $0xb8;
	[tilespmem:$0x1D300] =	vst v63  }
0xd0: {  	_ =	swait.ge [sflag:s17], $0x4000  }
0xd1: {  	[sflag:s17] =	ssyncset.done $0x0  }
0xd2: {  	[sflag:s17] =	ssyncadd.s32 $0xFFFFC000  }
0xd3: {  	[spmem:s3] =	stream.indirect.scatter.add.f32 [tilespmem:s19], [sflag:$0x5], $0x1, s16, s22, $0xb8;
	[tilespmem:$0x1D300] =	vst v63  }
0xd4: {  	_ =	swait.ge [sflag:s17], $0x80  }
0xd5: {  	[sflag:s17] =	ssyncset.done $0x0  }
0xd6: {  	[sflag:s17] =	ssyncadd.s32 $0xFFFFFF80  }
0xd7: {  	_ =	swait.ge [sflag:s24], $0x4000  }
0xd8: {  	[sflag:s24] =	ssyncset.done $0x0  }
0xd9: {  	s0 =	simm.s32 $0xA80;
	[sflag:s24] =	ssyncadd.s32 $0xFFFFC000  }
0xda: {  	[tilespmem:s25], [sflag:$0x4] =	stream.indirect.gather [hbm4b:s5+s22], $0x80, s0, s22, $0xb8;
	[tilespmem:$0x1D300] =	vst v63  }
0xdb: {  	_ = 	snop  }
0xdc: {  	[spmem:s1] =	stream.indirect.scatter.add.f32 [tilespmem:s23], [sflag:$0x5], $0x80, s31, s22, $0xb8;
	[tilespmem:$0x1D300] =	vst v63  }
0xdd: {  	_ =	swait.ge [sflag:s17], $0x4000  }
0xde: {  	[sflag:s17] =	ssyncset.done $0x0  }
0xdf: {  	[sflag:s17] =	ssyncadd.s32 $0xFFFFC000  }
0xe0: {  	[spmem:s3] =	stream.indirect.scatter.add.f32 [tilespmem:s19], [sflag:$0x5], $0x1, s31, s22, $0xb8;
	[tilespmem:$0x1D300] =	vst v63  }
0xe1: {  	_ =	swait.ge [sflag:s17], $0x80  }
0xe2: {  	[sflag:s17] =	ssyncset.done $0x0  }
0xe3: {  	[sflag:s17] =	ssyncadd.s32 $0xFFFFFF80  }
0xe4: {  	_ =	swait.ge [sflag:s28], $0x4000  }
0xe5: {  	[sflag:s28] =	ssyncset.done $0x0  }
0xe6: {  	s0 =	simm.s32 $0xB00;
	[sflag:s28] =	ssyncadd.s32 $0xFFFFC000  }
0xe7: {  	[tilespmem:s23], [sflag:$0x3] =	stream.indirect.gather [hbm4b:s5+s22], $0x80, s0, s22, $0xb8;
	[tilespmem:$0x1D300] =	vst v63  }
0xe8: {  	_ = 	snop  }
0xe9: {  	[spmem:s1] =	stream.indirect.scatter.add.f32 [tilespmem:s25], [sflag:$0x5], $0x80, s12, s22, $0xb8;
	[tilespmem:$0x1D300] =	vst v63  }
0xea: {  	_ =	swait.ge [sflag:s17], $0x4000  }
0xeb: {  	[sflag:s17] =	ssyncset.done $0x0  }
0xec: {  	[sflag:s17] =	ssyncadd.s32 $0xFFFFC000  }
0xed: {  	[spmem:s3] =	stream.indirect.scatter.add.f32 [tilespmem:s19], [sflag:$0x5], $0x1, s12, s22, $0xb8;
	[tilespmem:$0x1D300] =	vst v63  }
0xee: {  	_ =	swait.ge [sflag:s17], $0x80  }
0xef: {  	[sflag:s17] =	ssyncset.done $0x0  }
0xf0: {  	[sflag:s17] =	ssyncadd.s32 $0xFFFFFF80  }
0xf1: {  	_ =	swait.ge [sflag:s24], $0x4000  }
0xf2: {  	[sflag:s24] =	ssyncset.done $0x0  }
0xf3: {  	s0 =	simm.s32 $0xB80;
	[sflag:s24] =	ssyncadd.s32 $0xFFFFC000  }
0xf4: {  	[tilespmem:s25], [sflag:$0x4] =	stream.indirect.gather [hbm4b:s5+s22], $0x80, s0, s22, $0xb8;
	[tilespmem:$0x1D300] =	vst v63  }
0xf5: {  	_ = 	snop  }
0xf6: {  	[spmem:s1] =	stream.indirect.scatter.add.f32 [tilespmem:s23], [sflag:$0x5], $0x80, s9, s22, $0xb8;
	[tilespmem:$0x1D300] =	vst v63  }
0xf7: {  	_ =	swait.ge [sflag:s17], $0x4000  }
0xf8: {  	[sflag:s17] =	ssyncset.done $0x0  }
0xf9: {  	[sflag:s17] =	ssyncadd.s32 $0xFFFFC000  }
0xfa: {  	[spmem:s3] =	stream.indirect.scatter.add.f32 [tilespmem:s19], [sflag:$0x5], $0x1, s9, s22, $0xb8;
	[tilespmem:$0x1D300] =	vst v63  }
0xfb: {  	_ =	swait.ge [sflag:s17], $0x80  }
0xfc: {  	[sflag:s17] =	ssyncset.done $0x0  }
0xfd: {  	[sflag:s17] =	ssyncadd.s32 $0xFFFFFF80  }
0xfe: {  	_ =	swait.ge [sflag:s28], $0x4000  }
0xff: {  	[sflag:s28] =	ssyncset.done $0x0  }
0x100: {  	[sflag:s28] =	ssyncadd.s32 $0xFFFFC000  }
0x101: {  	_ =	swait.ge [sflag:s21], $0x800  }
0x102: {  	[sflag:s21] =	ssyncset.done $0x0  }
0x103: {  	[sflag:s21] =	ssyncadd.s32 $0xFFFFF800  }
0x104: {  	[tilespmem:s23], [sflag:$0x3] =	stream.indirect.gather [hbm4b:s5+s22], $0x80, s30, s22, $0xb8;
	[tilespmem:$0x1D300] =	vst v63  }
0x105: {  	_ = 	snop  }
0x106: {  	[spmem:s1] =	stream.indirect.scatter.add.f32 [tilespmem:s25], [sflag:$0x5], $0x80, s4, s22, $0xb8;
	[tilespmem:$0x1D300] =	vst v63  }
0x107: {  	_ =	swait.ge [sflag:s17], $0x4000  }
0x108: {  	p1 =	slt.u32 @!p0 s20, $0x8;
	[sflag:s17] =	ssyncset.done $0x0  }
0x109: {  	p1 =	por p0, !p1;
	[sflag:s17] =	ssyncadd.s32 $0xFFFFC000  }
0x10a: {  	[spmem:s3] =	stream.indirect.scatter.add.f32 [tilespmem:s19], [sflag:$0x5], $0x1, s4, s22, $0xb8;
	[tilespmem:$0x1D300] =	vst v63  }
.Ltmp0:
0x10b: {  	_ =	swait.ge [sflag:s17], $0x80;
	(pc) =	sbr.rel @!p1 .LBB2_2-.Ltmp0, $4  }
0x10c: {  	[sflag:s17] =	ssyncset.done $0x0  }
0x10d: {  	s26 =	simm.s32 $0x800;
	[sflag:s17] =	ssyncadd.s32 $0xFFFFFF80  }
0x10e: {  	[tilespmem:s26], [sflag:$0x2] =	stream.linear.gather [hbm4b:s7+s30], $0x800, $0x38;
	[tilespmem:$0x1D300] =	vst v63  }
0x10f: {  	s20 =	sadd.s32 $0x1, s20;
	s7 =	sadd.s32 $0x200, s7  }
0x110: {  	_ =	swait.ge [sflag:s24], $0x4000  }
0x111: {  	[sflag:s24] =	ssyncset.done $0x0  }
0x112: {  	[sflag:s24] =	ssyncadd.s32 $0xFFFFC000  }
0x113: {  	_ =	swait.ge [sflag:s14], $0x800  }
0x114: {  	[sflag:s14] =	ssyncset.done $0x0  }
0x115: {  	[sflag:s14] =	ssyncadd.s32 $0xFFFFF800  }
0x116: {  	[bflag:$0x0] =	sbarrier.arrive $0xFFFF  }
0x117: {  	s20 =	rddreg [dreg:$0x7]  }
0x118: {  	s7 =	rddreg [dreg:$0xa]  }
0x119: {  	s6 =	rddreg [dreg:$0xe]  }
0x11a: {  	[hbm:s7], [sflag:s20] =	dma.local [spmem:s6], $0x2800  }
0x11b: {  	_ =	swait.ge [sflag:s17], $0x2800  }
0x11c: {  	s0 =	simm.s32 $0x20;
	[sflag:s17] =	ssyncset.done $0x0;
	s4 =	rddreg [dreg:$0xb]  }
0x11d: {  	s2 =	simm.s32 $0x10;
	s26 =	rddreg [dreg:$0xf];
	[sflag:s17] =	ssyncadd.s32 $0xFFFFD800  }
0x11e: {  	[hbm:s4@s0], [sflag:s20] =	dma.strided [spmem:s26@s2], $0x50, s21, $0x10   }
0x11f: {  	_ =	swait.ge [sflag:s17], $0x50  }
0x120: {  	s2 =	rddreg [dreg:$0x10]  }
0x121: {  	s4 =	rddreg [dreg:$0xc];
	s0 =	sadd.s32 $0x1, s2  }
0x122: {  	p1 =	sne.s32 s0, s4  }
.Ltmp1:
0x123: {  	_ = 	snop;
	(pc) =	sbr.rel @p1 .LBB2_1-.Ltmp1, $3  }
0x124: {  	_ =	sdelay $0x1  }
0x125: {  	[sflag:s17] =	ssyncset.done $0x0  }
0x126: {  	[sflag:s17] =	ssyncadd.s32 $0xFFFFFFB0;
	s4 =	simm.s32 $0x0  }
0x127: {  	_ =	sfence.sel $0x180000  }
0x128: {  	[bflag:$0x0] =	sbarrier.arrive $0xFFFF  }
0x129: {  	_ =	strace $0x90000047  }
0x12a: {  	s0 =	stileid.u32;
	[bflag:$0x2] =	sbarrier.arrive $0xFFFF  }
0x12b: {  	p0 =	sne.s32 s0, $0x0;
	s0 =	rddreg [dreg:$0x3]  }
0x12c: {  	s0 =	sadd.s32 @!p0 $0x100000, s0  }
0x12d: {  	[sflag:s0] =	ssyncadd.tile.s32 @!p0 $0x1;
	_ =	shalt  }
.Lfunc_end2:
_tile_overlayer_lowered:
.L_overlay_start_2:
0x12e: {  	(tag) =	ssettag $0x2  }
0x12f: {  	s0 =	rddreg [dreg:$0x0];
	s2 =	stileid.u32  }
0x130: {  	s1 =	rddreg [dreg:$0x1];
	p0 =	sne.s32 s2, $0x0  }
0x131: {  	s3 =	rddreg [dreg:$0x2];
	[bflag:$0x3] =	sbarrier.arrive $0xFFFF;
	s2 =	simm.s32 @!p0 $0x1C05  }
0x132: {  	[timem:s3], [sflag:s2] =	dma.local @!p0 [hbm:s0], s1  }
0x133: {  	s0 =	simm.s32 @!p0 $0x5  }
0x134: {  	_ =	swait.ge @!p0 [sflag:s0], s1  }
0x135: {  	s1 =	ssub.s32 @!p0 $0x0, s1;
	[sflag:s0] =	ssyncset.done @!p0 $0x0  }
0x136: {  	[sflag:s0] =	ssyncadd.s32 @!p0 s1  }
0x137: {  	[bflag:$0x3] =	sbarrier.arrive $0xFFFF  }
0x138: {  	_ =	shalt  }

</sc_bundles>
